<compile_context>
chip_gen: v7x
topology: tpu7x:2x2x1
jax: 0.10.2.dev20260603
libtpu: 0.0.44.dev20260713+nightly
codegen_flags: <defaults>
</compile_context>

<pallas_src>
import functools

import numpy as np

import jax
import jax.numpy as jnp
from jax import lax
from jax.experimental import pallas as pl
from jax.experimental.pallas import tpu as pltpu
from jax.experimental.pallas import tpu_sc as plsc

NEG = -1e30
VERY_NEG = -3.0e38
BIG_IDX = 2 ** 30

B = 4
N = 25200
C = 85
NC = 2
NS = 16
NW = NC * NS
WPB = NW // B
SHARD = 3200
NPHYS = 25216
LASTOFF = NPHYS - SHARD
NVEC_FULL = SHARD // 16
COLS = (0, 1, 2, 3, 4, 16)
NCOL = len(COLS)
REC = 112
FB_ROW = 16040


def _iota16():
    return lax.iota(jnp.int32, 16)


def _go_bounds(praw_ref, b):
    row = praw_ref[pl.ds(b * 16, 16)]
    iota = _iota16()

    def bc(k):
        return jnp.zeros((16,), jnp.float32) + jnp.max(
            jnp.where(iota == k, row, VERY_NEG))

    f00 = bc(0)
    f20 = bc(1)
    f01 = bc(2)
    f21 = bc(3)
    s2 = bc(4)
    s3 = bc(5)
    cxL = f00 * 640.0 / s3
    cxR = f20 * 640.0 / s3
    cyU = f01 * 640.0 / s2
    cyD = f21 * 640.0 / s2
    w = cxR - cxL
    h = cyD - cyU
    cxl = cxL - 0.15 * w
    cxr = cxR + 0.15 * w
    cyu = cyU - 0.15 * h
    cyd = cyD + 0.15 * h
    return cxL, cxR, cyU, cyD, cxl, cxr, cyu, cyd


def _scan_kernel(predt_ref, praw_ref, cand_ref, colbuf,
                 praw_v, rec_v, sem):
    wid = lax.axis_index("c") * NS + lax.axis_index("s")
    b = wid >> 3
    wi = wid & 7
    wstart = wi * SHARD
    off = jnp.minimum(wstart, LASTOFF)
    sub = wstart - off
    wlen = jnp.minimum(SHARD, N - wstart)
    iota = _iota16()

    pltpu.sync_copy(praw_ref, praw_v)

    copies = []
    for ci, c in enumerate(COLS):
        copies.append(pltpu.async_copy(
            predt_ref.at[c, b, pl.ds(pl.multiple_of(off, 128), SHARD)],
            colbuf.at[pl.ds(ci * SHARD, SHARD)], sem))
    for cp in copies:
        cp.wait()

    _, _, _, _, cxl, cxr, cyu, cyd = _go_bounds(praw_v, b)

    nvec = (wlen + 15) >> 4

    def vec_body(i, carry):
        vo, b1, b2, b3, j1, j2, j3 = carry
        pos = sub + i * 16
        cx = colbuf[pl.ds(pos, 16)]
        cy = colbuf[pl.ds(SHARD + pos, 16)]
        w_ = colbuf[pl.ds(2 * SHARD + pos, 16)]
        h_ = colbuf[pl.ds(3 * SHARD + pos, 16)]
        ob = colbuf[pl.ds(4 * SHARD + pos, 16)]
        st = colbuf[pl.ds(5 * SHARD + pos, 16)]
        m = ((cx - w_ * 0.5 > cxl) & (cx + w_ * 0.5 < cxr)
             & (cy - h_ * 0.5 > cyu) & (cy + h_ * 0.5 < cyd))
        vo = jnp.maximum(vo, jnp.where(m, ob, NEG))
        s = jnp.where(m, st * ob, NEG)
        gi = i * 16 + iota
        t1 = s > b1
        t2 = (~t1) & (s > b2)
        t3 = (~t1) & (~t2) & (s > b3)
        b3 = jnp.where(t1 | t2, b2, jnp.where(t3, s, b3))
        j3 = jnp.where(t1 | t2, j2, jnp.where(t3, gi, j3))
        b2 = jnp.where(t1, b1, jnp.where(t2, s, b2))
        j2 = jnp.where(t1, j1, jnp.where(t2, gi, j2))
        b1 = jnp.where(t1, s, b1)
        j1 = jnp.where(t1, gi, j1)
        return vo, b1, b2, b3, j1, j2, j3

    fneg = jnp.full((16,), VERY_NEG, jnp.float32)
    fbig = jnp.full((16,), BIG_IDX, jnp.int32)
    vobj, b1, b2, b3, j1, j2, j3 = lax.fori_loop(
        0, nvec, vec_body,
        (jnp.full((16,), NEG, jnp.float32), fneg, fneg, fneg,
         fbig, fbig, fbig))
    obj_max = jnp.max(vobj)

    def pick(b1, b2, b3, j1, j2, j3):
        m = jnp.max(b1)
        m = jnp.maximum(m, jnp.maximum(jnp.max(b2), jnp.max(b3)))
        i = jnp.minimum(
            jnp.minimum(jnp.min(jnp.where(b1 == m, j1, BIG_IDX)),
                        jnp.min(jnp.where(b2 == m, j2, BIG_IDX))),
            jnp.min(jnp.where(b3 == m, j3, BIG_IDX)))
        return m, i

    def excl(b, j, i):
        return jnp.where(j == i, VERY_NEG, b)

    v1, i1 = pick(b1, b2, b3, j1, j2, j3)
    b1e, b2e, b3e = excl(b1, j1, i1), excl(b2, j2, i1), excl(b3, j3, i1)
    v2, i2 = pick(b1e, b2e, b3e, j1, j2, j3)
    b1e, b2e, b3e = excl(b1e, j1, i2), excl(b2e, j2, i2), excl(b3e, j3, i2)
    v3, i3 = pick(b1e, b2e, b3e, j1, j2, j3)

    any_f = jnp.where(obj_max > -1e29, 1.0, 0.0)
    meta = (jnp.where(iota == 0, obj_max, 0.0)
            + jnp.where(iota == 1, any_f, 0.0)
            + jnp.where(iota == 2, v1, 0.0)
            + jnp.where(iota == 3, (wstart + i1).astype(jnp.float32), 0.0)
            + jnp.where(iota == 4, v2, 0.0)
            + jnp.where(iota == 5, (wstart + i2).astype(jnp.float32), 0.0)
            + jnp.where(iota == 6, v3, 0.0)
            + jnp.where(iota == 7, (wstart + i3).astype(jnp.float32), 0.0))
    rec_v[pl.ds(0, 16)] = meta

    lidx = jnp.where(iota == 0, i1,
                     jnp.where(iota == 1, i2,
                               jnp.where(iota == 2, i3,
                                         jnp.where(iota == 3, 40,
                                                   jnp.where(iota == 4, 0,
                                                             1)))))
    bidx = sub + lidx
    for ci in range(NCOL):
        rec_v[pl.ds(16 + ci * 16, 16)] = plsc.load_gather(
            colbuf, [bidx + ci * SHARD])

    pltpu.sync_copy(rec_v, cand_ref.at[pl.ds(
        pl.multiple_of(wid * REC, 8), REC)])


def _merge_kernel(praw_ref, cand_hbm, tbl_ref, out_ref,
                  praw_v, cand_v, tbl_v, rec_v):
    wid = lax.axis_index("c") * NS + lax.axis_index("s")
    iota = _iota16()

    @pl.when(wid == 0)
    def _():
        pltpu.sync_copy(praw_ref, praw_v)
        pltpu.sync_copy(cand_hbm, cand_v)
        pltpu.sync_copy(tbl_ref, tbl_v)
        gcz = (cand_v[pl.ds(0, 16)] * 0.0).astype(jnp.int32)

        mcs, objs, stops = [], [], []
        iou_last = None
        for b in range(B):
            cxL, cxR, cyU, cyD, _, _, _, _ = _go_bounds(praw_v, b)
            area_go = (cxR - cxL) * (cyD - cyU)
            base = b * WPB * REC

            halves = []
            for half in range(2):
                p = half * 16 + iota
                valid = p < 3 * WPB
                fl = tbl_v[pl.ds(half * 16, 16)] + base + gcz
                vv = plsc.load_gather(cand_v, [fl])
                iv = plsc.load_gather(cand_v, [fl + 1])
                vv = jnp.where(valid, vv, VERY_NEG)
                iv = jnp.where(valid, iv, 1.0e9)
                halves.append((vv, iv, p.astype(jnp.float32)))

            def top1(excl1, excl2, halves=halves):
                bv = jnp.full((16,), VERY_NEG, jnp.float32)
                bi = jnp.full((16,), 1.0e9, jnp.float32)
                bp = jnp.full((16,), 1.0e9, jnp.float32)
                for vv, iv, pv in halves:
                    v = jnp.where(iv == excl1, VERY_NEG, vv)
                    v = jnp.where(iv == excl2, VERY_NEG, v)
                    take = (v > bv) | ((v == bv) & (iv < bi))
                    bv = jnp.where(take, v, bv)
                    bi = jnp.where(take, iv, bi)
                    bp = jnp.where(take, pv, bp)
                m = jnp.max(bv)
                i = jnp.min(jnp.where(bv == m, bi, 1.0e9))
                p = jnp.min(jnp.where((bv == m) & (bi == i), bp, 1.0e9))
                return m, i, p

            _, i1, p1 = top1(-1.0, -1.0)
            _, i2, p2 = top1(i1, -1.0)
            _, i3, p3 = top1(i1, i2)

            rows = tbl_v[pl.ds(32, 16)] + base + gcz
            ov = plsc.load_gather(cand_v, [rows])
            obj_max = jnp.max(jnp.where(iota < WPB, ov, VERY_NEG))
            any_b = obj_max > -1e29

            pv = jnp.where(iota == 0, p1, jnp.where(iota == 1, p2, p3))
            pvi = pv.astype(jnp.int32)
            pd3 = plsc.load_gather(tbl_v, [48 + pvi + gcz])
            pm3 = plsc.load_gather(tbl_v, [80 + pvi + gcz])
            base_norm = base + pd3 * REC + 16 + pm3
            base_fb = (jnp.where(iota == 0, (5 * REC) + 16 + 3,
                                 jnp.where(iota == 1, 16 + 4, 16 + 5))
                       + base)
            basev = jnp.where(any_b, base_norm, base_fb)

            cx = plsc.load_gather(cand_v, [basev])
            cy = plsc.load_gather(cand_v, [basev + 16])
            w_ = plsc.load_gather(cand_v, [basev + 32])
            h_ = plsc.load_gather(cand_v, [basev + 48])
            ob = plsc.load_gather(cand_v, [basev + 64])
            st = plsc.load_gather(cand_v, [basev + 80])
            tv = st * ob

            x1 = cx - w_ * 0.5
            y1 = cy - h_ * 0.5
            x2 = cx + w_ * 0.5
            y2 = cy + h_ * 0.5
            area_s = (x2 - x1) * (y2 - y1)
            wx = jnp.maximum(jnp.minimum(cxR, x2) - jnp.maximum(cxL, x1), 0.0)
            wy = jnp.maximum(jnp.minimum(cyD, y2) - jnp.maximum(cyU, y1), 0.0)
            inter = wx * wy
            iouv = inter / (area_go + area_s - inter)
            lane3 = iota < 3
            iou_b = jnp.sum(jnp.where(lane3, iouv * tv, 0.0)) * (1.0 / 3.0)
            stop_b = jnp.sum(jnp.where(lane3, tv, 0.0)) * (1.0 / 3.0)
            ob0 = jnp.max(jnp.where(iota == 0, ob, VERY_NEG))
            obj_b = jnp.where(any_b, obj_max, ob0)

            mcs.append(1.0 - iou_b)
            objs.append(obj_b)
            stops.append(stop_b)
            iou_last = iou_b

        obj_mean = (((objs[0] + objs[1]) + objs[2]) + objs[3]) * 0.25
        stop_mean = (((stops[0] + stops[1]) + stops[2]) + stops[3]) * 0.25
        rec = (jnp.where(iota == 0, mcs[0], 0.0)
               + jnp.where(iota == 1, mcs[1], 0.0)
               + jnp.where(iota == 2, mcs[2], 0.0)
               + jnp.where(iota == 3, mcs[3], 0.0)
               + jnp.where(iota == 4, obj_mean, 0.0)
               + jnp.where(iota == 5, stop_mean, 0.0)
               + jnp.where(iota == 6, iou_last, 0.0))
        rec_v[...] = rec
        pltpu.sync_copy(rec_v, out_ref)


@functools.lru_cache(maxsize=1)
def _build():
    mesh = plsc.VectorSubcoreMesh(
        core_axis_name="c", subcore_axis_name="s",
        num_cores=NC, num_subcores=NS)
    mesh1 = plsc.VectorSubcoreMesh(
        core_axis_name="c", subcore_axis_name="s",
        num_cores=1, num_subcores=NS)
    params = pltpu.CompilerParams(needs_layout_passes=False)
    scan = pl.kernel(
        _scan_kernel,
        out_type=jax.ShapeDtypeStruct((NW * REC,), jnp.float32),
        mesh=mesh,
        compiler_params=params,
        scratch_types=[
            pltpu.VMEM((NCOL * SHARD,), jnp.float32),
            pltpu.VMEM((B * 16,), jnp.float32),
            pltpu.VMEM((REC,), jnp.float32),
            pltpu.SemaphoreType.DMA,
        ],
    )
    merge = pl.kernel(
        _merge_kernel,
        out_type=jax.ShapeDtypeStruct((16,), jnp.float32),
        mesh=mesh1,
        compiler_params=params,
        scratch_types=[
            pltpu.VMEM((B * 16,), jnp.float32),
            pltpu.VMEM((NW * REC,), jnp.float32),
            pltpu.VMEM((112,), jnp.int32),
            pltpu.VMEM((16,), jnp.float32),
        ],
    )
    return scan, merge


def _tables():
    pa = np.arange(16)
    p0 = np.minimum(pa, 3 * WPB - 1)
    p1 = np.minimum(pa + 16, 3 * WPB - 1)
    pd = np.minimum(np.arange(32), 3 * WPB - 1)
    return np.concatenate([
        (p0 // 3) * REC + 2 + 2 * (p0 % 3),
        (p1 // 3) * REC + 2 + 2 * (p1 % 3),
        np.minimum(pa, WPB - 1) * REC,
        pd // 3,
        pd % 3,
    ]).astype(np.int32)


_TBL = _tables()


def kernel(predictions, coordinate_batch, car_batch, shape):
    del car_batch
    assert predictions.shape == (B, N, C)
    predt = predictions.transpose(2, 0, 1)
    sf = shape.astype(jnp.float32)
    praw = jnp.stack([
        coordinate_batch[:, 0, 0], coordinate_batch[:, 2, 0],
        coordinate_batch[:, 0, 1], coordinate_batch[:, 2, 1],
        jnp.broadcast_to(sf[2], (B,)), jnp.broadcast_to(sf[3], (B,)),
    ], axis=1)
    praw = jnp.pad(praw, ((0, 0), (0, 10))).reshape(B * 16)

    scan, merge = _build()
    cand = scan(predt, praw)
    out16 = merge(praw, cand, jnp.asarray(_TBL))
    return (out16[:4], out16[4], out16[5], out16[6])

# --- scband reference (transcript-rebuilt; emitter-appended) ---
"""Pipeline reference for scband-max-prob-extractor-79010218377688 (READ-ONLY COPY).

The authoritative reference and input builder live on the scoring server;
editing this copy changes nothing except your own understanding.
"""

import jax, jax.numpy as jnp
import numpy as np

GOIND = 14
STPIND = 16
NEG = -1e30


def box_cxcywh_to_xyxy(b):
    cx, cy, w, h = b[..., 0], b[..., 1], b[..., 2], b[..., 3]
    return jnp.stack([cx - w / 2, cy - h / 2, cx + w / 2, cy + h / 2], axis=-1)


def box_iou(a, b):
    area_a = (a[:, 2] - a[:, 0]) * (a[:, 3] - a[:, 1])
    area_b = (b[:, 2] - b[:, 0]) * (b[:, 3] - b[:, 1])
    lt = jnp.maximum(a[:, None, :2], b[None, :, :2])
    rb = jnp.minimum(a[:, None, 2:], b[None, :, 2:])
    wh = jnp.clip(rb - lt, 0.0)
    inter = wh[..., 0] * wh[..., 1]
    return inter / (area_a[:, None] + area_b[None, :] - inter)


def filtered2_mask(front, x, shape_arr, c):
    s2 = shape_arr[2].astype(jnp.float32)
    s3 = shape_arr[3].astype(jnp.float32)
    cxL = front[0, 0] * 640.0 / s3
    cxR = front[2, 0] * 640.0 / s3
    cyU = front[0, 1] * 640.0 / s2
    cyD = front[2, 1] * 640.0 / s2
    Go_box = jnp.stack([cxL, cyU, cxR, cyD])
    w = cxR - cxL
    h = cyD - cyU
    cxl = cxL - c * w
    cxr = cxR + c * w
    cyu = cyU - c * h
    cyd = cyD + c * h
    xc = ((x[:, 0] - x[:, 2] / 2 > cxl) & (x[:, 0] + x[:, 2] / 2 < cxr)
          & (x[:, 1] - x[:, 3] / 2 > cyu) & (x[:, 1] + x[:, 3] / 2 < cyd))
    fallback = jnp.zeros_like(xc).at[16040].set(True)
    xc = jnp.where(jnp.any(xc), xc, fallback)
    return xc, Go_box


def setup_inputs(seed: int = 0) -> dict:
    key = jax.random.key(seed)
    k1, k2, k3, k4, k5, k6, k7, k8 = jax.random.split(key, 8)
    B, N = 4, 25200
    cxy = jax.random.uniform(k1, (B, N, 2), minval=0.0, maxval=640.0)
    wh = jax.random.uniform(k2, (B, N, 2), minval=8.0, maxval=96.0)
    conf = jax.random.uniform(k3, (B, N, 81), minval=0.0, maxval=1.0)
    predictions = jnp.concatenate([cxy, wh, conf], axis=-1)

    x0 = jax.random.uniform(k4, (B,), minval=150.0, maxval=250.0)
    y0 = jax.random.uniform(k5, (B,), minval=150.0, maxval=250.0)
    bw = jax.random.uniform(k6, (B,), minval=150.0, maxval=300.0)
    bh = jax.random.uniform(k7, (B,), minval=150.0, maxval=300.0)
    coordinate_batch = jnp.stack([
        jnp.stack([x0, y0], -1),
        jnp.stack([x0, y0 + bh], -1),
        jnp.stack([x0 + bw, y0 + bh], -1),
        jnp.stack([x0 + bw, y0], -1),
    ], axis=1)

    car_batch = jax.random.uniform(k8, (B, 4, 2), minval=100.0, maxval=500.0)
    shape = jnp.array([B, 3, 640, 640], dtype=jnp.int32)
    return {"predictions": predictions, "coordinate_batch": coordinate_batch,
            "car_batch": car_batch, "shape": shape}


def reference(predictions, coordinate_batch, car_batch, shape):
    B = predictions.shape[0]
    max_conf_values = []
    obj_conf = []
    cls_conf_stop = []
    iou = jnp.float32(0.0)
    for xi in range(B):
        x = predictions[xi]
        xc, Go_box = filtered2_mask(coordinate_batch[xi], x, shape, 0.15)
        placeholder = jnp.concatenate([x[:, :5], x[:, 5:] * x[:, 4:5]], axis=1)
        obj_col = jnp.where(xc, placeholder[:, 4], NEG)
        max_conf_obj = jnp.max(obj_col)
        go_col = jnp.where(xc, placeholder[:, GOIND], NEG)
        top_values2, _ = jax.lax.top_k(go_col, 3)
        max_conf_go = jnp.mean(top_values2)  # computed but unused, as in original
        stp_col = jnp.where(xc, placeholder[:, STPIND], NEG)
        _, indices3 = jax.lax.top_k(stp_col, 3)
        top_values3 = placeholder[indices3, STPIND]
        max_conf_stop = jnp.mean(top_values3)
        Stop_box = box_cxcywh_to_xyxy(placeholder[indices3, 0:4])
        iout = box_iou(Go_box[None, :], Stop_box) * top_values3
        iou = jnp.mean(iout)
        max_conf_values.append(1.0 - iou)
        obj_conf.append(jnp.mean(max_conf_obj))
        cls_conf_stop.append(max_conf_stop)
    max_conf_tensor = jnp.stack(max_conf_values)
    obj_conf_tensor = jnp.mean(jnp.stack(obj_conf))
    cls_conf_stop_tensor = jnp.mean(jnp.stack(cls_conf_stop))
    return (max_conf_tensor, obj_conf_tensor, cls_conf_stop_tensor, iou)

if __name__ == "__main__":
    import jax
    _d = setup_inputs()
    print(jax.jit(kernel)(*tuple(_d.values())))

</pallas_src>

<mosaic_0001>
#map = affine_map<(d0, d1) -> (0)>
module attributes {stable_mosaic.version = 14 : i64} {
  func.func @_merge_kernel(%arg0: i32, %arg1: i32, %arg2: memref<64xf32, #tpu.memory_space<hbm>>, %arg3: memref<3584xf32, #tpu.memory_space<hbm>>, %arg4: memref<112xi32, #tpu.memory_space<hbm>>, %arg5: memref<16xf32, #tpu.memory_space<hbm>>, %arg6: memref<64xf32, #tpu.memory_space<vmem>>, %arg7: memref<3584xf32, #tpu.memory_space<vmem>>, %arg8: memref<112xi32, #tpu.memory_space<vmem>>, %arg9: memref<16xf32, #tpu.memory_space<vmem>>) attributes {dimension_semantics = [#tpu.dimension_semantics<core_parallel>, #tpu.dimension_semantics<subcore_parallel>], iteration_bounds = array<i64: 1, 16>, scalar_prefetch = 0 : i64, scratch_operands = 4 : i64, tpu.core_type = #tpu.core_type<sc_vector_subcore>, window_params = [{transform_indices = #map}, {transform_indices = #map}, {transform_indices = #map}, {transform_indices = #map}]} {
    %mul3A = arith.constant 16 : i32
    %mul3A_0 = arith.muli %arg0, %mul3A : i32
    %add3A = arith.addi %mul3A_0, %arg1 : i32
    %iota3A = tpu.iota {dimensions = array<i32: 0>} : vector<16xi32>
    %eq3A = arith.constant 0 : i32
    %eq3A_1 = arith.cmpi eq, %add3A, %eq3A : i32
    %convert_element_type3A = arith.extui %eq3A_1 : i1 to i32
    %cond3A = arith.constant 0 : i32
    %cond3A_2 = arith.cmpi ne, %convert_element_type3A, %cond3A : i32
    scf.if %cond3A_2 {
      "tpu.region"() ({
        %run_scoped3A = tpu.sem_alloc : memref<!tpu.dma_semaphore, #tpu.memory_space<semaphore_mem>>
        tpu.enqueue_dma source(%arg2 : memref<64xf32, #tpu.memory_space<hbm>>) target(%arg6 : memref<64xf32, #tpu.memory_space<vmem>>) target_semaphore(%run_scoped3A : memref<!tpu.dma_semaphore, #tpu.memory_space<semaphore_mem>>)
        tpu.wait_dma2 semaphore(%run_scoped3A : memref<!tpu.dma_semaphore, #tpu.memory_space<semaphore_mem>>) src(%arg2 : memref<64xf32, #tpu.memory_space<hbm>>) dst(%arg6 : memref<64xf32, #tpu.memory_space<vmem>>)
        tpu.yield
      }) : () -> ()
      "tpu.region"() ({
        %run_scoped3A = tpu.sem_alloc : memref<!tpu.dma_semaphore, #tpu.memory_space<semaphore_mem>>
        tpu.enqueue_dma source(%arg3 : memref<3584xf32, #tpu.memory_space<hbm>>) target(%arg7 : memref<3584xf32, #tpu.memory_space<vmem>>) target_semaphore(%run_scoped3A : memref<!tpu.dma_semaphore, #tpu.memory_space<semaphore_mem>>)
        tpu.wait_dma2 semaphore(%run_scoped3A : memref<!tpu.dma_semaphore, #tpu.memory_space<semaphore_mem>>) src(%arg3 : memref<3584xf32, #tpu.memory_space<hbm>>) dst(%arg7 : memref<3584xf32, #tpu.memory_space<vmem>>)
        tpu.yield
      }) : () -> ()
      "tpu.region"() ({
        %run_scoped3A = tpu.sem_alloc : memref<!tpu.dma_semaphore, #tpu.memory_space<semaphore_mem>>
        tpu.enqueue_dma source(%arg4 : memref<112xi32, #tpu.memory_space<hbm>>) target(%arg8 : memref<112xi32, #tpu.memory_space<vmem>>) target_semaphore(%run_scoped3A : memref<!tpu.dma_semaphore, #tpu.memory_space<semaphore_mem>>)
        tpu.wait_dma2 semaphore(%run_scoped3A : memref<!tpu.dma_semaphore, #tpu.memory_space<semaphore_mem>>) src(%arg4 : memref<112xi32, #tpu.memory_space<hbm>>) dst(%arg8 : memref<112xi32, #tpu.memory_space<vmem>>)
        tpu.yield
      }) : () -> ()
      %get3A = arith.constant 0 : index
      %get3A_3 = tpu.vector_load %arg7[%get3A] {strides = array<i32>} : memref<3584xf32, #tpu.memory_space<vmem>>, vector<16xf32>,
      %mul3A_4 = arith.constant 0.000000e+00 : f32
      %mul3A_5 = vector.broadcast %mul3A_4 : f32 to vector<16xf32>
      %mul3A_6 = arith.mulf %get3A_3, %mul3A_5 : vector<16xf32>
      %convert_element_type3A_7 = arith.fptosi %mul3A_6 : vector<16xf32> to vector<16xi32>
      %get3A_8 = arith.constant 0 : index
      %get3A_9 = tpu.vector_load %arg6[%get3A_8] {strides = array<i32>} : memref<64xf32, #tpu.memory_space<vmem>>, vector<16xf32>,
      %iota3A_10 = tpu.iota {dimensions = array<i32: 0>} : vector<16xi32>
      %broadcast_in_dim3A = arith.constant 0.000000e+00 : f32
      %broadcast_in_dim3A_11 = vector.broadcast %broadcast_in_dim3A : f32 to vector<16xf32>
      %eq3A_12 = arith.constant 0 : i32
      %eq3A_13 = vector.broadcast %eq3A_12 : i32 to vector<16xi32>
      %eq3A_14 = arith.cmpi eq, %iota3A_10, %eq3A_13 : vector<16xi32>
      %jit3A = arith.constant -3.000000e+38 : f32
      %broadcast_in_dim3A_15 = vector.broadcast %jit3A : f32 to vector<16xf32>
      %select_n3A = arith.select %eq3A_14, %get3A_9, %broadcast_in_dim3A_15 : vector<16xi1>, vector<16xf32>
      %reduce_max3A = arith.constant true
      %reduce_max3A_16 = vector.broadcast %reduce_max3A : i1 to vector<16xi1>
      %reduce_max3A_17 = tpu.scan <max>, %select_n3A masked %reduce_max3A_16 : vector<16xf32>, vector<16xi1> -> vector<16xf32>
      %reduce_max3A_18 = vector.extract %reduce_max3A_17[15] : f32 from vector<16xf32>
      %add3A_19 = vector.broadcast %reduce_max3A_18 : f32 to vector<16xf32>
      %add3A_20 = arith.addf %broadcast_in_dim3A_11, %add3A_19 : vector<16xf32>
      %broadcast_in_dim3A_21 = arith.constant 0.000000e+00 : f32
      %broadcast_in_dim3A_22 = vector.broadcast %broadcast_in_dim3A_21 : f32 to vector<16xf32>
      %eq3A_23 = arith.constant 1 : i32
      %eq3A_24 = vector.broadcast %eq3A_23 : i32 to vector<16xi32>
      %eq3A_25 = arith.cmpi eq, %iota3A_10, %eq3A_24 : vector<16xi32>
      %jit3A_26 = arith.constant -3.000000e+38 : f32
      %broadcast_in_dim3A_27 = vector.broadcast %jit3A_26 : f32 to vector<16xf32>
      %select_n3A_28 = arith.select %eq3A_25, %get3A_9, %broadcast_in_dim3A_27 : vector<16xi1>, vector<16xf32>
      %reduce_max3A_29 = arith.constant true
      %reduce_max3A_30 = vector.broadcast %reduce_max3A_29 : i1 to vector<16xi1>
      %reduce_max3A_31 = tpu.scan <max>, %select_n3A_28 masked %reduce_max3A_30 : vector<16xf32>, vector<16xi1> -> vector<16xf32>
      %reduce_max3A_32 = vector.extract %reduce_max3A_31[15] : f32 from vector<16xf32>
      %add3A_33 = vector.broadcast %reduce_max3A_32 : f32 to vector<16xf32>
      %add3A_34 = arith.addf %broadcast_in_dim3A_22, %add3A_33 : vector<16xf32>
      %broadcast_in_dim3A_35 = arith.constant 0.000000e+00 : f32
      %broadcast_in_dim3A_36 = vector.broadcast %broadcast_in_dim3A_35 : f32 to vector<16xf32>
      %eq3A_37 = arith.constant 2 : i32
      %eq3A_38 = vector.broadcast %eq3A_37 : i32 to vector<16xi32>
      %eq3A_39 = arith.cmpi eq, %iota3A_10, %eq3A_38 : vector<16xi32>
      %jit3A_40 = arith.constant -3.000000e+38 : f32
      %broadcast_in_dim3A_41 = vector.broadcast %jit3A_40 : f32 to vector<16xf32>
      %select_n3A_42 = arith.select %eq3A_39, %get3A_9, %broadcast_in_dim3A_41 : vector<16xi1>, vector<16xf32>
      %reduce_max3A_43 = arith.constant true
      %reduce_max3A_44 = vector.broadcast %reduce_max3A_43 : i1 to vector<16xi1>
      %reduce_max3A_45 = tpu.scan <max>, %select_n3A_42 masked %reduce_max3A_44 : vector<16xf32>, vector<16xi1> -> vector<16xf32>
      %reduce_max3A_46 = vector.extract %reduce_max3A_45[15] : f32 from vector<16xf32>
      %add3A_47 = vector.broadcast %reduce_max3A_46 : f32 to vector<16xf32>
      %add3A_48 = arith.addf %broadcast_in_dim3A_36, %add3A_47 : vector<16xf32>
      %broadcast_in_dim3A_49 = arith.constant 0.000000e+00 : f32
      %broadcast_in_dim3A_50 = vector.broadcast %broadcast_in_dim3A_49 : f32 to vector<16xf32>
      %eq3A_51 = arith.constant 3 : i32
      %eq3A_52 = vector.broadcast %eq3A_51 : i32 to vector<16xi32>
      %eq3A_53 = arith.cmpi eq, %iota3A_10, %eq3A_52 : vector<16xi32>
      %jit3A_54 = arith.constant -3.000000e+38 : f32
      %broadcast_in_dim3A_55 = vector.broadcast %jit3A_54 : f32 to vector<16xf32>
      %select_n3A_56 = arith.select %eq3A_53, %get3A_9, %broadcast_in_dim3A_55 : vector<16xi1>, vector<16xf32>
      %reduce_max3A_57 = arith.constant true
      %reduce_max3A_58 = vector.broadcast %reduce_max3A_57 : i1 to vector<16xi1>
      %reduce_max3A_59 = tpu.scan <max>, %select_n3A_56 masked %reduce_max3A_58 : vector<16xf32>, vector<16xi1> -> vector<16xf32>
      %reduce_max3A_60 = vector.extract %reduce_max3A_59[15] : f32 from vector<16xf32>
      %add3A_61 = vector.broadcast %reduce_max3A_60 : f32 to vector<16xf32>
      %add3A_62 = arith.addf %broadcast_in_dim3A_50, %add3A_61 : vector<16xf32>
      %broadcast_in_dim3A_63 = arith.constant 0.000000e+00 : f32
      %broadcast_in_dim3A_64 = vector.broadcast %broadcast_in_dim3A_63 : f32 to vector<16xf32>
      %eq3A_65 = arith.constant 4 : i32
      %eq3A_66 = vector.broadcast %eq3A_65 : i32 to vector<16xi32>
      %eq3A_67 = arith.cmpi eq, %iota3A_10, %eq3A_66 : vector<16xi32>
      %jit3A_68 = arith.constant -3.000000e+38 : f32
      %broadcast_in_dim3A_69 = vector.broadcast %jit3A_68 : f32 to vector<16xf32>
      %select_n3A_70 = arith.select %eq3A_67, %get3A_9, %broadcast_in_dim3A_69 : vector<16xi1>, vector<16xf32>
      %reduce_max3A_71 = arith.constant true
      %reduce_max3A_72 = vector.broadcast %reduce_max3A_71 : i1 to vector<16xi1>
      %reduce_max3A_73 = tpu.scan <max>, %select_n3A_70 masked %reduce_max3A_72 : vector<16xf32>, vector<16xi1> -> vector<16xf32>
      %reduce_max3A_74 = vector.extract %reduce_max3A_73[15] : f32 from vector<16xf32>
      %add3A_75 = vector.broadcast %reduce_max3A_74 : f32 to vector<16xf32>
      %add3A_76 = arith.addf %broadcast_in_dim3A_64, %add3A_75 : vector<16xf32>
      %broadcast_in_dim3A_77 = arith.constant 0.000000e+00 : f32
      %broadcast_in_dim3A_78 = vector.broadcast %broadcast_in_dim3A_77 : f32 to vector<16xf32>
      %eq3A_79 = arith.constant 5 : i32
      %eq3A_80 = vector.broadcast %eq3A_79 : i32 to vector<16xi32>
      %eq3A_81 = arith.cmpi eq, %iota3A_10, %eq3A_80 : vector<16xi32>
      %jit3A_82 = arith.constant -3.000000e+38 : f32
      %broadcast_in_dim3A_83 = vector.broadcast %jit3A_82 : f32 to vector<16xf32>
      %select_n3A_84 = arith.select %eq3A_81, %get3A_9, %broadcast_in_dim3A_83 : vector<16xi1>, vector<16xf32>
      %reduce_max3A_85 = arith.constant true
      %reduce_max3A_86 = vector.broadcast %reduce_max3A_85 : i1 to vector<16xi1>
      %reduce_max3A_87 = tpu.scan <max>, %select_n3A_84 masked %reduce_max3A_86 : vector<16xf32>, vector<16xi1> -> vector<16xf32>
      %reduce_max3A_88 = vector.extract %reduce_max3A_87[15] : f32 from vector<16xf32>
      %add3A_89 = vector.broadcast %reduce_max3A_88 : f32 to vector<16xf32>
      %add3A_90 = arith.addf %broadcast_in_dim3A_78, %add3A_89 : vector<16xf32>
      %mul3A_91 = arith.constant 6.400000e+02 : f32
      %mul3A_92 = vector.broadcast %mul3A_91 : f32 to vector<16xf32>
      %mul3A_93 = arith.mulf %add3A_20, %mul3A_92 : vector<16xf32>
      %div3A = arith.divf %mul3A_93, %add3A_90 : vector<16xf32>
      %mul3A_94 = arith.constant 6.400000e+02 : f32
      %mul3A_95 = vector.broadcast %mul3A_94 : f32 to vector<16xf32>
      %mul3A_96 = arith.mulf %add3A_34, %mul3A_95 : vector<16xf32>
      %div3A_97 = arith.divf %mul3A_96, %add3A_90 : vector<16xf32>
      %mul3A_98 = arith.constant 6.400000e+02 : f32
      %mul3A_99 = vector.broadcast %mul3A_98 : f32 to vector<16xf32>
      %mul3A_100 = arith.mulf %add3A_48, %mul3A_99 : vector<16xf32>
      %div3A_101 = arith.divf %mul3A_100, %add3A_76 : vector<16xf32>
      %mul3A_102 = arith.constant 6.400000e+02 : f32
      %mul3A_103 = vector.broadcast %mul3A_102 : f32 to vector<16xf32>
      %mul3A_104 = arith.mulf %add3A_62, %mul3A_103 : vector<16xf32>
      %div3A_105 = arith.divf %mul3A_104, %add3A_76 : vector<16xf32>
      %sub3A = arith.subf %div3A_97, %div3A : vector<16xf32>
      %sub3A_106 = arith.subf %div3A_105, %div3A_101 : vector<16xf32>
      %mul3A_107 = arith.constant 1.500000e-01 : f32
      %mul3A_108 = vector.broadcast %mul3A_107 : f32 to vector<16xf32>
      %mul3A_109 = arith.mulf %mul3A_108, %sub3A : vector<16xf32>
      %sub3A_110 = arith.subf %div3A, %mul3A_109 : vector<16xf32>
      %mul3A_111 = arith.constant 1.500000e-01 : f32
      %mul3A_112 = vector.broadcast %mul3A_111 : f32 to vector<16xf32>
      %mul3A_113 = arith.mulf %mul3A_112, %sub3A : vector<16xf32>
      %add3A_114 = arith.addf %div3A_97, %mul3A_113 : vector<16xf32>
      %mul3A_115 = arith.constant 1.500000e-01 : f32
      %mul3A_116 = vector.broadcast %mul3A_115 : f32 to vector<16xf32>
      %mul3A_117 = arith.mulf %mul3A_116, %sub3A_106 : vector<16xf32>
      %sub3A_118 = arith.subf %div3A_101, %mul3A_117 : vector<16xf32>
      %mul3A_119 = arith.constant 1.500000e-01 : f32
      %mul3A_120 = vector.broadcast %mul3A_119 : f32 to vector<16xf32>
      %mul3A_121 = arith.mulf %mul3A_120, %sub3A_106 : vector<16xf32>
      %add3A_122 = arith.addf %div3A_105, %mul3A_121 : vector<16xf32>
      %sub3A_123 = arith.subf %div3A_97, %div3A : vector<16xf32>
      %sub3A_124 = arith.subf %div3A_105, %div3A_101 : vector<16xf32>
      %mul3A_125 = arith.mulf %sub3A_123, %sub3A_124 : vector<16xf32>
      %add3A_126 = arith.constant 0 : i32
      %add3A_127 = vector.broadcast %add3A_126 : i32 to vector<16xi32>
      %add3A_128 = arith.addi %add3A_127, %iota3A : vector<16xi32>
      %lt3A = arith.constant 24 : i32
      %lt3A_129 = vector.broadcast %lt3A : i32 to vector<16xi32>
      %lt3A_130 = arith.cmpi slt, %add3A_128, %lt3A_129 : vector<16xi32>
      %get3A_131 = arith.constant 0 : index
      %get3A_132 = tpu.vector_load %arg8[%get3A_131] {strides = array<i32>} : memref<112xi32, #tpu.memory_space<vmem>>, vector<16xi32>,
      %add3A_133 = arith.constant 0 : i32
      %add3A_134 = vector.broadcast %add3A_133 : i32 to vector<16xi32>
      %add3A_135 = arith.addi %get3A_132, %add3A_134 : vector<16xi32>
      %add3A_136 = arith.addi %add3A_135, %convert_element_type3A_7 : vector<16xi32>
      %gather3A = tpu.vector_load_idx %arg7[%add3A_136] : memref<3584xf32, #tpu.memory_space<vmem>>[vector<16xi32>], vector<16xf32>,
      %add3A_137 = arith.constant 1 : i32
      %add3A_138 = vector.broadcast %add3A_137 : i32 to vector<16xi32>
      %add3A_139 = arith.addi %add3A_136, %add3A_138 : vector<16xi32>
      %gather3A_140 = tpu.vector_load_idx %arg7[%add3A_139] : memref<3584xf32, #tpu.memory_space<vmem>>[vector<16xi32>], vector<16xf32>,
      %jit3A_141 = arith.constant -3.000000e+38 : f32
      %broadcast_in_dim3A_142 = vector.broadcast %jit3A_141 : f32 to vector<16xf32>
      %select_n3A_143 = arith.select %lt3A_130, %gather3A, %broadcast_in_dim3A_142 : vector<16xi1>, vector<16xf32>
      %jit3A_144 = arith.constant 1.000000e+09 : f32
      %broadcast_in_dim3A_145 = vector.broadcast %jit3A_144 : f32 to vector<16xf32>
      %select_n3A_146 = arith.select %lt3A_130, %gather3A_140, %broadcast_in_dim3A_145 : vector<16xi1>, vector<16xf32>
      %convert_element_type3A_147 = arith.sitofp %add3A_128 : vector<16xi32> to vector<16xf32>
      %add3A_148 = arith.constant 16 : i32
      %add3A_149 = vector.broadcast %add3A_148 : i32 to vector<16xi32>
      %add3A_150 = arith.addi %add3A_149, %iota3A : vector<16xi32>
      %lt3A_151 = arith.constant 24 : i32
      %lt3A_152 = vector.broadcast %lt3A_151 : i32 to vector<16xi32>
      %lt3A_153 = arith.cmpi slt, %add3A_150, %lt3A_152 : vector<16xi32>
      %get3A_154 = arith.constant 16 : index
      %get3A_155 = tpu.vector_load %arg8[%get3A_154] {strides = array<i32>} : memref<112xi32, #tpu.memory_space<vmem>>, vector<16xi32>,
      %add3A_156 = arith.constant 0 : i32
      %add3A_157 = vector.broadcast %add3A_156 : i32 to vector<16xi32>
      %add3A_158 = arith.addi %get3A_155, %add3A_157 : vector<16xi32>
      %add3A_159 = arith.addi %add3A_158, %convert_element_type3A_7 : vector<16xi32>
      %gather3A_160 = tpu.vector_load_idx %arg7[%add3A_159] : memref<3584xf32, #tpu.memory_space<vmem>>[vector<16xi32>], vector<16xf32>,
      %add3A_161 = arith.constant 1 : i32
      %add3A_162 = vector.broadcast %add3A_161 : i32 to vector<16xi32>
      %add3A_163 = arith.addi %add3A_159, %add3A_162 : vector<16xi32>
      %gather3A_164 = tpu.vector_load_idx %arg7[%add3A_163] : memref<3584xf32, #tpu.memory_space<vmem>>[vector<16xi32>], vector<16xf32>,
      %jit3A_165 = arith.constant -3.000000e+38 : f32
      %broadcast_in_dim3A_166 = vector.broadcast %jit3A_165 : f32 to vector<16xf32>
      %select_n3A_167 = arith.select %lt3A_153, %gather3A_160, %broadcast_in_dim3A_166 : vector<16xi1>, vector<16xf32>
      %jit3A_168 = arith.constant 1.000000e+09 : f32
      %broadcast_in_dim3A_169 = vector.broadcast %jit3A_168 : f32 to vector<16xf32>
      %select_n3A_170 = arith.select %lt3A_153, %gather3A_164, %broadcast_in_dim3A_169 : vector<16xi1>, vector<16xf32>
      %convert_element_type3A_171 = arith.sitofp %add3A_150 : vector<16xi32> to vector<16xf32>
      %broadcast_in_dim3A_172 = arith.constant -3.000000e+38 : f32
      %broadcast_in_dim3A_173 = vector.broadcast %broadcast_in_dim3A_172 : f32 to vector<16xf32>
      %broadcast_in_dim3A_174 = arith.constant 1.000000e+09 : f32
      %broadcast_in_dim3A_175 = vector.broadcast %broadcast_in_dim3A_174 : f32 to vector<16xf32>
      %broadcast_in_dim3A_176 = arith.constant 1.000000e+09 : f32
      %broadcast_in_dim3A_177 = vector.broadcast %broadcast_in_dim3A_176 : f32 to vector<16xf32>
      %eq3A_178 = arith.constant -1.000000e+00 : f32
      %eq3A_179 = vector.broadcast %eq3A_178 : f32 to vector<16xf32>
      %eq3A_180 = arith.cmpf oeq, %select_n3A_146, %eq3A_179 : vector<16xf32>
      %jit3A_181 = arith.constant -3.000000e+38 : f32
      %broadcast_in_dim3A_182 = vector.broadcast %jit3A_181 : f32 to vector<16xf32>
      %select_n3A_183 = arith.select %eq3A_180, %broadcast_in_dim3A_182, %select_n3A_143 : vector<16xi1>, vector<16xf32>
      %eq3A_184 = arith.constant -1.000000e+00 : f32
      %eq3A_185 = vector.broadcast %eq3A_184 : f32 to vector<16xf32>
      %eq3A_186 = arith.cmpf oeq, %select_n3A_146, %eq3A_185 : vector<16xf32>
      %jit3A_187 = arith.constant -3.000000e+38 : f32
      %broadcast_in_dim3A_188 = vector.broadcast %jit3A_187 : f32 to vector<16xf32>
      %select_n3A_189 = arith.select %eq3A_186, %broadcast_in_dim3A_188, %select_n3A_183 : vector<16xi1>, vector<16xf32>
      %gt3A = arith.cmpf ogt, %select_n3A_189, %broadcast_in_dim3A_173 : vector<16xf32>
      %eq3A_190 = arith.cmpf oeq, %select_n3A_189, %broadcast_in_dim3A_173 : vector<16xf32>
      %lt3A_191 = arith.cmpf olt, %select_n3A_146, %broadcast_in_dim3A_175 : vector<16xf32>
      %and3A = arith.andi %eq3A_190, %lt3A_191 : vector<16xi1>
      %or3A = arith.ori %gt3A, %and3A : vector<16xi1>
      %select_n3A_192 = arith.select %or3A, %select_n3A_189, %broadcast_in_dim3A_173 : vector<16xi1>, vector<16xf32>
      %select_n3A_193 = arith.select %or3A, %select_n3A_146, %broadcast_in_dim3A_175 : vector<16xi1>, vector<16xf32>
      %select_n3A_194 = arith.select %or3A, %convert_element_type3A_147, %broadcast_in_dim3A_177 : vector<16xi1>, vector<16xf32>
      %eq3A_195 = arith.constant -1.000000e+00 : f32
      %eq3A_196 = vector.broadcast %eq3A_195 : f32 to vector<16xf32>
      %eq3A_197 = arith.cmpf oeq, %select_n3A_170, %eq3A_196 : vector<16xf32>
      %jit3A_198 = arith.constant -3.000000e+38 : f32
      %broadcast_in_dim3A_199 = vector.broadcast %jit3A_198 : f32 to vector<16xf32>
      %select_n3A_200 = arith.select %eq3A_197, %broadcast_in_dim3A_199, %select_n3A_167 : vector<16xi1>, vector<16xf32>
      %eq3A_201 = arith.constant -1.000000e+00 : f32
      %eq3A_202 = vector.broadcast %eq3A_201 : f32 to vector<16xf32>
      %eq3A_203 = arith.cmpf oeq, %select_n3A_170, %eq3A_202 : vector<16xf32>
      %jit3A_204 = arith.constant -3.000000e+38 : f32
      %broadcast_in_dim3A_205 = vector.broadcast %jit3A_204 : f32 to vector<16xf32>
      %select_n3A_206 = arith.select %eq3A_203, %broadcast_in_dim3A_205, %select_n3A_200 : vector<16xi1>, vector<16xf32>
      %gt3A_207 = arith.cmpf ogt, %select_n3A_206, %select_n3A_192 : vector<16xf32>
      %eq3A_208 = arith.cmpf oeq, %select_n3A_206, %select_n3A_192 : vector<16xf32>
      %lt3A_209 = arith.cmpf olt, %select_n3A_170, %select_n3A_193 : vector<16xf32>
      %and3A_210 = arith.andi %eq3A_208, %lt3A_209 : vector<16xi1>
      %or3A_211 = arith.ori %gt3A_207, %and3A_210 : vector<16xi1>
      %select_n3A_212 = arith.select %or3A_211, %select_n3A_206, %select_n3A_192 : vector<16xi1>, vector<16xf32>
      %select_n3A_213 = arith.select %or3A_211, %select_n3A_170, %select_n3A_193 : vector<16xi1>, vector<16xf32>
      %select_n3A_214 = arith.select %or3A_211, %convert_element_type3A_171, %select_n3A_194 : vector<16xi1>, vector<16xf32>
      %reduce_max3A_215 = arith.constant true
      %reduce_max3A_216 = vector.broadcast %reduce_max3A_215 : i1 to vector<16xi1>
      %reduce_max3A_217 = tpu.scan <max>, %select_n3A_212 masked %reduce_max3A_216 : vector<16xf32>, vector<16xi1> -> vector<16xf32>
      %reduce_max3A_218 = vector.extract %reduce_max3A_217[15] : f32 from vector<16xf32>
      %eq3A_219 = vector.broadcast %reduce_max3A_218 : f32 to vector<16xf32>
      %eq3A_220 = arith.cmpf oeq, %select_n3A_212, %eq3A_219 : vector<16xf32>
      %jit3A_221 = arith.constant 1.000000e+09 : f32
      %broadcast_in_dim3A_222 = vector.broadcast %jit3A_221 : f32 to vector<16xf32>
      %select_n3A_223 = arith.select %eq3A_220, %select_n3A_213, %broadcast_in_dim3A_222 : vector<16xi1>, vector<16xf32>
      %reduce_min3A = arith.constant true
      %reduce_min3A_224 = vector.broadcast %reduce_min3A : i1 to vector<16xi1>
      %reduce_min3A_225 = tpu.scan <min>, %select_n3A_223 masked %reduce_min3A_224 : vector<16xf32>, vector<16xi1> -> vector<16xf32>
      %reduce_min3A_226 = vector.extract %reduce_min3A_225[15] : f32 from vector<16xf32>
      %eq3A_227 = vector.broadcast %reduce_max3A_218 : f32 to vector<16xf32>
      %eq3A_228 = arith.cmpf oeq, %select_n3A_212, %eq3A_227 : vector<16xf32>
      %eq3A_229 = vector.broadcast %reduce_min3A_226 : f32 to vector<16xf32>
      %eq3A_230 = arith.cmpf oeq, %select_n3A_213, %eq3A_229 : vector<16xf32>
      %and3A_231 = arith.andi %eq3A_228, %eq3A_230 : vector<16xi1>
      %jit3A_232 = arith.constant 1.000000e+09 : f32
      %broadcast_in_dim3A_233 = vector.broadcast %jit3A_232 : f32 to vector<16xf32>
      %select_n3A_234 = arith.select %and3A_231, %select_n3A_214, %broadcast_in_dim3A_233 : vector<16xi1>, vector<16xf32>
      %reduce_min3A_235 = arith.constant true
      %reduce_min3A_236 = vector.broadcast %reduce_min3A_235 : i1 to vector<16xi1>
      %reduce_min3A_237 = tpu.scan <min>, %select_n3A_234 masked %reduce_min3A_236 : vector<16xf32>, vector<16xi1> -> vector<16xf32>
      %reduce_min3A_238 = vector.extract %reduce_min3A_237[15] : f32 from vector<16xf32>
      %broadcast_in_dim3A_239 = arith.constant -3.000000e+38 : f32
      %broadcast_in_dim3A_240 = vector.broadcast %broadcast_in_dim3A_239 : f32 to vector<16xf32>
      %broadcast_in_dim3A_241 = arith.constant 1.000000e+09 : f32
      %broadcast_in_dim3A_242 = vector.broadcast %broadcast_in_dim3A_241 : f32 to vector<16xf32>
      %broadcast_in_dim3A_243 = arith.constant 1.000000e+09 : f32
      %broadcast_in_dim3A_244 = vector.broadcast %broadcast_in_dim3A_243 : f32 to vector<16xf32>
      %eq3A_245 = vector.broadcast %reduce_min3A_226 : f32 to vector<16xf32>
      %eq3A_246 = arith.cmpf oeq, %select_n3A_146, %eq3A_245 : vector<16xf32>
      %jit3A_247 = arith.constant -3.000000e+38 : f32
      %broadcast_in_dim3A_248 = vector.broadcast %jit3A_247 : f32 to vector<16xf32>
      %select_n3A_249 = arith.select %eq3A_246, %broadcast_in_dim3A_248, %select_n3A_143 : vector<16xi1>, vector<16xf32>
      %eq3A_250 = arith.constant -1.000000e+00 : f32
      %eq3A_251 = vector.broadcast %eq3A_250 : f32 to vector<16xf32>
      %eq3A_252 = arith.cmpf oeq, %select_n3A_146, %eq3A_251 : vector<16xf32>
      %jit3A_253 = arith.constant -3.000000e+38 : f32
      %broadcast_in_dim3A_254 = vector.broadcast %jit3A_253 : f32 to vector<16xf32>
      %select_n3A_255 = arith.select %eq3A_252, %broadcast_in_dim3A_254, %select_n3A_249 : vector<16xi1>, vector<16xf32>
      %gt3A_256 = arith.cmpf ogt, %select_n3A_255, %broadcast_in_dim3A_240 : vector<16xf32>
      %eq3A_257 = arith.cmpf oeq, %select_n3A_255, %broadcast_in_dim3A_240 : vector<16xf32>
      %lt3A_258 = arith.cmpf olt, %select_n3A_146, %broadcast_in_dim3A_242 : vector<16xf32>
      %and3A_259 = arith.andi %eq3A_257, %lt3A_258 : vector<16xi1>
      %or3A_260 = arith.ori %gt3A_256, %and3A_259 : vector<16xi1>
      %select_n3A_261 = arith.select %or3A_260, %select_n3A_255, %broadcast_in_dim3A_240 : vector<16xi1>, vector<16xf32>
      %select_n3A_262 = arith.select %or3A_260, %select_n3A_146, %broadcast_in_dim3A_242 : vector<16xi1>, vector<16xf32>
      %select_n3A_263 = arith.select %or3A_260, %convert_element_type3A_147, %broadcast_in_dim3A_244 : vector<16xi1>, vector<16xf32>
      %eq3A_264 = vector.broadcast %reduce_min3A_226 : f32 to vector<16xf32>
      %eq3A_265 = arith.cmpf oeq, %select_n3A_170, %eq3A_264 : vector<16xf32>
      %jit3A_266 = arith.constant -3.000000e+38 : f32
      %broadcast_in_dim3A_267 = vector.broadcast %jit3A_266 : f32 to vector<16xf32>
      %select_n3A_268 = arith.select %eq3A_265, %broadcast_in_dim3A_267, %select_n3A_167 : vector<16xi1>, vector<16xf32>
      %eq3A_269 = arith.constant -1.000000e+00 : f32
      %eq3A_270 = vector.broadcast %eq3A_269 : f32 to vector<16xf32>
      %eq3A_271 = arith.cmpf oeq, %select_n3A_170, %eq3A_270 : vector<16xf32>
      %jit3A_272 = arith.constant -3.000000e+38 : f32
      %broadcast_in_dim3A_273 = vector.broadcast %jit3A_272 : f32 to vector<16xf32>
      %select_n3A_274 = arith.select %eq3A_271, %broadcast_in_dim3A_273, %select_n3A_268 : vector<16xi1>, vector<16xf32>
      %gt3A_275 = arith.cmpf ogt, %select_n3A_274, %select_n3A_261 : vector<16xf32>
      %eq3A_276 = arith.cmpf oeq, %select_n3A_274, %select_n3A_261 : vector<16xf32>
      %lt3A_277 = arith.cmpf olt, %select_n3A_170, %select_n3A_262 : vector<16xf32>
      %and3A_278 = arith.andi %eq3A_276, %lt3A_277 : vector<16xi1>
      %or3A_279 = arith.ori %gt3A_275, %and3A_278 : vector<16xi1>
      %select_n3A_280 = arith.select %or3A_279, %select_n3A_274, %select_n3A_261 : vector<16xi1>, vector<16xf32>
      %select_n3A_281 = arith.select %or3A_279, %select_n3A_170, %select_n3A_262 : vector<16xi1>, vector<16xf32>
      %select_n3A_282 = arith.select %or3A_279, %convert_element_type3A_171, %select_n3A_263 : vector<16xi1>, vector<16xf32>
      %reduce_max3A_283 = arith.constant true
      %reduce_max3A_284 = vector.broadcast %reduce_max3A_283 : i1 to vector<16xi1>
      %reduce_max3A_285 = tpu.scan <max>, %select_n3A_280 masked %reduce_max3A_284 : vector<16xf32>, vector<16xi1> -> vector<16xf32>
      %reduce_max3A_286 = vector.extract %reduce_max3A_285[15] : f32 from vector<16xf32>
      %eq3A_287 = vector.broadcast %reduce_max3A_286 : f32 to vector<16xf32>
      %eq3A_288 = arith.cmpf oeq, %select_n3A_280, %eq3A_287 : vector<16xf32>
      %jit3A_289 = arith.constant 1.000000e+09 : f32
      %broadcast_in_dim3A_290 = vector.broadcast %jit3A_289 : f32 to vector<16xf32>
      %select_n3A_291 = arith.select %eq3A_288, %select_n3A_281, %broadcast_in_dim3A_290 : vector<16xi1>, vector<16xf32>
      %reduce_min3A_292 = arith.constant true
      %reduce_min3A_293 = vector.broadcast %reduce_min3A_292 : i1 to vector<16xi1>
      %reduce_min3A_294 = tpu.scan <min>, %select_n3A_291 masked %reduce_min3A_293 : vector<16xf32>, vector<16xi1> -> vector<16xf32>
      %reduce_min3A_295 = vector.extract %reduce_min3A_294[15] : f32 from vector<16xf32>
      %eq3A_296 = vector.broadcast %reduce_max3A_286 : f32 to vector<16xf32>
      %eq3A_297 = arith.cmpf oeq, %select_n3A_280, %eq3A_296 : vector<16xf32>
      %eq3A_298 = vector.broadcast %reduce_min3A_295 : f32 to vector<16xf32>
      %eq3A_299 = arith.cmpf oeq, %select_n3A_281, %eq3A_298 : vector<16xf32>
      %and3A_300 = arith.andi %eq3A_297, %eq3A_299 : vector<16xi1>
      %jit3A_301 = arith.constant 1.000000e+09 : f32
      %broadcast_in_dim3A_302 = vector.broadcast %jit3A_301 : f32 to vector<16xf32>
      %select_n3A_303 = arith.select %and3A_300, %select_n3A_282, %broadcast_in_dim3A_302 : vector<16xi1>, vector<16xf32>
      %reduce_min3A_304 = arith.constant true
      %reduce_min3A_305 = vector.broadcast %reduce_min3A_304 : i1 to vector<16xi1>
      %reduce_min3A_306 = tpu.scan <min>, %select_n3A_303 masked %reduce_min3A_305 : vector<16xf32>, vector<16xi1> -> vector<16xf32>
      %reduce_min3A_307 = vector.extract %reduce_min3A_306[15] : f32 from vector<16xf32>
      %broadcast_in_dim3A_308 = arith.constant -3.000000e+38 : f32
      %broadcast_in_dim3A_309 = vector.broadcast %broadcast_in_dim3A_308 : f32 to vector<16xf32>
      %broadcast_in_dim3A_310 = arith.constant 1.000000e+09 : f32
      %broadcast_in_dim3A_311 = vector.broadcast %broadcast_in_dim3A_310 : f32 to vector<16xf32>
      %broadcast_in_dim3A_312 = arith.constant 1.000000e+09 : f32
      %broadcast_in_dim3A_313 = vector.broadcast %broadcast_in_dim3A_312 : f32 to vector<16xf32>
      %eq3A_314 = vector.broadcast %reduce_min3A_226 : f32 to vector<16xf32>
      %eq3A_315 = arith.cmpf oeq, %select_n3A_146, %eq3A_314 : vector<16xf32>
      %jit3A_316 = arith.constant -3.000000e+38 : f32
      %broadcast_in_dim3A_317 = vector.broadcast %jit3A_316 : f32 to vector<16xf32>
      %select_n3A_318 = arith.select %eq3A_315, %broadcast_in_dim3A_317, %select_n3A_143 : vector<16xi1>, vector<16xf32>
      %eq3A_319 = vector.broadcast %reduce_min3A_295 : f32 to vector<16xf32>
      %eq3A_320 = arith.cmpf oeq, %select_n3A_146, %eq3A_319 : vector<16xf32>
      %jit3A_321 = arith.constant -3.000000e+38 : f32
      %broadcast_in_dim3A_322 = vector.broadcast %jit3A_321 : f32 to vector<16xf32>
      %select_n3A_323 = arith.select %eq3A_320, %broadcast_in_dim3A_322, %select_n3A_318 : vector<16xi1>, vector<16xf32>
      %gt3A_324 = arith.cmpf ogt, %select_n3A_323, %broadcast_in_dim3A_309 : vector<16xf32>
      %eq3A_325 = arith.cmpf oeq, %select_n3A_323, %broadcast_in_dim3A_309 : vector<16xf32>
      %lt3A_326 = arith.cmpf olt, %select_n3A_146, %broadcast_in_dim3A_311 : vector<16xf32>
      %and3A_327 = arith.andi %eq3A_325, %lt3A_326 : vector<16xi1>
      %or3A_328 = arith.ori %gt3A_324, %and3A_327 : vector<16xi1>
      %select_n3A_329 = arith.select %or3A_328, %select_n3A_323, %broadcast_in_dim3A_309 : vector<16xi1>, vector<16xf32>
      %select_n3A_330 = arith.select %or3A_328, %select_n3A_146, %broadcast_in_dim3A_311 : vector<16xi1>, vector<16xf32>
      %select_n3A_331 = arith.select %or3A_328, %convert_element_type3A_147, %broadcast_in_dim3A_313 : vector<16xi1>, vector<16xf32>
      %eq3A_332 = vector.broadcast %reduce_min3A_226 : f32 to vector<16xf32>
      %eq3A_333 = arith.cmpf oeq, %select_n3A_170, %eq3A_332 : vector<16xf32>
      %jit3A_334 = arith.constant -3.000000e+38 : f32
      %broadcast_in_dim3A_335 = vector.broadcast %jit3A_334 : f32 to vector<16xf32>
      %select_n3A_336 = arith.select %eq3A_333, %broadcast_in_dim3A_335, %select_n3A_167 : vector<16xi1>, vector<16xf32>
      %eq3A_337 = vector.broadcast %reduce_min3A_295 : f32 to vector<16xf32>
      %eq3A_338 = arith.cmpf oeq, %select_n3A_170, %eq3A_337 : vector<16xf32>
      %jit3A_339 = arith.constant -3.000000e+38 : f32
      %broadcast_in_dim3A_340 = vector.broadcast %jit3A_339 : f32 to vector<16xf32>
      %select_n3A_341 = arith.select %eq3A_338, %broadcast_in_dim3A_340, %select_n3A_336 : vector<16xi1>, vector<16xf32>
      %gt3A_342 = arith.cmpf ogt, %select_n3A_341, %select_n3A_329 : vector<16xf32>
      %eq3A_343 = arith.cmpf oeq, %select_n3A_341, %select_n3A_329 : vector<16xf32>
      %lt3A_344 = arith.cmpf olt, %select_n3A_170, %select_n3A_330 : vector<16xf32>
      %and3A_345 = arith.andi %eq3A_343, %lt3A_344 : vector<16xi1>
      %or3A_346 = arith.ori %gt3A_342, %and3A_345 : vector<16xi1>
      %select_n3A_347 = arith.select %or3A_346, %select_n3A_341, %select_n3A_329 : vector<16xi1>, vector<16xf32>
      %select_n3A_348 = arith.select %or3A_346, %select_n3A_170, %select_n3A_330 : vector<16xi1>, vector<16xf32>
      %select_n3A_349 = arith.select %or3A_346, %convert_element_type3A_171, %select_n3A_331 : vector<16xi1>, vector<16xf32>
      %reduce_max3A_350 = arith.constant true
      %reduce_max3A_351 = vector.broadcast %reduce_max3A_350 : i1 to vector<16xi1>
      %reduce_max3A_352 = tpu.scan <max>, %select_n3A_347 masked %reduce_max3A_351 : vector<16xf32>, vector<16xi1> -> vector<16xf32>
      %reduce_max3A_353 = vector.extract %reduce_max3A_352[15] : f32 from vector<16xf32>
      %eq3A_354 = vector.broadcast %reduce_max3A_353 : f32 to vector<16xf32>
      %eq3A_355 = arith.cmpf oeq, %select_n3A_347, %eq3A_354 : vector<16xf32>
      %jit3A_356 = arith.constant 1.000000e+09 : f32
      %broadcast_in_dim3A_357 = vector.broadcast %jit3A_356 : f32 to vector<16xf32>
      %select_n3A_358 = arith.select %eq3A_355, %select_n3A_348, %broadcast_in_dim3A_357 : vector<16xi1>, vector<16xf32>
      %reduce_min3A_359 = arith.constant true
      %reduce_min3A_360 = vector.broadcast %reduce_min3A_359 : i1 to vector<16xi1>
      %reduce_min3A_361 = tpu.scan <min>, %select_n3A_358 masked %reduce_min3A_360 : vector<16xf32>, vector<16xi1> -> vector<16xf32>
      %reduce_min3A_362 = vector.extract %reduce_min3A_361[15] : f32 from vector<16xf32>
      %eq3A_363 = vector.broadcast %reduce_max3A_353 : f32 to vector<16xf32>
      %eq3A_364 = arith.cmpf oeq, %select_n3A_347, %eq3A_363 : vector<16xf32>
      %eq3A_365 = vector.broadcast %reduce_min3A_362 : f32 to vector<16xf32>
      %eq3A_366 = arith.cmpf oeq, %select_n3A_348, %eq3A_365 : vector<16xf32>
      %and3A_367 = arith.andi %eq3A_364, %eq3A_366 : vector<16xi1>
      %jit3A_368 = arith.constant 1.000000e+09 : f32
      %broadcast_in_dim3A_369 = vector.broadcast %jit3A_368 : f32 to vector<16xf32>
      %select_n3A_370 = arith.select %and3A_367, %select_n3A_349, %broadcast_in_dim3A_369 : vector<16xi1>, vector<16xf32>
      %reduce_min3A_371 = arith.constant true
      %reduce_min3A_372 = vector.broadcast %reduce_min3A_371 : i1 to vector<16xi1>
      %reduce_min3A_373 = tpu.scan <min>, %select_n3A_370 masked %reduce_min3A_372 : vector<16xf32>, vector<16xi1> -> vector<16xf32>
      %reduce_min3A_374 = vector.extract %reduce_min3A_373[15] : f32 from vector<16xf32>
      %get3A_375 = arith.constant 32 : index
      %get3A_376 = tpu.vector_load %arg8[%get3A_375] {strides = array<i32>} : memref<112xi32, #tpu.memory_space<vmem>>, vector<16xi32>,
      %add3A_377 = arith.constant 0 : i32
      %add3A_378 = vector.broadcast %add3A_377 : i32 to vector<16xi32>
      %add3A_379 = arith.addi %get3A_376, %add3A_378 : vector<16xi32>
      %add3A_380 = arith.addi %add3A_379, %convert_element_type3A_7 : vector<16xi32>
      %gather3A_381 = tpu.vector_load_idx %arg7[%add3A_380] : memref<3584xf32, #tpu.memory_space<vmem>>[vector<16xi32>], vector<16xf32>,
      %lt3A_382 = arith.constant 8 : i32
      %lt3A_383 = vector.broadcast %lt3A_382 : i32 to vector<16xi32>
      %lt3A_384 = arith.cmpi slt, %iota3A, %lt3A_383 : vector<16xi32>
      %jit3A_385 = arith.constant -3.000000e+38 : f32
      %broadcast_in_dim3A_386 = vector.broadcast %jit3A_385 : f32 to vector<16xf32>
      %select_n3A_387 = arith.select %lt3A_384, %gather3A_381, %broadcast_in_dim3A_386 : vector<16xi1>, vector<16xf32>
      %reduce_max3A_388 = arith.constant true
      %reduce_max3A_389 = vector.broadcast %reduce_max3A_388 : i1 to vector<16xi1>
      %reduce_max3A_390 = tpu.scan <max>, %select_n3A_387 masked %reduce_max3A_389 : vector<16xf32>, vector<16xi1> -> vector<16xf32>
      %reduce_max3A_391 = vector.extract %reduce_max3A_390[15] : f32 from vector<16xf32>
      %gt3A_392 = arith.constant -1.000000e+29 : f32
      %gt3A_393 = arith.cmpf ogt, %reduce_max3A_391, %gt3A_392 : f32
      %eq3A_394 = arith.constant 0 : i32
      %eq3A_395 = vector.broadcast %eq3A_394 : i32 to vector<16xi32>
      %eq3A_396 = arith.cmpi eq, %iota3A, %eq3A_395 : vector<16xi32>
      %eq3A_397 = arith.constant 1 : i32
      %eq3A_398 = vector.broadcast %eq3A_397 : i32 to vector<16xi32>
      %eq3A_399 = arith.cmpi eq, %iota3A, %eq3A_398 : vector<16xi32>
      %broadcast_in_dim3A_400 = vector.broadcast %reduce_min3A_307 : f32 to vector<16xf32>
      %broadcast_in_dim3A_401 = vector.broadcast %reduce_min3A_374 : f32 to vector<16xf32>
      %select_n3A_402 = arith.select %eq3A_399, %broadcast_in_dim3A_400, %broadcast_in_dim3A_401 : vector<16xi1>, vector<16xf32>
      %broadcast_in_dim3A_403 = vector.broadcast %reduce_min3A_238 : f32 to vector<16xf32>
      %select_n3A_404 = arith.select %eq3A_396, %broadcast_in_dim3A_403, %select_n3A_402 : vector<16xi1>, vector<16xf32>
      %convert_element_type3A_405 = arith.fptosi %select_n3A_404 : vector<16xf32> to vector<16xi32>
      %add3A_406 = arith.constant 48 : i32
      %add3A_407 = vector.broadcast %add3A_406 : i32 to vector<16xi32>
      %add3A_408 = arith.addi %add3A_407, %convert_element_type3A_405 : vector<16xi32>
      %add3A_409 = arith.addi %add3A_408, %convert_element_type3A_7 : vector<16xi32>
      %gather3A_410 = tpu.vector_load_idx %arg8[%add3A_409] : memref<112xi32, #tpu.memory_space<vmem>>[vector<16xi32>], vector<16xi32>,
      %add3A_411 = arith.constant 80 : i32
      %add3A_412 = vector.broadcast %add3A_411 : i32 to vector<16xi32>
      %add3A_413 = arith.addi %add3A_412, %convert_element_type3A_405 : vector<16xi32>
      %add3A_414 = arith.addi %add3A_413, %convert_element_type3A_7 : vector<16xi32>
      %gather3A_415 = tpu.vector_load_idx %arg8[%add3A_414] : memref<112xi32, #tpu.memory_space<vmem>>[vector<16xi32>], vector<16xi32>,
      %mul3A_416 = arith.constant 112 : i32
      %mul3A_417 = vector.broadcast %mul3A_416 : i32 to vector<16xi32>
      %mul3A_418 = arith.muli %gather3A_410, %mul3A_417 : vector<16xi32>
      %add3A_419 = arith.constant 0 : i32
      %add3A_420 = vector.broadcast %add3A_419 : i32 to vector<16xi32>
      %add3A_421 = arith.addi %add3A_420, %mul3A_418 : vector<16xi32>
      %add3A_422 = arith.constant 16 : i32
      %add3A_423 = vector.broadcast %add3A_422 : i32 to vector<16xi32>
      %add3A_424 = arith.addi %add3A_421, %add3A_423 : vector<16xi32>
      %add3A_425 = arith.addi %add3A_424, %gather3A_415 : vector<16xi32>
      %eq3A_426 = arith.constant 0 : i32
      %eq3A_427 = vector.broadcast %eq3A_426 : i32 to vector<16xi32>
      %eq3A_428 = arith.cmpi eq, %iota3A, %eq3A_427 : vector<16xi32>
      %eq3A_429 = arith.constant 1 : i32
      %eq3A_430 = vector.broadcast %eq3A_429 : i32 to vector<16xi32>
      %eq3A_431 = arith.cmpi eq, %iota3A, %eq3A_430 : vector<16xi32>
      %jit3A_432 = arith.constant 20 : i32
      %jit3A_433 = arith.constant 21 : i32
      %broadcast_in_dim3A_434 = vector.broadcast %jit3A_432 : i32 to vector<16xi32>
      %broadcast_in_dim3A_435 = vector.broadcast %jit3A_433 : i32 to vector<16xi32>
      %select_n3A_436 = arith.select %eq3A_431, %broadcast_in_dim3A_434, %broadcast_in_dim3A_435 : vector<16xi1>, vector<16xi32>
      %jit3A_437 = arith.constant 579 : i32
      %broadcast_in_dim3A_438 = vector.broadcast %jit3A_437 : i32 to vector<16xi32>
      %select_n3A_439 = arith.select %eq3A_428, %broadcast_in_dim3A_438, %select_n3A_436 : vector<16xi1>, vector<16xi32>
      %add3A_440 = arith.constant 0 : i32
      %add3A_441 = vector.broadcast %add3A_440 : i32 to vector<16xi32>
      %add3A_442 = arith.addi %select_n3A_439, %add3A_441 : vector<16xi32>
      %select_n3A_443 = arith.select %gt3A_393, %add3A_425, %add3A_442 : vector<16xi32>
      %gather3A_444 = tpu.vector_load_idx %arg7[%select_n3A_443] : memref<3584xf32, #tpu.memory_space<vmem>>[vector<16xi32>], vector<16xf32>,
      %add3A_445 = arith.constant 16 : i32
      %add3A_446 = vector.broadcast %add3A_445 : i32 to vector<16xi32>
      %add3A_447 = arith.addi %select_n3A_443, %add3A_446 : vector<16xi32>
      %gather3A_448 = tpu.vector_load_idx %arg7[%add3A_447] : memref<3584xf32, #tpu.memory_space<vmem>>[vector<16xi32>], vector<16xf32>,
      %add3A_449 = arith.constant 32 : i32
      %add3A_450 = vector.broadcast %add3A_449 : i32 to vector<16xi32>
      %add3A_451 = arith.addi %select_n3A_443, %add3A_450 : vector<16xi32>
      %gather3A_452 = tpu.vector_load_idx %arg7[%add3A_451] : memref<3584xf32, #tpu.memory_space<vmem>>[vector<16xi32>], vector<16xf32>,
      %add3A_453 = arith.constant 48 : i32
      %add3A_454 = vector.broadcast %add3A_453 : i32 to vector<16xi32>
      %add3A_455 = arith.addi %select_n3A_443, %add3A_454 : vector<16xi32>
      %gather3A_456 = tpu.vector_load_idx %arg7[%add3A_455] : memref<3584xf32, #tpu.memory_space<vmem>>[vector<16xi32>], vector<16xf32>,
      %add3A_457 = arith.constant 64 : i32
      %add3A_458 = vector.broadcast %add3A_457 : i32 to vector<16xi32>
      %add3A_459 = arith.addi %select_n3A_443, %add3A_458 : vector<16xi32>
      %gather3A_460 = tpu.vector_load_idx %arg7[%add3A_459] : memref<3584xf32, #tpu.memory_space<vmem>>[vector<16xi32>], vector<16xf32>,
      %add3A_461 = arith.constant 80 : i32
      %add3A_462 = vector.broadcast %add3A_461 : i32 to vector<16xi32>
      %add3A_463 = arith.addi %select_n3A_443, %add3A_462 : vector<16xi32>
      %gather3A_464 = tpu.vector_load_idx %arg7[%add3A_463] : memref<3584xf32, #tpu.memory_space<vmem>>[vector<16xi32>], vector<16xf32>,
      %mul3A_465 = arith.mulf %gather3A_464, %gather3A_460 : vector<16xf32>
      %mul3A_466 = arith.constant 5.000000e-01 : f32
      %mul3A_467 = vector.broadcast %mul3A_466 : f32 to vector<16xf32>
      %mul3A_468 = arith.mulf %gather3A_452, %mul3A_467 : vector<16xf32>
      %sub3A_469 = arith.subf %gather3A_444, %mul3A_468 : vector<16xf32>
      %mul3A_470 = arith.constant 5.000000e-01 : f32
      %mul3A_471 = vector.broadcast %mul3A_470 : f32 to vector<16xf32>
      %mul3A_472 = arith.mulf %gather3A_456, %mul3A_471 : vector<16xf32>
      %sub3A_473 = arith.subf %gather3A_448, %mul3A_472 : vector<16xf32>
      %mul3A_474 = arith.constant 5.000000e-01 : f32
      %mul3A_475 = vector.broadcast %mul3A_474 : f32 to vector<16xf32>
      %mul3A_476 = arith.mulf %gather3A_452, %mul3A_475 : vector<16xf32>
      %add3A_477 = arith.addf %gather3A_444, %mul3A_476 : vector<16xf32>
      %mul3A_478 = arith.constant 5.000000e-01 : f32
      %mul3A_479 = vector.broadcast %mul3A_478 : f32 to vector<16xf32>
      %mul3A_480 = arith.mulf %gather3A_456, %mul3A_479 : vector<16xf32>
      %add3A_481 = arith.addf %gather3A_448, %mul3A_480 : vector<16xf32>
      %sub3A_482 = arith.subf %add3A_477, %sub3A_469 : vector<16xf32>
      %sub3A_483 = arith.subf %add3A_481, %sub3A_473 : vector<16xf32>
      %mul3A_484 = arith.mulf %sub3A_482, %sub3A_483 : vector<16xf32>
      %min3A = arith.minimumf %div3A_97, %add3A_477 : vector<16xf32>
      %max3A = arith.maximumf %div3A, %sub3A_469 : vector<16xf32>
      %sub3A_485 = arith.subf %min3A, %max3A : vector<16xf32>
      %max3A_486 = arith.constant 0.000000e+00 : f32
      %max3A_487 = vector.broadcast %max3A_486 : f32 to vector<16xf32>
      %max3A_488 = arith.maximumf %sub3A_485, %max3A_487 : vector<16xf32>
      %min3A_489 = arith.minimumf %div3A_105, %add3A_481 : vector<16xf32>
      %max3A_490 = arith.maximumf %div3A_101, %sub3A_473 : vector<16xf32>
      %sub3A_491 = arith.subf %min3A_489, %max3A_490 : vector<16xf32>
      %max3A_492 = arith.constant 0.000000e+00 : f32
      %max3A_493 = vector.broadcast %max3A_492 : f32 to vector<16xf32>
      %max3A_494 = arith.maximumf %sub3A_491, %max3A_493 : vector<16xf32>
      %mul3A_495 = arith.mulf %max3A_488, %max3A_494 : vector<16xf32>
      %add3A_496 = arith.addf %mul3A_125, %mul3A_484 : vector<16xf32>
      %sub3A_497 = arith.subf %add3A_496, %mul3A_495 : vector<16xf32>
      %div3A_498 = arith.divf %mul3A_495, %sub3A_497 : vector<16xf32>
      %lt3A_499 = arith.constant 3 : i32
      %lt3A_500 = vector.broadcast %lt3A_499 : i32 to vector<16xi32>
      %lt3A_501 = arith.cmpi slt, %iota3A, %lt3A_500 : vector<16xi32>
      %mul3A_502 = arith.mulf %div3A_498, %mul3A_465 : vector<16xf32>
      %jit3A_503 = arith.constant 0.000000e+00 : f32
      %broadcast_in_dim3A_504 = vector.broadcast %jit3A_503 : f32 to vector<16xf32>
      %select_n3A_505 = arith.select %lt3A_501, %mul3A_502, %broadcast_in_dim3A_504 : vector<16xi1>, vector<16xf32>
      %reduce_sum3A = arith.constant true
      %reduce_sum3A_506 = vector.broadcast %reduce_sum3A : i1 to vector<16xi1>
      %reduce_sum3A_507 = tpu.scan <sum>, %select_n3A_505 masked %reduce_sum3A_506 : vector<16xf32>, vector<16xi1> -> vector<16xf32>
      %reduce_sum3A_508 = vector.extract %reduce_sum3A_507[15] : f32 from vector<16xf32>
      %mul3A_509 = arith.constant 0.333333343 : f32
      %mul3A_510 = arith.mulf %reduce_sum3A_508, %mul3A_509 : f32
      %jit3A_511 = arith.constant 0.000000e+00 : f32
      %broadcast_in_dim3A_512 = vector.broadcast %jit3A_511 : f32 to vector<16xf32>
      %select_n3A_513 = arith.select %lt3A_501, %mul3A_465, %broadcast_in_dim3A_512 : vector<16xi1>, vector<16xf32>
      %reduce_sum3A_514 = arith.constant true
      %reduce_sum3A_515 = vector.broadcast %reduce_sum3A_514 : i1 to vector<16xi1>
      %reduce_sum3A_516 = tpu.scan <sum>, %select_n3A_513 masked %reduce_sum3A_515 : vector<16xf32>, vector<16xi1> -> vector<16xf32>
      %reduce_sum3A_517 = vector.extract %reduce_sum3A_516[15] : f32 from vector<16xf32>
      %mul3A_518 = arith.constant 0.333333343 : f32
      %mul3A_519 = arith.mulf %reduce_sum3A_517, %mul3A_518 : f32
      %eq3A_520 = arith.constant 0 : i32
      %eq3A_521 = vector.broadcast %eq3A_520 : i32 to vector<16xi32>
      %eq3A_522 = arith.cmpi eq, %iota3A, %eq3A_521 : vector<16xi32>
      %jit3A_523 = arith.constant -3.000000e+38 : f32
      %broadcast_in_dim3A_524 = vector.broadcast %jit3A_523 : f32 to vector<16xf32>
      %select_n3A_525 = arith.select %eq3A_522, %gather3A_460, %broadcast_in_dim3A_524 : vector<16xi1>, vector<16xf32>
      %reduce_max3A_526 = arith.constant true
      %reduce_max3A_527 = vector.broadcast %reduce_max3A_526 : i1 to vector<16xi1>
      %reduce_max3A_528 = tpu.scan <max>, %select_n3A_525 masked %reduce_max3A_527 : vector<16xf32>, vector<16xi1> -> vector<16xf32>
      %reduce_max3A_529 = vector.extract %reduce_max3A_528[15] : f32 from vector<16xf32>
      %select_n3A_530 = arith.select %gt3A_393, %reduce_max3A_391, %reduce_max3A_529 : f32
      %sub3A_531 = arith.constant 1.000000e+00 : f32
      %sub3A_532 = arith.subf %sub3A_531, %mul3A_510 : f32
      %get3A_533 = arith.constant 16 : index
      %get3A_534 = tpu.vector_load %arg6[%get3A_533] {strides = array<i32>} : memref<64xf32, #tpu.memory_space<vmem>>, vector<16xf32>,
      %iota3A_535 = tpu.iota {dimensions = array<i32: 0>} : vector<16xi32>
      %broadcast_in_dim3A_536 = arith.constant 0.000000e+00 : f32
      %broadcast_in_dim3A_537 = vector.broadcast %broadcast_in_dim3A_536 : f32 to vector<16xf32>
      %eq3A_538 = arith.constant 0 : i32
      %eq3A_539 = vector.broadcast %eq3A_538 : i32 to vector<16xi32>
      %eq3A_540 = arith.cmpi eq, %iota3A_535, %eq3A_539 : vector<16xi32>
      %jit3A_541 = arith.constant -3.000000e+38 : f32
      %broadcast_in_dim3A_542 = vector.broadcast %jit3A_541 : f32 to vector<16xf32>
      %select_n3A_543 = arith.select %eq3A_540, %get3A_534, %broadcast_in_dim3A_542 : vector<16xi1>, vector<16xf32>
      %reduce_max3A_544 = arith.constant true
      %reduce_max3A_545 = vector.broadcast %reduce_max3A_544 : i1 to vector<16xi1>
      %reduce_max3A_546 = tpu.scan <max>, %select_n3A_543 masked %reduce_max3A_545 : vector<16xf32>, vector<16xi1> -> vector<16xf32>
      %reduce_max3A_547 = vector.extract %reduce_max3A_546[15] : f32 from vector<16xf32>
      %add3A_548 = vector.broadcast %reduce_max3A_547 : f32 to vector<16xf32>
      %add3A_549 = arith.addf %broadcast_in_dim3A_537, %add3A_548 : vector<16xf32>
      %broadcast_in_dim3A_550 = arith.constant 0.000000e+00 : f32
      %broadcast_in_dim3A_551 = vector.broadcast %broadcast_in_dim3A_550 : f32 to vector<16xf32>
      %eq3A_552 = arith.constant 1 : i32
      %eq3A_553 = vector.broadcast %eq3A_552 : i32 to vector<16xi32>
      %eq3A_554 = arith.cmpi eq, %iota3A_535, %eq3A_553 : vector<16xi32>
      %jit3A_555 = arith.constant -3.000000e+38 : f32
      %broadcast_in_dim3A_556 = vector.broadcast %jit3A_555 : f32 to vector<16xf32>
      %select_n3A_557 = arith.select %eq3A_554, %get3A_534, %broadcast_in_dim3A_556 : vector<16xi1>, vector<16xf32>
      %reduce_max3A_558 = arith.constant true
      %reduce_max3A_559 = vector.broadcast %reduce_max3A_558 : i1 to vector<16xi1>
      %reduce_max3A_560 = tpu.scan <max>, %select_n3A_557 masked %reduce_max3A_559 : vector<16xf32>, vector<16xi1> -> vector<16xf32>
      %reduce_max3A_561 = vector.extract %reduce_max3A_560[15] : f32 from vector<16xf32>
      %add3A_562 = vector.broadcast %reduce_max3A_561 : f32 to vector<16xf32>
      %add3A_563 = arith.addf %broadcast_in_dim3A_551, %add3A_562 : vector<16xf32>
      %broadcast_in_dim3A_564 = arith.constant 0.000000e+00 : f32
      %broadcast_in_dim3A_565 = vector.broadcast %broadcast_in_dim3A_564 : f32 to vector<16xf32>
      %eq3A_566 = arith.constant 2 : i32
      %eq3A_567 = vector.broadcast %eq3A_566 : i32 to vector<16xi32>
      %eq3A_568 = arith.cmpi eq, %iota3A_535, %eq3A_567 : vector<16xi32>
      %jit3A_569 = arith.constant -3.000000e+38 : f32
      %broadcast_in_dim3A_570 = vector.broadcast %jit3A_569 : f32 to vector<16xf32>
      %select_n3A_571 = arith.select %eq3A_568, %get3A_534, %broadcast_in_dim3A_570 : vector<16xi1>, vector<16xf32>
      %reduce_max3A_572 = arith.constant true
      %reduce_max3A_573 = vector.broadcast %reduce_max3A_572 : i1 to vector<16xi1>
      %reduce_max3A_574 = tpu.scan <max>, %select_n3A_571 masked %reduce_max3A_573 : vector<16xf32>, vector<16xi1> -> vector<16xf32>
      %reduce_max3A_575 = vector.extract %reduce_max3A_574[15] : f32 from vector<16xf32>
      %add3A_576 = vector.broadcast %reduce_max3A_575 : f32 to vector<16xf32>
      %add3A_577 = arith.addf %broadcast_in_dim3A_565, %add3A_576 : vector<16xf32>
      %broadcast_in_dim3A_578 = arith.constant 0.000000e+00 : f32
      %broadcast_in_dim3A_579 = vector.broadcast %broadcast_in_dim3A_578 : f32 to vector<16xf32>
      %eq3A_580 = arith.constant 3 : i32
      %eq3A_581 = vector.broadcast %eq3A_580 : i32 to vector<16xi32>
      %eq3A_582 = arith.cmpi eq, %iota3A_535, %eq3A_581 : vector<16xi32>
      %jit3A_583 = arith.constant -3.000000e+38 : f32
      %broadcast_in_dim3A_584 = vector.broadcast %jit3A_583 : f32 to vector<16xf32>
      %select_n3A_585 = arith.select %eq3A_582, %get3A_534, %broadcast_in_dim3A_584 : vector<16xi1>, vector<16xf32>
      %reduce_max3A_586 = arith.constant true
      %reduce_max3A_587 = vector.broadcast %reduce_max3A_586 : i1 to vector<16xi1>
      %reduce_max3A_588 = tpu.scan <max>, %select_n3A_585 masked %reduce_max3A_587 : vector<16xf32>, vector<16xi1> -> vector<16xf32>
      %reduce_max3A_589 = vector.extract %reduce_max3A_588[15] : f32 from vector<16xf32>
      %add3A_590 = vector.broadcast %reduce_max3A_589 : f32 to vector<16xf32>
      %add3A_591 = arith.addf %broadcast_in_dim3A_579, %add3A_590 : vector<16xf32>
      %broadcast_in_dim3A_592 = arith.constant 0.000000e+00 : f32
      %broadcast_in_dim3A_593 = vector.broadcast %broadcast_in_dim3A_592 : f32 to vector<16xf32>
      %eq3A_594 = arith.constant 4 : i32
      %eq3A_595 = vector.broadcast %eq3A_594 : i32 to vector<16xi32>
      %eq3A_596 = arith.cmpi eq, %iota3A_535, %eq3A_595 : vector<16xi32>
      %jit3A_597 = arith.constant -3.000000e+38 : f32
      %broadcast_in_dim3A_598 = vector.broadcast %jit3A_597 : f32 to vector<16xf32>
      %select_n3A_599 = arith.select %eq3A_596, %get3A_534, %broadcast_in_dim3A_598 : vector<16xi1>, vector<16xf32>
      %reduce_max3A_600 = arith.constant true
      %reduce_max3A_601 = vector.broadcast %reduce_max3A_600 : i1 to vector<16xi1>
      %reduce_max3A_602 = tpu.scan <max>, %select_n3A_599 masked %reduce_max3A_601 : vector<16xf32>, vector<16xi1> -> vector<16xf32>
      %reduce_max3A_603 = vector.extract %reduce_max3A_602[15] : f32 from vector<16xf32>
      %add3A_604 = vector.broadcast %reduce_max3A_603 : f32 to vector<16xf32>
      %add3A_605 = arith.addf %broadcast_in_dim3A_593, %add3A_604 : vector<16xf32>
      %broadcast_in_dim3A_606 = arith.constant 0.000000e+00 : f32
      %broadcast_in_dim3A_607 = vector.broadcast %broadcast_in_dim3A_606 : f32 to vector<16xf32>
      %eq3A_608 = arith.constant 5 : i32
      %eq3A_609 = vector.broadcast %eq3A_608 : i32 to vector<16xi32>
      %eq3A_610 = arith.cmpi eq, %iota3A_535, %eq3A_609 : vector<16xi32>
      %jit3A_611 = arith.constant -3.000000e+38 : f32
      %broadcast_in_dim3A_612 = vector.broadcast %jit3A_611 : f32 to vector<16xf32>
      %select_n3A_613 = arith.select %eq3A_610, %get3A_534, %broadcast_in_dim3A_612 : vector<16xi1>, vector<16xf32>
      %reduce_max3A_614 = arith.constant true
      %reduce_max3A_615 = vector.broadcast %reduce_max3A_614 : i1 to vector<16xi1>
      %reduce_max3A_616 = tpu.scan <max>, %select_n3A_613 masked %reduce_max3A_615 : vector<16xf32>, vector<16xi1> -> vector<16xf32>
      %reduce_max3A_617 = vector.extract %reduce_max3A_616[15] : f32 from vector<16xf32>
      %add3A_618 = vector.broadcast %reduce_max3A_617 : f32 to vector<16xf32>
      %add3A_619 = arith.addf %broadcast_in_dim3A_607, %add3A_618 : vector<16xf32>
      %mul3A_620 = arith.constant 6.400000e+02 : f32
      %mul3A_621 = vector.broadcast %mul3A_620 : f32 to vector<16xf32>
      %mul3A_622 = arith.mulf %add3A_549, %mul3A_621 : vector<16xf32>
      %div3A_623 = arith.divf %mul3A_622, %add3A_619 : vector<16xf32>
      %mul3A_624 = arith.constant 6.400000e+02 : f32
      %mul3A_625 = vector.broadcast %mul3A_624 : f32 to vector<16xf32>
      %mul3A_626 = arith.mulf %add3A_563, %mul3A_625 : vector<16xf32>
      %div3A_627 = arith.divf %mul3A_626, %add3A_619 : vector<16xf32>
      %mul3A_628 = arith.constant 6.400000e+02 : f32
      %mul3A_629 = vector.broadcast %mul3A_628 : f32 to vector<16xf32>
      %mul3A_630 = arith.mulf %add3A_577, %mul3A_629 : vector<16xf32>
      %div3A_631 = arith.divf %mul3A_630, %add3A_605 : vector<16xf32>
      %mul3A_632 = arith.constant 6.400000e+02 : f32
      %mul3A_633 = vector.broadcast %mul3A_632 : f32 to vector<16xf32>
      %mul3A_634 = arith.mulf %add3A_591, %mul3A_633 : vector<16xf32>
      %div3A_635 = arith.divf %mul3A_634, %add3A_605 : vector<16xf32>
      %sub3A_636 = arith.subf %div3A_627, %div3A_623 : vector<16xf32>
      %sub3A_637 = arith.subf %div3A_635, %div3A_631 : vector<16xf32>
      %mul3A_638 = arith.constant 1.500000e-01 : f32
      %mul3A_639 = vector.broadcast %mul3A_638 : f32 to vector<16xf32>
      %mul3A_640 = arith.mulf %mul3A_639, %sub3A_636 : vector<16xf32>
      %sub3A_641 = arith.subf %div3A_623, %mul3A_640 : vector<16xf32>
      %mul3A_642 = arith.constant 1.500000e-01 : f32
      %mul3A_643 = vector.broadcast %mul3A_642 : f32 to vector<16xf32>
      %mul3A_644 = arith.mulf %mul3A_643, %sub3A_636 : vector<16xf32>
      %add3A_645 = arith.addf %div3A_627, %mul3A_644 : vector<16xf32>
      %mul3A_646 = arith.constant 1.500000e-01 : f32
      %mul3A_647 = vector.broadcast %mul3A_646 : f32 to vector<16xf32>
      %mul3A_648 = arith.mulf %mul3A_647, %sub3A_637 : vector<16xf32>
      %sub3A_649 = arith.subf %div3A_631, %mul3A_648 : vector<16xf32>
      %mul3A_650 = arith.constant 1.500000e-01 : f32
      %mul3A_651 = vector.broadcast %mul3A_650 : f32 to vector<16xf32>
      %mul3A_652 = arith.mulf %mul3A_651, %sub3A_637 : vector<16xf32>
      %add3A_653 = arith.addf %div3A_635, %mul3A_652 : vector<16xf32>
      %sub3A_654 = arith.subf %div3A_627, %div3A_623 : vector<16xf32>
      %sub3A_655 = arith.subf %div3A_635, %div3A_631 : vector<16xf32>
      %mul3A_656 = arith.mulf %sub3A_654, %sub3A_655 : vector<16xf32>
      %add3A_657 = arith.constant 0 : i32
      %add3A_658 = vector.broadcast %add3A_657 : i32 to vector<16xi32>
      %add3A_659 = arith.addi %add3A_658, %iota3A : vector<16xi32>
      %lt3A_660 = arith.constant 24 : i32
      %lt3A_661 = vector.broadcast %lt3A_660 : i32 to vector<16xi32>
      %lt3A_662 = arith.cmpi slt, %add3A_659, %lt3A_661 : vector<16xi32>
      %get3A_663 = arith.constant 0 : index
      %get3A_664 = tpu.vector_load %arg8[%get3A_663] {strides = array<i32>} : memref<112xi32, #tpu.memory_space<vmem>>, vector<16xi32>,
      %add3A_665 = arith.constant 896 : i32
      %add3A_666 = vector.broadcast %add3A_665 : i32 to vector<16xi32>
      %add3A_667 = arith.addi %get3A_664, %add3A_666 : vector<16xi32>
      %add3A_668 = arith.addi %add3A_667, %convert_element_type3A_7 : vector<16xi32>
      %gather3A_669 = tpu.vector_load_idx %arg7[%add3A_668] : memref<3584xf32, #tpu.memory_space<vmem>>[vector<16xi32>], vector<16xf32>,
      %add3A_670 = arith.constant 1 : i32
      %add3A_671 = vector.broadcast %add3A_670 : i32 to vector<16xi32>
      %add3A_672 = arith.addi %add3A_668, %add3A_671 : vector<16xi32>
      %gather3A_673 = tpu.vector_load_idx %arg7[%add3A_672] : memref<3584xf32, #tpu.memory_space<vmem>>[vector<16xi32>], vector<16xf32>,
      %jit3A_674 = arith.constant -3.000000e+38 : f32
      %broadcast_in_dim3A_675 = vector.broadcast %jit3A_674 : f32 to vector<16xf32>
      %select_n3A_676 = arith.select %lt3A_662, %gather3A_669, %broadcast_in_dim3A_675 : vector<16xi1>, vector<16xf32>
      %jit3A_677 = arith.constant 1.000000e+09 : f32
      %broadcast_in_dim3A_678 = vector.broadcast %jit3A_677 : f32 to vector<16xf32>
      %select_n3A_679 = arith.select %lt3A_662, %gather3A_673, %broadcast_in_dim3A_678 : vector<16xi1>, vector<16xf32>
      %convert_element_type3A_680 = arith.sitofp %add3A_659 : vector<16xi32> to vector<16xf32>
      %add3A_681 = arith.constant 16 : i32
      %add3A_682 = vector.broadcast %add3A_681 : i32 to vector<16xi32>
      %add3A_683 = arith.addi %add3A_682, %iota3A : vector<16xi32>
      %lt3A_684 = arith.constant 24 : i32
      %lt3A_685 = vector.broadcast %lt3A_684 : i32 to vector<16xi32>
      %lt3A_686 = arith.cmpi slt, %add3A_683, %lt3A_685 : vector<16xi32>
      %get3A_687 = arith.constant 16 : index
      %get3A_688 = tpu.vector_load %arg8[%get3A_687] {strides = array<i32>} : memref<112xi32, #tpu.memory_space<vmem>>, vector<16xi32>,
      %add3A_689 = arith.constant 896 : i32
      %add3A_690 = vector.broadcast %add3A_689 : i32 to vector<16xi32>
      %add3A_691 = arith.addi %get3A_688, %add3A_690 : vector<16xi32>
      %add3A_692 = arith.addi %add3A_691, %convert_element_type3A_7 : vector<16xi32>
      %gather3A_693 = tpu.vector_load_idx %arg7[%add3A_692] : memref<3584xf32, #tpu.memory_space<vmem>>[vector<16xi32>], vector<16xf32>,
      %add3A_694 = arith.constant 1 : i32
      %add3A_695 = vector.broadcast %add3A_694 : i32 to vector<16xi32>
      %add3A_696 = arith.addi %add3A_692, %add3A_695 : vector<16xi32>
      %gather3A_697 = tpu.vector_load_idx %arg7[%add3A_696] : memref<3584xf32, #tpu.memory_space<vmem>>[vector<16xi32>], vector<16xf32>,
      %jit3A_698 = arith.constant -3.000000e+38 : f32
      %broadcast_in_dim3A_699 = vector.broadcast %jit3A_698 : f32 to vector<16xf32>
      %select_n3A_700 = arith.select %lt3A_686, %gather3A_693, %broadcast_in_dim3A_699 : vector<16xi1>, vector<16xf32>
      %jit3A_701 = arith.constant 1.000000e+09 : f32
      %broadcast_in_dim3A_702 = vector.broadcast %jit3A_701 : f32 to vector<16xf32>
      %select_n3A_703 = arith.select %lt3A_686, %gather3A_697, %broadcast_in_dim3A_702 : vector<16xi1>, vector<16xf32>
      %convert_element_type3A_704 = arith.sitofp %add3A_683 : vector<16xi32> to vector<16xf32>
      %broadcast_in_dim3A_705 = arith.constant -3.000000e+38 : f32
      %broadcast_in_dim3A_706 = vector.broadcast %broadcast_in_dim3A_705 : f32 to vector<16xf32>
      %broadcast_in_dim3A_707 = arith.constant 1.000000e+09 : f32
      %broadcast_in_dim3A_708 = vector.broadcast %broadcast_in_dim3A_707 : f32 to vector<16xf32>
      %broadcast_in_dim3A_709 = arith.constant 1.000000e+09 : f32
      %broadcast_in_dim3A_710 = vector.broadcast %broadcast_in_dim3A_709 : f32 to vector<16xf32>
      %eq3A_711 = arith.constant -1.000000e+00 : f32
      %eq3A_712 = vector.broadcast %eq3A_711 : f32 to vector<16xf32>
      %eq3A_713 = arith.cmpf oeq, %select_n3A_679, %eq3A_712 : vector<16xf32>
      %jit3A_714 = arith.constant -3.000000e+38 : f32
      %broadcast_in_dim3A_715 = vector.broadcast %jit3A_714 : f32 to vector<16xf32>
      %select_n3A_716 = arith.select %eq3A_713, %broadcast_in_dim3A_715, %select_n3A_676 : vector<16xi1>, vector<16xf32>
      %eq3A_717 = arith.constant -1.000000e+00 : f32
      %eq3A_718 = vector.broadcast %eq3A_717 : f32 to vector<16xf32>
      %eq3A_719 = arith.cmpf oeq, %select_n3A_679, %eq3A_718 : vector<16xf32>
      %jit3A_720 = arith.constant -3.000000e+38 : f32
      %broadcast_in_dim3A_721 = vector.broadcast %jit3A_720 : f32 to vector<16xf32>
      %select_n3A_722 = arith.select %eq3A_719, %broadcast_in_dim3A_721, %select_n3A_716 : vector<16xi1>, vector<16xf32>
      %gt3A_723 = arith.cmpf ogt, %select_n3A_722, %broadcast_in_dim3A_706 : vector<16xf32>
      %eq3A_724 = arith.cmpf oeq, %select_n3A_722, %broadcast_in_dim3A_706 : vector<16xf32>
      %lt3A_725 = arith.cmpf olt, %select_n3A_679, %broadcast_in_dim3A_708 : vector<16xf32>
      %and3A_726 = arith.andi %eq3A_724, %lt3A_725 : vector<16xi1>
      %or3A_727 = arith.ori %gt3A_723, %and3A_726 : vector<16xi1>
      %select_n3A_728 = arith.select %or3A_727, %select_n3A_722, %broadcast_in_dim3A_706 : vector<16xi1>, vector<16xf32>
      %select_n3A_729 = arith.select %or3A_727, %select_n3A_679, %broadcast_in_dim3A_708 : vector<16xi1>, vector<16xf32>
      %select_n3A_730 = arith.select %or3A_727, %convert_element_type3A_680, %broadcast_in_dim3A_710 : vector<16xi1>, vector<16xf32>
      %eq3A_731 = arith.constant -1.000000e+00 : f32
      %eq3A_732 = vector.broadcast %eq3A_731 : f32 to vector<16xf32>
      %eq3A_733 = arith.cmpf oeq, %select_n3A_703, %eq3A_732 : vector<16xf32>
      %jit3A_734 = arith.constant -3.000000e+38 : f32
      %broadcast_in_dim3A_735 = vector.broadcast %jit3A_734 : f32 to vector<16xf32>
      %select_n3A_736 = arith.select %eq3A_733, %broadcast_in_dim3A_735, %select_n3A_700 : vector<16xi1>, vector<16xf32>
      %eq3A_737 = arith.constant -1.000000e+00 : f32
      %eq3A_738 = vector.broadcast %eq3A_737 : f32 to vector<16xf32>
      %eq3A_739 = arith.cmpf oeq, %select_n3A_703, %eq3A_738 : vector<16xf32>
      %jit3A_740 = arith.constant -3.000000e+38 : f32
      %broadcast_in_dim3A_741 = vector.broadcast %jit3A_740 : f32 to vector<16xf32>
      %select_n3A_742 = arith.select %eq3A_739, %broadcast_in_dim3A_741, %select_n3A_736 : vector<16xi1>, vector<16xf32>
      %gt3A_743 = arith.cmpf ogt, %select_n3A_742, %select_n3A_728 : vector<16xf32>
      %eq3A_744 = arith.cmpf oeq, %select_n3A_742, %select_n3A_728 : vector<16xf32>
      %lt3A_745 = arith.cmpf olt, %select_n3A_703, %select_n3A_729 : vector<16xf32>
      %and3A_746 = arith.andi %eq3A_744, %lt3A_745 : vector<16xi1>
      %or3A_747 = arith.ori %gt3A_743, %and3A_746 : vector<16xi1>
      %select_n3A_748 = arith.select %or3A_747, %select_n3A_742, %select_n3A_728 : vector<16xi1>, vector<16xf32>
      %select_n3A_749 = arith.select %or3A_747, %select_n3A_703, %select_n3A_729 : vector<16xi1>, vector<16xf32>
      %select_n3A_750 = arith.select %or3A_747, %convert_element_type3A_704, %select_n3A_730 : vector<16xi1>, vector<16xf32>
      %reduce_max3A_751 = arith.constant true
      %reduce_max3A_752 = vector.broadcast %reduce_max3A_751 : i1 to vector<16xi1>
      %reduce_max3A_753 = tpu.scan <max>, %select_n3A_748 masked %reduce_max3A_752 : vector<16xf32>, vector<16xi1> -> vector<16xf32>
      %reduce_max3A_754 = vector.extract %reduce_max3A_753[15] : f32 from vector<16xf32>
      %eq3A_755 = vector.broadcast %reduce_max3A_754 : f32 to vector<16xf32>
      %eq3A_756 = arith.cmpf oeq, %select_n3A_748, %eq3A_755 : vector<16xf32>
      %jit3A_757 = arith.constant 1.000000e+09 : f32
      %broadcast_in_dim3A_758 = vector.broadcast %jit3A_757 : f32 to vector<16xf32>
      %select_n3A_759 = arith.select %eq3A_756, %select_n3A_749, %broadcast_in_dim3A_758 : vector<16xi1>, vector<16xf32>
      %reduce_min3A_760 = arith.constant true
      %reduce_min3A_761 = vector.broadcast %reduce_min3A_760 : i1 to vector<16xi1>
      %reduce_min3A_762 = tpu.scan <min>, %select_n3A_759 masked %reduce_min3A_761 : vector<16xf32>, vector<16xi1> -> vector<16xf32>
      %reduce_min3A_763 = vector.extract %reduce_min3A_762[15] : f32 from vector<16xf32>
      %eq3A_764 = vector.broadcast %reduce_max3A_754 : f32 to vector<16xf32>
      %eq3A_765 = arith.cmpf oeq, %select_n3A_748, %eq3A_764 : vector<16xf32>
      %eq3A_766 = vector.broadcast %reduce_min3A_763 : f32 to vector<16xf32>
      %eq3A_767 = arith.cmpf oeq, %select_n3A_749, %eq3A_766 : vector<16xf32>
      %and3A_768 = arith.andi %eq3A_765, %eq3A_767 : vector<16xi1>
      %jit3A_769 = arith.constant 1.000000e+09 : f32
      %broadcast_in_dim3A_770 = vector.broadcast %jit3A_769 : f32 to vector<16xf32>
      %select_n3A_771 = arith.select %and3A_768, %select_n3A_750, %broadcast_in_dim3A_770 : vector<16xi1>, vector<16xf32>
      %reduce_min3A_772 = arith.constant true
      %reduce_min3A_773 = vector.broadcast %reduce_min3A_772 : i1 to vector<16xi1>
      %reduce_min3A_774 = tpu.scan <min>, %select_n3A_771 masked %reduce_min3A_773 : vector<16xf32>, vector<16xi1> -> vector<16xf32>
      %reduce_min3A_775 = vector.extract %reduce_min3A_774[15] : f32 from vector<16xf32>
      %broadcast_in_dim3A_776 = arith.constant -3.000000e+38 : f32
      %broadcast_in_dim3A_777 = vector.broadcast %broadcast_in_dim3A_776 : f32 to vector<16xf32>
      %broadcast_in_dim3A_778 = arith.constant 1.000000e+09 : f32
      %broadcast_in_dim3A_779 = vector.broadcast %broadcast_in_dim3A_778 : f32 to vector<16xf32>
      %broadcast_in_dim3A_780 = arith.constant 1.000000e+09 : f32
      %broadcast_in_dim3A_781 = vector.broadcast %broadcast_in_dim3A_780 : f32 to vector<16xf32>
      %eq3A_782 = vector.broadcast %reduce_min3A_763 : f32 to vector<16xf32>
      %eq3A_783 = arith.cmpf oeq, %select_n3A_679, %eq3A_782 : vector<16xf32>
      %jit3A_784 = arith.constant -3.000000e+38 : f32
      %broadcast_in_dim3A_785 = vector.broadcast %jit3A_784 : f32 to vector<16xf32>
      %select_n3A_786 = arith.select %eq3A_783, %broadcast_in_dim3A_785, %select_n3A_676 : vector<16xi1>, vector<16xf32>
      %eq3A_787 = arith.constant -1.000000e+00 : f32
      %eq3A_788 = vector.broadcast %eq3A_787 : f32 to vector<16xf32>
      %eq3A_789 = arith.cmpf oeq, %select_n3A_679, %eq3A_788 : vector<16xf32>
      %jit3A_790 = arith.constant -3.000000e+38 : f32
      %broadcast_in_dim3A_791 = vector.broadcast %jit3A_790 : f32 to vector<16xf32>
      %select_n3A_792 = arith.select %eq3A_789, %broadcast_in_dim3A_791, %select_n3A_786 : vector<16xi1>, vector<16xf32>
      %gt3A_793 = arith.cmpf ogt, %select_n3A_792, %broadcast_in_dim3A_777 : vector<16xf32>
      %eq3A_794 = arith.cmpf oeq, %select_n3A_792, %broadcast_in_dim3A_777 : vector<16xf32>
      %lt3A_795 = arith.cmpf olt, %select_n3A_679, %broadcast_in_dim3A_779 : vector<16xf32>
      %and3A_796 = arith.andi %eq3A_794, %lt3A_795 : vector<16xi1>
      %or3A_797 = arith.ori %gt3A_793, %and3A_796 : vector<16xi1>
      %select_n3A_798 = arith.select %or3A_797, %select_n3A_792, %broadcast_in_dim3A_777 : vector<16xi1>, vector<16xf32>
      %select_n3A_799 = arith.select %or3A_797, %select_n3A_679, %broadcast_in_dim3A_779 : vector<16xi1>, vector<16xf32>
      %select_n3A_800 = arith.select %or3A_797, %convert_element_type3A_680, %broadcast_in_dim3A_781 : vector<16xi1>, vector<16xf32>
      %eq3A_801 = vector.broadcast %reduce_min3A_763 : f32 to vector<16xf32>
      %eq3A_802 = arith.cmpf oeq, %select_n3A_703, %eq3A_801 : vector<16xf32>
      %jit3A_803 = arith.constant -3.000000e+38 : f32
      %broadcast_in_dim3A_804 = vector.broadcast %jit3A_803 : f32 to vector<16xf32>
      %select_n3A_805 = arith.select %eq3A_802, %broadcast_in_dim3A_804, %select_n3A_700 : vector<16xi1>, vector<16xf32>
      %eq3A_806 = arith.constant -1.000000e+00 : f32
      %eq3A_807 = vector.broadcast %eq3A_806 : f32 to vector<16xf32>
      %eq3A_808 = arith.cmpf oeq, %select_n3A_703, %eq3A_807 : vector<16xf32>
      %jit3A_809 = arith.constant -3.000000e+38 : f32
      %broadcast_in_dim3A_810 = vector.broadcast %jit3A_809 : f32 to vector<16xf32>
      %select_n3A_811 = arith.select %eq3A_808, %broadcast_in_dim3A_810, %select_n3A_805 : vector<16xi1>, vector<16xf32>
      %gt3A_812 = arith.cmpf ogt, %select_n3A_811, %select_n3A_798 : vector<16xf32>
      %eq3A_813 = arith.cmpf oeq, %select_n3A_811, %select_n3A_798 : vector<16xf32>
      %lt3A_814 = arith.cmpf olt, %select_n3A_703, %select_n3A_799 : vector<16xf32>
      %and3A_815 = arith.andi %eq3A_813, %lt3A_814 : vector<16xi1>
      %or3A_816 = arith.ori %gt3A_812, %and3A_815 : vector<16xi1>
      %select_n3A_817 = arith.select %or3A_816, %select_n3A_811, %select_n3A_798 : vector<16xi1>, vector<16xf32>
      %select_n3A_818 = arith.select %or3A_816, %select_n3A_703, %select_n3A_799 : vector<16xi1>, vector<16xf32>
      %select_n3A_819 = arith.select %or3A_816, %convert_element_type3A_704, %select_n3A_800 : vector<16xi1>, vector<16xf32>
      %reduce_max3A_820 = arith.constant true
      %reduce_max3A_821 = vector.broadcast %reduce_max3A_820 : i1 to vector<16xi1>
      %reduce_max3A_822 = tpu.scan <max>, %select_n3A_817 masked %reduce_max3A_821 : vector<16xf32>, vector<16xi1> -> vector<16xf32>
      %reduce_max3A_823 = vector.extract %reduce_max3A_822[15] : f32 from vector<16xf32>
      %eq3A_824 = vector.broadcast %reduce_max3A_823 : f32 to vector<16xf32>
      %eq3A_825 = arith.cmpf oeq, %select_n3A_817, %eq3A_824 : vector<16xf32>
      %jit3A_826 = arith.constant 1.000000e+09 : f32
      %broadcast_in_dim3A_827 = vector.broadcast %jit3A_826 : f32 to vector<16xf32>
      %select_n3A_828 = arith.select %eq3A_825, %select_n3A_818, %broadcast_in_dim3A_827 : vector<16xi1>, vector<16xf32>
      %reduce_min3A_829 = arith.constant true
      %reduce_min3A_830 = vector.broadcast %reduce_min3A_829 : i1 to vector<16xi1>
      %reduce_min3A_831 = tpu.scan <min>, %select_n3A_828 masked %reduce_min3A_830 : vector<16xf32>, vector<16xi1> -> vector<16xf32>
      %reduce_min3A_832 = vector.extract %reduce_min3A_831[15] : f32 from vector<16xf32>
      %eq3A_833 = vector.broadcast %reduce_max3A_823 : f32 to vector<16xf32>
      %eq3A_834 = arith.cmpf oeq, %select_n3A_817, %eq3A_833 : vector<16xf32>
      %eq3A_835 = vector.broadcast %reduce_min3A_832 : f32 to vector<16xf32>
      %eq3A_836 = arith.cmpf oeq, %select_n3A_818, %eq3A_835 : vector<16xf32>
      %and3A_837 = arith.andi %eq3A_834, %eq3A_836 : vector<16xi1>
      %jit3A_838 = arith.constant 1.000000e+09 : f32
      %broadcast_in_dim3A_839 = vector.broadcast %jit3A_838 : f32 to vector<16xf32>
      %select_n3A_840 = arith.select %and3A_837, %select_n3A_819, %broadcast_in_dim3A_839 : vector<16xi1>, vector<16xf32>
      %reduce_min3A_841 = arith.constant true
      %reduce_min3A_842 = vector.broadcast %reduce_min3A_841 : i1 to vector<16xi1>
      %reduce_min3A_843 = tpu.scan <min>, %select_n3A_840 masked %reduce_min3A_842 : vector<16xf32>, vector<16xi1> -> vector<16xf32>
      %reduce_min3A_844 = vector.extract %reduce_min3A_843[15] : f32 from vector<16xf32>
      %broadcast_in_dim3A_845 = arith.constant -3.000000e+38 : f32
      %broadcast_in_dim3A_846 = vector.broadcast %broadcast_in_dim3A_845 : f32 to vector<16xf32>
      %broadcast_in_dim3A_847 = arith.constant 1.000000e+09 : f32
      %broadcast_in_dim3A_848 = vector.broadcast %broadcast_in_dim3A_847 : f32 to vector<16xf32>
      %broadcast_in_dim3A_849 = arith.constant 1.000000e+09 : f32
      %broadcast_in_dim3A_850 = vector.broadcast %broadcast_in_dim3A_849 : f32 to vector<16xf32>
      %eq3A_851 = vector.broadcast %reduce_min3A_763 : f32 to vector<16xf32>
      %eq3A_852 = arith.cmpf oeq, %select_n3A_679, %eq3A_851 : vector<16xf32>
      %jit3A_853 = arith.constant -3.000000e+38 : f32
      %broadcast_in_dim3A_854 = vector.broadcast %jit3A_853 : f32 to vector<16xf32>
      %select_n3A_855 = arith.select %eq3A_852, %broadcast_in_dim3A_854, %select_n3A_676 : vector<16xi1>, vector<16xf32>
      %eq3A_856 = vector.broadcast %reduce_min3A_832 : f32 to vector<16xf32>
      %eq3A_857 = arith.cmpf oeq, %select_n3A_679, %eq3A_856 : vector<16xf32>
      %jit3A_858 = arith.constant -3.000000e+38 : f32
      %broadcast_in_dim3A_859 = vector.broadcast %jit3A_858 : f32 to vector<16xf32>
      %select_n3A_860 = arith.select %eq3A_857, %broadcast_in_dim3A_859, %select_n3A_855 : vector<16xi1>, vector<16xf32>
      %gt3A_861 = arith.cmpf ogt, %select_n3A_860, %broadcast_in_dim3A_846 : vector<16xf32>
      %eq3A_862 = arith.cmpf oeq, %select_n3A_860, %broadcast_in_dim3A_846 : vector<16xf32>
      %lt3A_863 = arith.cmpf olt, %select_n3A_679, %broadcast_in_dim3A_848 : vector<16xf32>
      %and3A_864 = arith.andi %eq3A_862, %lt3A_863 : vector<16xi1>
      %or3A_865 = arith.ori %gt3A_861, %and3A_864 : vector<16xi1>
      %select_n3A_866 = arith.select %or3A_865, %select_n3A_860, %broadcast_in_dim3A_846 : vector<16xi1>, vector<16xf32>
      %select_n3A_867 = arith.select %or3A_865, %select_n3A_679, %broadcast_in_dim3A_848 : vector<16xi1>, vector<16xf32>
      %select_n3A_868 = arith.select %or3A_865, %convert_element_type3A_680, %broadcast_in_dim3A_850 : vector<16xi1>, vector<16xf32>
      %eq3A_869 = vector.broadcast %reduce_min3A_763 : f32 to vector<16xf32>
      %eq3A_870 = arith.cmpf oeq, %select_n3A_703, %eq3A_869 : vector<16xf32>
      %jit3A_871 = arith.constant -3.000000e+38 : f32
      %broadcast_in_dim3A_872 = vector.broadcast %jit3A_871 : f32 to vector<16xf32>
      %select_n3A_873 = arith.select %eq3A_870, %broadcast_in_dim3A_872, %select_n3A_700 : vector<16xi1>, vector<16xf32>
      %eq3A_874 = vector.broadcast %reduce_min3A_832 : f32 to vector<16xf32>
      %eq3A_875 = arith.cmpf oeq, %select_n3A_703, %eq3A_874 : vector<16xf32>
      %jit3A_876 = arith.constant -3.000000e+38 : f32
      %broadcast_in_dim3A_877 = vector.broadcast %jit3A_876 : f32 to vector<16xf32>
      %select_n3A_878 = arith.select %eq3A_875, %broadcast_in_dim3A_877, %select_n3A_873 : vector<16xi1>, vector<16xf32>
      %gt3A_879 = arith.cmpf ogt, %select_n3A_878, %select_n3A_866 : vector<16xf32>
      %eq3A_880 = arith.cmpf oeq, %select_n3A_878, %select_n3A_866 : vector<16xf32>
      %lt3A_881 = arith.cmpf olt, %select_n3A_703, %select_n3A_867 : vector<16xf32>
      %and3A_882 = arith.andi %eq3A_880, %lt3A_881 : vector<16xi1>
      %or3A_883 = arith.ori %gt3A_879, %and3A_882 : vector<16xi1>
      %select_n3A_884 = arith.select %or3A_883, %select_n3A_878, %select_n3A_866 : vector<16xi1>, vector<16xf32>
      %select_n3A_885 = arith.select %or3A_883, %select_n3A_703, %select_n3A_867 : vector<16xi1>, vector<16xf32>
      %select_n3A_886 = arith.select %or3A_883, %convert_element_type3A_704, %select_n3A_868 : vector<16xi1>, vector<16xf32>
      %reduce_max3A_887 = arith.constant true
      %reduce_max3A_888 = vector.broadcast %reduce_max3A_887 : i1 to vector<16xi1>
      %reduce_max3A_889 = tpu.scan <max>, %select_n3A_884 masked %reduce_max3A_888 : vector<16xf32>, vector<16xi1> -> vector<16xf32>
      %reduce_max3A_890 = vector.extract %reduce_max3A_889[15] : f32 from vector<16xf32>
      %eq3A_891 = vector.broadcast %reduce_max3A_890 : f32 to vector<16xf32>
      %eq3A_892 = arith.cmpf oeq, %select_n3A_884, %eq3A_891 : vector<16xf32>
      %jit3A_893 = arith.constant 1.000000e+09 : f32
      %broadcast_in_dim3A_894 = vector.broadcast %jit3A_893 : f32 to vector<16xf32>
      %select_n3A_895 = arith.select %eq3A_892, %select_n3A_885, %broadcast_in_dim3A_894 : vector<16xi1>, vector<16xf32>
      %reduce_min3A_896 = arith.constant true
      %reduce_min3A_897 = vector.broadcast %reduce_min3A_896 : i1 to vector<16xi1>
      %reduce_min3A_898 = tpu.scan <min>, %select_n3A_895 masked %reduce_min3A_897 : vector<16xf32>, vector<16xi1> -> vector<16xf32>
      %reduce_min3A_899 = vector.extract %reduce_min3A_898[15] : f32 from vector<16xf32>
      %eq3A_900 = vector.broadcast %reduce_max3A_890 : f32 to vector<16xf32>
      %eq3A_901 = arith.cmpf oeq, %select_n3A_884, %eq3A_900 : vector<16xf32>
      %eq3A_902 = vector.broadcast %reduce_min3A_899 : f32 to vector<16xf32>
      %eq3A_903 = arith.cmpf oeq, %select_n3A_885, %eq3A_902 : vector<16xf32>
      %and3A_904 = arith.andi %eq3A_901, %eq3A_903 : vector<16xi1>
      %jit3A_905 = arith.constant 1.000000e+09 : f32
      %broadcast_in_dim3A_906 = vector.broadcast %jit3A_905 : f32 to vector<16xf32>
      %select_n3A_907 = arith.select %and3A_904, %select_n3A_886, %broadcast_in_dim3A_906 : vector<16xi1>, vector<16xf32>
      %reduce_min3A_908 = arith.constant true
      %reduce_min3A_909 = vector.broadcast %reduce_min3A_908 : i1 to vector<16xi1>
      %reduce_min3A_910 = tpu.scan <min>, %select_n3A_907 masked %reduce_min3A_909 : vector<16xf32>, vector<16xi1> -> vector<16xf32>
      %reduce_min3A_911 = vector.extract %reduce_min3A_910[15] : f32 from vector<16xf32>
      %get3A_912 = arith.constant 32 : index
      %get3A_913 = tpu.vector_load %arg8[%get3A_912] {strides = array<i32>} : memref<112xi32, #tpu.memory_space<vmem>>, vector<16xi32>,
      %add3A_914 = arith.constant 896 : i32
      %add3A_915 = vector.broadcast %add3A_914 : i32 to vector<16xi32>
      %add3A_916 = arith.addi %get3A_913, %add3A_915 : vector<16xi32>
      %add3A_917 = arith.addi %add3A_916, %convert_element_type3A_7 : vector<16xi32>
      %gather3A_918 = tpu.vector_load_idx %arg7[%add3A_917] : memref<3584xf32, #tpu.memory_space<vmem>>[vector<16xi32>], vector<16xf32>,
      %lt3A_919 = arith.constant 8 : i32
      %lt3A_920 = vector.broadcast %lt3A_919 : i32 to vector<16xi32>
      %lt3A_921 = arith.cmpi slt, %iota3A, %lt3A_920 : vector<16xi32>
      %jit3A_922 = arith.constant -3.000000e+38 : f32
      %broadcast_in_dim3A_923 = vector.broadcast %jit3A_922 : f32 to vector<16xf32>
      %select_n3A_924 = arith.select %lt3A_921, %gather3A_918, %broadcast_in_dim3A_923 : vector<16xi1>, vector<16xf32>
      %reduce_max3A_925 = arith.constant true
      %reduce_max3A_926 = vector.broadcast %reduce_max3A_925 : i1 to vector<16xi1>
      %reduce_max3A_927 = tpu.scan <max>, %select_n3A_924 masked %reduce_max3A_926 : vector<16xf32>, vector<16xi1> -> vector<16xf32>
      %reduce_max3A_928 = vector.extract %reduce_max3A_927[15] : f32 from vector<16xf32>
      %gt3A_929 = arith.constant -1.000000e+29 : f32
      %gt3A_930 = arith.cmpf ogt, %reduce_max3A_928, %gt3A_929 : f32
      %eq3A_931 = arith.constant 0 : i32
      %eq3A_932 = vector.broadcast %eq3A_931 : i32 to vector<16xi32>
      %eq3A_933 = arith.cmpi eq, %iota3A, %eq3A_932 : vector<16xi32>
      %eq3A_934 = arith.constant 1 : i32
      %eq3A_935 = vector.broadcast %eq3A_934 : i32 to vector<16xi32>
      %eq3A_936 = arith.cmpi eq, %iota3A, %eq3A_935 : vector<16xi32>
      %broadcast_in_dim3A_937 = vector.broadcast %reduce_min3A_844 : f32 to vector<16xf32>
      %broadcast_in_dim3A_938 = vector.broadcast %reduce_min3A_911 : f32 to vector<16xf32>
      %select_n3A_939 = arith.select %eq3A_936, %broadcast_in_dim3A_937, %broadcast_in_dim3A_938 : vector<16xi1>, vector<16xf32>
      %broadcast_in_dim3A_940 = vector.broadcast %reduce_min3A_775 : f32 to vector<16xf32>
      %select_n3A_941 = arith.select %eq3A_933, %broadcast_in_dim3A_940, %select_n3A_939 : vector<16xi1>, vector<16xf32>
      %convert_element_type3A_942 = arith.fptosi %select_n3A_941 : vector<16xf32> to vector<16xi32>
      %add3A_943 = arith.constant 48 : i32
      %add3A_944 = vector.broadcast %add3A_943 : i32 to vector<16xi32>
      %add3A_945 = arith.addi %add3A_944, %convert_element_type3A_942 : vector<16xi32>
      %add3A_946 = arith.addi %add3A_945, %convert_element_type3A_7 : vector<16xi32>
      %gather3A_947 = tpu.vector_load_idx %arg8[%add3A_946] : memref<112xi32, #tpu.memory_space<vmem>>[vector<16xi32>], vector<16xi32>,
      %add3A_948 = arith.constant 80 : i32
      %add3A_949 = vector.broadcast %add3A_948 : i32 to vector<16xi32>
      %add3A_950 = arith.addi %add3A_949, %convert_element_type3A_942 : vector<16xi32>
      %add3A_951 = arith.addi %add3A_950, %convert_element_type3A_7 : vector<16xi32>
      %gather3A_952 = tpu.vector_load_idx %arg8[%add3A_951] : memref<112xi32, #tpu.memory_space<vmem>>[vector<16xi32>], vector<16xi32>,
      %mul3A_953 = arith.constant 112 : i32
      %mul3A_954 = vector.broadcast %mul3A_953 : i32 to vector<16xi32>
      %mul3A_955 = arith.muli %gather3A_947, %mul3A_954 : vector<16xi32>
      %add3A_956 = arith.constant 896 : i32
      %add3A_957 = vector.broadcast %add3A_956 : i32 to vector<16xi32>
      %add3A_958 = arith.addi %add3A_957, %mul3A_955 : vector<16xi32>
      %add3A_959 = arith.constant 16 : i32
      %add3A_960 = vector.broadcast %add3A_959 : i32 to vector<16xi32>
      %add3A_961 = arith.addi %add3A_958, %add3A_960 : vector<16xi32>
      %add3A_962 = arith.addi %add3A_961, %gather3A_952 : vector<16xi32>
      %eq3A_963 = arith.constant 0 : i32
      %eq3A_964 = vector.broadcast %eq3A_963 : i32 to vector<16xi32>
      %eq3A_965 = arith.cmpi eq, %iota3A, %eq3A_964 : vector<16xi32>
      %eq3A_966 = arith.constant 1 : i32
      %eq3A_967 = vector.broadcast %eq3A_966 : i32 to vector<16xi32>
      %eq3A_968 = arith.cmpi eq, %iota3A, %eq3A_967 : vector<16xi32>
      %jit3A_969 = arith.constant 20 : i32
      %jit3A_970 = arith.constant 21 : i32
      %broadcast_in_dim3A_971 = vector.broadcast %jit3A_969 : i32 to vector<16xi32>
      %broadcast_in_dim3A_972 = vector.broadcast %jit3A_970 : i32 to vector<16xi32>
      %select_n3A_973 = arith.select %eq3A_968, %broadcast_in_dim3A_971, %broadcast_in_dim3A_972 : vector<16xi1>, vector<16xi32>
      %jit3A_974 = arith.constant 579 : i32
      %broadcast_in_dim3A_975 = vector.broadcast %jit3A_974 : i32 to vector<16xi32>
      %select_n3A_976 = arith.select %eq3A_965, %broadcast_in_dim3A_975, %select_n3A_973 : vector<16xi1>, vector<16xi32>
      %add3A_977 = arith.constant 896 : i32
      %add3A_978 = vector.broadcast %add3A_977 : i32 to vector<16xi32>
      %add3A_979 = arith.addi %select_n3A_976, %add3A_978 : vector<16xi32>
      %select_n3A_980 = arith.select %gt3A_930, %add3A_962, %add3A_979 : vector<16xi32>
      %gather3A_981 = tpu.vector_load_idx %arg7[%select_n3A_980] : memref<3584xf32, #tpu.memory_space<vmem>>[vector<16xi32>], vector<16xf32>,
      %add3A_982 = arith.constant 16 : i32
      %add3A_983 = vector.broadcast %add3A_982 : i32 to vector<16xi32>
      %add3A_984 = arith.addi %select_n3A_980, %add3A_983 : vector<16xi32>
      %gather3A_985 = tpu.vector_load_idx %arg7[%add3A_984] : memref<3584xf32, #tpu.memory_space<vmem>>[vector<16xi32>], vector<16xf32>,
      %add3A_986 = arith.constant 32 : i32
      %add3A_987 = vector.broadcast %add3A_986 : i32 to vector<16xi32>
      %add3A_988 = arith.addi %select_n3A_980, %add3A_987 : vector<16xi32>
      %gather3A_989 = tpu.vector_load_idx %arg7[%add3A_988] : memref<3584xf32, #tpu.memory_space<vmem>>[vector<16xi32>], vector<16xf32>,
      %add3A_990 = arith.constant 48 : i32
      %add3A_991 = vector.broadcast %add3A_990 : i32 to vector<16xi32>
      %add3A_992 = arith.addi %select_n3A_980, %add3A_991 : vector<16xi32>
      %gather3A_993 = tpu.vector_load_idx %arg7[%add3A_992] : memref<3584xf32, #tpu.memory_space<vmem>>[vector<16xi32>], vector<16xf32>,
      %add3A_994 = arith.constant 64 : i32
      %add3A_995 = vector.broadcast %add3A_994 : i32 to vector<16xi32>
      %add3A_996 = arith.addi %select_n3A_980, %add3A_995 : vector<16xi32>
      %gather3A_997 = tpu.vector_load_idx %arg7[%add3A_996] : memref<3584xf32, #tpu.memory_space<vmem>>[vector<16xi32>], vector<16xf32>,
      %add3A_998 = arith.constant 80 : i32
      %add3A_999 = vector.broadcast %add3A_998 : i32 to vector<16xi32>
      %add3A_1000 = arith.addi %select_n3A_980, %add3A_999 : vector<16xi32>
      %gather3A_1001 = tpu.vector_load_idx %arg7[%add3A_1000] : memref<3584xf32, #tpu.memory_space<vmem>>[vector<16xi32>], vector<16xf32>,
      %mul3A_1002 = arith.mulf %gather3A_1001, %gather3A_997 : vector<16xf32>
      %mul3A_1003 = arith.constant 5.000000e-01 : f32
      %mul3A_1004 = vector.broadcast %mul3A_1003 : f32 to vector<16xf32>
      %mul3A_1005 = arith.mulf %gather3A_989, %mul3A_1004 : vector<16xf32>
      %sub3A_1006 = arith.subf %gather3A_981, %mul3A_1005 : vector<16xf32>
      %mul3A_1007 = arith.constant 5.000000e-01 : f32
      %mul3A_1008 = vector.broadcast %mul3A_1007 : f32 to vector<16xf32>
      %mul3A_1009 = arith.mulf %gather3A_993, %mul3A_1008 : vector<16xf32>
      %sub3A_1010 = arith.subf %gather3A_985, %mul3A_1009 : vector<16xf32>
      %mul3A_1011 = arith.constant 5.000000e-01 : f32
      %mul3A_1012 = vector.broadcast %mul3A_1011 : f32 to vector<16xf32>
      %mul3A_1013 = arith.mulf %gather3A_989, %mul3A_1012 : vector<16xf32>
      %add3A_1014 = arith.addf %gather3A_981, %mul3A_1013 : vector<16xf32>
      %mul3A_1015 = arith.constant 5.000000e-01 : f32
      %mul3A_1016 = vector.broadcast %mul3A_1015 : f32 to vector<16xf32>
      %mul3A_1017 = arith.mulf %gather3A_993, %mul3A_1016 : vector<16xf32>
      %add3A_1018 = arith.addf %gather3A_985, %mul3A_1017 : vector<16xf32>
      %sub3A_1019 = arith.subf %add3A_1014, %sub3A_1006 : vector<16xf32>
      %sub3A_1020 = arith.subf %add3A_1018, %sub3A_1010 : vector<16xf32>
      %mul3A_1021 = arith.mulf %sub3A_1019, %sub3A_1020 : vector<16xf32>
      %min3A_1022 = arith.minimumf %div3A_627, %add3A_1014 : vector<16xf32>
      %max3A_1023 = arith.maximumf %div3A_623, %sub3A_1006 : vector<16xf32>
      %sub3A_1024 = arith.subf %min3A_1022, %max3A_1023 : vector<16xf32>
      %max3A_1025 = arith.constant 0.000000e+00 : f32
      %max3A_1026 = vector.broadcast %max3A_1025 : f32 to vector<16xf32>
      %max3A_1027 = arith.maximumf %sub3A_1024, %max3A_1026 : vector<16xf32>
      %min3A_1028 = arith.minimumf %div3A_635, %add3A_1018 : vector<16xf32>
      %max3A_1029 = arith.maximumf %div3A_631, %sub3A_1010 : vector<16xf32>
      %sub3A_1030 = arith.subf %min3A_1028, %max3A_1029 : vector<16xf32>
      %max3A_1031 = arith.constant 0.000000e+00 : f32
      %max3A_1032 = vector.broadcast %max3A_1031 : f32 to vector<16xf32>
      %max3A_1033 = arith.maximumf %sub3A_1030, %max3A_1032 : vector<16xf32>
      %mul3A_1034 = arith.mulf %max3A_1027, %max3A_1033 : vector<16xf32>
      %add3A_1035 = arith.addf %mul3A_656, %mul3A_1021 : vector<16xf32>
      %sub3A_1036 = arith.subf %add3A_1035, %mul3A_1034 : vector<16xf32>
      %div3A_1037 = arith.divf %mul3A_1034, %sub3A_1036 : vector<16xf32>
      %lt3A_1038 = arith.constant 3 : i32
      %lt3A_1039 = vector.broadcast %lt3A_1038 : i32 to vector<16xi32>
      %lt3A_1040 = arith.cmpi slt, %iota3A, %lt3A_1039 : vector<16xi32>
      %mul3A_1041 = arith.mulf %div3A_1037, %mul3A_1002 : vector<16xf32>
      %jit3A_1042 = arith.constant 0.000000e+00 : f32
      %broadcast_in_dim3A_1043 = vector.broadcast %jit3A_1042 : f32 to vector<16xf32>
      %select_n3A_1044 = arith.select %lt3A_1040, %mul3A_1041, %broadcast_in_dim3A_1043 : vector<16xi1>, vector<16xf32>
      %reduce_sum3A_1045 = arith.constant true
      %reduce_sum3A_1046 = vector.broadcast %reduce_sum3A_1045 : i1 to vector<16xi1>
      %reduce_sum3A_1047 = tpu.scan <sum>, %select_n3A_1044 masked %reduce_sum3A_1046 : vector<16xf32>, vector<16xi1> -> vector<16xf32>
      %reduce_sum3A_1048 = vector.extract %reduce_sum3A_1047[15] : f32 from vector<16xf32>
      %mul3A_1049 = arith.constant 0.333333343 : f32
      %mul3A_1050 = arith.mulf %reduce_sum3A_1048, %mul3A_1049 : f32
      %jit3A_1051 = arith.constant 0.000000e+00 : f32
      %broadcast_in_dim3A_1052 = vector.broadcast %jit3A_1051 : f32 to vector<16xf32>
      %select_n3A_1053 = arith.select %lt3A_1040, %mul3A_1002, %broadcast_in_dim3A_1052 : vector<16xi1>, vector<16xf32>
      %reduce_sum3A_1054 = arith.constant true
      %reduce_sum3A_1055 = vector.broadcast %reduce_sum3A_1054 : i1 to vector<16xi1>
      %reduce_sum3A_1056 = tpu.scan <sum>, %select_n3A_1053 masked %reduce_sum3A_1055 : vector<16xf32>, vector<16xi1> -> vector<16xf32>
      %reduce_sum3A_1057 = vector.extract %reduce_sum3A_1056[15] : f32 from vector<16xf32>
      %mul3A_1058 = arith.constant 0.333333343 : f32
      %mul3A_1059 = arith.mulf %reduce_sum3A_1057, %mul3A_1058 : f32
      %eq3A_1060 = arith.constant 0 : i32
      %eq3A_1061 = vector.broadcast %eq3A_1060 : i32 to vector<16xi32>
      %eq3A_1062 = arith.cmpi eq, %iota3A, %eq3A_1061 : vector<16xi32>
      %jit3A_1063 = arith.constant -3.000000e+38 : f32
      %broadcast_in_dim3A_1064 = vector.broadcast %jit3A_1063 : f32 to vector<16xf32>
      %select_n3A_1065 = arith.select %eq3A_1062, %gather3A_997, %broadcast_in_dim3A_1064 : vector<16xi1>, vector<16xf32>
      %reduce_max3A_1066 = arith.constant true
      %reduce_max3A_1067 = vector.broadcast %reduce_max3A_1066 : i1 to vector<16xi1>
      %reduce_max3A_1068 = tpu.scan <max>, %select_n3A_1065 masked %reduce_max3A_1067 : vector<16xf32>, vector<16xi1> -> vector<16xf32>
      %reduce_max3A_1069 = vector.extract %reduce_max3A_1068[15] : f32 from vector<16xf32>
      %select_n3A_1070 = arith.select %gt3A_930, %reduce_max3A_928, %reduce_max3A_1069 : f32
      %sub3A_1071 = arith.constant 1.000000e+00 : f32
      %sub3A_1072 = arith.subf %sub3A_1071, %mul3A_1050 : f32
      %get3A_1073 = arith.constant 32 : index
      %get3A_1074 = tpu.vector_load %arg6[%get3A_1073] {strides = array<i32>} : memref<64xf32, #tpu.memory_space<vmem>>, vector<16xf32>,
      %iota3A_1075 = tpu.iota {dimensions = array<i32: 0>} : vector<16xi32>
      %broadcast_in_dim3A_1076 = arith.constant 0.000000e+00 : f32
      %broadcast_in_dim3A_1077 = vector.broadcast %broadcast_in_dim3A_1076 : f32 to vector<16xf32>
      %eq3A_1078 = arith.constant 0 : i32
      %eq3A_1079 = vector.broadcast %eq3A_1078 : i32 to vector<16xi32>
      %eq3A_1080 = arith.cmpi eq, %iota3A_1075, %eq3A_1079 : vector<16xi32>
      %jit3A_1081 = arith.constant -3.000000e+38 : f32
      %broadcast_in_dim3A_1082 = vector.broadcast %jit3A_1081 : f32 to vector<16xf32>
      %select_n3A_1083 = arith.select %eq3A_1080, %get3A_1074, %broadcast_in_dim3A_1082 : vector<16xi1>, vector<16xf32>
      %reduce_max3A_1084 = arith.constant true
      %reduce_max3A_1085 = vector.broadcast %reduce_max3A_1084 : i1 to vector<16xi1>
      %reduce_max3A_1086 = tpu.scan <max>, %select_n3A_1083 masked %reduce_max3A_1085 : vector<16xf32>, vector<16xi1> -> vector<16xf32>
      %reduce_max3A_1087 = vector.extract %reduce_max3A_1086[15] : f32 from vector<16xf32>
      %add3A_1088 = vector.broadcast %reduce_max3A_1087 : f32 to vector<16xf32>
      %add3A_1089 = arith.addf %broadcast_in_dim3A_1077, %add3A_1088 : vector<16xf32>
      %broadcast_in_dim3A_1090 = arith.constant 0.000000e+00 : f32
      %broadcast_in_dim3A_1091 = vector.broadcast %broadcast_in_dim3A_1090 : f32 to vector<16xf32>
      %eq3A_1092 = arith.constant 1 : i32
      %eq3A_1093 = vector.broadcast %eq3A_1092 : i32 to vector<16xi32>
      %eq3A_1094 = arith.cmpi eq, %iota3A_1075, %eq3A_1093 : vector<16xi32>
      %jit3A_1095 = arith.constant -3.000000e+38 : f32
      %broadcast_in_dim3A_1096 = vector.broadcast %jit3A_1095 : f32 to vector<16xf32>
      %select_n3A_1097 = arith.select %eq3A_1094, %get3A_1074, %broadcast_in_dim3A_1096 : vector<16xi1>, vector<16xf32>
      %reduce_max3A_1098 = arith.constant true
      %reduce_max3A_1099 = vector.broadcast %reduce_max3A_1098 : i1 to vector<16xi1>
      %reduce_max3A_1100 = tpu.scan <max>, %select_n3A_1097 masked %reduce_max3A_1099 : vector<16xf32>, vector<16xi1> -> vector<16xf32>
      %reduce_max3A_1101 = vector.extract %reduce_max3A_1100[15] : f32 from vector<16xf32>
      %add3A_1102 = vector.broadcast %reduce_max3A_1101 : f32 to vector<16xf32>
      %add3A_1103 = arith.addf %broadcast_in_dim3A_1091, %add3A_1102 : vector<16xf32>
      %broadcast_in_dim3A_1104 = arith.constant 0.000000e+00 : f32
      %broadcast_in_dim3A_1105 = vector.broadcast %broadcast_in_dim3A_1104 : f32 to vector<16xf32>
      %eq3A_1106 = arith.constant 2 : i32
      %eq3A_1107 = vector.broadcast %eq3A_1106 : i32 to vector<16xi32>
      %eq3A_1108 = arith.cmpi eq, %iota3A_1075, %eq3A_1107 : vector<16xi32>
      %jit3A_1109 = arith.constant -3.000000e+38 : f32
      %broadcast_in_dim3A_1110 = vector.broadcast %jit3A_1109 : f32 to vector<16xf32>
      %select_n3A_1111 = arith.select %eq3A_1108, %get3A_1074, %broadcast_in_dim3A_1110 : vector<16xi1>, vector<16xf32>
      %reduce_max3A_1112 = arith.constant true
      %reduce_max3A_1113 = vector.broadcast %reduce_max3A_1112 : i1 to vector<16xi1>
      %reduce_max3A_1114 = tpu.scan <max>, %select_n3A_1111 masked %reduce_max3A_1113 : vector<16xf32>, vector<16xi1> -> vector<16xf32>
      %reduce_max3A_1115 = vector.extract %reduce_max3A_1114[15] : f32 from vector<16xf32>
      %add3A_1116 = vector.broadcast %reduce_max3A_1115 : f32 to vector<16xf32>
      %add3A_1117 = arith.addf %broadcast_in_dim3A_1105, %add3A_1116 : vector<16xf32>
      %broadcast_in_dim3A_1118 = arith.constant 0.000000e+00 : f32
      %broadcast_in_dim3A_1119 = vector.broadcast %broadcast_in_dim3A_1118 : f32 to vector<16xf32>
      %eq3A_1120 = arith.constant 3 : i32
      %eq3A_1121 = vector.broadcast %eq3A_1120 : i32 to vector<16xi32>
      %eq3A_1122 = arith.cmpi eq, %iota3A_1075, %eq3A_1121 : vector<16xi32>
      %jit3A_1123 = arith.constant -3.000000e+38 : f32
      %broadcast_in_dim3A_1124 = vector.broadcast %jit3A_1123 : f32 to vector<16xf32>
      %select_n3A_1125 = arith.select %eq3A_1122, %get3A_1074, %broadcast_in_dim3A_1124 : vector<16xi1>, vector<16xf32>
      %reduce_max3A_1126 = arith.constant true
      %reduce_max3A_1127 = vector.broadcast %reduce_max3A_1126 : i1 to vector<16xi1>
      %reduce_max3A_1128 = tpu.scan <max>, %select_n3A_1125 masked %reduce_max3A_1127 : vector<16xf32>, vector<16xi1> -> vector<16xf32>
      %reduce_max3A_1129 = vector.extract %reduce_max3A_1128[15] : f32 from vector<16xf32>
      %add3A_1130 = vector.broadcast %reduce_max3A_1129 : f32 to vector<16xf32>
      %add3A_1131 = arith.addf %broadcast_in_dim3A_1119, %add3A_1130 : vector<16xf32>
      %broadcast_in_dim3A_1132 = arith.constant 0.000000e+00 : f32
      %broadcast_in_dim3A_1133 = vector.broadcast %broadcast_in_dim3A_1132 : f32 to vector<16xf32>
      %eq3A_1134 = arith.constant 4 : i32
      %eq3A_1135 = vector.broadcast %eq3A_1134 : i32 to vector<16xi32>
      %eq3A_1136 = arith.cmpi eq, %iota3A_1075, %eq3A_1135 : vector<16xi32>
      %jit3A_1137 = arith.constant -3.000000e+38 : f32
      %broadcast_in_dim3A_1138 = vector.broadcast %jit3A_1137 : f32 to vector<16xf32>
      %select_n3A_1139 = arith.select %eq3A_1136, %get3A_1074, %broadcast_in_dim3A_1138 : vector<16xi1>, vector<16xf32>
      %reduce_max3A_1140 = arith.constant true
      %reduce_max3A_1141 = vector.broadcast %reduce_max3A_1140 : i1 to vector<16xi1>
      %reduce_max3A_1142 = tpu.scan <max>, %select_n3A_1139 masked %reduce_max3A_1141 : vector<16xf32>, vector<16xi1> -> vector<16xf32>
      %reduce_max3A_1143 = vector.extract %reduce_max3A_1142[15] : f32 from vector<16xf32>
      %add3A_1144 = vector.broadcast %reduce_max3A_1143 : f32 to vector<16xf32>
      %add3A_1145 = arith.addf %broadcast_in_dim3A_1133, %add3A_1144 : vector<16xf32>
      %broadcast_in_dim3A_1146 = arith.constant 0.000000e+00 : f32
      %broadcast_in_dim3A_1147 = vector.broadcast %broadcast_in_dim3A_1146 : f32 to vector<16xf32>
      %eq3A_1148 = arith.constant 5 : i32
      %eq3A_1149 = vector.broadcast %eq3A_1148 : i32 to vector<16xi32>
      %eq3A_1150 = arith.cmpi eq, %iota3A_1075, %eq3A_1149 : vector<16xi32>
      %jit3A_1151 = arith.constant -3.000000e+38 : f32
      %broadcast_in_dim3A_1152 = vector.broadcast %jit3A_1151 : f32 to vector<16xf32>
      %select_n3A_1153 = arith.select %eq3A_1150, %get3A_1074, %broadcast_in_dim3A_1152 : vector<16xi1>, vector<16xf32>
      %reduce_max3A_1154 = arith.constant true
      %reduce_max3A_1155 = vector.broadcast %reduce_max3A_1154 : i1 to vector<16xi1>
      %reduce_max3A_1156 = tpu.scan <max>, %select_n3A_1153 masked %reduce_max3A_1155 : vector<16xf32>, vector<16xi1> -> vector<16xf32>
      %reduce_max3A_1157 = vector.extract %reduce_max3A_1156[15] : f32 from vector<16xf32>
      %add3A_1158 = vector.broadcast %reduce_max3A_1157 : f32 to vector<16xf32>
      %add3A_1159 = arith.addf %broadcast_in_dim3A_1147, %add3A_1158 : vector<16xf32>
      %mul3A_1160 = arith.constant 6.400000e+02 : f32
      %mul3A_1161 = vector.broadcast %mul3A_1160 : f32 to vector<16xf32>
      %mul3A_1162 = arith.mulf %add3A_1089, %mul3A_1161 : vector<16xf32>
      %div3A_1163 = arith.divf %mul3A_1162, %add3A_1159 : vector<16xf32>
      %mul3A_1164 = arith.constant 6.400000e+02 : f32
      %mul3A_1165 = vector.broadcast %mul3A_1164 : f32 to vector<16xf32>
      %mul3A_1166 = arith.mulf %add3A_1103, %mul3A_1165 : vector<16xf32>
      %div3A_1167 = arith.divf %mul3A_1166, %add3A_1159 : vector<16xf32>
      %mul3A_1168 = arith.constant 6.400000e+02 : f32
      %mul3A_1169 = vector.broadcast %mul3A_1168 : f32 to vector<16xf32>
      %mul3A_1170 = arith.mulf %add3A_1117, %mul3A_1169 : vector<16xf32>
      %div3A_1171 = arith.divf %mul3A_1170, %add3A_1145 : vector<16xf32>
      %mul3A_1172 = arith.constant 6.400000e+02 : f32
      %mul3A_1173 = vector.broadcast %mul3A_1172 : f32 to vector<16xf32>
      %mul3A_1174 = arith.mulf %add3A_1131, %mul3A_1173 : vector<16xf32>
      %div3A_1175 = arith.divf %mul3A_1174, %add3A_1145 : vector<16xf32>
      %sub3A_1176 = arith.subf %div3A_1167, %div3A_1163 : vector<16xf32>
      %sub3A_1177 = arith.subf %div3A_1175, %div3A_1171 : vector<16xf32>
      %mul3A_1178 = arith.constant 1.500000e-01 : f32
      %mul3A_1179 = vector.broadcast %mul3A_1178 : f32 to vector<16xf32>
      %mul3A_1180 = arith.mulf %mul3A_1179, %sub3A_1176 : vector<16xf32>
      %sub3A_1181 = arith.subf %div3A_1163, %mul3A_1180 : vector<16xf32>
      %mul3A_1182 = arith.constant 1.500000e-01 : f32
      %mul3A_1183 = vector.broadcast %mul3A_1182 : f32 to vector<16xf32>
      %mul3A_1184 = arith.mulf %mul3A_1183, %sub3A_1176 : vector<16xf32>
      %add3A_1185 = arith.addf %div3A_1167, %mul3A_1184 : vector<16xf32>
      %mul3A_1186 = arith.constant 1.500000e-01 : f32
      %mul3A_1187 = vector.broadcast %mul3A_1186 : f32 to vector<16xf32>
      %mul3A_1188 = arith.mulf %mul3A_1187, %sub3A_1177 : vector<16xf32>
      %sub3A_1189 = arith.subf %div3A_1171, %mul3A_1188 : vector<16xf32>
      %mul3A_1190 = arith.constant 1.500000e-01 : f32
      %mul3A_1191 = vector.broadcast %mul3A_1190 : f32 to vector<16xf32>
      %mul3A_1192 = arith.mulf %mul3A_1191, %sub3A_1177 : vector<16xf32>
      %add3A_1193 = arith.addf %div3A_1175, %mul3A_1192 : vector<16xf32>
      %sub3A_1194 = arith.subf %div3A_1167, %div3A_1163 : vector<16xf32>
      %sub3A_1195 = arith.subf %div3A_1175, %div3A_1171 : vector<16xf32>
      %mul3A_1196 = arith.mulf %sub3A_1194, %sub3A_1195 : vector<16xf32>
      %add3A_1197 = arith.constant 0 : i32
      %add3A_1198 = vector.broadcast %add3A_1197 : i32 to vector<16xi32>
      %add3A_1199 = arith.addi %add3A_1198, %iota3A : vector<16xi32>
      %lt3A_1200 = arith.constant 24 : i32
      %lt3A_1201 = vector.broadcast %lt3A_1200 : i32 to vector<16xi32>
      %lt3A_1202 = arith.cmpi slt, %add3A_1199, %lt3A_1201 : vector<16xi32>
      %get3A_1203 = arith.constant 0 : index
      %get3A_1204 = tpu.vector_load %arg8[%get3A_1203] {strides = array<i32>} : memref<112xi32, #tpu.memory_space<vmem>>, vector<16xi32>,
      %add3A_1205 = arith.constant 1792 : i32
      %add3A_1206 = vector.broadcast %add3A_1205 : i32 to vector<16xi32>
      %add3A_1207 = arith.addi %get3A_1204, %add3A_1206 : vector<16xi32>
      %add3A_1208 = arith.addi %add3A_1207, %convert_element_type3A_7 : vector<16xi32>
      %gather3A_1209 = tpu.vector_load_idx %arg7[%add3A_1208] : memref<3584xf32, #tpu.memory_space<vmem>>[vector<16xi32>], vector<16xf32>,
      %add3A_1210 = arith.constant 1 : i32
      %add3A_1211 = vector.broadcast %add3A_1210 : i32 to vector<16xi32>
      %add3A_1212 = arith.addi %add3A_1208, %add3A_1211 : vector<16xi32>
      %gather3A_1213 = tpu.vector_load_idx %arg7[%add3A_1212] : memref<3584xf32, #tpu.memory_space<vmem>>[vector<16xi32>], vector<16xf32>,
      %jit3A_1214 = arith.constant -3.000000e+38 : f32
      %broadcast_in_dim3A_1215 = vector.broadcast %jit3A_1214 : f32 to vector<16xf32>
      %select_n3A_1216 = arith.select %lt3A_1202, %gather3A_1209, %broadcast_in_dim3A_1215 : vector<16xi1>, vector<16xf32>
      %jit3A_1217 = arith.constant 1.000000e+09 : f32
      %broadcast_in_dim3A_1218 = vector.broadcast %jit3A_1217 : f32 to vector<16xf32>
      %select_n3A_1219 = arith.select %lt3A_1202, %gather3A_1213, %broadcast_in_dim3A_1218 : vector<16xi1>, vector<16xf32>
      %convert_element_type3A_1220 = arith.sitofp %add3A_1199 : vector<16xi32> to vector<16xf32>
      %add3A_1221 = arith.constant 16 : i32
      %add3A_1222 = vector.broadcast %add3A_1221 : i32 to vector<16xi32>
      %add3A_1223 = arith.addi %add3A_1222, %iota3A : vector<16xi32>
      %lt3A_1224 = arith.constant 24 : i32
      %lt3A_1225 = vector.broadcast %lt3A_1224 : i32 to vector<16xi32>
      %lt3A_1226 = arith.cmpi slt, %add3A_1223, %lt3A_1225 : vector<16xi32>
      %get3A_1227 = arith.constant 16 : index
      %get3A_1228 = tpu.vector_load %arg8[%get3A_1227] {strides = array<i32>} : memref<112xi32, #tpu.memory_space<vmem>>, vector<16xi32>,
      %add3A_1229 = arith.constant 1792 : i32
      %add3A_1230 = vector.broadcast %add3A_1229 : i32 to vector<16xi32>
      %add3A_1231 = arith.addi %get3A_1228, %add3A_1230 : vector<16xi32>
      %add3A_1232 = arith.addi %add3A_1231, %convert_element_type3A_7 : vector<16xi32>
      %gather3A_1233 = tpu.vector_load_idx %arg7[%add3A_1232] : memref<3584xf32, #tpu.memory_space<vmem>>[vector<16xi32>], vector<16xf32>,
      %add3A_1234 = arith.constant 1 : i32
      %add3A_1235 = vector.broadcast %add3A_1234 : i32 to vector<16xi32>
      %add3A_1236 = arith.addi %add3A_1232, %add3A_1235 : vector<16xi32>
      %gather3A_1237 = tpu.vector_load_idx %arg7[%add3A_1236] : memref<3584xf32, #tpu.memory_space<vmem>>[vector<16xi32>], vector<16xf32>,
      %jit3A_1238 = arith.constant -3.000000e+38 : f32
      %broadcast_in_dim3A_1239 = vector.broadcast %jit3A_1238 : f32 to vector<16xf32>
      %select_n3A_1240 = arith.select %lt3A_1226, %gather3A_1233, %broadcast_in_dim3A_1239 : vector<16xi1>, vector<16xf32>
      %jit3A_1241 = arith.constant 1.000000e+09 : f32
      %broadcast_in_dim3A_1242 = vector.broadcast %jit3A_1241 : f32 to vector<16xf32>
      %select_n3A_1243 = arith.select %lt3A_1226, %gather3A_1237, %broadcast_in_dim3A_1242 : vector<16xi1>, vector<16xf32>
      %convert_element_type3A_1244 = arith.sitofp %add3A_1223 : vector<16xi32> to vector<16xf32>
      %broadcast_in_dim3A_1245 = arith.constant -3.000000e+38 : f32
      %broadcast_in_dim3A_1246 = vector.broadcast %broadcast_in_dim3A_1245 : f32 to vector<16xf32>
      %broadcast_in_dim3A_1247 = arith.constant 1.000000e+09 : f32
      %broadcast_in_dim3A_1248 = vector.broadcast %broadcast_in_dim3A_1247 : f32 to vector<16xf32>
      %broadcast_in_dim3A_1249 = arith.constant 1.000000e+09 : f32
      %broadcast_in_dim3A_1250 = vector.broadcast %broadcast_in_dim3A_1249 : f32 to vector<16xf32>
      %eq3A_1251 = arith.constant -1.000000e+00 : f32
      %eq3A_1252 = vector.broadcast %eq3A_1251 : f32 to vector<16xf32>
      %eq3A_1253 = arith.cmpf oeq, %select_n3A_1219, %eq3A_1252 : vector<16xf32>
      %jit3A_1254 = arith.constant -3.000000e+38 : f32
      %broadcast_in_dim3A_1255 = vector.broadcast %jit3A_1254 : f32 to vector<16xf32>
      %select_n3A_1256 = arith.select %eq3A_1253, %broadcast_in_dim3A_1255, %select_n3A_1216 : vector<16xi1>, vector<16xf32>
      %eq3A_1257 = arith.constant -1.000000e+00 : f32
      %eq3A_1258 = vector.broadcast %eq3A_1257 : f32 to vector<16xf32>
      %eq3A_1259 = arith.cmpf oeq, %select_n3A_1219, %eq3A_1258 : vector<16xf32>
      %jit3A_1260 = arith.constant -3.000000e+38 : f32
      %broadcast_in_dim3A_1261 = vector.broadcast %jit3A_1260 : f32 to vector<16xf32>
      %select_n3A_1262 = arith.select %eq3A_1259, %broadcast_in_dim3A_1261, %select_n3A_1256 : vector<16xi1>, vector<16xf32>
      %gt3A_1263 = arith.cmpf ogt, %select_n3A_1262, %broadcast_in_dim3A_1246 : vector<16xf32>
      %eq3A_1264 = arith.cmpf oeq, %select_n3A_1262, %broadcast_in_dim3A_1246 : vector<16xf32>
      %lt3A_1265 = arith.cmpf olt, %select_n3A_1219, %broadcast_in_dim3A_1248 : vector<16xf32>
      %and3A_1266 = arith.andi %eq3A_1264, %lt3A_1265 : vector<16xi1>
      %or3A_1267 = arith.ori %gt3A_1263, %and3A_1266 : vector<16xi1>
      %select_n3A_1268 = arith.select %or3A_1267, %select_n3A_1262, %broadcast_in_dim3A_1246 : vector<16xi1>, vector<16xf32>
      %select_n3A_1269 = arith.select %or3A_1267, %select_n3A_1219, %broadcast_in_dim3A_1248 : vector<16xi1>, vector<16xf32>
      %select_n3A_1270 = arith.select %or3A_1267, %convert_element_type3A_1220, %broadcast_in_dim3A_1250 : vector<16xi1>, vector<16xf32>
      %eq3A_1271 = arith.constant -1.000000e+00 : f32
      %eq3A_1272 = vector.broadcast %eq3A_1271 : f32 to vector<16xf32>
      %eq3A_1273 = arith.cmpf oeq, %select_n3A_1243, %eq3A_1272 : vector<16xf32>
      %jit3A_1274 = arith.constant -3.000000e+38 : f32
      %broadcast_in_dim3A_1275 = vector.broadcast %jit3A_1274 : f32 to vector<16xf32>
      %select_n3A_1276 = arith.select %eq3A_1273, %broadcast_in_dim3A_1275, %select_n3A_1240 : vector<16xi1>, vector<16xf32>
      %eq3A_1277 = arith.constant -1.000000e+00 : f32
      %eq3A_1278 = vector.broadcast %eq3A_1277 : f32 to vector<16xf32>
      %eq3A_1279 = arith.cmpf oeq, %select_n3A_1243, %eq3A_1278 : vector<16xf32>
      %jit3A_1280 = arith.constant -3.000000e+38 : f32
      %broadcast_in_dim3A_1281 = vector.broadcast %jit3A_1280 : f32 to vector<16xf32>
      %select_n3A_1282 = arith.select %eq3A_1279, %broadcast_in_dim3A_1281, %select_n3A_1276 : vector<16xi1>, vector<16xf32>
      %gt3A_1283 = arith.cmpf ogt, %select_n3A_1282, %select_n3A_1268 : vector<16xf32>
      %eq3A_1284 = arith.cmpf oeq, %select_n3A_1282, %select_n3A_1268 : vector<16xf32>
      %lt3A_1285 = arith.cmpf olt, %select_n3A_1243, %select_n3A_1269 : vector<16xf32>
      %and3A_1286 = arith.andi %eq3A_1284, %lt3A_1285 : vector<16xi1>
      %or3A_1287 = arith.ori %gt3A_1283, %and3A_1286 : vector<16xi1>
      %select_n3A_1288 = arith.select %or3A_1287, %select_n3A_1282, %select_n3A_1268 : vector<16xi1>, vector<16xf32>
      %select_n3A_1289 = arith.select %or3A_1287, %select_n3A_1243, %select_n3A_1269 : vector<16xi1>, vector<16xf32>
      %select_n3A_1290 = arith.select %or3A_1287, %convert_element_type3A_1244, %select_n3A_1270 : vector<16xi1>, vector<16xf32>
      %reduce_max3A_1291 = arith.constant true
      %reduce_max3A_1292 = vector.broadcast %reduce_max3A_1291 : i1 to vector<16xi1>
      %reduce_max3A_1293 = tpu.scan <max>, %select_n3A_1288 masked %reduce_max3A_1292 : vector<16xf32>, vector<16xi1> -> vector<16xf32>
      %reduce_max3A_1294 = vector.extract %reduce_max3A_1293[15] : f32 from vector<16xf32>
      %eq3A_1295 = vector.broadcast %reduce_max3A_1294 : f32 to vector<16xf32>
      %eq3A_1296 = arith.cmpf oeq, %select_n3A_1288, %eq3A_1295 : vector<16xf32>
      %jit3A_1297 = arith.constant 1.000000e+09 : f32
      %broadcast_in_dim3A_1298 = vector.broadcast %jit3A_1297 : f32 to vector<16xf32>
      %select_n3A_1299 = arith.select %eq3A_1296, %select_n3A_1289, %broadcast_in_dim3A_1298 : vector<16xi1>, vector<16xf32>
      %reduce_min3A_1300 = arith.constant true
      %reduce_min3A_1301 = vector.broadcast %reduce_min3A_1300 : i1 to vector<16xi1>
      %reduce_min3A_1302 = tpu.scan <min>, %select_n3A_1299 masked %reduce_min3A_1301 : vector<16xf32>, vector<16xi1> -> vector<16xf32>
      %reduce_min3A_1303 = vector.extract %reduce_min3A_1302[15] : f32 from vector<16xf32>
      %eq3A_1304 = vector.broadcast %reduce_max3A_1294 : f32 to vector<16xf32>
      %eq3A_1305 = arith.cmpf oeq, %select_n3A_1288, %eq3A_1304 : vector<16xf32>
      %eq3A_1306 = vector.broadcast %reduce_min3A_1303 : f32 to vector<16xf32>
      %eq3A_1307 = arith.cmpf oeq, %select_n3A_1289, %eq3A_1306 : vector<16xf32>
      %and3A_1308 = arith.andi %eq3A_1305, %eq3A_1307 : vector<16xi1>
      %jit3A_1309 = arith.constant 1.000000e+09 : f32
      %broadcast_in_dim3A_1310 = vector.broadcast %jit3A_1309 : f32 to vector<16xf32>
      %select_n3A_1311 = arith.select %and3A_1308, %select_n3A_1290, %broadcast_in_dim3A_1310 : vector<16xi1>, vector<16xf32>
      %reduce_min3A_1312 = arith.constant true
      %reduce_min3A_1313 = vector.broadcast %reduce_min3A_1312 : i1 to vector<16xi1>
      %reduce_min3A_1314 = tpu.scan <min>, %select_n3A_1311 masked %reduce_min3A_1313 : vector<16xf32>, vector<16xi1> -> vector<16xf32>
      %reduce_min3A_1315 = vector.extract %reduce_min3A_1314[15] : f32 from vector<16xf32>
      %broadcast_in_dim3A_1316 = arith.constant -3.000000e+38 : f32
      %broadcast_in_dim3A_1317 = vector.broadcast %broadcast_in_dim3A_1316 : f32 to vector<16xf32>
      %broadcast_in_dim3A_1318 = arith.constant 1.000000e+09 : f32
      %broadcast_in_dim3A_1319 = vector.broadcast %broadcast_in_dim3A_1318 : f32 to vector<16xf32>
      %broadcast_in_dim3A_1320 = arith.constant 1.000000e+09 : f32
      %broadcast_in_dim3A_1321 = vector.broadcast %broadcast_in_dim3A_1320 : f32 to vector<16xf32>
      %eq3A_1322 = vector.broadcast %reduce_min3A_1303 : f32 to vector<16xf32>
      %eq3A_1323 = arith.cmpf oeq, %select_n3A_1219, %eq3A_1322 : vector<16xf32>
      %jit3A_1324 = arith.constant -3.000000e+38 : f32
      %broadcast_in_dim3A_1325 = vector.broadcast %jit3A_1324 : f32 to vector<16xf32>
      %select_n3A_1326 = arith.select %eq3A_1323, %broadcast_in_dim3A_1325, %select_n3A_1216 : vector<16xi1>, vector<16xf32>
      %eq3A_1327 = arith.constant -1.000000e+00 : f32
      %eq3A_1328 = vector.broadcast %eq3A_1327 : f32 to vector<16xf32>
      %eq3A_1329 = arith.cmpf oeq, %select_n3A_1219, %eq3A_1328 : vector<16xf32>
      %jit3A_1330 = arith.constant -3.000000e+38 : f32
      %broadcast_in_dim3A_1331 = vector.broadcast %jit3A_1330 : f32 to vector<16xf32>
      %select_n3A_1332 = arith.select %eq3A_1329, %broadcast_in_dim3A_1331, %select_n3A_1326 : vector<16xi1>, vector<16xf32>
      %gt3A_1333 = arith.cmpf ogt, %select_n3A_1332, %broadcast_in_dim3A_1317 : vector<16xf32>
      %eq3A_1334 = arith.cmpf oeq, %select_n3A_1332, %broadcast_in_dim3A_1317 : vector<16xf32>
      %lt3A_1335 = arith.cmpf olt, %select_n3A_1219, %broadcast_in_dim3A_1319 : vector<16xf32>
      %and3A_1336 = arith.andi %eq3A_1334, %lt3A_1335 : vector<16xi1>
      %or3A_1337 = arith.ori %gt3A_1333, %and3A_1336 : vector<16xi1>
      %select_n3A_1338 = arith.select %or3A_1337, %select_n3A_1332, %broadcast_in_dim3A_1317 : vector<16xi1>, vector<16xf32>
      %select_n3A_1339 = arith.select %or3A_1337, %select_n3A_1219, %broadcast_in_dim3A_1319 : vector<16xi1>, vector<16xf32>
      %select_n3A_1340 = arith.select %or3A_1337, %convert_element_type3A_1220, %broadcast_in_dim3A_1321 : vector<16xi1>, vector<16xf32>
      %eq3A_1341 = vector.broadcast %reduce_min3A_1303 : f32 to vector<16xf32>
      %eq3A_1342 = arith.cmpf oeq, %select_n3A_1243, %eq3A_1341 : vector<16xf32>
      %jit3A_1343 = arith.constant -3.000000e+38 : f32
      %broadcast_in_dim3A_1344 = vector.broadcast %jit3A_1343 : f32 to vector<16xf32>
      %select_n3A_1345 = arith.select %eq3A_1342, %broadcast_in_dim3A_1344, %select_n3A_1240 : vector<16xi1>, vector<16xf32>
      %eq3A_1346 = arith.constant -1.000000e+00 : f32
      %eq3A_1347 = vector.broadcast %eq3A_1346 : f32 to vector<16xf32>
      %eq3A_1348 = arith.cmpf oeq, %select_n3A_1243, %eq3A_1347 : vector<16xf32>
      %jit3A_1349 = arith.constant -3.000000e+38 : f32
      %broadcast_in_dim3A_1350 = vector.broadcast %jit3A_1349 : f32 to vector<16xf32>
      %select_n3A_1351 = arith.select %eq3A_1348, %broadcast_in_dim3A_1350, %select_n3A_1345 : vector<16xi1>, vector<16xf32>
      %gt3A_1352 = arith.cmpf ogt, %select_n3A_1351, %select_n3A_1338 : vector<16xf32>
      %eq3A_1353 = arith.cmpf oeq, %select_n3A_1351, %select_n3A_1338 : vector<16xf32>
      %lt3A_1354 = arith.cmpf olt, %select_n3A_1243, %select_n3A_1339 : vector<16xf32>
      %and3A_1355 = arith.andi %eq3A_1353, %lt3A_1354 : vector<16xi1>
      %or3A_1356 = arith.ori %gt3A_1352, %and3A_1355 : vector<16xi1>
      %select_n3A_1357 = arith.select %or3A_1356, %select_n3A_1351, %select_n3A_1338 : vector<16xi1>, vector<16xf32>
      %select_n3A_1358 = arith.select %or3A_1356, %select_n3A_1243, %select_n3A_1339 : vector<16xi1>, vector<16xf32>
      %select_n3A_1359 = arith.select %or3A_1356, %convert_element_type3A_1244, %select_n3A_1340 : vector<16xi1>, vector<16xf32>
      %reduce_max3A_1360 = arith.constant true
      %reduce_max3A_1361 = vector.broadcast %reduce_max3A_1360 : i1 to vector<16xi1>
      %reduce_max3A_1362 = tpu.scan <max>, %select_n3A_1357 masked %reduce_max3A_1361 : vector<16xf32>, vector<16xi1> -> vector<16xf32>
      %reduce_max3A_1363 = vector.extract %reduce_max3A_1362[15] : f32 from vector<16xf32>
      %eq3A_1364 = vector.broadcast %reduce_max3A_1363 : f32 to vector<16xf32>
      %eq3A_1365 = arith.cmpf oeq, %select_n3A_1357, %eq3A_1364 : vector<16xf32>
      %jit3A_1366 = arith.constant 1.000000e+09 : f32
      %broadcast_in_dim3A_1367 = vector.broadcast %jit3A_1366 : f32 to vector<16xf32>
      %select_n3A_1368 = arith.select %eq3A_1365, %select_n3A_1358, %broadcast_in_dim3A_1367 : vector<16xi1>, vector<16xf32>
      %reduce_min3A_1369 = arith.constant true
      %reduce_min3A_1370 = vector.broadcast %reduce_min3A_1369 : i1 to vector<16xi1>
      %reduce_min3A_1371 = tpu.scan <min>, %select_n3A_1368 masked %reduce_min3A_1370 : vector<16xf32>, vector<16xi1> -> vector<16xf32>
      %reduce_min3A_1372 = vector.extract %reduce_min3A_1371[15] : f32 from vector<16xf32>
      %eq3A_1373 = vector.broadcast %reduce_max3A_1363 : f32 to vector<16xf32>
      %eq3A_1374 = arith.cmpf oeq, %select_n3A_1357, %eq3A_1373 : vector<16xf32>
      %eq3A_1375 = vector.broadcast %reduce_min3A_1372 : f32 to vector<16xf32>
      %eq3A_1376 = arith.cmpf oeq, %select_n3A_1358, %eq3A_1375 : vector<16xf32>
      %and3A_1377 = arith.andi %eq3A_1374, %eq3A_1376 : vector<16xi1>
      %jit3A_1378 = arith.constant 1.000000e+09 : f32
      %broadcast_in_dim3A_1379 = vector.broadcast %jit3A_1378 : f32 to vector<16xf32>
      %select_n3A_1380 = arith.select %and3A_1377, %select_n3A_1359, %broadcast_in_dim3A_1379 : vector<16xi1>, vector<16xf32>
      %reduce_min3A_1381 = arith.constant true
      %reduce_min3A_1382 = vector.broadcast %reduce_min3A_1381 : i1 to vector<16xi1>
      %reduce_min3A_1383 = tpu.scan <min>, %select_n3A_1380 masked %reduce_min3A_1382 : vector<16xf32>, vector<16xi1> -> vector<16xf32>
      %reduce_min3A_1384 = vector.extract %reduce_min3A_1383[15] : f32 from vector<16xf32>
      %broadcast_in_dim3A_1385 = arith.constant -3.000000e+38 : f32
      %broadcast_in_dim3A_1386 = vector.broadcast %broadcast_in_dim3A_1385 : f32 to vector<16xf32>
      %broadcast_in_dim3A_1387 = arith.constant 1.000000e+09 : f32
      %broadcast_in_dim3A_1388 = vector.broadcast %broadcast_in_dim3A_1387 : f32 to vector<16xf32>
      %broadcast_in_dim3A_1389 = arith.constant 1.000000e+09 : f32
      %broadcast_in_dim3A_1390 = vector.broadcast %broadcast_in_dim3A_1389 : f32 to vector<16xf32>
      %eq3A_1391 = vector.broadcast %reduce_min3A_1303 : f32 to vector<16xf32>
      %eq3A_1392 = arith.cmpf oeq, %select_n3A_1219, %eq3A_1391 : vector<16xf32>
      %jit3A_1393 = arith.constant -3.000000e+38 : f32
      %broadcast_in_dim3A_1394 = vector.broadcast %jit3A_1393 : f32 to vector<16xf32>
      %select_n3A_1395 = arith.select %eq3A_1392, %broadcast_in_dim3A_1394, %select_n3A_1216 : vector<16xi1>, vector<16xf32>
      %eq3A_1396 = vector.broadcast %reduce_min3A_1372 : f32 to vector<16xf32>
      %eq3A_1397 = arith.cmpf oeq, %select_n3A_1219, %eq3A_1396 : vector<16xf32>
      %jit3A_1398 = arith.constant -3.000000e+38 : f32
      %broadcast_in_dim3A_1399 = vector.broadcast %jit3A_1398 : f32 to vector<16xf32>
      %select_n3A_1400 = arith.select %eq3A_1397, %broadcast_in_dim3A_1399, %select_n3A_1395 : vector<16xi1>, vector<16xf32>
      %gt3A_1401 = arith.cmpf ogt, %select_n3A_1400, %broadcast_in_dim3A_1386 : vector<16xf32>
      %eq3A_1402 = arith.cmpf oeq, %select_n3A_1400, %broadcast_in_dim3A_1386 : vector<16xf32>
      %lt3A_1403 = arith.cmpf olt, %select_n3A_1219, %broadcast_in_dim3A_1388 : vector<16xf32>
      %and3A_1404 = arith.andi %eq3A_1402, %lt3A_1403 : vector<16xi1>
      %or3A_1405 = arith.ori %gt3A_1401, %and3A_1404 : vector<16xi1>
      %select_n3A_1406 = arith.select %or3A_1405, %select_n3A_1400, %broadcast_in_dim3A_1386 : vector<16xi1>, vector<16xf32>
      %select_n3A_1407 = arith.select %or3A_1405, %select_n3A_1219, %broadcast_in_dim3A_1388 : vector<16xi1>, vector<16xf32>
      %select_n3A_1408 = arith.select %or3A_1405, %convert_element_type3A_1220, %broadcast_in_dim3A_1390 : vector<16xi1>, vector<16xf32>
      %eq3A_1409 = vector.broadcast %reduce_min3A_1303 : f32 to vector<16xf32>
      %eq3A_1410 = arith.cmpf oeq, %select_n3A_1243, %eq3A_1409 : vector<16xf32>
      %jit3A_1411 = arith.constant -3.000000e+38 : f32
      %broadcast_in_dim3A_1412 = vector.broadcast %jit3A_1411 : f32 to vector<16xf32>
      %select_n3A_1413 = arith.select %eq3A_1410, %broadcast_in_dim3A_1412, %select_n3A_1240 : vector<16xi1>, vector<16xf32>
      %eq3A_1414 = vector.broadcast %reduce_min3A_1372 : f32 to vector<16xf32>
      %eq3A_1415 = arith.cmpf oeq, %select_n3A_1243, %eq3A_1414 : vector<16xf32>
      %jit3A_1416 = arith.constant -3.000000e+38 : f32
      %broadcast_in_dim3A_1417 = vector.broadcast %jit3A_1416 : f32 to vector<16xf32>
      %select_n3A_1418 = arith.select %eq3A_1415, %broadcast_in_dim3A_1417, %select_n3A_1413 : vector<16xi1>, vector<16xf32>
      %gt3A_1419 = arith.cmpf ogt, %select_n3A_1418, %select_n3A_1406 : vector<16xf32>
      %eq3A_1420 = arith.cmpf oeq, %select_n3A_1418, %select_n3A_1406 : vector<16xf32>
      %lt3A_1421 = arith.cmpf olt, %select_n3A_1243, %select_n3A_1407 : vector<16xf32>
      %and3A_1422 = arith.andi %eq3A_1420, %lt3A_1421 : vector<16xi1>
      %or3A_1423 = arith.ori %gt3A_1419, %and3A_1422 : vector<16xi1>
      %select_n3A_1424 = arith.select %or3A_1423, %select_n3A_1418, %select_n3A_1406 : vector<16xi1>, vector<16xf32>
      %select_n3A_1425 = arith.select %or3A_1423, %select_n3A_1243, %select_n3A_1407 : vector<16xi1>, vector<16xf32>
      %select_n3A_1426 = arith.select %or3A_1423, %convert_element_type3A_1244, %select_n3A_1408 : vector<16xi1>, vector<16xf32>
      %reduce_max3A_1427 = arith.constant true
      %reduce_max3A_1428 = vector.broadcast %reduce_max3A_1427 : i1 to vector<16xi1>
      %reduce_max3A_1429 = tpu.scan <max>, %select_n3A_1424 masked %reduce_max3A_1428 : vector<16xf32>, vector<16xi1> -> vector<16xf32>
      %reduce_max3A_1430 = vector.extract %reduce_max3A_1429[15] : f32 from vector<16xf32>
      %eq3A_1431 = vector.broadcast %reduce_max3A_1430 : f32 to vector<16xf32>
      %eq3A_1432 = arith.cmpf oeq, %select_n3A_1424, %eq3A_1431 : vector<16xf32>
      %jit3A_1433 = arith.constant 1.000000e+09 : f32
      %broadcast_in_dim3A_1434 = vector.broadcast %jit3A_1433 : f32 to vector<16xf32>
      %select_n3A_1435 = arith.select %eq3A_1432, %select_n3A_1425, %broadcast_in_dim3A_1434 : vector<16xi1>, vector<16xf32>
      %reduce_min3A_1436 = arith.constant true
      %reduce_min3A_1437 = vector.broadcast %reduce_min3A_1436 : i1 to vector<16xi1>
      %reduce_min3A_1438 = tpu.scan <min>, %select_n3A_1435 masked %reduce_min3A_1437 : vector<16xf32>, vector<16xi1> -> vector<16xf32>
      %reduce_min3A_1439 = vector.extract %reduce_min3A_1438[15] : f32 from vector<16xf32>
      %eq3A_1440 = vector.broadcast %reduce_max3A_1430 : f32 to vector<16xf32>
      %eq3A_1441 = arith.cmpf oeq, %select_n3A_1424, %eq3A_1440 : vector<16xf32>
      %eq3A_1442 = vector.broadcast %reduce_min3A_1439 : f32 to vector<16xf32>
      %eq3A_1443 = arith.cmpf oeq, %select_n3A_1425, %eq3A_1442 : vector<16xf32>
      %and3A_1444 = arith.andi %eq3A_1441, %eq3A_1443 : vector<16xi1>
      %jit3A_1445 = arith.constant 1.000000e+09 : f32
      %broadcast_in_dim3A_1446 = vector.broadcast %jit3A_1445 : f32 to vector<16xf32>
      %select_n3A_1447 = arith.select %and3A_1444, %select_n3A_1426, %broadcast_in_dim3A_1446 : vector<16xi1>, vector<16xf32>
      %reduce_min3A_1448 = arith.constant true
      %reduce_min3A_1449 = vector.broadcast %reduce_min3A_1448 : i1 to vector<16xi1>
      %reduce_min3A_1450 = tpu.scan <min>, %select_n3A_1447 masked %reduce_min3A_1449 : vector<16xf32>, vector<16xi1> -> vector<16xf32>
      %reduce_min3A_1451 = vector.extract %reduce_min3A_1450[15] : f32 from vector<16xf32>
      %get3A_1452 = arith.constant 32 : index
      %get3A_1453 = tpu.vector_load %arg8[%get3A_1452] {strides = array<i32>} : memref<112xi32, #tpu.memory_space<vmem>>, vector<16xi32>,
      %add3A_1454 = arith.constant 1792 : i32
      %add3A_1455 = vector.broadcast %add3A_1454 : i32 to vector<16xi32>
      %add3A_1456 = arith.addi %get3A_1453, %add3A_1455 : vector<16xi32>
      %add3A_1457 = arith.addi %add3A_1456, %convert_element_type3A_7 : vector<16xi32>
      %gather3A_1458 = tpu.vector_load_idx %arg7[%add3A_1457] : memref<3584xf32, #tpu.memory_space<vmem>>[vector<16xi32>], vector<16xf32>,
      %lt3A_1459 = arith.constant 8 : i32
      %lt3A_1460 = vector.broadcast %lt3A_1459 : i32 to vector<16xi32>
      %lt3A_1461 = arith.cmpi slt, %iota3A, %lt3A_1460 : vector<16xi32>
      %jit3A_1462 = arith.constant -3.000000e+38 : f32
      %broadcast_in_dim3A_1463 = vector.broadcast %jit3A_1462 : f32 to vector<16xf32>
      %select_n3A_1464 = arith.select %lt3A_1461, %gather3A_1458, %broadcast_in_dim3A_1463 : vector<16xi1>, vector<16xf32>
      %reduce_max3A_1465 = arith.constant true
      %reduce_max3A_1466 = vector.broadcast %reduce_max3A_1465 : i1 to vector<16xi1>
      %reduce_max3A_1467 = tpu.scan <max>, %select_n3A_1464 masked %reduce_max3A_1466 : vector<16xf32>, vector<16xi1> -> vector<16xf32>
      %reduce_max3A_1468 = vector.extract %reduce_max3A_1467[15] : f32 from vector<16xf32>
      %gt3A_1469 = arith.constant -1.000000e+29 : f32
      %gt3A_1470 = arith.cmpf ogt, %reduce_max3A_1468, %gt3A_1469 : f32
      %eq3A_1471 = arith.constant 0 : i32
      %eq3A_1472 = vector.broadcast %eq3A_1471 : i32 to vector<16xi32>
      %eq3A_1473 = arith.cmpi eq, %iota3A, %eq3A_1472 : vector<16xi32>
      %eq3A_1474 = arith.constant 1 : i32
      %eq3A_1475 = vector.broadcast %eq3A_1474 : i32 to vector<16xi32>
      %eq3A_1476 = arith.cmpi eq, %iota3A, %eq3A_1475 : vector<16xi32>
      %broadcast_in_dim3A_1477 = vector.broadcast %reduce_min3A_1384 : f32 to vector<16xf32>
      %broadcast_in_dim3A_1478 = vector.broadcast %reduce_min3A_1451 : f32 to vector<16xf32>
      %select_n3A_1479 = arith.select %eq3A_1476, %broadcast_in_dim3A_1477, %broadcast_in_dim3A_1478 : vector<16xi1>, vector<16xf32>
      %broadcast_in_dim3A_1480 = vector.broadcast %reduce_min3A_1315 : f32 to vector<16xf32>
      %select_n3A_1481 = arith.select %eq3A_1473, %broadcast_in_dim3A_1480, %select_n3A_1479 : vector<16xi1>, vector<16xf32>
      %convert_element_type3A_1482 = arith.fptosi %select_n3A_1481 : vector<16xf32> to vector<16xi32>
      %add3A_1483 = arith.constant 48 : i32
      %add3A_1484 = vector.broadcast %add3A_1483 : i32 to vector<16xi32>
      %add3A_1485 = arith.addi %add3A_1484, %convert_element_type3A_1482 : vector<16xi32>
      %add3A_1486 = arith.addi %add3A_1485, %convert_element_type3A_7 : vector<16xi32>
      %gather3A_1487 = tpu.vector_load_idx %arg8[%add3A_1486] : memref<112xi32, #tpu.memory_space<vmem>>[vector<16xi32>], vector<16xi32>,
      %add3A_1488 = arith.constant 80 : i32
      %add3A_1489 = vector.broadcast %add3A_1488 : i32 to vector<16xi32>
      %add3A_1490 = arith.addi %add3A_1489, %convert_element_type3A_1482 : vector<16xi32>
      %add3A_1491 = arith.addi %add3A_1490, %convert_element_type3A_7 : vector<16xi32>
      %gather3A_1492 = tpu.vector_load_idx %arg8[%add3A_1491] : memref<112xi32, #tpu.memory_space<vmem>>[vector<16xi32>], vector<16xi32>,
      %mul3A_1493 = arith.constant 112 : i32
      %mul3A_1494 = vector.broadcast %mul3A_1493 : i32 to vector<16xi32>
      %mul3A_1495 = arith.muli %gather3A_1487, %mul3A_1494 : vector<16xi32>
      %add3A_1496 = arith.constant 1792 : i32
      %add3A_1497 = vector.broadcast %add3A_1496 : i32 to vector<16xi32>
      %add3A_1498 = arith.addi %add3A_1497, %mul3A_1495 : vector<16xi32>
      %add3A_1499 = arith.constant 16 : i32
      %add3A_1500 = vector.broadcast %add3A_1499 : i32 to vector<16xi32>
      %add3A_1501 = arith.addi %add3A_1498, %add3A_1500 : vector<16xi32>
      %add3A_1502 = arith.addi %add3A_1501, %gather3A_1492 : vector<16xi32>
      %eq3A_1503 = arith.constant 0 : i32
      %eq3A_1504 = vector.broadcast %eq3A_1503 : i32 to vector<16xi32>
      %eq3A_1505 = arith.cmpi eq, %iota3A, %eq3A_1504 : vector<16xi32>
      %eq3A_1506 = arith.constant 1 : i32
      %eq3A_1507 = vector.broadcast %eq3A_1506 : i32 to vector<16xi32>
      %eq3A_1508 = arith.cmpi eq, %iota3A, %eq3A_1507 : vector<16xi32>
      %jit3A_1509 = arith.constant 20 : i32
      %jit3A_1510 = arith.constant 21 : i32
      %broadcast_in_dim3A_1511 = vector.broadcast %jit3A_1509 : i32 to vector<16xi32>
      %broadcast_in_dim3A_1512 = vector.broadcast %jit3A_1510 : i32 to vector<16xi32>
      %select_n3A_1513 = arith.select %eq3A_1508, %broadcast_in_dim3A_1511, %broadcast_in_dim3A_1512 : vector<16xi1>, vector<16xi32>
      %jit3A_1514 = arith.constant 579 : i32
      %broadcast_in_dim3A_1515 = vector.broadcast %jit3A_1514 : i32 to vector<16xi32>
      %select_n3A_1516 = arith.select %eq3A_1505, %broadcast_in_dim3A_1515, %select_n3A_1513 : vector<16xi1>, vector<16xi32>
      %add3A_1517 = arith.constant 1792 : i32
      %add3A_1518 = vector.broadcast %add3A_1517 : i32 to vector<16xi32>
      %add3A_1519 = arith.addi %select_n3A_1516, %add3A_1518 : vector<16xi32>
      %select_n3A_1520 = arith.select %gt3A_1470, %add3A_1502, %add3A_1519 : vector<16xi32>
      %gather3A_1521 = tpu.vector_load_idx %arg7[%select_n3A_1520] : memref<3584xf32, #tpu.memory_space<vmem>>[vector<16xi32>], vector<16xf32>,
      %add3A_1522 = arith.constant 16 : i32
      %add3A_1523 = vector.broadcast %add3A_1522 : i32 to vector<16xi32>
      %add3A_1524 = arith.addi %select_n3A_1520, %add3A_1523 : vector<16xi32>
      %gather3A_1525 = tpu.vector_load_idx %arg7[%add3A_1524] : memref<3584xf32, #tpu.memory_space<vmem>>[vector<16xi32>], vector<16xf32>,
      %add3A_1526 = arith.constant 32 : i32
      %add3A_1527 = vector.broadcast %add3A_1526 : i32 to vector<16xi32>
      %add3A_1528 = arith.addi %select_n3A_1520, %add3A_1527 : vector<16xi32>
      %gather3A_1529 = tpu.vector_load_idx %arg7[%add3A_1528] : memref<3584xf32, #tpu.memory_space<vmem>>[vector<16xi32>], vector<16xf32>,
      %add3A_1530 = arith.constant 48 : i32
      %add3A_1531 = vector.broadcast %add3A_1530 : i32 to vector<16xi32>
      %add3A_1532 = arith.addi %select_n3A_1520, %add3A_1531 : vector<16xi32>
      %gather3A_1533 = tpu.vector_load_idx %arg7[%add3A_1532] : memref<3584xf32, #tpu.memory_space<vmem>>[vector<16xi32>], vector<16xf32>,
      %add3A_1534 = arith.constant 64 : i32
      %add3A_1535 = vector.broadcast %add3A_1534 : i32 to vector<16xi32>
      %add3A_1536 = arith.addi %select_n3A_1520, %add3A_1535 : vector<16xi32>
      %gather3A_1537 = tpu.vector_load_idx %arg7[%add3A_1536] : memref<3584xf32, #tpu.memory_space<vmem>>[vector<16xi32>], vector<16xf32>,
      %add3A_1538 = arith.constant 80 : i32
      %add3A_1539 = vector.broadcast %add3A_1538 : i32 to vector<16xi32>
      %add3A_1540 = arith.addi %select_n3A_1520, %add3A_1539 : vector<16xi32>
      %gather3A_1541 = tpu.vector_load_idx %arg7[%add3A_1540] : memref<3584xf32, #tpu.memory_space<vmem>>[vector<16xi32>], vector<16xf32>,
      %mul3A_1542 = arith.mulf %gather3A_1541, %gather3A_1537 : vector<16xf32>
      %mul3A_1543 = arith.constant 5.000000e-01 : f32
      %mul3A_1544 = vector.broadcast %mul3A_1543 : f32 to vector<16xf32>
      %mul3A_1545 = arith.mulf %gather3A_1529, %mul3A_1544 : vector<16xf32>
      %sub3A_1546 = arith.subf %gather3A_1521, %mul3A_1545 : vector<16xf32>
      %mul3A_1547 = arith.constant 5.000000e-01 : f32
      %mul3A_1548 = vector.broadcast %mul3A_1547 : f32 to vector<16xf32>
      %mul3A_1549 = arith.mulf %gather3A_1533, %mul3A_1548 : vector<16xf32>
      %sub3A_1550 = arith.subf %gather3A_1525, %mul3A_1549 : vector<16xf32>
      %mul3A_1551 = arith.constant 5.000000e-01 : f32
      %mul3A_1552 = vector.broadcast %mul3A_1551 : f32 to vector<16xf32>
      %mul3A_1553 = arith.mulf %gather3A_1529, %mul3A_1552 : vector<16xf32>
      %add3A_1554 = arith.addf %gather3A_1521, %mul3A_1553 : vector<16xf32>
      %mul3A_1555 = arith.constant 5.000000e-01 : f32
      %mul3A_1556 = vector.broadcast %mul3A_1555 : f32 to vector<16xf32>
      %mul3A_1557 = arith.mulf %gather3A_1533, %mul3A_1556 : vector<16xf32>
      %add3A_1558 = arith.addf %gather3A_1525, %mul3A_1557 : vector<16xf32>
      %sub3A_1559 = arith.subf %add3A_1554, %sub3A_1546 : vector<16xf32>
      %sub3A_1560 = arith.subf %add3A_1558, %sub3A_1550 : vector<16xf32>
      %mul3A_1561 = arith.mulf %sub3A_1559, %sub3A_1560 : vector<16xf32>
      %min3A_1562 = arith.minimumf %div3A_1167, %add3A_1554 : vector<16xf32>
      %max3A_1563 = arith.maximumf %div3A_1163, %sub3A_1546 : vector<16xf32>
      %sub3A_1564 = arith.subf %min3A_1562, %max3A_1563 : vector<16xf32>
      %max3A_1565 = arith.constant 0.000000e+00 : f32
      %max3A_1566 = vector.broadcast %max3A_1565 : f32 to vector<16xf32>
      %max3A_1567 = arith.maximumf %sub3A_1564, %max3A_1566 : vector<16xf32>
      %min3A_1568 = arith.minimumf %div3A_1175, %add3A_1558 : vector<16xf32>
      %max3A_1569 = arith.maximumf %div3A_1171, %sub3A_1550 : vector<16xf32>
      %sub3A_1570 = arith.subf %min3A_1568, %max3A_1569 : vector<16xf32>
      %max3A_1571 = arith.constant 0.000000e+00 : f32
      %max3A_1572 = vector.broadcast %max3A_1571 : f32 to vector<16xf32>
      %max3A_1573 = arith.maximumf %sub3A_1570, %max3A_1572 : vector<16xf32>
      %mul3A_1574 = arith.mulf %max3A_1567, %max3A_1573 : vector<16xf32>
      %add3A_1575 = arith.addf %mul3A_1196, %mul3A_1561 : vector<16xf32>
      %sub3A_1576 = arith.subf %add3A_1575, %mul3A_1574 : vector<16xf32>
      %div3A_1577 = arith.divf %mul3A_1574, %sub3A_1576 : vector<16xf32>
      %lt3A_1578 = arith.constant 3 : i32
      %lt3A_1579 = vector.broadcast %lt3A_1578 : i32 to vector<16xi32>
      %lt3A_1580 = arith.cmpi slt, %iota3A, %lt3A_1579 : vector<16xi32>
      %mul3A_1581 = arith.mulf %div3A_1577, %mul3A_1542 : vector<16xf32>
      %jit3A_1582 = arith.constant 0.000000e+00 : f32
      %broadcast_in_dim3A_1583 = vector.broadcast %jit3A_1582 : f32 to vector<16xf32>
      %select_n3A_1584 = arith.select %lt3A_1580, %mul3A_1581, %broadcast_in_dim3A_1583 : vector<16xi1>, vector<16xf32>
      %reduce_sum3A_1585 = arith.constant true
      %reduce_sum3A_1586 = vector.broadcast %reduce_sum3A_1585 : i1 to vector<16xi1>
      %reduce_sum3A_1587 = tpu.scan <sum>, %select_n3A_1584 masked %reduce_sum3A_1586 : vector<16xf32>, vector<16xi1> -> vector<16xf32>
      %reduce_sum3A_1588 = vector.extract %reduce_sum3A_1587[15] : f32 from vector<16xf32>
      %mul3A_1589 = arith.constant 0.333333343 : f32
      %mul3A_1590 = arith.mulf %reduce_sum3A_1588, %mul3A_1589 : f32
      %jit3A_1591 = arith.constant 0.000000e+00 : f32
      %broadcast_in_dim3A_1592 = vector.broadcast %jit3A_1591 : f32 to vector<16xf32>
      %select_n3A_1593 = arith.select %lt3A_1580, %mul3A_1542, %broadcast_in_dim3A_1592 : vector<16xi1>, vector<16xf32>
      %reduce_sum3A_1594 = arith.constant true
      %reduce_sum3A_1595 = vector.broadcast %reduce_sum3A_1594 : i1 to vector<16xi1>
      %reduce_sum3A_1596 = tpu.scan <sum>, %select_n3A_1593 masked %reduce_sum3A_1595 : vector<16xf32>, vector<16xi1> -> vector<16xf32>
      %reduce_sum3A_1597 = vector.extract %reduce_sum3A_1596[15] : f32 from vector<16xf32>
      %mul3A_1598 = arith.constant 0.333333343 : f32
      %mul3A_1599 = arith.mulf %reduce_sum3A_1597, %mul3A_1598 : f32
      %eq3A_1600 = arith.constant 0 : i32
      %eq3A_1601 = vector.broadcast %eq3A_1600 : i32 to vector<16xi32>
      %eq3A_1602 = arith.cmpi eq, %iota3A, %eq3A_1601 : vector<16xi32>
      %jit3A_1603 = arith.constant -3.000000e+38 : f32
      %broadcast_in_dim3A_1604 = vector.broadcast %jit3A_1603 : f32 to vector<16xf32>
      %select_n3A_1605 = arith.select %eq3A_1602, %gather3A_1537, %broadcast_in_dim3A_1604 : vector<16xi1>, vector<16xf32>
      %reduce_max3A_1606 = arith.constant true
      %reduce_max3A_1607 = vector.broadcast %reduce_max3A_1606 : i1 to vector<16xi1>
      %reduce_max3A_1608 = tpu.scan <max>, %select_n3A_1605 masked %reduce_max3A_1607 : vector<16xf32>, vector<16xi1> -> vector<16xf32>
      %reduce_max3A_1609 = vector.extract %reduce_max3A_1608[15] : f32 from vector<16xf32>
      %select_n3A_1610 = arith.select %gt3A_1470, %reduce_max3A_1468, %reduce_max3A_1609 : f32
      %sub3A_1611 = arith.constant 1.000000e+00 : f32
      %sub3A_1612 = arith.subf %sub3A_1611, %mul3A_1590 : f32
      %get3A_1613 = arith.constant 48 : index
      %get3A_1614 = tpu.vector_load %arg6[%get3A_1613] {strides = array<i32>} : memref<64xf32, #tpu.memory_space<vmem>>, vector<16xf32>,
      %iota3A_1615 = tpu.iota {dimensions = array<i32: 0>} : vector<16xi32>
      %broadcast_in_dim3A_1616 = arith.constant 0.000000e+00 : f32
      %broadcast_in_dim3A_1617 = vector.broadcast %broadcast_in_dim3A_1616 : f32 to vector<16xf32>
      %eq3A_1618 = arith.constant 0 : i32
      %eq3A_1619 = vector.broadcast %eq3A_1618 : i32 to vector<16xi32>
      %eq3A_1620 = arith.cmpi eq, %iota3A_1615, %eq3A_1619 : vector<16xi32>
      %jit3A_1621 = arith.constant -3.000000e+38 : f32
      %broadcast_in_dim3A_1622 = vector.broadcast %jit3A_1621 : f32 to vector<16xf32>
      %select_n3A_1623 = arith.select %eq3A_1620, %get3A_1614, %broadcast_in_dim3A_1622 : vector<16xi1>, vector<16xf32>
      %reduce_max3A_1624 = arith.constant true
      %reduce_max3A_1625 = vector.broadcast %reduce_max3A_1624 : i1 to vector<16xi1>
      %reduce_max3A_1626 = tpu.scan <max>, %select_n3A_1623 masked %reduce_max3A_1625 : vector<16xf32>, vector<16xi1> -> vector<16xf32>
      %reduce_max3A_1627 = vector.extract %reduce_max3A_1626[15] : f32 from vector<16xf32>
      %add3A_1628 = vector.broadcast %reduce_max3A_1627 : f32 to vector<16xf32>
      %add3A_1629 = arith.addf %broadcast_in_dim3A_1617, %add3A_1628 : vector<16xf32>
      %broadcast_in_dim3A_1630 = arith.constant 0.000000e+00 : f32
      %broadcast_in_dim3A_1631 = vector.broadcast %broadcast_in_dim3A_1630 : f32 to vector<16xf32>
      %eq3A_1632 = arith.constant 1 : i32
      %eq3A_1633 = vector.broadcast %eq3A_1632 : i32 to vector<16xi32>
      %eq3A_1634 = arith.cmpi eq, %iota3A_1615, %eq3A_1633 : vector<16xi32>
      %jit3A_1635 = arith.constant -3.000000e+38 : f32
      %broadcast_in_dim3A_1636 = vector.broadcast %jit3A_1635 : f32 to vector<16xf32>
      %select_n3A_1637 = arith.select %eq3A_1634, %get3A_1614, %broadcast_in_dim3A_1636 : vector<16xi1>, vector<16xf32>
      %reduce_max3A_1638 = arith.constant true
      %reduce_max3A_1639 = vector.broadcast %reduce_max3A_1638 : i1 to vector<16xi1>
      %reduce_max3A_1640 = tpu.scan <max>, %select_n3A_1637 masked %reduce_max3A_1639 : vector<16xf32>, vector<16xi1> -> vector<16xf32>
      %reduce_max3A_1641 = vector.extract %reduce_max3A_1640[15] : f32 from vector<16xf32>
      %add3A_1642 = vector.broadcast %reduce_max3A_1641 : f32 to vector<16xf32>
      %add3A_1643 = arith.addf %broadcast_in_dim3A_1631, %add3A_1642 : vector<16xf32>
      %broadcast_in_dim3A_1644 = arith.constant 0.000000e+00 : f32
      %broadcast_in_dim3A_1645 = vector.broadcast %broadcast_in_dim3A_1644 : f32 to vector<16xf32>
      %eq3A_1646 = arith.constant 2 : i32
      %eq3A_1647 = vector.broadcast %eq3A_1646 : i32 to vector<16xi32>
      %eq3A_1648 = arith.cmpi eq, %iota3A_1615, %eq3A_1647 : vector<16xi32>
      %jit3A_1649 = arith.constant -3.000000e+38 : f32
      %broadcast_in_dim3A_1650 = vector.broadcast %jit3A_1649 : f32 to vector<16xf32>
      %select_n3A_1651 = arith.select %eq3A_1648, %get3A_1614, %broadcast_in_dim3A_1650 : vector<16xi1>, vector<16xf32>
      %reduce_max3A_1652 = arith.constant true
      %reduce_max3A_1653 = vector.broadcast %reduce_max3A_1652 : i1 to vector<16xi1>
      %reduce_max3A_1654 = tpu.scan <max>, %select_n3A_1651 masked %reduce_max3A_1653 : vector<16xf32>, vector<16xi1> -> vector<16xf32>
      %reduce_max3A_1655 = vector.extract %reduce_max3A_1654[15] : f32 from vector<16xf32>
      %add3A_1656 = vector.broadcast %reduce_max3A_1655 : f32 to vector<16xf32>
      %add3A_1657 = arith.addf %broadcast_in_dim3A_1645, %add3A_1656 : vector<16xf32>
      %broadcast_in_dim3A_1658 = arith.constant 0.000000e+00 : f32
      %broadcast_in_dim3A_1659 = vector.broadcast %broadcast_in_dim3A_1658 : f32 to vector<16xf32>
      %eq3A_1660 = arith.constant 3 : i32
      %eq3A_1661 = vector.broadcast %eq3A_1660 : i32 to vector<16xi32>
      %eq3A_1662 = arith.cmpi eq, %iota3A_1615, %eq3A_1661 : vector<16xi32>
      %jit3A_1663 = arith.constant -3.000000e+38 : f32
      %broadcast_in_dim3A_1664 = vector.broadcast %jit3A_1663 : f32 to vector<16xf32>
      %select_n3A_1665 = arith.select %eq3A_1662, %get3A_1614, %broadcast_in_dim3A_1664 : vector<16xi1>, vector<16xf32>
      %reduce_max3A_1666 = arith.constant true
      %reduce_max3A_1667 = vector.broadcast %reduce_max3A_1666 : i1 to vector<16xi1>
      %reduce_max3A_1668 = tpu.scan <max>, %select_n3A_1665 masked %reduce_max3A_1667 : vector<16xf32>, vector<16xi1> -> vector<16xf32>
      %reduce_max3A_1669 = vector.extract %reduce_max3A_1668[15] : f32 from vector<16xf32>
      %add3A_1670 = vector.broadcast %reduce_max3A_1669 : f32 to vector<16xf32>
      %add3A_1671 = arith.addf %broadcast_in_dim3A_1659, %add3A_1670 : vector<16xf32>
      %broadcast_in_dim3A_1672 = arith.constant 0.000000e+00 : f32
      %broadcast_in_dim3A_1673 = vector.broadcast %broadcast_in_dim3A_1672 : f32 to vector<16xf32>
      %eq3A_1674 = arith.constant 4 : i32
      %eq3A_1675 = vector.broadcast %eq3A_1674 : i32 to vector<16xi32>
      %eq3A_1676 = arith.cmpi eq, %iota3A_1615, %eq3A_1675 : vector<16xi32>
      %jit3A_1677 = arith.constant -3.000000e+38 : f32
      %broadcast_in_dim3A_1678 = vector.broadcast %jit3A_1677 : f32 to vector<16xf32>
      %select_n3A_1679 = arith.select %eq3A_1676, %get3A_1614, %broadcast_in_dim3A_1678 : vector<16xi1>, vector<16xf32>
      %reduce_max3A_1680 = arith.constant true
      %reduce_max3A_1681 = vector.broadcast %reduce_max3A_1680 : i1 to vector<16xi1>
      %reduce_max3A_1682 = tpu.scan <max>, %select_n3A_1679 masked %reduce_max3A_1681 : vector<16xf32>, vector<16xi1> -> vector<16xf32>
      %reduce_max3A_1683 = vector.extract %reduce_max3A_1682[15] : f32 from vector<16xf32>
      %add3A_1684 = vector.broadcast %reduce_max3A_1683 : f32 to vector<16xf32>
      %add3A_1685 = arith.addf %broadcast_in_dim3A_1673, %add3A_1684 : vector<16xf32>
      %broadcast_in_dim3A_1686 = arith.constant 0.000000e+00 : f32
      %broadcast_in_dim3A_1687 = vector.broadcast %broadcast_in_dim3A_1686 : f32 to vector<16xf32>
      %eq3A_1688 = arith.constant 5 : i32
      %eq3A_1689 = vector.broadcast %eq3A_1688 : i32 to vector<16xi32>
      %eq3A_1690 = arith.cmpi eq, %iota3A_1615, %eq3A_1689 : vector<16xi32>
      %jit3A_1691 = arith.constant -3.000000e+38 : f32
      %broadcast_in_dim3A_1692 = vector.broadcast %jit3A_1691 : f32 to vector<16xf32>
      %select_n3A_1693 = arith.select %eq3A_1690, %get3A_1614, %broadcast_in_dim3A_1692 : vector<16xi1>, vector<16xf32>
      %reduce_max3A_1694 = arith.constant true
      %reduce_max3A_1695 = vector.broadcast %reduce_max3A_1694 : i1 to vector<16xi1>
      %reduce_max3A_1696 = tpu.scan <max>, %select_n3A_1693 masked %reduce_max3A_1695 : vector<16xf32>, vector<16xi1> -> vector<16xf32>
      %reduce_max3A_1697 = vector.extract %reduce_max3A_1696[15] : f32 from vector<16xf32>
      %add3A_1698 = vector.broadcast %reduce_max3A_1697 : f32 to vector<16xf32>
      %add3A_1699 = arith.addf %broadcast_in_dim3A_1687, %add3A_1698 : vector<16xf32>
      %mul3A_1700 = arith.constant 6.400000e+02 : f32
      %mul3A_1701 = vector.broadcast %mul3A_1700 : f32 to vector<16xf32>
      %mul3A_1702 = arith.mulf %add3A_1629, %mul3A_1701 : vector<16xf32>
      %div3A_1703 = arith.divf %mul3A_1702, %add3A_1699 : vector<16xf32>
      %mul3A_1704 = arith.constant 6.400000e+02 : f32
      %mul3A_1705 = vector.broadcast %mul3A_1704 : f32 to vector<16xf32>
      %mul3A_1706 = arith.mulf %add3A_1643, %mul3A_1705 : vector<16xf32>
      %div3A_1707 = arith.divf %mul3A_1706, %add3A_1699 : vector<16xf32>
      %mul3A_1708 = arith.constant 6.400000e+02 : f32
      %mul3A_1709 = vector.broadcast %mul3A_1708 : f32 to vector<16xf32>
      %mul3A_1710 = arith.mulf %add3A_1657, %mul3A_1709 : vector<16xf32>
      %div3A_1711 = arith.divf %mul3A_1710, %add3A_1685 : vector<16xf32>
      %mul3A_1712 = arith.constant 6.400000e+02 : f32
      %mul3A_1713 = vector.broadcast %mul3A_1712 : f32 to vector<16xf32>
      %mul3A_1714 = arith.mulf %add3A_1671, %mul3A_1713 : vector<16xf32>
      %div3A_1715 = arith.divf %mul3A_1714, %add3A_1685 : vector<16xf32>
      %sub3A_1716 = arith.subf %div3A_1707, %div3A_1703 : vector<16xf32>
      %sub3A_1717 = arith.subf %div3A_1715, %div3A_1711 : vector<16xf32>
      %mul3A_1718 = arith.constant 1.500000e-01 : f32
      %mul3A_1719 = vector.broadcast %mul3A_1718 : f32 to vector<16xf32>
      %mul3A_1720 = arith.mulf %mul3A_1719, %sub3A_1716 : vector<16xf32>
      %sub3A_1721 = arith.subf %div3A_1703, %mul3A_1720 : vector<16xf32>
      %mul3A_1722 = arith.constant 1.500000e-01 : f32
      %mul3A_1723 = vector.broadcast %mul3A_1722 : f32 to vector<16xf32>
      %mul3A_1724 = arith.mulf %mul3A_1723, %sub3A_1716 : vector<16xf32>
      %add3A_1725 = arith.addf %div3A_1707, %mul3A_1724 : vector<16xf32>
      %mul3A_1726 = arith.constant 1.500000e-01 : f32
      %mul3A_1727 = vector.broadcast %mul3A_1726 : f32 to vector<16xf32>
      %mul3A_1728 = arith.mulf %mul3A_1727, %sub3A_1717 : vector<16xf32>
      %sub3A_1729 = arith.subf %div3A_1711, %mul3A_1728 : vector<16xf32>
      %mul3A_1730 = arith.constant 1.500000e-01 : f32
      %mul3A_1731 = vector.broadcast %mul3A_1730 : f32 to vector<16xf32>
      %mul3A_1732 = arith.mulf %mul3A_1731, %sub3A_1717 : vector<16xf32>
      %add3A_1733 = arith.addf %div3A_1715, %mul3A_1732 : vector<16xf32>
      %sub3A_1734 = arith.subf %div3A_1707, %div3A_1703 : vector<16xf32>
      %sub3A_1735 = arith.subf %div3A_1715, %div3A_1711 : vector<16xf32>
      %mul3A_1736 = arith.mulf %sub3A_1734, %sub3A_1735 : vector<16xf32>
      %add3A_1737 = arith.constant 0 : i32
      %add3A_1738 = vector.broadcast %add3A_1737 : i32 to vector<16xi32>
      %add3A_1739 = arith.addi %add3A_1738, %iota3A : vector<16xi32>
      %lt3A_1740 = arith.constant 24 : i32
      %lt3A_1741 = vector.broadcast %lt3A_1740 : i32 to vector<16xi32>
      %lt3A_1742 = arith.cmpi slt, %add3A_1739, %lt3A_1741 : vector<16xi32>
      %get3A_1743 = arith.constant 0 : index
      %get3A_1744 = tpu.vector_load %arg8[%get3A_1743] {strides = array<i32>} : memref<112xi32, #tpu.memory_space<vmem>>, vector<16xi32>,
      %add3A_1745 = arith.constant 2688 : i32
      %add3A_1746 = vector.broadcast %add3A_1745 : i32 to vector<16xi32>
      %add3A_1747 = arith.addi %get3A_1744, %add3A_1746 : vector<16xi32>
      %add3A_1748 = arith.addi %add3A_1747, %convert_element_type3A_7 : vector<16xi32>
      %gather3A_1749 = tpu.vector_load_idx %arg7[%add3A_1748] : memref<3584xf32, #tpu.memory_space<vmem>>[vector<16xi32>], vector<16xf32>,
      %add3A_1750 = arith.constant 1 : i32
      %add3A_1751 = vector.broadcast %add3A_1750 : i32 to vector<16xi32>
      %add3A_1752 = arith.addi %add3A_1748, %add3A_1751 : vector<16xi32>
      %gather3A_1753 = tpu.vector_load_idx %arg7[%add3A_1752] : memref<3584xf32, #tpu.memory_space<vmem>>[vector<16xi32>], vector<16xf32>,
      %jit3A_1754 = arith.constant -3.000000e+38 : f32
      %broadcast_in_dim3A_1755 = vector.broadcast %jit3A_1754 : f32 to vector<16xf32>
      %select_n3A_1756 = arith.select %lt3A_1742, %gather3A_1749, %broadcast_in_dim3A_1755 : vector<16xi1>, vector<16xf32>
      %jit3A_1757 = arith.constant 1.000000e+09 : f32
      %broadcast_in_dim3A_1758 = vector.broadcast %jit3A_1757 : f32 to vector<16xf32>
      %select_n3A_1759 = arith.select %lt3A_1742, %gather3A_1753, %broadcast_in_dim3A_1758 : vector<16xi1>, vector<16xf32>
      %convert_element_type3A_1760 = arith.sitofp %add3A_1739 : vector<16xi32> to vector<16xf32>
      %add3A_1761 = arith.constant 16 : i32
      %add3A_1762 = vector.broadcast %add3A_1761 : i32 to vector<16xi32>
      %add3A_1763 = arith.addi %add3A_1762, %iota3A : vector<16xi32>
      %lt3A_1764 = arith.constant 24 : i32
      %lt3A_1765 = vector.broadcast %lt3A_1764 : i32 to vector<16xi32>
      %lt3A_1766 = arith.cmpi slt, %add3A_1763, %lt3A_1765 : vector<16xi32>
      %get3A_1767 = arith.constant 16 : index
      %get3A_1768 = tpu.vector_load %arg8[%get3A_1767] {strides = array<i32>} : memref<112xi32, #tpu.memory_space<vmem>>, vector<16xi32>,
      %add3A_1769 = arith.constant 2688 : i32
      %add3A_1770 = vector.broadcast %add3A_1769 : i32 to vector<16xi32>
      %add3A_1771 = arith.addi %get3A_1768, %add3A_1770 : vector<16xi32>
      %add3A_1772 = arith.addi %add3A_1771, %convert_element_type3A_7 : vector<16xi32>
      %gather3A_1773 = tpu.vector_load_idx %arg7[%add3A_1772] : memref<3584xf32, #tpu.memory_space<vmem>>[vector<16xi32>], vector<16xf32>,
      %add3A_1774 = arith.constant 1 : i32
      %add3A_1775 = vector.broadcast %add3A_1774 : i32 to vector<16xi32>
      %add3A_1776 = arith.addi %add3A_1772, %add3A_1775 : vector<16xi32>
      %gather3A_1777 = tpu.vector_load_idx %arg7[%add3A_1776] : memref<3584xf32, #tpu.memory_space<vmem>>[vector<16xi32>], vector<16xf32>,
      %jit3A_1778 = arith.constant -3.000000e+38 : f32
      %broadcast_in_dim3A_1779 = vector.broadcast %jit3A_1778 : f32 to vector<16xf32>
      %select_n3A_1780 = arith.select %lt3A_1766, %gather3A_1773, %broadcast_in_dim3A_1779 : vector<16xi1>, vector<16xf32>
      %jit3A_1781 = arith.constant 1.000000e+09 : f32
      %broadcast_in_dim3A_1782 = vector.broadcast %jit3A_1781 : f32 to vector<16xf32>
      %select_n3A_1783 = arith.select %lt3A_1766, %gather3A_1777, %broadcast_in_dim3A_1782 : vector<16xi1>, vector<16xf32>
      %convert_element_type3A_1784 = arith.sitofp %add3A_1763 : vector<16xi32> to vector<16xf32>
      %broadcast_in_dim3A_1785 = arith.constant -3.000000e+38 : f32
      %broadcast_in_dim3A_1786 = vector.broadcast %broadcast_in_dim3A_1785 : f32 to vector<16xf32>
      %broadcast_in_dim3A_1787 = arith.constant 1.000000e+09 : f32
      %broadcast_in_dim3A_1788 = vector.broadcast %broadcast_in_dim3A_1787 : f32 to vector<16xf32>
      %broadcast_in_dim3A_1789 = arith.constant 1.000000e+09 : f32
      %broadcast_in_dim3A_1790 = vector.broadcast %broadcast_in_dim3A_1789 : f32 to vector<16xf32>
      %eq3A_1791 = arith.constant -1.000000e+00 : f32
      %eq3A_1792 = vector.broadcast %eq3A_1791 : f32 to vector<16xf32>
      %eq3A_1793 = arith.cmpf oeq, %select_n3A_1759, %eq3A_1792 : vector<16xf32>
      %jit3A_1794 = arith.constant -3.000000e+38 : f32
      %broadcast_in_dim3A_1795 = vector.broadcast %jit3A_1794 : f32 to vector<16xf32>
      %select_n3A_1796 = arith.select %eq3A_1793, %broadcast_in_dim3A_1795, %select_n3A_1756 : vector<16xi1>, vector<16xf32>
      %eq3A_1797 = arith.constant -1.000000e+00 : f32
      %eq3A_1798 = vector.broadcast %eq3A_1797 : f32 to vector<16xf32>
      %eq3A_1799 = arith.cmpf oeq, %select_n3A_1759, %eq3A_1798 : vector<16xf32>
      %jit3A_1800 = arith.constant -3.000000e+38 : f32
      %broadcast_in_dim3A_1801 = vector.broadcast %jit3A_1800 : f32 to vector<16xf32>
      %select_n3A_1802 = arith.select %eq3A_1799, %broadcast_in_dim3A_1801, %select_n3A_1796 : vector<16xi1>, vector<16xf32>
      %gt3A_1803 = arith.cmpf ogt, %select_n3A_1802, %broadcast_in_dim3A_1786 : vector<16xf32>
      %eq3A_1804 = arith.cmpf oeq, %select_n3A_1802, %broadcast_in_dim3A_1786 : vector<16xf32>
      %lt3A_1805 = arith.cmpf olt, %select_n3A_1759, %broadcast_in_dim3A_1788 : vector<16xf32>
      %and3A_1806 = arith.andi %eq3A_1804, %lt3A_1805 : vector<16xi1>
      %or3A_1807 = arith.ori %gt3A_1803, %and3A_1806 : vector<16xi1>
      %select_n3A_1808 = arith.select %or3A_1807, %select_n3A_1802, %broadcast_in_dim3A_1786 : vector<16xi1>, vector<16xf32>
      %select_n3A_1809 = arith.select %or3A_1807, %select_n3A_1759, %broadcast_in_dim3A_1788 : vector<16xi1>, vector<16xf32>
      %select_n3A_1810 = arith.select %or3A_1807, %convert_element_type3A_1760, %broadcast_in_dim3A_1790 : vector<16xi1>, vector<16xf32>
      %eq3A_1811 = arith.constant -1.000000e+00 : f32
      %eq3A_1812 = vector.broadcast %eq3A_1811 : f32 to vector<16xf32>
      %eq3A_1813 = arith.cmpf oeq, %select_n3A_1783, %eq3A_1812 : vector<16xf32>
      %jit3A_1814 = arith.constant -3.000000e+38 : f32
      %broadcast_in_dim3A_1815 = vector.broadcast %jit3A_1814 : f32 to vector<16xf32>
      %select_n3A_1816 = arith.select %eq3A_1813, %broadcast_in_dim3A_1815, %select_n3A_1780 : vector<16xi1>, vector<16xf32>
      %eq3A_1817 = arith.constant -1.000000e+00 : f32
      %eq3A_1818 = vector.broadcast %eq3A_1817 : f32 to vector<16xf32>
      %eq3A_1819 = arith.cmpf oeq, %select_n3A_1783, %eq3A_1818 : vector<16xf32>
      %jit3A_1820 = arith.constant -3.000000e+38 : f32
      %broadcast_in_dim3A_1821 = vector.broadcast %jit3A_1820 : f32 to vector<16xf32>
      %select_n3A_1822 = arith.select %eq3A_1819, %broadcast_in_dim3A_1821, %select_n3A_1816 : vector<16xi1>, vector<16xf32>
      %gt3A_1823 = arith.cmpf ogt, %select_n3A_1822, %select_n3A_1808 : vector<16xf32>
      %eq3A_1824 = arith.cmpf oeq, %select_n3A_1822, %select_n3A_1808 : vector<16xf32>
      %lt3A_1825 = arith.cmpf olt, %select_n3A_1783, %select_n3A_1809 : vector<16xf32>
      %and3A_1826 = arith.andi %eq3A_1824, %lt3A_1825 : vector<16xi1>
      %or3A_1827 = arith.ori %gt3A_1823, %and3A_1826 : vector<16xi1>
      %select_n3A_1828 = arith.select %or3A_1827, %select_n3A_1822, %select_n3A_1808 : vector<16xi1>, vector<16xf32>
      %select_n3A_1829 = arith.select %or3A_1827, %select_n3A_1783, %select_n3A_1809 : vector<16xi1>, vector<16xf32>
      %select_n3A_1830 = arith.select %or3A_1827, %convert_element_type3A_1784, %select_n3A_1810 : vector<16xi1>, vector<16xf32>
      %reduce_max3A_1831 = arith.constant true
      %reduce_max3A_1832 = vector.broadcast %reduce_max3A_1831 : i1 to vector<16xi1>
      %reduce_max3A_1833 = tpu.scan <max>, %select_n3A_1828 masked %reduce_max3A_1832 : vector<16xf32>, vector<16xi1> -> vector<16xf32>
      %reduce_max3A_1834 = vector.extract %reduce_max3A_1833[15] : f32 from vector<16xf32>
      %eq3A_1835 = vector.broadcast %reduce_max3A_1834 : f32 to vector<16xf32>
      %eq3A_1836 = arith.cmpf oeq, %select_n3A_1828, %eq3A_1835 : vector<16xf32>
      %jit3A_1837 = arith.constant 1.000000e+09 : f32
      %broadcast_in_dim3A_1838 = vector.broadcast %jit3A_1837 : f32 to vector<16xf32>
      %select_n3A_1839 = arith.select %eq3A_1836, %select_n3A_1829, %broadcast_in_dim3A_1838 : vector<16xi1>, vector<16xf32>
      %reduce_min3A_1840 = arith.constant true
      %reduce_min3A_1841 = vector.broadcast %reduce_min3A_1840 : i1 to vector<16xi1>
      %reduce_min3A_1842 = tpu.scan <min>, %select_n3A_1839 masked %reduce_min3A_1841 : vector<16xf32>, vector<16xi1> -> vector<16xf32>
      %reduce_min3A_1843 = vector.extract %reduce_min3A_1842[15] : f32 from vector<16xf32>
      %eq3A_1844 = vector.broadcast %reduce_max3A_1834 : f32 to vector<16xf32>
      %eq3A_1845 = arith.cmpf oeq, %select_n3A_1828, %eq3A_1844 : vector<16xf32>
      %eq3A_1846 = vector.broadcast %reduce_min3A_1843 : f32 to vector<16xf32>
      %eq3A_1847 = arith.cmpf oeq, %select_n3A_1829, %eq3A_1846 : vector<16xf32>
      %and3A_1848 = arith.andi %eq3A_1845, %eq3A_1847 : vector<16xi1>
      %jit3A_1849 = arith.constant 1.000000e+09 : f32
      %broadcast_in_dim3A_1850 = vector.broadcast %jit3A_1849 : f32 to vector<16xf32>
      %select_n3A_1851 = arith.select %and3A_1848, %select_n3A_1830, %broadcast_in_dim3A_1850 : vector<16xi1>, vector<16xf32>
      %reduce_min3A_1852 = arith.constant true
      %reduce_min3A_1853 = vector.broadcast %reduce_min3A_1852 : i1 to vector<16xi1>
      %reduce_min3A_1854 = tpu.scan <min>, %select_n3A_1851 masked %reduce_min3A_1853 : vector<16xf32>, vector<16xi1> -> vector<16xf32>
      %reduce_min3A_1855 = vector.extract %reduce_min3A_1854[15] : f32 from vector<16xf32>
      %broadcast_in_dim3A_1856 = arith.constant -3.000000e+38 : f32
      %broadcast_in_dim3A_1857 = vector.broadcast %broadcast_in_dim3A_1856 : f32 to vector<16xf32>
      %broadcast_in_dim3A_1858 = arith.constant 1.000000e+09 : f32
      %broadcast_in_dim3A_1859 = vector.broadcast %broadcast_in_dim3A_1858 : f32 to vector<16xf32>
      %broadcast_in_dim3A_1860 = arith.constant 1.000000e+09 : f32
      %broadcast_in_dim3A_1861 = vector.broadcast %broadcast_in_dim3A_1860 : f32 to vector<16xf32>
      %eq3A_1862 = vector.broadcast %reduce_min3A_1843 : f32 to vector<16xf32>
      %eq3A_1863 = arith.cmpf oeq, %select_n3A_1759, %eq3A_1862 : vector<16xf32>
      %jit3A_1864 = arith.constant -3.000000e+38 : f32
      %broadcast_in_dim3A_1865 = vector.broadcast %jit3A_1864 : f32 to vector<16xf32>
      %select_n3A_1866 = arith.select %eq3A_1863, %broadcast_in_dim3A_1865, %select_n3A_1756 : vector<16xi1>, vector<16xf32>
      %eq3A_1867 = arith.constant -1.000000e+00 : f32
      %eq3A_1868 = vector.broadcast %eq3A_1867 : f32 to vector<16xf32>
      %eq3A_1869 = arith.cmpf oeq, %select_n3A_1759, %eq3A_1868 : vector<16xf32>
      %jit3A_1870 = arith.constant -3.000000e+38 : f32
      %broadcast_in_dim3A_1871 = vector.broadcast %jit3A_1870 : f32 to vector<16xf32>
      %select_n3A_1872 = arith.select %eq3A_1869, %broadcast_in_dim3A_1871, %select_n3A_1866 : vector<16xi1>, vector<16xf32>
      %gt3A_1873 = arith.cmpf ogt, %select_n3A_1872, %broadcast_in_dim3A_1857 : vector<16xf32>
      %eq3A_1874 = arith.cmpf oeq, %select_n3A_1872, %broadcast_in_dim3A_1857 : vector<16xf32>
      %lt3A_1875 = arith.cmpf olt, %select_n3A_1759, %broadcast_in_dim3A_1859 : vector<16xf32>
      %and3A_1876 = arith.andi %eq3A_1874, %lt3A_1875 : vector<16xi1>
      %or3A_1877 = arith.ori %gt3A_1873, %and3A_1876 : vector<16xi1>
      %select_n3A_1878 = arith.select %or3A_1877, %select_n3A_1872, %broadcast_in_dim3A_1857 : vector<16xi1>, vector<16xf32>
      %select_n3A_1879 = arith.select %or3A_1877, %select_n3A_1759, %broadcast_in_dim3A_1859 : vector<16xi1>, vector<16xf32>
      %select_n3A_1880 = arith.select %or3A_1877, %convert_element_type3A_1760, %broadcast_in_dim3A_1861 : vector<16xi1>, vector<16xf32>
      %eq3A_1881 = vector.broadcast %reduce_min3A_1843 : f32 to vector<16xf32>
      %eq3A_1882 = arith.cmpf oeq, %select_n3A_1783, %eq3A_1881 : vector<16xf32>
      %jit3A_1883 = arith.constant -3.000000e+38 : f32
      %broadcast_in_dim3A_1884 = vector.broadcast %jit3A_1883 : f32 to vector<16xf32>
      %select_n3A_1885 = arith.select %eq3A_1882, %broadcast_in_dim3A_1884, %select_n3A_1780 : vector<16xi1>, vector<16xf32>
      %eq3A_1886 = arith.constant -1.000000e+00 : f32
      %eq3A_1887 = vector.broadcast %eq3A_1886 : f32 to vector<16xf32>
      %eq3A_1888 = arith.cmpf oeq, %select_n3A_1783, %eq3A_1887 : vector<16xf32>
      %jit3A_1889 = arith.constant -3.000000e+38 : f32
      %broadcast_in_dim3A_1890 = vector.broadcast %jit3A_1889 : f32 to vector<16xf32>
      %select_n3A_1891 = arith.select %eq3A_1888, %broadcast_in_dim3A_1890, %select_n3A_1885 : vector<16xi1>, vector<16xf32>
      %gt3A_1892 = arith.cmpf ogt, %select_n3A_1891, %select_n3A_1878 : vector<16xf32>
      %eq3A_1893 = arith.cmpf oeq, %select_n3A_1891, %select_n3A_1878 : vector<16xf32>
      %lt3A_1894 = arith.cmpf olt, %select_n3A_1783, %select_n3A_1879 : vector<16xf32>
      %and3A_1895 = arith.andi %eq3A_1893, %lt3A_1894 : vector<16xi1>
      %or3A_1896 = arith.ori %gt3A_1892, %and3A_1895 : vector<16xi1>
      %select_n3A_1897 = arith.select %or3A_1896, %select_n3A_1891, %select_n3A_1878 : vector<16xi1>, vector<16xf32>
      %select_n3A_1898 = arith.select %or3A_1896, %select_n3A_1783, %select_n3A_1879 : vector<16xi1>, vector<16xf32>
      %select_n3A_1899 = arith.select %or3A_1896, %convert_element_type3A_1784, %select_n3A_1880 : vector<16xi1>, vector<16xf32>
      %reduce_max3A_1900 = arith.constant true
      %reduce_max3A_1901 = vector.broadcast %reduce_max3A_1900 : i1 to vector<16xi1>
      %reduce_max3A_1902 = tpu.scan <max>, %select_n3A_1897 masked %reduce_max3A_1901 : vector<16xf32>, vector<16xi1> -> vector<16xf32>
      %reduce_max3A_1903 = vector.extract %reduce_max3A_1902[15] : f32 from vector<16xf32>
      %eq3A_1904 = vector.broadcast %reduce_max3A_1903 : f32 to vector<16xf32>
      %eq3A_1905 = arith.cmpf oeq, %select_n3A_1897, %eq3A_1904 : vector<16xf32>
      %jit3A_1906 = arith.constant 1.000000e+09 : f32
      %broadcast_in_dim3A_1907 = vector.broadcast %jit3A_1906 : f32 to vector<16xf32>
      %select_n3A_1908 = arith.select %eq3A_1905, %select_n3A_1898, %broadcast_in_dim3A_1907 : vector<16xi1>, vector<16xf32>
      %reduce_min3A_1909 = arith.constant true
      %reduce_min3A_1910 = vector.broadcast %reduce_min3A_1909 : i1 to vector<16xi1>
      %reduce_min3A_1911 = tpu.scan <min>, %select_n3A_1908 masked %reduce_min3A_1910 : vector<16xf32>, vector<16xi1> -> vector<16xf32>
      %reduce_min3A_1912 = vector.extract %reduce_min3A_1911[15] : f32 from vector<16xf32>
      %eq3A_1913 = vector.broadcast %reduce_max3A_1903 : f32 to vector<16xf32>
      %eq3A_1914 = arith.cmpf oeq, %select_n3A_1897, %eq3A_1913 : vector<16xf32>
      %eq3A_1915 = vector.broadcast %reduce_min3A_1912 : f32 to vector<16xf32>
      %eq3A_1916 = arith.cmpf oeq, %select_n3A_1898, %eq3A_1915 : vector<16xf32>
      %and3A_1917 = arith.andi %eq3A_1914, %eq3A_1916 : vector<16xi1>
      %jit3A_1918 = arith.constant 1.000000e+09 : f32
      %broadcast_in_dim3A_1919 = vector.broadcast %jit3A_1918 : f32 to vector<16xf32>
      %select_n3A_1920 = arith.select %and3A_1917, %select_n3A_1899, %broadcast_in_dim3A_1919 : vector<16xi1>, vector<16xf32>
      %reduce_min3A_1921 = arith.constant true
      %reduce_min3A_1922 = vector.broadcast %reduce_min3A_1921 : i1 to vector<16xi1>
      %reduce_min3A_1923 = tpu.scan <min>, %select_n3A_1920 masked %reduce_min3A_1922 : vector<16xf32>, vector<16xi1> -> vector<16xf32>
      %reduce_min3A_1924 = vector.extract %reduce_min3A_1923[15] : f32 from vector<16xf32>
      %broadcast_in_dim3A_1925 = arith.constant -3.000000e+38 : f32
      %broadcast_in_dim3A_1926 = vector.broadcast %broadcast_in_dim3A_1925 : f32 to vector<16xf32>
      %broadcast_in_dim3A_1927 = arith.constant 1.000000e+09 : f32
      %broadcast_in_dim3A_1928 = vector.broadcast %broadcast_in_dim3A_1927 : f32 to vector<16xf32>
      %broadcast_in_dim3A_1929 = arith.constant 1.000000e+09 : f32
      %broadcast_in_dim3A_1930 = vector.broadcast %broadcast_in_dim3A_1929 : f32 to vector<16xf32>
      %eq3A_1931 = vector.broadcast %reduce_min3A_1843 : f32 to vector<16xf32>
      %eq3A_1932 = arith.cmpf oeq, %select_n3A_1759, %eq3A_1931 : vector<16xf32>
      %jit3A_1933 = arith.constant -3.000000e+38 : f32
      %broadcast_in_dim3A_1934 = vector.broadcast %jit3A_1933 : f32 to vector<16xf32>
      %select_n3A_1935 = arith.select %eq3A_1932, %broadcast_in_dim3A_1934, %select_n3A_1756 : vector<16xi1>, vector<16xf32>
      %eq3A_1936 = vector.broadcast %reduce_min3A_1912 : f32 to vector<16xf32>
      %eq3A_1937 = arith.cmpf oeq, %select_n3A_1759, %eq3A_1936 : vector<16xf32>
      %jit3A_1938 = arith.constant -3.000000e+38 : f32
      %broadcast_in_dim3A_1939 = vector.broadcast %jit3A_1938 : f32 to vector<16xf32>
      %select_n3A_1940 = arith.select %eq3A_1937, %broadcast_in_dim3A_1939, %select_n3A_1935 : vector<16xi1>, vector<16xf32>
      %gt3A_1941 = arith.cmpf ogt, %select_n3A_1940, %broadcast_in_dim3A_1926 : vector<16xf32>
      %eq3A_1942 = arith.cmpf oeq, %select_n3A_1940, %broadcast_in_dim3A_1926 : vector<16xf32>
      %lt3A_1943 = arith.cmpf olt, %select_n3A_1759, %broadcast_in_dim3A_1928 : vector<16xf32>
      %and3A_1944 = arith.andi %eq3A_1942, %lt3A_1943 : vector<16xi1>
      %or3A_1945 = arith.ori %gt3A_1941, %and3A_1944 : vector<16xi1>
      %select_n3A_1946 = arith.select %or3A_1945, %select_n3A_1940, %broadcast_in_dim3A_1926 : vector<16xi1>, vector<16xf32>
      %select_n3A_1947 = arith.select %or3A_1945, %select_n3A_1759, %broadcast_in_dim3A_1928 : vector<16xi1>, vector<16xf32>
      %select_n3A_1948 = arith.select %or3A_1945, %convert_element_type3A_1760, %broadcast_in_dim3A_1930 : vector<16xi1>, vector<16xf32>
      %eq3A_1949 = vector.broadcast %reduce_min3A_1843 : f32 to vector<16xf32>
      %eq3A_1950 = arith.cmpf oeq, %select_n3A_1783, %eq3A_1949 : vector<16xf32>
      %jit3A_1951 = arith.constant -3.000000e+38 : f32
      %broadcast_in_dim3A_1952 = vector.broadcast %jit3A_1951 : f32 to vector<16xf32>
      %select_n3A_1953 = arith.select %eq3A_1950, %broadcast_in_dim3A_1952, %select_n3A_1780 : vector<16xi1>, vector<16xf32>
      %eq3A_1954 = vector.broadcast %reduce_min3A_1912 : f32 to vector<16xf32>
      %eq3A_1955 = arith.cmpf oeq, %select_n3A_1783, %eq3A_1954 : vector<16xf32>
      %jit3A_1956 = arith.constant -3.000000e+38 : f32
      %broadcast_in_dim3A_1957 = vector.broadcast %jit3A_1956 : f32 to vector<16xf32>
      %select_n3A_1958 = arith.select %eq3A_1955, %broadcast_in_dim3A_1957, %select_n3A_1953 : vector<16xi1>, vector<16xf32>
      %gt3A_1959 = arith.cmpf ogt, %select_n3A_1958, %select_n3A_1946 : vector<16xf32>
      %eq3A_1960 = arith.cmpf oeq, %select_n3A_1958, %select_n3A_1946 : vector<16xf32>
      %lt3A_1961 = arith.cmpf olt, %select_n3A_1783, %select_n3A_1947 : vector<16xf32>
      %and3A_1962 = arith.andi %eq3A_1960, %lt3A_1961 : vector<16xi1>
      %or3A_1963 = arith.ori %gt3A_1959, %and3A_1962 : vector<16xi1>
      %select_n3A_1964 = arith.select %or3A_1963, %select_n3A_1958, %select_n3A_1946 : vector<16xi1>, vector<16xf32>
      %select_n3A_1965 = arith.select %or3A_1963, %select_n3A_1783, %select_n3A_1947 : vector<16xi1>, vector<16xf32>
      %select_n3A_1966 = arith.select %or3A_1963, %convert_element_type3A_1784, %select_n3A_1948 : vector<16xi1>, vector<16xf32>
      %reduce_max3A_1967 = arith.constant true
      %reduce_max3A_1968 = vector.broadcast %reduce_max3A_1967 : i1 to vector<16xi1>
      %reduce_max3A_1969 = tpu.scan <max>, %select_n3A_1964 masked %reduce_max3A_1968 : vector<16xf32>, vector<16xi1> -> vector<16xf32>
      %reduce_max3A_1970 = vector.extract %reduce_max3A_1969[15] : f32 from vector<16xf32>
      %eq3A_1971 = vector.broadcast %reduce_max3A_1970 : f32 to vector<16xf32>
      %eq3A_1972 = arith.cmpf oeq, %select_n3A_1964, %eq3A_1971 : vector<16xf32>
      %jit3A_1973 = arith.constant 1.000000e+09 : f32
      %broadcast_in_dim3A_1974 = vector.broadcast %jit3A_1973 : f32 to vector<16xf32>
      %select_n3A_1975 = arith.select %eq3A_1972, %select_n3A_1965, %broadcast_in_dim3A_1974 : vector<16xi1>, vector<16xf32>
      %reduce_min3A_1976 = arith.constant true
      %reduce_min3A_1977 = vector.broadcast %reduce_min3A_1976 : i1 to vector<16xi1>
      %reduce_min3A_1978 = tpu.scan <min>, %select_n3A_1975 masked %reduce_min3A_1977 : vector<16xf32>, vector<16xi1> -> vector<16xf32>
      %reduce_min3A_1979 = vector.extract %reduce_min3A_1978[15] : f32 from vector<16xf32>
      %eq3A_1980 = vector.broadcast %reduce_max3A_1970 : f32 to vector<16xf32>
      %eq3A_1981 = arith.cmpf oeq, %select_n3A_1964, %eq3A_1980 : vector<16xf32>
      %eq3A_1982 = vector.broadcast %reduce_min3A_1979 : f32 to vector<16xf32>
      %eq3A_1983 = arith.cmpf oeq, %select_n3A_1965, %eq3A_1982 : vector<16xf32>
      %and3A_1984 = arith.andi %eq3A_1981, %eq3A_1983 : vector<16xi1>
      %jit3A_1985 = arith.constant 1.000000e+09 : f32
      %broadcast_in_dim3A_1986 = vector.broadcast %jit3A_1985 : f32 to vector<16xf32>
      %select_n3A_1987 = arith.select %and3A_1984, %select_n3A_1966, %broadcast_in_dim3A_1986 : vector<16xi1>, vector<16xf32>
      %reduce_min3A_1988 = arith.constant true
      %reduce_min3A_1989 = vector.broadcast %reduce_min3A_1988 : i1 to vector<16xi1>
      %reduce_min3A_1990 = tpu.scan <min>, %select_n3A_1987 masked %reduce_min3A_1989 : vector<16xf32>, vector<16xi1> -> vector<16xf32>
      %reduce_min3A_1991 = vector.extract %reduce_min3A_1990[15] : f32 from vector<16xf32>
      %get3A_1992 = arith.constant 32 : index
      %get3A_1993 = tpu.vector_load %arg8[%get3A_1992] {strides = array<i32>} : memref<112xi32, #tpu.memory_space<vmem>>, vector<16xi32>,
      %add3A_1994 = arith.constant 2688 : i32
      %add3A_1995 = vector.broadcast %add3A_1994 : i32 to vector<16xi32>
      %add3A_1996 = arith.addi %get3A_1993, %add3A_1995 : vector<16xi32>
      %add3A_1997 = arith.addi %add3A_1996, %convert_element_type3A_7 : vector<16xi32>
      %gather3A_1998 = tpu.vector_load_idx %arg7[%add3A_1997] : memref<3584xf32, #tpu.memory_space<vmem>>[vector<16xi32>], vector<16xf32>,
      %lt3A_1999 = arith.constant 8 : i32
      %lt3A_2000 = vector.broadcast %lt3A_1999 : i32 to vector<16xi32>
      %lt3A_2001 = arith.cmpi slt, %iota3A, %lt3A_2000 : vector<16xi32>
      %jit3A_2002 = arith.constant -3.000000e+38 : f32
      %broadcast_in_dim3A_2003 = vector.broadcast %jit3A_2002 : f32 to vector<16xf32>
      %select_n3A_2004 = arith.select %lt3A_2001, %gather3A_1998, %broadcast_in_dim3A_2003 : vector<16xi1>, vector<16xf32>
      %reduce_max3A_2005 = arith.constant true
      %reduce_max3A_2006 = vector.broadcast %reduce_max3A_2005 : i1 to vector<16xi1>
      %reduce_max3A_2007 = tpu.scan <max>, %select_n3A_2004 masked %reduce_max3A_2006 : vector<16xf32>, vector<16xi1> -> vector<16xf32>
      %reduce_max3A_2008 = vector.extract %reduce_max3A_2007[15] : f32 from vector<16xf32>
      %gt3A_2009 = arith.constant -1.000000e+29 : f32
      %gt3A_2010 = arith.cmpf ogt, %reduce_max3A_2008, %gt3A_2009 : f32
      %eq3A_2011 = arith.constant 0 : i32
      %eq3A_2012 = vector.broadcast %eq3A_2011 : i32 to vector<16xi32>
      %eq3A_2013 = arith.cmpi eq, %iota3A, %eq3A_2012 : vector<16xi32>
      %eq3A_2014 = arith.constant 1 : i32
      %eq3A_2015 = vector.broadcast %eq3A_2014 : i32 to vector<16xi32>
      %eq3A_2016 = arith.cmpi eq, %iota3A, %eq3A_2015 : vector<16xi32>
      %broadcast_in_dim3A_2017 = vector.broadcast %reduce_min3A_1924 : f32 to vector<16xf32>
      %broadcast_in_dim3A_2018 = vector.broadcast %reduce_min3A_1991 : f32 to vector<16xf32>
      %select_n3A_2019 = arith.select %eq3A_2016, %broadcast_in_dim3A_2017, %broadcast_in_dim3A_2018 : vector<16xi1>, vector<16xf32>
      %broadcast_in_dim3A_2020 = vector.broadcast %reduce_min3A_1855 : f32 to vector<16xf32>
      %select_n3A_2021 = arith.select %eq3A_2013, %broadcast_in_dim3A_2020, %select_n3A_2019 : vector<16xi1>, vector<16xf32>
      %convert_element_type3A_2022 = arith.fptosi %select_n3A_2021 : vector<16xf32> to vector<16xi32>
      %add3A_2023 = arith.constant 48 : i32
      %add3A_2024 = vector.broadcast %add3A_2023 : i32 to vector<16xi32>
      %add3A_2025 = arith.addi %add3A_2024, %convert_element_type3A_2022 : vector<16xi32>
      %add3A_2026 = arith.addi %add3A_2025, %convert_element_type3A_7 : vector<16xi32>
      %gather3A_2027 = tpu.vector_load_idx %arg8[%add3A_2026] : memref<112xi32, #tpu.memory_space<vmem>>[vector<16xi32>], vector<16xi32>,
      %add3A_2028 = arith.constant 80 : i32
      %add3A_2029 = vector.broadcast %add3A_2028 : i32 to vector<16xi32>
      %add3A_2030 = arith.addi %add3A_2029, %convert_element_type3A_2022 : vector<16xi32>
      %add3A_2031 = arith.addi %add3A_2030, %convert_element_type3A_7 : vector<16xi32>
      %gather3A_2032 = tpu.vector_load_idx %arg8[%add3A_2031] : memref<112xi32, #tpu.memory_space<vmem>>[vector<16xi32>], vector<16xi32>,
      %mul3A_2033 = arith.constant 112 : i32
      %mul3A_2034 = vector.broadcast %mul3A_2033 : i32 to vector<16xi32>
      %mul3A_2035 = arith.muli %gather3A_2027, %mul3A_2034 : vector<16xi32>
      %add3A_2036 = arith.constant 2688 : i32
      %add3A_2037 = vector.broadcast %add3A_2036 : i32 to vector<16xi32>
      %add3A_2038 = arith.addi %add3A_2037, %mul3A_2035 : vector<16xi32>
      %add3A_2039 = arith.constant 16 : i32
      %add3A_2040 = vector.broadcast %add3A_2039 : i32 to vector<16xi32>
      %add3A_2041 = arith.addi %add3A_2038, %add3A_2040 : vector<16xi32>
      %add3A_2042 = arith.addi %add3A_2041, %gather3A_2032 : vector<16xi32>
      %eq3A_2043 = arith.constant 0 : i32
      %eq3A_2044 = vector.broadcast %eq3A_2043 : i32 to vector<16xi32>
      %eq3A_2045 = arith.cmpi eq, %iota3A, %eq3A_2044 : vector<16xi32>
      %eq3A_2046 = arith.constant 1 : i32
      %eq3A_2047 = vector.broadcast %eq3A_2046 : i32 to vector<16xi32>
      %eq3A_2048 = arith.cmpi eq, %iota3A, %eq3A_2047 : vector<16xi32>
      %jit3A_2049 = arith.constant 20 : i32
      %jit3A_2050 = arith.constant 21 : i32
      %broadcast_in_dim3A_2051 = vector.broadcast %jit3A_2049 : i32 to vector<16xi32>
      %broadcast_in_dim3A_2052 = vector.broadcast %jit3A_2050 : i32 to vector<16xi32>
      %select_n3A_2053 = arith.select %eq3A_2048, %broadcast_in_dim3A_2051, %broadcast_in_dim3A_2052 : vector<16xi1>, vector<16xi32>
      %jit3A_2054 = arith.constant 579 : i32
      %broadcast_in_dim3A_2055 = vector.broadcast %jit3A_2054 : i32 to vector<16xi32>
      %select_n3A_2056 = arith.select %eq3A_2045, %broadcast_in_dim3A_2055, %select_n3A_2053 : vector<16xi1>, vector<16xi32>
      %add3A_2057 = arith.constant 2688 : i32
      %add3A_2058 = vector.broadcast %add3A_2057 : i32 to vector<16xi32>
      %add3A_2059 = arith.addi %select_n3A_2056, %add3A_2058 : vector<16xi32>
      %select_n3A_2060 = arith.select %gt3A_2010, %add3A_2042, %add3A_2059 : vector<16xi32>
      %gather3A_2061 = tpu.vector_load_idx %arg7[%select_n3A_2060] : memref<3584xf32, #tpu.memory_space<vmem>>[vector<16xi32>], vector<16xf32>,
      %add3A_2062 = arith.constant 16 : i32
      %add3A_2063 = vector.broadcast %add3A_2062 : i32 to vector<16xi32>
      %add3A_2064 = arith.addi %select_n3A_2060, %add3A_2063 : vector<16xi32>
      %gather3A_2065 = tpu.vector_load_idx %arg7[%add3A_2064] : memref<3584xf32, #tpu.memory_space<vmem>>[vector<16xi32>], vector<16xf32>,
      %add3A_2066 = arith.constant 32 : i32
      %add3A_2067 = vector.broadcast %add3A_2066 : i32 to vector<16xi32>
      %add3A_2068 = arith.addi %select_n3A_2060, %add3A_2067 : vector<16xi32>
      %gather3A_2069 = tpu.vector_load_idx %arg7[%add3A_2068] : memref<3584xf32, #tpu.memory_space<vmem>>[vector<16xi32>], vector<16xf32>,
      %add3A_2070 = arith.constant 48 : i32
      %add3A_2071 = vector.broadcast %add3A_2070 : i32 to vector<16xi32>
      %add3A_2072 = arith.addi %select_n3A_2060, %add3A_2071 : vector<16xi32>
      %gather3A_2073 = tpu.vector_load_idx %arg7[%add3A_2072] : memref<3584xf32, #tpu.memory_space<vmem>>[vector<16xi32>], vector<16xf32>,
      %add3A_2074 = arith.constant 64 : i32
      %add3A_2075 = vector.broadcast %add3A_2074 : i32 to vector<16xi32>
      %add3A_2076 = arith.addi %select_n3A_2060, %add3A_2075 : vector<16xi32>
      %gather3A_2077 = tpu.vector_load_idx %arg7[%add3A_2076] : memref<3584xf32, #tpu.memory_space<vmem>>[vector<16xi32>], vector<16xf32>,
      %add3A_2078 = arith.constant 80 : i32
      %add3A_2079 = vector.broadcast %add3A_2078 : i32 to vector<16xi32>
      %add3A_2080 = arith.addi %select_n3A_2060, %add3A_2079 : vector<16xi32>
      %gather3A_2081 = tpu.vector_load_idx %arg7[%add3A_2080] : memref<3584xf32, #tpu.memory_space<vmem>>[vector<16xi32>], vector<16xf32>,
      %mul3A_2082 = arith.mulf %gather3A_2081, %gather3A_2077 : vector<16xf32>
      %mul3A_2083 = arith.constant 5.000000e-01 : f32
      %mul3A_2084 = vector.broadcast %mul3A_2083 : f32 to vector<16xf32>
      %mul3A_2085 = arith.mulf %gather3A_2069, %mul3A_2084 : vector<16xf32>
      %sub3A_2086 = arith.subf %gather3A_2061, %mul3A_2085 : vector<16xf32>
      %mul3A_2087 = arith.constant 5.000000e-01 : f32
      %mul3A_2088 = vector.broadcast %mul3A_2087 : f32 to vector<16xf32>
      %mul3A_2089 = arith.mulf %gather3A_2073, %mul3A_2088 : vector<16xf32>
      %sub3A_2090 = arith.subf %gather3A_2065, %mul3A_2089 : vector<16xf32>
      %mul3A_2091 = arith.constant 5.000000e-01 : f32
      %mul3A_2092 = vector.broadcast %mul3A_2091 : f32 to vector<16xf32>
      %mul3A_2093 = arith.mulf %gather3A_2069, %mul3A_2092 : vector<16xf32>
      %add3A_2094 = arith.addf %gather3A_2061, %mul3A_2093 : vector<16xf32>
      %mul3A_2095 = arith.constant 5.000000e-01 : f32
      %mul3A_2096 = vector.broadcast %mul3A_2095 : f32 to vector<16xf32>
      %mul3A_2097 = arith.mulf %gather3A_2073, %mul3A_2096 : vector<16xf32>
      %add3A_2098 = arith.addf %gather3A_2065, %mul3A_2097 : vector<16xf32>
      %sub3A_2099 = arith.subf %add3A_2094, %sub3A_2086 : vector<16xf32>
      %sub3A_2100 = arith.subf %add3A_2098, %sub3A_2090 : vector<16xf32>
      %mul3A_2101 = arith.mulf %sub3A_2099, %sub3A_2100 : vector<16xf32>
      %min3A_2102 = arith.minimumf %div3A_1707, %add3A_2094 : vector<16xf32>
      %max3A_2103 = arith.maximumf %div3A_1703, %sub3A_2086 : vector<16xf32>
      %sub3A_2104 = arith.subf %min3A_2102, %max3A_2103 : vector<16xf32>
      %max3A_2105 = arith.constant 0.000000e+00 : f32
      %max3A_2106 = vector.broadcast %max3A_2105 : f32 to vector<16xf32>
      %max3A_2107 = arith.maximumf %sub3A_2104, %max3A_2106 : vector<16xf32>
      %min3A_2108 = arith.minimumf %div3A_1715, %add3A_2098 : vector<16xf32>
      %max3A_2109 = arith.maximumf %div3A_1711, %sub3A_2090 : vector<16xf32>
      %sub3A_2110 = arith.subf %min3A_2108, %max3A_2109 : vector<16xf32>
      %max3A_2111 = arith.constant 0.000000e+00 : f32
      %max3A_2112 = vector.broadcast %max3A_2111 : f32 to vector<16xf32>
      %max3A_2113 = arith.maximumf %sub3A_2110, %max3A_2112 : vector<16xf32>
      %mul3A_2114 = arith.mulf %max3A_2107, %max3A_2113 : vector<16xf32>
      %add3A_2115 = arith.addf %mul3A_1736, %mul3A_2101 : vector<16xf32>
      %sub3A_2116 = arith.subf %add3A_2115, %mul3A_2114 : vector<16xf32>
      %div3A_2117 = arith.divf %mul3A_2114, %sub3A_2116 : vector<16xf32>
      %lt3A_2118 = arith.constant 3 : i32
      %lt3A_2119 = vector.broadcast %lt3A_2118 : i32 to vector<16xi32>
      %lt3A_2120 = arith.cmpi slt, %iota3A, %lt3A_2119 : vector<16xi32>
      %mul3A_2121 = arith.mulf %div3A_2117, %mul3A_2082 : vector<16xf32>
      %jit3A_2122 = arith.constant 0.000000e+00 : f32
      %broadcast_in_dim3A_2123 = vector.broadcast %jit3A_2122 : f32 to vector<16xf32>
      %select_n3A_2124 = arith.select %lt3A_2120, %mul3A_2121, %broadcast_in_dim3A_2123 : vector<16xi1>, vector<16xf32>
      %reduce_sum3A_2125 = arith.constant true
      %reduce_sum3A_2126 = vector.broadcast %reduce_sum3A_2125 : i1 to vector<16xi1>
      %reduce_sum3A_2127 = tpu.scan <sum>, %select_n3A_2124 masked %reduce_sum3A_2126 : vector<16xf32>, vector<16xi1> -> vector<16xf32>
      %reduce_sum3A_2128 = vector.extract %reduce_sum3A_2127[15] : f32 from vector<16xf32>
      %mul3A_2129 = arith.constant 0.333333343 : f32
      %mul3A_2130 = arith.mulf %reduce_sum3A_2128, %mul3A_2129 : f32
      %jit3A_2131 = arith.constant 0.000000e+00 : f32
      %broadcast_in_dim3A_2132 = vector.broadcast %jit3A_2131 : f32 to vector<16xf32>
      %select_n3A_2133 = arith.select %lt3A_2120, %mul3A_2082, %broadcast_in_dim3A_2132 : vector<16xi1>, vector<16xf32>
      %reduce_sum3A_2134 = arith.constant true
      %reduce_sum3A_2135 = vector.broadcast %reduce_sum3A_2134 : i1 to vector<16xi1>
      %reduce_sum3A_2136 = tpu.scan <sum>, %select_n3A_2133 masked %reduce_sum3A_2135 : vector<16xf32>, vector<16xi1> -> vector<16xf32>
      %reduce_sum3A_2137 = vector.extract %reduce_sum3A_2136[15] : f32 from vector<16xf32>
      %mul3A_2138 = arith.constant 0.333333343 : f32
      %mul3A_2139 = arith.mulf %reduce_sum3A_2137, %mul3A_2138 : f32
      %eq3A_2140 = arith.constant 0 : i32
      %eq3A_2141 = vector.broadcast %eq3A_2140 : i32 to vector<16xi32>
      %eq3A_2142 = arith.cmpi eq, %iota3A, %eq3A_2141 : vector<16xi32>
      %jit3A_2143 = arith.constant -3.000000e+38 : f32
      %broadcast_in_dim3A_2144 = vector.broadcast %jit3A_2143 : f32 to vector<16xf32>
      %select_n3A_2145 = arith.select %eq3A_2142, %gather3A_2077, %broadcast_in_dim3A_2144 : vector<16xi1>, vector<16xf32>
      %reduce_max3A_2146 = arith.constant true
      %reduce_max3A_2147 = vector.broadcast %reduce_max3A_2146 : i1 to vector<16xi1>
      %reduce_max3A_2148 = tpu.scan <max>, %select_n3A_2145 masked %reduce_max3A_2147 : vector<16xf32>, vector<16xi1> -> vector<16xf32>
      %reduce_max3A_2149 = vector.extract %reduce_max3A_2148[15] : f32 from vector<16xf32>
      %select_n3A_2150 = arith.select %gt3A_2010, %reduce_max3A_2008, %reduce_max3A_2149 : f32
      %sub3A_2151 = arith.constant 1.000000e+00 : f32
      %sub3A_2152 = arith.subf %sub3A_2151, %mul3A_2130 : f32
      %add3A_2153 = arith.addf %select_n3A_530, %select_n3A_1070 : f32
      %add3A_2154 = arith.addf %add3A_2153, %select_n3A_1610 : f32
      %add3A_2155 = arith.addf %add3A_2154, %select_n3A_2150 : f32
      %mul3A_2156 = arith.constant 2.500000e-01 : f32
      %mul3A_2157 = arith.mulf %add3A_2155, %mul3A_2156 : f32
      %add3A_2158 = arith.addf %mul3A_519, %mul3A_1059 : f32
      %add3A_2159 = arith.addf %add3A_2158, %mul3A_1599 : f32
      %add3A_2160 = arith.addf %add3A_2159, %mul3A_2139 : f32
      %mul3A_2161 = arith.constant 2.500000e-01 : f32
      %mul3A_2162 = arith.mulf %add3A_2160, %mul3A_2161 : f32
      %eq3A_2163 = arith.constant 0 : i32
      %eq3A_2164 = vector.broadcast %eq3A_2163 : i32 to vector<16xi32>
      %eq3A_2165 = arith.cmpi eq, %iota3A, %eq3A_2164 : vector<16xi32>
      %jit3A_2166 = arith.constant 0.000000e+00 : f32
      %broadcast_in_dim3A_2167 = vector.broadcast %sub3A_532 : f32 to vector<16xf32>
      %broadcast_in_dim3A_2168 = vector.broadcast %jit3A_2166 : f32 to vector<16xf32>
      %select_n3A_2169 = arith.select %eq3A_2165, %broadcast_in_dim3A_2167, %broadcast_in_dim3A_2168 : vector<16xi1>, vector<16xf32>
      %eq3A_2170 = arith.constant 1 : i32
      %eq3A_2171 = vector.broadcast %eq3A_2170 : i32 to vector<16xi32>
      %eq3A_2172 = arith.cmpi eq, %iota3A, %eq3A_2171 : vector<16xi32>
      %jit3A_2173 = arith.constant 0.000000e+00 : f32
      %broadcast_in_dim3A_2174 = vector.broadcast %sub3A_1072 : f32 to vector<16xf32>
      %broadcast_in_dim3A_2175 = vector.broadcast %jit3A_2173 : f32 to vector<16xf32>
      %select_n3A_2176 = arith.select %eq3A_2172, %broadcast_in_dim3A_2174, %broadcast_in_dim3A_2175 : vector<16xi1>, vector<16xf32>
      %add3A_2177 = arith.addf %select_n3A_2169, %select_n3A_2176 : vector<16xf32>
      %eq3A_2178 = arith.constant 2 : i32
      %eq3A_2179 = vector.broadcast %eq3A_2178 : i32 to vector<16xi32>
      %eq3A_2180 = arith.cmpi eq, %iota3A, %eq3A_2179 : vector<16xi32>
      %jit3A_2181 = arith.constant 0.000000e+00 : f32
      %broadcast_in_dim3A_2182 = vector.broadcast %sub3A_1612 : f32 to vector<16xf32>
      %broadcast_in_dim3A_2183 = vector.broadcast %jit3A_2181 : f32 to vector<16xf32>
      %select_n3A_2184 = arith.select %eq3A_2180, %broadcast_in_dim3A_2182, %broadcast_in_dim3A_2183 : vector<16xi1>, vector<16xf32>
      %add3A_2185 = arith.addf %add3A_2177, %select_n3A_2184 : vector<16xf32>
      %eq3A_2186 = arith.constant 3 : i32
      %eq3A_2187 = vector.broadcast %eq3A_2186 : i32 to vector<16xi32>
      %eq3A_2188 = arith.cmpi eq, %iota3A, %eq3A_2187 : vector<16xi32>
      %jit3A_2189 = arith.constant 0.000000e+00 : f32
      %broadcast_in_dim3A_2190 = vector.broadcast %sub3A_2152 : f32 to vector<16xf32>
      %broadcast_in_dim3A_2191 = vector.broadcast %jit3A_2189 : f32 to vector<16xf32>
      %select_n3A_2192 = arith.select %eq3A_2188, %broadcast_in_dim3A_2190, %broadcast_in_dim3A_2191 : vector<16xi1>, vector<16xf32>
      %add3A_2193 = arith.addf %add3A_2185, %select_n3A_2192 : vector<16xf32>
      %eq3A_2194 = arith.constant 4 : i32
      %eq3A_2195 = vector.broadcast %eq3A_2194 : i32 to vector<16xi32>
      %eq3A_2196 = arith.cmpi eq, %iota3A, %eq3A_2195 : vector<16xi32>
      %jit3A_2197 = arith.constant 0.000000e+00 : f32
      %broadcast_in_dim3A_2198 = vector.broadcast %mul3A_2157 : f32 to vector<16xf32>
      %broadcast_in_dim3A_2199 = vector.broadcast %jit3A_2197 : f32 to vector<16xf32>
      %select_n3A_2200 = arith.select %eq3A_2196, %broadcast_in_dim3A_2198, %broadcast_in_dim3A_2199 : vector<16xi1>, vector<16xf32>
      %add3A_2201 = arith.addf %add3A_2193, %select_n3A_2200 : vector<16xf32>
      %eq3A_2202 = arith.constant 5 : i32
      %eq3A_2203 = vector.broadcast %eq3A_2202 : i32 to vector<16xi32>
      %eq3A_2204 = arith.cmpi eq, %iota3A, %eq3A_2203 : vector<16xi32>
      %jit3A_2205 = arith.constant 0.000000e+00 : f32
      %broadcast_in_dim3A_2206 = vector.broadcast %mul3A_2162 : f32 to vector<16xf32>
      %broadcast_in_dim3A_2207 = vector.broadcast %jit3A_2205 : f32 to vector<16xf32>
      %select_n3A_2208 = arith.select %eq3A_2204, %broadcast_in_dim3A_2206, %broadcast_in_dim3A_2207 : vector<16xi1>, vector<16xf32>
      %add3A_2209 = arith.addf %add3A_2201, %select_n3A_2208 : vector<16xf32>
      %eq3A_2210 = arith.constant 6 : i32
      %eq3A_2211 = vector.broadcast %eq3A_2210 : i32 to vector<16xi32>
      %eq3A_2212 = arith.cmpi eq, %iota3A, %eq3A_2211 : vector<16xi32>
      %jit3A_2213 = arith.constant 0.000000e+00 : f32
      %broadcast_in_dim3A_2214 = vector.broadcast %mul3A_2130 : f32 to vector<16xf32>
      %broadcast_in_dim3A_2215 = vector.broadcast %jit3A_2213 : f32 to vector<16xf32>
      %select_n3A_2216 = arith.select %eq3A_2212, %broadcast_in_dim3A_2214, %broadcast_in_dim3A_2215 : vector<16xi1>, vector<16xf32>
      %add3A_2217 = arith.addf %add3A_2209, %select_n3A_2216 : vector<16xf32>
      %swap3A = arith.constant 0 : index
      %swap3A_2218 = tpu.vector_load %arg9[%swap3A] {strides = array<i32>} : memref<16xf32, #tpu.memory_space<vmem>>, vector<16xf32>,
      tpu.vector_store %arg9[%swap3A], %add3A_2217 {strides = array<i32>} : memref<16xf32, #tpu.memory_space<vmem>>, vector<16xf32>,
      "tpu.region"() ({
        %run_scoped3A = tpu.sem_alloc : memref<!tpu.dma_semaphore, #tpu.memory_space<semaphore_mem>>
        tpu.enqueue_dma source(%arg9 : memref<16xf32, #tpu.memory_space<vmem>>) target(%arg5 : memref<16xf32, #tpu.memory_space<hbm>>) target_semaphore(%run_scoped3A : memref<!tpu.dma_semaphore, #tpu.memory_space<semaphore_mem>>)
        tpu.wait_dma2 semaphore(%run_scoped3A : memref<!tpu.dma_semaphore, #tpu.memory_space<semaphore_mem>>) src(%arg9 : memref<16xf32, #tpu.memory_space<vmem>>) dst(%arg5 : memref<16xf32, #tpu.memory_space<hbm>>)
        tpu.yield
      }) : () -> ()
    } else {
    }
    return
  }
}

#map = affine_map<(d0, d1) -> (0, 0, 0)>
#map1 = affine_map<(d0, d1) -> (0)>
module attributes {stable_mosaic.version = 14 : i64} {
  func.func @_scan_kernel(%arg0: i32, %arg1: i32, %arg2: memref<85x4x25200xf32, #tpu.memory_space<hbm>>, %arg3: memref<64xf32, #tpu.memory_space<hbm>>, %arg4: memref<3584xf32, #tpu.memory_space<hbm>>, %arg5: memref<19200xf32, #tpu.memory_space<vmem>>, %arg6: memref<64xf32, #tpu.memory_space<vmem>>, %arg7: memref<112xf32, #tpu.memory_space<vmem>>, %arg8: memref<!tpu.dma_semaphore, #tpu.memory_space<semaphore_mem>>) attributes {dimension_semantics = [#tpu.dimension_semantics<core_parallel>, #tpu.dimension_semantics<subcore_parallel>], iteration_bounds = array<i64: 2, 16>, scalar_prefetch = 0 : i64, scratch_operands = 4 : i64, tpu.core_type = #tpu.core_type<sc_vector_subcore>, window_params = [{transform_indices = #map}, {transform_indices = #map1}, {transform_indices = #map1}]} {
    %mul3A = arith.constant 16 : i32
    %mul3A_0 = arith.muli %arg0, %mul3A : i32
    %add3A = arith.addi %mul3A_0, %arg1 : i32
    %shift_right_arithmetic3A = arith.constant 3 : i32
    %shift_right_arithmetic3A_1 = arith.shrsi %add3A, %shift_right_arithmetic3A : i32
    %and3A = arith.constant 7 : i32
    %and3A_2 = arith.andi %add3A, %and3A : i32
    %mul3A_3 = arith.constant 3200 : i32
    %mul3A_4 = arith.muli %and3A_2, %mul3A_3 : i32
    %min3A = arith.constant 22016 : i32
    %min3A_5 = arith.minsi %mul3A_4, %min3A : i32
    %sub3A = arith.subi %mul3A_4, %min3A_5 : i32
    %sub3A_6 = arith.constant 25200 : i32
    %sub3A_7 = arith.subi %sub3A_6, %mul3A_4 : i32
    %min3A_8 = arith.constant 3200 : i32
    %min3A_9 = arith.minsi %min3A_8, %sub3A_7 : i32
    %iota3A = tpu.iota {dimensions = array<i32: 0>} : vector<16xi32>
    "tpu.region"() ({
      %run_scoped3A = tpu.sem_alloc : memref<!tpu.dma_semaphore, #tpu.memory_space<semaphore_mem>>
      tpu.enqueue_dma source(%arg3 : memref<64xf32, #tpu.memory_space<hbm>>) target(%arg6 : memref<64xf32, #tpu.memory_space<vmem>>) target_semaphore(%run_scoped3A : memref<!tpu.dma_semaphore, #tpu.memory_space<semaphore_mem>>)
      tpu.wait_dma2 semaphore(%run_scoped3A : memref<!tpu.dma_semaphore, #tpu.memory_space<semaphore_mem>>) src(%arg3 : memref<64xf32, #tpu.memory_space<hbm>>) dst(%arg6 : memref<64xf32, #tpu.memory_space<vmem>>)
      tpu.yield
    }) : () -> ()
    %multiple_of3A = tpu.assume_multiple %min3A_5, 128 : i32
    %dma_start3A = arith.constant 0 : i32
    %dma_start3A_10 = arith.constant 0 : i32
    %dma_start3A_11 = tpu.memref_slice %arg5[%dma_start3A_10] : memref<19200xf32, #tpu.memory_space<vmem>> -> memref<3200xf32, #tpu.memory_space<vmem>>
    %dma_start3A_12 = tpu.memref_slice %arg2[%dma_start3A, %shift_right_arithmetic3A_1, %multiple_of3A] : memref<85x4x25200xf32, #tpu.memory_space<hbm>> -> memref<1x1x3200xf32, #tpu.memory_space<hbm>>
    %dma_start3A_13 = tpu.memref_squeeze %dma_start3A_12 : memref<1x1x3200xf32, #tpu.memory_space<hbm>> -> memref<3200xf32, #tpu.memory_space<hbm>>
    %dma_start3A_14 = arith.constant 0 : i32
    %dma_start3A_15 = tpu.memref_slice %arg5[%dma_start3A_14] : memref<19200xf32, #tpu.memory_space<vmem>> -> memref<3200xf32, #tpu.memory_space<vmem>>
    %dma_start3A_16 = tpu.memref_slice %arg2[%dma_start3A, %shift_right_arithmetic3A_1, %multiple_of3A] : memref<85x4x25200xf32, #tpu.memory_space<hbm>> -> memref<1x1x3200xf32, #tpu.memory_space<hbm>>
    %dma_start3A_17 = tpu.memref_squeeze %dma_start3A_16 : memref<1x1x3200xf32, #tpu.memory_space<hbm>> -> memref<3200xf32, #tpu.memory_space<hbm>>
    tpu.enqueue_dma source(%dma_start3A_17 : memref<3200xf32, #tpu.memory_space<hbm>>) target(%dma_start3A_15 : memref<3200xf32, #tpu.memory_space<vmem>>) target_semaphore(%arg8 : memref<!tpu.dma_semaphore, #tpu.memory_space<semaphore_mem>>)
    %multiple_of3A_18 = tpu.assume_multiple %min3A_5, 128 : i32
    %dma_start3A_19 = arith.constant 1 : i32
    %dma_start3A_20 = arith.constant 3200 : i32
    %dma_start3A_21 = tpu.memref_slice %arg5[%dma_start3A_20] : memref<19200xf32, #tpu.memory_space<vmem>> -> memref<3200xf32, #tpu.memory_space<vmem>>
    %dma_start3A_22 = tpu.memref_slice %arg2[%dma_start3A_19, %shift_right_arithmetic3A_1, %multiple_of3A_18] : memref<85x4x25200xf32, #tpu.memory_space<hbm>> -> memref<1x1x3200xf32, #tpu.memory_space<hbm>>
    %dma_start3A_23 = tpu.memref_squeeze %dma_start3A_22 : memref<1x1x3200xf32, #tpu.memory_space<hbm>> -> memref<3200xf32, #tpu.memory_space<hbm>>
    %dma_start3A_24 = arith.constant 3200 : i32
    %dma_start3A_25 = tpu.memref_slice %arg5[%dma_start3A_24] : memref<19200xf32, #tpu.memory_space<vmem>> -> memref<3200xf32, #tpu.memory_space<vmem>>
    %dma_start3A_26 = tpu.memref_slice %arg2[%dma_start3A_19, %shift_right_arithmetic3A_1, %multiple_of3A_18] : memref<85x4x25200xf32, #tpu.memory_space<hbm>> -> memref<1x1x3200xf32, #tpu.memory_space<hbm>>
    %dma_start3A_27 = tpu.memref_squeeze %dma_start3A_26 : memref<1x1x3200xf32, #tpu.memory_space<hbm>> -> memref<3200xf32, #tpu.memory_space<hbm>>
    tpu.enqueue_dma source(%dma_start3A_27 : memref<3200xf32, #tpu.memory_space<hbm>>) target(%dma_start3A_25 : memref<3200xf32, #tpu.memory_space<vmem>>) target_semaphore(%arg8 : memref<!tpu.dma_semaphore, #tpu.memory_space<semaphore_mem>>)
    %multiple_of3A_28 = tpu.assume_multiple %min3A_5, 128 : i32
    %dma_start3A_29 = arith.constant 2 : i32
    %dma_start3A_30 = arith.constant 6400 : i32
    %dma_start3A_31 = tpu.memref_slice %arg5[%dma_start3A_30] : memref<19200xf32, #tpu.memory_space<vmem>> -> memref<3200xf32, #tpu.memory_space<vmem>>
    %dma_start3A_32 = tpu.memref_slice %arg2[%dma_start3A_29, %shift_right_arithmetic3A_1, %multiple_of3A_28] : memref<85x4x25200xf32, #tpu.memory_space<hbm>> -> memref<1x1x3200xf32, #tpu.memory_space<hbm>>
    %dma_start3A_33 = tpu.memref_squeeze %dma_start3A_32 : memref<1x1x3200xf32, #tpu.memory_space<hbm>> -> memref<3200xf32, #tpu.memory_space<hbm>>
    %dma_start3A_34 = arith.constant 6400 : i32
    %dma_start3A_35 = tpu.memref_slice %arg5[%dma_start3A_34] : memref<19200xf32, #tpu.memory_space<vmem>> -> memref<3200xf32, #tpu.memory_space<vmem>>
    %dma_start3A_36 = tpu.memref_slice %arg2[%dma_start3A_29, %shift_right_arithmetic3A_1, %multiple_of3A_28] : memref<85x4x25200xf32, #tpu.memory_space<hbm>> -> memref<1x1x3200xf32, #tpu.memory_space<hbm>>
    %dma_start3A_37 = tpu.memref_squeeze %dma_start3A_36 : memref<1x1x3200xf32, #tpu.memory_space<hbm>> -> memref<3200xf32, #tpu.memory_space<hbm>>
    tpu.enqueue_dma source(%dma_start3A_37 : memref<3200xf32, #tpu.memory_space<hbm>>) target(%dma_start3A_35 : memref<3200xf32, #tpu.memory_space<vmem>>) target_semaphore(%arg8 : memref<!tpu.dma_semaphore, #tpu.memory_space<semaphore_mem>>)
    %multiple_of3A_38 = tpu.assume_multiple %min3A_5, 128 : i32
    %dma_start3A_39 = arith.constant 3 : i32
    %dma_start3A_40 = arith.constant 9600 : i32
    %dma_start3A_41 = tpu.memref_slice %arg5[%dma_start3A_40] : memref<19200xf32, #tpu.memory_space<vmem>> -> memref<3200xf32, #tpu.memory_space<vmem>>
    %dma_start3A_42 = tpu.memref_slice %arg2[%dma_start3A_39, %shift_right_arithmetic3A_1, %multiple_of3A_38] : memref<85x4x25200xf32, #tpu.memory_space<hbm>> -> memref<1x1x3200xf32, #tpu.memory_space<hbm>>
    %dma_start3A_43 = tpu.memref_squeeze %dma_start3A_42 : memref<1x1x3200xf32, #tpu.memory_space<hbm>> -> memref<3200xf32, #tpu.memory_space<hbm>>
    %dma_start3A_44 = arith.constant 9600 : i32
    %dma_start3A_45 = tpu.memref_slice %arg5[%dma_start3A_44] : memref<19200xf32, #tpu.memory_space<vmem>> -> memref<3200xf32, #tpu.memory_space<vmem>>
    %dma_start3A_46 = tpu.memref_slice %arg2[%dma_start3A_39, %shift_right_arithmetic3A_1, %multiple_of3A_38] : memref<85x4x25200xf32, #tpu.memory_space<hbm>> -> memref<1x1x3200xf32, #tpu.memory_space<hbm>>
    %dma_start3A_47 = tpu.memref_squeeze %dma_start3A_46 : memref<1x1x3200xf32, #tpu.memory_space<hbm>> -> memref<3200xf32, #tpu.memory_space<hbm>>
    tpu.enqueue_dma source(%dma_start3A_47 : memref<3200xf32, #tpu.memory_space<hbm>>) target(%dma_start3A_45 : memref<3200xf32, #tpu.memory_space<vmem>>) target_semaphore(%arg8 : memref<!tpu.dma_semaphore, #tpu.memory_space<semaphore_mem>>)
    %multiple_of3A_48 = tpu.assume_multiple %min3A_5, 128 : i32
    %dma_start3A_49 = arith.constant 4 : i32
    %dma_start3A_50 = arith.constant 12800 : i32
    %dma_start3A_51 = tpu.memref_slice %arg5[%dma_start3A_50] : memref<19200xf32, #tpu.memory_space<vmem>> -> memref<3200xf32, #tpu.memory_space<vmem>>
    %dma_start3A_52 = tpu.memref_slice %arg2[%dma_start3A_49, %shift_right_arithmetic3A_1, %multiple_of3A_48] : memref<85x4x25200xf32, #tpu.memory_space<hbm>> -> memref<1x1x3200xf32, #tpu.memory_space<hbm>>
    %dma_start3A_53 = tpu.memref_squeeze %dma_start3A_52 : memref<1x1x3200xf32, #tpu.memory_space<hbm>> -> memref<3200xf32, #tpu.memory_space<hbm>>
    %dma_start3A_54 = arith.constant 12800 : i32
    %dma_start3A_55 = tpu.memref_slice %arg5[%dma_start3A_54] : memref<19200xf32, #tpu.memory_space<vmem>> -> memref<3200xf32, #tpu.memory_space<vmem>>
    %dma_start3A_56 = tpu.memref_slice %arg2[%dma_start3A_49, %shift_right_arithmetic3A_1, %multiple_of3A_48] : memref<85x4x25200xf32, #tpu.memory_space<hbm>> -> memref<1x1x3200xf32, #tpu.memory_space<hbm>>
    %dma_start3A_57 = tpu.memref_squeeze %dma_start3A_56 : memref<1x1x3200xf32, #tpu.memory_space<hbm>> -> memref<3200xf32, #tpu.memory_space<hbm>>
    tpu.enqueue_dma source(%dma_start3A_57 : memref<3200xf32, #tpu.memory_space<hbm>>) target(%dma_start3A_55 : memref<3200xf32, #tpu.memory_space<vmem>>) target_semaphore(%arg8 : memref<!tpu.dma_semaphore, #tpu.memory_space<semaphore_mem>>)
    %multiple_of3A_58 = tpu.assume_multiple %min3A_5, 128 : i32
    %dma_start3A_59 = arith.constant 16 : i32
    %dma_start3A_60 = arith.constant 16000 : i32
    %dma_start3A_61 = tpu.memref_slice %arg5[%dma_start3A_60] : memref<19200xf32, #tpu.memory_space<vmem>> -> memref<3200xf32, #tpu.memory_space<vmem>>
    %dma_start3A_62 = tpu.memref_slice %arg2[%dma_start3A_59, %shift_right_arithmetic3A_1, %multiple_of3A_58] : memref<85x4x25200xf32, #tpu.memory_space<hbm>> -> memref<1x1x3200xf32, #tpu.memory_space<hbm>>
    %dma_start3A_63 = tpu.memref_squeeze %dma_start3A_62 : memref<1x1x3200xf32, #tpu.memory_space<hbm>> -> memref<3200xf32, #tpu.memory_space<hbm>>
    %dma_start3A_64 = arith.constant 16000 : i32
    %dma_start3A_65 = tpu.memref_slice %arg5[%dma_start3A_64] : memref<19200xf32, #tpu.memory_space<vmem>> -> memref<3200xf32, #tpu.memory_space<vmem>>
    %dma_start3A_66 = tpu.memref_slice %arg2[%dma_start3A_59, %shift_right_arithmetic3A_1, %multiple_of3A_58] : memref<85x4x25200xf32, #tpu.memory_space<hbm>> -> memref<1x1x3200xf32, #tpu.memory_space<hbm>>
    %dma_start3A_67 = tpu.memref_squeeze %dma_start3A_66 : memref<1x1x3200xf32, #tpu.memory_space<hbm>> -> memref<3200xf32, #tpu.memory_space<hbm>>
    tpu.enqueue_dma source(%dma_start3A_67 : memref<3200xf32, #tpu.memory_space<hbm>>) target(%dma_start3A_65 : memref<3200xf32, #tpu.memory_space<vmem>>) target_semaphore(%arg8 : memref<!tpu.dma_semaphore, #tpu.memory_space<semaphore_mem>>)
    %dma_wait3A = arith.constant 0 : i32
    %dma_wait3A_68 = arith.constant 0 : i32
    %dma_wait3A_69 = tpu.memref_slice %arg5[%dma_wait3A_68] : memref<19200xf32, #tpu.memory_space<vmem>> -> memref<3200xf32, #tpu.memory_space<vmem>>
    %dma_wait3A_70 = tpu.memref_slice %arg2[%dma_wait3A, %shift_right_arithmetic3A_1, %multiple_of3A] : memref<85x4x25200xf32, #tpu.memory_space<hbm>> -> memref<1x1x3200xf32, #tpu.memory_space<hbm>>
    %dma_wait3A_71 = tpu.memref_squeeze %dma_wait3A_70 : memref<1x1x3200xf32, #tpu.memory_space<hbm>> -> memref<3200xf32, #tpu.memory_space<hbm>>
    %dma_wait3A_72 = arith.constant 0 : i32
    %dma_wait3A_73 = tpu.memref_slice %arg5[%dma_wait3A_72] : memref<19200xf32, #tpu.memory_space<vmem>> -> memref<3200xf32, #tpu.memory_space<vmem>>
    %dma_wait3A_74 = tpu.memref_slice %arg2[%dma_wait3A, %shift_right_arithmetic3A_1, %multiple_of3A] : memref<85x4x25200xf32, #tpu.memory_space<hbm>> -> memref<1x1x3200xf32, #tpu.memory_space<hbm>>
    %dma_wait3A_75 = tpu.memref_squeeze %dma_wait3A_74 : memref<1x1x3200xf32, #tpu.memory_space<hbm>> -> memref<3200xf32, #tpu.memory_space<hbm>>
    tpu.wait_dma2 semaphore(%arg8 : memref<!tpu.dma_semaphore, #tpu.memory_space<semaphore_mem>>) src(%dma_wait3A_75 : memref<3200xf32, #tpu.memory_space<hbm>>) dst(%dma_wait3A_73 : memref<3200xf32, #tpu.memory_space<vmem>>)
    %dma_wait3A_76 = arith.constant 1 : i32
    %dma_wait3A_77 = arith.constant 3200 : i32
    %dma_wait3A_78 = tpu.memref_slice %arg5[%dma_wait3A_77] : memref<19200xf32, #tpu.memory_space<vmem>> -> memref<3200xf32, #tpu.memory_space<vmem>>
    %dma_wait3A_79 = tpu.memref_slice %arg2[%dma_wait3A_76, %shift_right_arithmetic3A_1, %multiple_of3A_18] : memref<85x4x25200xf32, #tpu.memory_space<hbm>> -> memref<1x1x3200xf32, #tpu.memory_space<hbm>>
    %dma_wait3A_80 = tpu.memref_squeeze %dma_wait3A_79 : memref<1x1x3200xf32, #tpu.memory_space<hbm>> -> memref<3200xf32, #tpu.memory_space<hbm>>
    %dma_wait3A_81 = arith.constant 3200 : i32
    %dma_wait3A_82 = tpu.memref_slice %arg5[%dma_wait3A_81] : memref<19200xf32, #tpu.memory_space<vmem>> -> memref<3200xf32, #tpu.memory_space<vmem>>
    %dma_wait3A_83 = tpu.memref_slice %arg2[%dma_wait3A_76, %shift_right_arithmetic3A_1, %multiple_of3A_18] : memref<85x4x25200xf32, #tpu.memory_space<hbm>> -> memref<1x1x3200xf32, #tpu.memory_space<hbm>>
    %dma_wait3A_84 = tpu.memref_squeeze %dma_wait3A_83 : memref<1x1x3200xf32, #tpu.memory_space<hbm>> -> memref<3200xf32, #tpu.memory_space<hbm>>
    tpu.wait_dma2 semaphore(%arg8 : memref<!tpu.dma_semaphore, #tpu.memory_space<semaphore_mem>>) src(%dma_wait3A_84 : memref<3200xf32, #tpu.memory_space<hbm>>) dst(%dma_wait3A_82 : memref<3200xf32, #tpu.memory_space<vmem>>)
    %dma_wait3A_85 = arith.constant 2 : i32
    %dma_wait3A_86 = arith.constant 6400 : i32
    %dma_wait3A_87 = tpu.memref_slice %arg5[%dma_wait3A_86] : memref<19200xf32, #tpu.memory_space<vmem>> -> memref<3200xf32, #tpu.memory_space<vmem>>
    %dma_wait3A_88 = tpu.memref_slice %arg2[%dma_wait3A_85, %shift_right_arithmetic3A_1, %multiple_of3A_28] : memref<85x4x25200xf32, #tpu.memory_space<hbm>> -> memref<1x1x3200xf32, #tpu.memory_space<hbm>>
    %dma_wait3A_89 = tpu.memref_squeeze %dma_wait3A_88 : memref<1x1x3200xf32, #tpu.memory_space<hbm>> -> memref<3200xf32, #tpu.memory_space<hbm>>
    %dma_wait3A_90 = arith.constant 6400 : i32
    %dma_wait3A_91 = tpu.memref_slice %arg5[%dma_wait3A_90] : memref<19200xf32, #tpu.memory_space<vmem>> -> memref<3200xf32, #tpu.memory_space<vmem>>
    %dma_wait3A_92 = tpu.memref_slice %arg2[%dma_wait3A_85, %shift_right_arithmetic3A_1, %multiple_of3A_28] : memref<85x4x25200xf32, #tpu.memory_space<hbm>> -> memref<1x1x3200xf32, #tpu.memory_space<hbm>>
    %dma_wait3A_93 = tpu.memref_squeeze %dma_wait3A_92 : memref<1x1x3200xf32, #tpu.memory_space<hbm>> -> memref<3200xf32, #tpu.memory_space<hbm>>
    tpu.wait_dma2 semaphore(%arg8 : memref<!tpu.dma_semaphore, #tpu.memory_space<semaphore_mem>>) src(%dma_wait3A_93 : memref<3200xf32, #tpu.memory_space<hbm>>) dst(%dma_wait3A_91 : memref<3200xf32, #tpu.memory_space<vmem>>)
    %dma_wait3A_94 = arith.constant 3 : i32
    %dma_wait3A_95 = arith.constant 9600 : i32
    %dma_wait3A_96 = tpu.memref_slice %arg5[%dma_wait3A_95] : memref<19200xf32, #tpu.memory_space<vmem>> -> memref<3200xf32, #tpu.memory_space<vmem>>
    %dma_wait3A_97 = tpu.memref_slice %arg2[%dma_wait3A_94, %shift_right_arithmetic3A_1, %multiple_of3A_38] : memref<85x4x25200xf32, #tpu.memory_space<hbm>> -> memref<1x1x3200xf32, #tpu.memory_space<hbm>>
    %dma_wait3A_98 = tpu.memref_squeeze %dma_wait3A_97 : memref<1x1x3200xf32, #tpu.memory_space<hbm>> -> memref<3200xf32, #tpu.memory_space<hbm>>
    %dma_wait3A_99 = arith.constant 9600 : i32
    %dma_wait3A_100 = tpu.memref_slice %arg5[%dma_wait3A_99] : memref<19200xf32, #tpu.memory_space<vmem>> -> memref<3200xf32, #tpu.memory_space<vmem>>
    %dma_wait3A_101 = tpu.memref_slice %arg2[%dma_wait3A_94, %shift_right_arithmetic3A_1, %multiple_of3A_38] : memref<85x4x25200xf32, #tpu.memory_space<hbm>> -> memref<1x1x3200xf32, #tpu.memory_space<hbm>>
    %dma_wait3A_102 = tpu.memref_squeeze %dma_wait3A_101 : memref<1x1x3200xf32, #tpu.memory_space<hbm>> -> memref<3200xf32, #tpu.memory_space<hbm>>
    tpu.wait_dma2 semaphore(%arg8 : memref<!tpu.dma_semaphore, #tpu.memory_space<semaphore_mem>>) src(%dma_wait3A_102 : memref<3200xf32, #tpu.memory_space<hbm>>) dst(%dma_wait3A_100 : memref<3200xf32, #tpu.memory_space<vmem>>)
    %dma_wait3A_103 = arith.constant 4 : i32
    %dma_wait3A_104 = arith.constant 12800 : i32
    %dma_wait3A_105 = tpu.memref_slice %arg5[%dma_wait3A_104] : memref<19200xf32, #tpu.memory_space<vmem>> -> memref<3200xf32, #tpu.memory_space<vmem>>
    %dma_wait3A_106 = tpu.memref_slice %arg2[%dma_wait3A_103, %shift_right_arithmetic3A_1, %multiple_of3A_48] : memref<85x4x25200xf32, #tpu.memory_space<hbm>> -> memref<1x1x3200xf32, #tpu.memory_space<hbm>>
    %dma_wait3A_107 = tpu.memref_squeeze %dma_wait3A_106 : memref<1x1x3200xf32, #tpu.memory_space<hbm>> -> memref<3200xf32, #tpu.memory_space<hbm>>
    %dma_wait3A_108 = arith.constant 12800 : i32
    %dma_wait3A_109 = tpu.memref_slice %arg5[%dma_wait3A_108] : memref<19200xf32, #tpu.memory_space<vmem>> -> memref<3200xf32, #tpu.memory_space<vmem>>
    %dma_wait3A_110 = tpu.memref_slice %arg2[%dma_wait3A_103, %shift_right_arithmetic3A_1, %multiple_of3A_48] : memref<85x4x25200xf32, #tpu.memory_space<hbm>> -> memref<1x1x3200xf32, #tpu.memory_space<hbm>>
    %dma_wait3A_111 = tpu.memref_squeeze %dma_wait3A_110 : memref<1x1x3200xf32, #tpu.memory_space<hbm>> -> memref<3200xf32, #tpu.memory_space<hbm>>
    tpu.wait_dma2 semaphore(%arg8 : memref<!tpu.dma_semaphore, #tpu.memory_space<semaphore_mem>>) src(%dma_wait3A_111 : memref<3200xf32, #tpu.memory_space<hbm>>) dst(%dma_wait3A_109 : memref<3200xf32, #tpu.memory_space<vmem>>)
    %dma_wait3A_112 = arith.constant 16 : i32
    %dma_wait3A_113 = arith.constant 16000 : i32
    %dma_wait3A_114 = tpu.memref_slice %arg5[%dma_wait3A_113] : memref<19200xf32, #tpu.memory_space<vmem>> -> memref<3200xf32, #tpu.memory_space<vmem>>
    %dma_wait3A_115 = tpu.memref_slice %arg2[%dma_wait3A_112, %shift_right_arithmetic3A_1, %multiple_of3A_58] : memref<85x4x25200xf32, #tpu.memory_space<hbm>> -> memref<1x1x3200xf32, #tpu.memory_space<hbm>>
    %dma_wait3A_116 = tpu.memref_squeeze %dma_wait3A_115 : memref<1x1x3200xf32, #tpu.memory_space<hbm>> -> memref<3200xf32, #tpu.memory_space<hbm>>
    %dma_wait3A_117 = arith.constant 16000 : i32
    %dma_wait3A_118 = tpu.memref_slice %arg5[%dma_wait3A_117] : memref<19200xf32, #tpu.memory_space<vmem>> -> memref<3200xf32, #tpu.memory_space<vmem>>
    %dma_wait3A_119 = tpu.memref_slice %arg2[%dma_wait3A_112, %shift_right_arithmetic3A_1, %multiple_of3A_58] : memref<85x4x25200xf32, #tpu.memory_space<hbm>> -> memref<1x1x3200xf32, #tpu.memory_space<hbm>>
    %dma_wait3A_120 = tpu.memref_squeeze %dma_wait3A_119 : memref<1x1x3200xf32, #tpu.memory_space<hbm>> -> memref<3200xf32, #tpu.memory_space<hbm>>
    tpu.wait_dma2 semaphore(%arg8 : memref<!tpu.dma_semaphore, #tpu.memory_space<semaphore_mem>>) src(%dma_wait3A_120 : memref<3200xf32, #tpu.memory_space<hbm>>) dst(%dma_wait3A_118 : memref<3200xf32, #tpu.memory_space<vmem>>)
    %mul3A_121 = arith.constant 16 : i32
    %mul3A_122 = arith.muli %shift_right_arithmetic3A_1, %mul3A_121 : i32
    %get3A = arith.index_cast %mul3A_122 : i32 to index
    %get3A_123 = tpu.vector_load %arg6[%get3A] {strides = array<i32>} : memref<64xf32, #tpu.memory_space<vmem>>, vector<16xf32>,
    %iota3A_124 = tpu.iota {dimensions = array<i32: 0>} : vector<16xi32>
    %broadcast_in_dim3A = arith.constant 0.000000e+00 : f32
    %broadcast_in_dim3A_125 = vector.broadcast %broadcast_in_dim3A : f32 to vector<16xf32>
    %eq3A = arith.constant 0 : i32
    %eq3A_126 = vector.broadcast %eq3A : i32 to vector<16xi32>
    %eq3A_127 = arith.cmpi eq, %iota3A_124, %eq3A_126 : vector<16xi32>
    %jit3A = arith.constant -3.000000e+38 : f32
    %broadcast_in_dim3A_128 = vector.broadcast %jit3A : f32 to vector<16xf32>
    %select_n3A = arith.select %eq3A_127, %get3A_123, %broadcast_in_dim3A_128 : vector<16xi1>, vector<16xf32>
    %reduce_max3A = arith.constant true
    %reduce_max3A_129 = vector.broadcast %reduce_max3A : i1 to vector<16xi1>
    %reduce_max3A_130 = tpu.scan <max>, %select_n3A masked %reduce_max3A_129 : vector<16xf32>, vector<16xi1> -> vector<16xf32>
    %reduce_max3A_131 = vector.extract %reduce_max3A_130[15] : f32 from vector<16xf32>
    %add3A_132 = vector.broadcast %reduce_max3A_131 : f32 to vector<16xf32>
    %add3A_133 = arith.addf %broadcast_in_dim3A_125, %add3A_132 : vector<16xf32>
    %broadcast_in_dim3A_134 = arith.constant 0.000000e+00 : f32
    %broadcast_in_dim3A_135 = vector.broadcast %broadcast_in_dim3A_134 : f32 to vector<16xf32>
    %eq3A_136 = arith.constant 1 : i32
    %eq3A_137 = vector.broadcast %eq3A_136 : i32 to vector<16xi32>
    %eq3A_138 = arith.cmpi eq, %iota3A_124, %eq3A_137 : vector<16xi32>
    %jit3A_139 = arith.constant -3.000000e+38 : f32
    %broadcast_in_dim3A_140 = vector.broadcast %jit3A_139 : f32 to vector<16xf32>
    %select_n3A_141 = arith.select %eq3A_138, %get3A_123, %broadcast_in_dim3A_140 : vector<16xi1>, vector<16xf32>
    %reduce_max3A_142 = arith.constant true
    %reduce_max3A_143 = vector.broadcast %reduce_max3A_142 : i1 to vector<16xi1>
    %reduce_max3A_144 = tpu.scan <max>, %select_n3A_141 masked %reduce_max3A_143 : vector<16xf32>, vector<16xi1> -> vector<16xf32>
    %reduce_max3A_145 = vector.extract %reduce_max3A_144[15] : f32 from vector<16xf32>
    %add3A_146 = vector.broadcast %reduce_max3A_145 : f32 to vector<16xf32>
    %add3A_147 = arith.addf %broadcast_in_dim3A_135, %add3A_146 : vector<16xf32>
    %broadcast_in_dim3A_148 = arith.constant 0.000000e+00 : f32
    %broadcast_in_dim3A_149 = vector.broadcast %broadcast_in_dim3A_148 : f32 to vector<16xf32>
    %eq3A_150 = arith.constant 2 : i32
    %eq3A_151 = vector.broadcast %eq3A_150 : i32 to vector<16xi32>
    %eq3A_152 = arith.cmpi eq, %iota3A_124, %eq3A_151 : vector<16xi32>
    %jit3A_153 = arith.constant -3.000000e+38 : f32
    %broadcast_in_dim3A_154 = vector.broadcast %jit3A_153 : f32 to vector<16xf32>
    %select_n3A_155 = arith.select %eq3A_152, %get3A_123, %broadcast_in_dim3A_154 : vector<16xi1>, vector<16xf32>
    %reduce_max3A_156 = arith.constant true
    %reduce_max3A_157 = vector.broadcast %reduce_max3A_156 : i1 to vector<16xi1>
    %reduce_max3A_158 = tpu.scan <max>, %select_n3A_155 masked %reduce_max3A_157 : vector<16xf32>, vector<16xi1> -> vector<16xf32>
    %reduce_max3A_159 = vector.extract %reduce_max3A_158[15] : f32 from vector<16xf32>
    %add3A_160 = vector.broadcast %reduce_max3A_159 : f32 to vector<16xf32>
    %add3A_161 = arith.addf %broadcast_in_dim3A_149, %add3A_160 : vector<16xf32>
    %broadcast_in_dim3A_162 = arith.constant 0.000000e+00 : f32
    %broadcast_in_dim3A_163 = vector.broadcast %broadcast_in_dim3A_162 : f32 to vector<16xf32>
    %eq3A_164 = arith.constant 3 : i32
    %eq3A_165 = vector.broadcast %eq3A_164 : i32 to vector<16xi32>
    %eq3A_166 = arith.cmpi eq, %iota3A_124, %eq3A_165 : vector<16xi32>
    %jit3A_167 = arith.constant -3.000000e+38 : f32
    %broadcast_in_dim3A_168 = vector.broadcast %jit3A_167 : f32 to vector<16xf32>
    %select_n3A_169 = arith.select %eq3A_166, %get3A_123, %broadcast_in_dim3A_168 : vector<16xi1>, vector<16xf32>
    %reduce_max3A_170 = arith.constant true
    %reduce_max3A_171 = vector.broadcast %reduce_max3A_170 : i1 to vector<16xi1>
    %reduce_max3A_172 = tpu.scan <max>, %select_n3A_169 masked %reduce_max3A_171 : vector<16xf32>, vector<16xi1> -> vector<16xf32>
    %reduce_max3A_173 = vector.extract %reduce_max3A_172[15] : f32 from vector<16xf32>
    %add3A_174 = vector.broadcast %reduce_max3A_173 : f32 to vector<16xf32>
    %add3A_175 = arith.addf %broadcast_in_dim3A_163, %add3A_174 : vector<16xf32>
    %broadcast_in_dim3A_176 = arith.constant 0.000000e+00 : f32
    %broadcast_in_dim3A_177 = vector.broadcast %broadcast_in_dim3A_176 : f32 to vector<16xf32>
    %eq3A_178 = arith.constant 4 : i32
    %eq3A_179 = vector.broadcast %eq3A_178 : i32 to vector<16xi32>
    %eq3A_180 = arith.cmpi eq, %iota3A_124, %eq3A_179 : vector<16xi32>
    %jit3A_181 = arith.constant -3.000000e+38 : f32
    %broadcast_in_dim3A_182 = vector.broadcast %jit3A_181 : f32 to vector<16xf32>
    %select_n3A_183 = arith.select %eq3A_180, %get3A_123, %broadcast_in_dim3A_182 : vector<16xi1>, vector<16xf32>
    %reduce_max3A_184 = arith.constant true
    %reduce_max3A_185 = vector.broadcast %reduce_max3A_184 : i1 to vector<16xi1>
    %reduce_max3A_186 = tpu.scan <max>, %select_n3A_183 masked %reduce_max3A_185 : vector<16xf32>, vector<16xi1> -> vector<16xf32>
    %reduce_max3A_187 = vector.extract %reduce_max3A_186[15] : f32 from vector<16xf32>
    %add3A_188 = vector.broadcast %reduce_max3A_187 : f32 to vector<16xf32>
    %add3A_189 = arith.addf %broadcast_in_dim3A_177, %add3A_188 : vector<16xf32>
    %broadcast_in_dim3A_190 = arith.constant 0.000000e+00 : f32
    %broadcast_in_dim3A_191 = vector.broadcast %broadcast_in_dim3A_190 : f32 to vector<16xf32>
    %eq3A_192 = arith.constant 5 : i32
    %eq3A_193 = vector.broadcast %eq3A_192 : i32 to vector<16xi32>
    %eq3A_194 = arith.cmpi eq, %iota3A_124, %eq3A_193 : vector<16xi32>
    %jit3A_195 = arith.constant -3.000000e+38 : f32
    %broadcast_in_dim3A_196 = vector.broadcast %jit3A_195 : f32 to vector<16xf32>
    %select_n3A_197 = arith.select %eq3A_194, %get3A_123, %broadcast_in_dim3A_196 : vector<16xi1>, vector<16xf32>
    %reduce_max3A_198 = arith.constant true
    %reduce_max3A_199 = vector.broadcast %reduce_max3A_198 : i1 to vector<16xi1>
    %reduce_max3A_200 = tpu.scan <max>, %select_n3A_197 masked %reduce_max3A_199 : vector<16xf32>, vector<16xi1> -> vector<16xf32>
    %reduce_max3A_201 = vector.extract %reduce_max3A_200[15] : f32 from vector<16xf32>
    %add3A_202 = vector.broadcast %reduce_max3A_201 : f32 to vector<16xf32>
    %add3A_203 = arith.addf %broadcast_in_dim3A_191, %add3A_202 : vector<16xf32>
    %mul3A_204 = arith.constant 6.400000e+02 : f32
    %mul3A_205 = vector.broadcast %mul3A_204 : f32 to vector<16xf32>
    %mul3A_206 = arith.mulf %add3A_133, %mul3A_205 : vector<16xf32>
    %div3A = arith.divf %mul3A_206, %add3A_203 : vector<16xf32>
    %mul3A_207 = arith.constant 6.400000e+02 : f32
    %mul3A_208 = vector.broadcast %mul3A_207 : f32 to vector<16xf32>
    %mul3A_209 = arith.mulf %add3A_147, %mul3A_208 : vector<16xf32>
    %div3A_210 = arith.divf %mul3A_209, %add3A_203 : vector<16xf32>
    %mul3A_211 = arith.constant 6.400000e+02 : f32
    %mul3A_212 = vector.broadcast %mul3A_211 : f32 to vector<16xf32>
    %mul3A_213 = arith.mulf %add3A_161, %mul3A_212 : vector<16xf32>
    %div3A_214 = arith.divf %mul3A_213, %add3A_189 : vector<16xf32>
    %mul3A_215 = arith.constant 6.400000e+02 : f32
    %mul3A_216 = vector.broadcast %mul3A_215 : f32 to vector<16xf32>
    %mul3A_217 = arith.mulf %add3A_175, %mul3A_216 : vector<16xf32>
    %div3A_218 = arith.divf %mul3A_217, %add3A_189 : vector<16xf32>
    %sub3A_219 = arith.subf %div3A_210, %div3A : vector<16xf32>
    %sub3A_220 = arith.subf %div3A_218, %div3A_214 : vector<16xf32>
    %mul3A_221 = arith.constant 1.500000e-01 : f32
    %mul3A_222 = vector.broadcast %mul3A_221 : f32 to vector<16xf32>
    %mul3A_223 = arith.mulf %mul3A_222, %sub3A_219 : vector<16xf32>
    %sub3A_224 = arith.subf %div3A, %mul3A_223 : vector<16xf32>
    %mul3A_225 = arith.constant 1.500000e-01 : f32
    %mul3A_226 = vector.broadcast %mul3A_225 : f32 to vector<16xf32>
    %mul3A_227 = arith.mulf %mul3A_226, %sub3A_219 : vector<16xf32>
    %add3A_228 = arith.addf %div3A_210, %mul3A_227 : vector<16xf32>
    %mul3A_229 = arith.constant 1.500000e-01 : f32
    %mul3A_230 = vector.broadcast %mul3A_229 : f32 to vector<16xf32>
    %mul3A_231 = arith.mulf %mul3A_230, %sub3A_220 : vector<16xf32>
    %sub3A_232 = arith.subf %div3A_214, %mul3A_231 : vector<16xf32>
    %mul3A_233 = arith.constant 1.500000e-01 : f32
    %mul3A_234 = vector.broadcast %mul3A_233 : f32 to vector<16xf32>
    %mul3A_235 = arith.mulf %mul3A_234, %sub3A_220 : vector<16xf32>
    %add3A_236 = arith.addf %div3A_218, %mul3A_235 : vector<16xf32>
    %add3A_237 = arith.constant 15 : i32
    %add3A_238 = arith.addi %min3A_9, %add3A_237 : i32
    %shift_right_arithmetic3A_239 = arith.constant 4 : i32
    %shift_right_arithmetic3A_240 = arith.shrsi %add3A_238, %shift_right_arithmetic3A_239 : i32
    %broadcast_in_dim3A_241 = arith.constant -3.000000e+38 : f32
    %broadcast_in_dim3A_242 = vector.broadcast %broadcast_in_dim3A_241 : f32 to vector<16xf32>
    %broadcast_in_dim3A_243 = arith.constant 1073741824 : i32
    %broadcast_in_dim3A_244 = vector.broadcast %broadcast_in_dim3A_243 : i32 to vector<16xi32>
    %broadcast_in_dim3A_245 = arith.constant -1.000000e+30 : f32
    %broadcast_in_dim3A_246 = vector.broadcast %broadcast_in_dim3A_245 : f32 to vector<16xf32>
    %while3A = arith.constant 0 : i32
    %while3A_247 = arith.subi %shift_right_arithmetic3A_240, %while3A : i32
    %while3A_248 = arith.addi %while3A, %while3A_247 : i32
    %while3A_249 = arith.constant 1 : i32
    %while3A_250 = arith.divsi %while3A_247, %while3A_249 : i32
    %while3A_251 = arith.muli %while3A_250, %while3A_249 : i32
    %while3A_252 = arith.addi %while3A, %while3A_251 : i32
    %while3A_253 = arith.constant 1 : i32
    %while3A_254:7 = scf.for %while3A_596 = %while3A to %while3A_252 step %while3A_253 iter_args(%while3A_597 = %broadcast_in_dim3A_246, %while3A_598 = %broadcast_in_dim3A_242, %while3A_599 = %broadcast_in_dim3A_242, %while3A_600 = %broadcast_in_dim3A_242, %while3A_601 = %broadcast_in_dim3A_244, %while3A_602 = %broadcast_in_dim3A_244, %while3A_603 = %broadcast_in_dim3A_244) -> (vector<16xf32>, vector<16xf32>, vector<16xf32>, vector<16xf32>, vector<16xi32>, vector<16xi32>, vector<16xi32>)  : i32 {
      %mul3A_604 = arith.constant 16 : i32
      %mul3A_605 = arith.muli %while3A_596, %mul3A_604 : i32
      %add3A_606 = arith.addi %sub3A, %mul3A_605 : i32
      %get3A_607 = arith.index_cast %add3A_606 : i32 to index
      %get3A_608 = tpu.vector_load %arg5[%get3A_607] {strides = array<i32>} : memref<19200xf32, #tpu.memory_space<vmem>>, vector<16xf32>,
      %add3A_609 = arith.constant 3200 : i32
      %add3A_610 = arith.addi %add3A_609, %add3A_606 : i32
      %get3A_611 = arith.index_cast %add3A_610 : i32 to index
      %get3A_612 = tpu.vector_load %arg5[%get3A_611] {strides = array<i32>} : memref<19200xf32, #tpu.memory_space<vmem>>, vector<16xf32>,
      %add3A_613 = arith.constant 6400 : i32
      %add3A_614 = arith.addi %add3A_613, %add3A_606 : i32
      %get3A_615 = arith.index_cast %add3A_614 : i32 to index
      %get3A_616 = tpu.vector_load %arg5[%get3A_615] {strides = array<i32>} : memref<19200xf32, #tpu.memory_space<vmem>>, vector<16xf32>,
      %add3A_617 = arith.constant 9600 : i32
      %add3A_618 = arith.addi %add3A_617, %add3A_606 : i32
      %get3A_619 = arith.index_cast %add3A_618 : i32 to index
      %get3A_620 = tpu.vector_load %arg5[%get3A_619] {strides = array<i32>} : memref<19200xf32, #tpu.memory_space<vmem>>, vector<16xf32>,
      %add3A_621 = arith.constant 12800 : i32
      %add3A_622 = arith.addi %add3A_621, %add3A_606 : i32
      %get3A_623 = arith.index_cast %add3A_622 : i32 to index
      %get3A_624 = tpu.vector_load %arg5[%get3A_623] {strides = array<i32>} : memref<19200xf32, #tpu.memory_space<vmem>>, vector<16xf32>,
      %add3A_625 = arith.constant 16000 : i32
      %add3A_626 = arith.addi %add3A_625, %add3A_606 : i32
      %get3A_627 = arith.index_cast %add3A_626 : i32 to index
      %get3A_628 = tpu.vector_load %arg5[%get3A_627] {strides = array<i32>} : memref<19200xf32, #tpu.memory_space<vmem>>, vector<16xf32>,
      %mul3A_629 = arith.constant 5.000000e-01 : f32
      %mul3A_630 = vector.broadcast %mul3A_629 : f32 to vector<16xf32>
      %mul3A_631 = arith.mulf %get3A_616, %mul3A_630 : vector<16xf32>
      %sub3A_632 = arith.subf %get3A_608, %mul3A_631 : vector<16xf32>
      %gt3A_633 = arith.cmpf ogt, %sub3A_632, %sub3A_224 : vector<16xf32>
      %mul3A_634 = arith.constant 5.000000e-01 : f32
      %mul3A_635 = vector.broadcast %mul3A_634 : f32 to vector<16xf32>
      %mul3A_636 = arith.mulf %get3A_616, %mul3A_635 : vector<16xf32>
      %add3A_637 = arith.addf %get3A_608, %mul3A_636 : vector<16xf32>
      %lt3A = arith.cmpf olt, %add3A_637, %add3A_228 : vector<16xf32>
      %and3A_638 = arith.andi %gt3A_633, %lt3A : vector<16xi1>
      %mul3A_639 = arith.constant 5.000000e-01 : f32
      %mul3A_640 = vector.broadcast %mul3A_639 : f32 to vector<16xf32>
      %mul3A_641 = arith.mulf %get3A_620, %mul3A_640 : vector<16xf32>
      %sub3A_642 = arith.subf %get3A_612, %mul3A_641 : vector<16xf32>
      %gt3A_643 = arith.cmpf ogt, %sub3A_642, %sub3A_232 : vector<16xf32>
      %and3A_644 = arith.andi %and3A_638, %gt3A_643 : vector<16xi1>
      %mul3A_645 = arith.constant 5.000000e-01 : f32
      %mul3A_646 = vector.broadcast %mul3A_645 : f32 to vector<16xf32>
      %mul3A_647 = arith.mulf %get3A_620, %mul3A_646 : vector<16xf32>
      %add3A_648 = arith.addf %get3A_612, %mul3A_647 : vector<16xf32>
      %lt3A_649 = arith.cmpf olt, %add3A_648, %add3A_236 : vector<16xf32>
      %and3A_650 = arith.andi %and3A_644, %lt3A_649 : vector<16xi1>
      %jit3A_651 = arith.constant -1.000000e+30 : f32
      %broadcast_in_dim3A_652 = vector.broadcast %jit3A_651 : f32 to vector<16xf32>
      %select_n3A_653 = arith.select %and3A_650, %get3A_624, %broadcast_in_dim3A_652 : vector<16xi1>, vector<16xf32>
      %max3A_654 = arith.maximumf %while3A_597, %select_n3A_653 : vector<16xf32>
      %mul3A_655 = arith.mulf %get3A_628, %get3A_624 : vector<16xf32>
      %jit3A_656 = arith.constant -1.000000e+30 : f32
      %broadcast_in_dim3A_657 = vector.broadcast %jit3A_656 : f32 to vector<16xf32>
      %select_n3A_658 = arith.select %and3A_650, %mul3A_655, %broadcast_in_dim3A_657 : vector<16xi1>, vector<16xf32>
      %mul3A_659 = arith.constant 16 : i32
      %mul3A_660 = arith.muli %while3A_596, %mul3A_659 : i32
      %add3A_661 = vector.broadcast %mul3A_660 : i32 to vector<16xi32>
      %add3A_662 = arith.addi %add3A_661, %iota3A : vector<16xi32>
      %gt3A_663 = arith.cmpf ogt, %select_n3A_658, %while3A_598 : vector<16xf32>
      %not3A = arith.constant dense<true> : vector<16xi1>
      %not3A_664 = arith.xori %gt3A_663, %not3A : vector<16xi1>
      %gt3A_665 = arith.cmpf ogt, %select_n3A_658, %while3A_599 : vector<16xf32>
      %and3A_666 = arith.andi %not3A_664, %gt3A_665 : vector<16xi1>
      %not3A_667 = arith.constant dense<true> : vector<16xi1>
      %not3A_668 = arith.xori %gt3A_663, %not3A_667 : vector<16xi1>
      %not3A_669 = arith.constant dense<true> : vector<16xi1>
      %not3A_670 = arith.xori %and3A_666, %not3A_669 : vector<16xi1>
      %and3A_671 = arith.andi %not3A_668, %not3A_670 : vector<16xi1>
      %gt3A_672 = arith.cmpf ogt, %select_n3A_658, %while3A_600 : vector<16xf32>
      %and3A_673 = arith.andi %and3A_671, %gt3A_672 : vector<16xi1>
      %or3A = arith.ori %gt3A_663, %and3A_666 : vector<16xi1>
      %select_n3A_674 = arith.select %and3A_673, %select_n3A_658, %while3A_600 : vector<16xi1>, vector<16xf32>
      %select_n3A_675 = arith.select %or3A, %while3A_599, %select_n3A_674 : vector<16xi1>, vector<16xf32>
      %or3A_676 = arith.ori %gt3A_663, %and3A_666 : vector<16xi1>
      %select_n3A_677 = arith.select %and3A_673, %add3A_662, %while3A_603 : vector<16xi1>, vector<16xi32>
      %select_n3A_678 = arith.select %or3A_676, %while3A_602, %select_n3A_677 : vector<16xi1>, vector<16xi32>
      %select_n3A_679 = arith.select %and3A_666, %select_n3A_658, %while3A_599 : vector<16xi1>, vector<16xf32>
      %select_n3A_680 = arith.select %gt3A_663, %while3A_598, %select_n3A_679 : vector<16xi1>, vector<16xf32>
      %select_n3A_681 = arith.select %and3A_666, %add3A_662, %while3A_602 : vector<16xi1>, vector<16xi32>
      %select_n3A_682 = arith.select %gt3A_663, %while3A_601, %select_n3A_681 : vector<16xi1>, vector<16xi32>
      %select_n3A_683 = arith.select %gt3A_663, %select_n3A_658, %while3A_598 : vector<16xi1>, vector<16xf32>
      %select_n3A_684 = arith.select %gt3A_663, %add3A_662, %while3A_601 : vector<16xi1>, vector<16xi32>
      scf.yield %max3A_654, %select_n3A_683, %select_n3A_680, %select_n3A_675, %select_n3A_684, %select_n3A_682, %select_n3A_678 : vector<16xf32>, vector<16xf32>, vector<16xf32>, vector<16xf32>, vector<16xi32>, vector<16xi32>, vector<16xi32>
    }
    %while3A_255 = arith.constant 1 : i32
    %while3A_256:7 = scf.for %while3A_596 = %while3A_252 to %while3A_248 step %while3A_255 iter_args(%while3A_597 = %while3A_254#0, %while3A_598 = %while3A_254#1, %while3A_599 = %while3A_254#2, %while3A_600 = %while3A_254#3, %while3A_601 = %while3A_254#4, %while3A_602 = %while3A_254#5, %while3A_603 = %while3A_254#6) -> (vector<16xf32>, vector<16xf32>, vector<16xf32>, vector<16xf32>, vector<16xi32>, vector<16xi32>, vector<16xi32>)  : i32 {
      %mul3A_604 = arith.constant 16 : i32
      %mul3A_605 = arith.muli %while3A_596, %mul3A_604 : i32
      %add3A_606 = arith.addi %sub3A, %mul3A_605 : i32
      %get3A_607 = arith.index_cast %add3A_606 : i32 to index
      %get3A_608 = tpu.vector_load %arg5[%get3A_607] {strides = array<i32>} : memref<19200xf32, #tpu.memory_space<vmem>>, vector<16xf32>,
      %add3A_609 = arith.constant 3200 : i32
      %add3A_610 = arith.addi %add3A_609, %add3A_606 : i32
      %get3A_611 = arith.index_cast %add3A_610 : i32 to index
      %get3A_612 = tpu.vector_load %arg5[%get3A_611] {strides = array<i32>} : memref<19200xf32, #tpu.memory_space<vmem>>, vector<16xf32>,
      %add3A_613 = arith.constant 6400 : i32
      %add3A_614 = arith.addi %add3A_613, %add3A_606 : i32
      %get3A_615 = arith.index_cast %add3A_614 : i32 to index
      %get3A_616 = tpu.vector_load %arg5[%get3A_615] {strides = array<i32>} : memref<19200xf32, #tpu.memory_space<vmem>>, vector<16xf32>,
      %add3A_617 = arith.constant 9600 : i32
      %add3A_618 = arith.addi %add3A_617, %add3A_606 : i32
      %get3A_619 = arith.index_cast %add3A_618 : i32 to index
      %get3A_620 = tpu.vector_load %arg5[%get3A_619] {strides = array<i32>} : memref<19200xf32, #tpu.memory_space<vmem>>, vector<16xf32>,
      %add3A_621 = arith.constant 12800 : i32
      %add3A_622 = arith.addi %add3A_621, %add3A_606 : i32
      %get3A_623 = arith.index_cast %add3A_622 : i32 to index
      %get3A_624 = tpu.vector_load %arg5[%get3A_623] {strides = array<i32>} : memref<19200xf32, #tpu.memory_space<vmem>>, vector<16xf32>,
      %add3A_625 = arith.constant 16000 : i32
      %add3A_626 = arith.addi %add3A_625, %add3A_606 : i32
      %get3A_627 = arith.index_cast %add3A_626 : i32 to index
      %get3A_628 = tpu.vector_load %arg5[%get3A_627] {strides = array<i32>} : memref<19200xf32, #tpu.memory_space<vmem>>, vector<16xf32>,
      %mul3A_629 = arith.constant 5.000000e-01 : f32
      %mul3A_630 = vector.broadcast %mul3A_629 : f32 to vector<16xf32>
      %mul3A_631 = arith.mulf %get3A_616, %mul3A_630 : vector<16xf32>
      %sub3A_632 = arith.subf %get3A_608, %mul3A_631 : vector<16xf32>
      %gt3A_633 = arith.cmpf ogt, %sub3A_632, %sub3A_224 : vector<16xf32>
      %mul3A_634 = arith.constant 5.000000e-01 : f32
      %mul3A_635 = vector.broadcast %mul3A_634 : f32 to vector<16xf32>
      %mul3A_636 = arith.mulf %get3A_616, %mul3A_635 : vector<16xf32>
      %add3A_637 = arith.addf %get3A_608, %mul3A_636 : vector<16xf32>
      %lt3A = arith.cmpf olt, %add3A_637, %add3A_228 : vector<16xf32>
      %and3A_638 = arith.andi %gt3A_633, %lt3A : vector<16xi1>
      %mul3A_639 = arith.constant 5.000000e-01 : f32
      %mul3A_640 = vector.broadcast %mul3A_639 : f32 to vector<16xf32>
      %mul3A_641 = arith.mulf %get3A_620, %mul3A_640 : vector<16xf32>
      %sub3A_642 = arith.subf %get3A_612, %mul3A_641 : vector<16xf32>
      %gt3A_643 = arith.cmpf ogt, %sub3A_642, %sub3A_232 : vector<16xf32>
      %and3A_644 = arith.andi %and3A_638, %gt3A_643 : vector<16xi1>
      %mul3A_645 = arith.constant 5.000000e-01 : f32
      %mul3A_646 = vector.broadcast %mul3A_645 : f32 to vector<16xf32>
      %mul3A_647 = arith.mulf %get3A_620, %mul3A_646 : vector<16xf32>
      %add3A_648 = arith.addf %get3A_612, %mul3A_647 : vector<16xf32>
      %lt3A_649 = arith.cmpf olt, %add3A_648, %add3A_236 : vector<16xf32>
      %and3A_650 = arith.andi %and3A_644, %lt3A_649 : vector<16xi1>
      %jit3A_651 = arith.constant -1.000000e+30 : f32
      %broadcast_in_dim3A_652 = vector.broadcast %jit3A_651 : f32 to vector<16xf32>
      %select_n3A_653 = arith.select %and3A_650, %get3A_624, %broadcast_in_dim3A_652 : vector<16xi1>, vector<16xf32>
      %max3A_654 = arith.maximumf %while3A_597, %select_n3A_653 : vector<16xf32>
      %mul3A_655 = arith.mulf %get3A_628, %get3A_624 : vector<16xf32>
      %jit3A_656 = arith.constant -1.000000e+30 : f32
      %broadcast_in_dim3A_657 = vector.broadcast %jit3A_656 : f32 to vector<16xf32>
      %select_n3A_658 = arith.select %and3A_650, %mul3A_655, %broadcast_in_dim3A_657 : vector<16xi1>, vector<16xf32>
      %mul3A_659 = arith.constant 16 : i32
      %mul3A_660 = arith.muli %while3A_596, %mul3A_659 : i32
      %add3A_661 = vector.broadcast %mul3A_660 : i32 to vector<16xi32>
      %add3A_662 = arith.addi %add3A_661, %iota3A : vector<16xi32>
      %gt3A_663 = arith.cmpf ogt, %select_n3A_658, %while3A_598 : vector<16xf32>
      %not3A = arith.constant dense<true> : vector<16xi1>
      %not3A_664 = arith.xori %gt3A_663, %not3A : vector<16xi1>
      %gt3A_665 = arith.cmpf ogt, %select_n3A_658, %while3A_599 : vector<16xf32>
      %and3A_666 = arith.andi %not3A_664, %gt3A_665 : vector<16xi1>
      %not3A_667 = arith.constant dense<true> : vector<16xi1>
      %not3A_668 = arith.xori %gt3A_663, %not3A_667 : vector<16xi1>
      %not3A_669 = arith.constant dense<true> : vector<16xi1>
      %not3A_670 = arith.xori %and3A_666, %not3A_669 : vector<16xi1>
      %and3A_671 = arith.andi %not3A_668, %not3A_670 : vector<16xi1>
      %gt3A_672 = arith.cmpf ogt, %select_n3A_658, %while3A_600 : vector<16xf32>
      %and3A_673 = arith.andi %and3A_671, %gt3A_672 : vector<16xi1>
      %or3A = arith.ori %gt3A_663, %and3A_666 : vector<16xi1>
      %select_n3A_674 = arith.select %and3A_673, %select_n3A_658, %while3A_600 : vector<16xi1>, vector<16xf32>
      %select_n3A_675 = arith.select %or3A, %while3A_599, %select_n3A_674 : vector<16xi1>, vector<16xf32>
      %or3A_676 = arith.ori %gt3A_663, %and3A_666 : vector<16xi1>
      %select_n3A_677 = arith.select %and3A_673, %add3A_662, %while3A_603 : vector<16xi1>, vector<16xi32>
      %select_n3A_678 = arith.select %or3A_676, %while3A_602, %select_n3A_677 : vector<16xi1>, vector<16xi32>
      %select_n3A_679 = arith.select %and3A_666, %select_n3A_658, %while3A_599 : vector<16xi1>, vector<16xf32>
      %select_n3A_680 = arith.select %gt3A_663, %while3A_598, %select_n3A_679 : vector<16xi1>, vector<16xf32>
      %select_n3A_681 = arith.select %and3A_666, %add3A_662, %while3A_602 : vector<16xi1>, vector<16xi32>
      %select_n3A_682 = arith.select %gt3A_663, %while3A_601, %select_n3A_681 : vector<16xi1>, vector<16xi32>
      %select_n3A_683 = arith.select %gt3A_663, %select_n3A_658, %while3A_598 : vector<16xi1>, vector<16xf32>
      %select_n3A_684 = arith.select %gt3A_663, %add3A_662, %while3A_601 : vector<16xi1>, vector<16xi32>
      scf.yield %max3A_654, %select_n3A_683, %select_n3A_680, %select_n3A_675, %select_n3A_684, %select_n3A_682, %select_n3A_678 : vector<16xf32>, vector<16xf32>, vector<16xf32>, vector<16xf32>, vector<16xi32>, vector<16xi32>, vector<16xi32>
    }
    %reduce_max3A_257 = arith.constant true
    %reduce_max3A_258 = vector.broadcast %reduce_max3A_257 : i1 to vector<16xi1>
    %reduce_max3A_259 = tpu.scan <max>, %while3A_256#0 masked %reduce_max3A_258 : vector<16xf32>, vector<16xi1> -> vector<16xf32>
    %reduce_max3A_260 = vector.extract %reduce_max3A_259[15] : f32 from vector<16xf32>
    %reduce_max3A_261 = arith.constant true
    %reduce_max3A_262 = vector.broadcast %reduce_max3A_261 : i1 to vector<16xi1>
    %reduce_max3A_263 = tpu.scan <max>, %while3A_256#1 masked %reduce_max3A_262 : vector<16xf32>, vector<16xi1> -> vector<16xf32>
    %reduce_max3A_264 = vector.extract %reduce_max3A_263[15] : f32 from vector<16xf32>
    %reduce_max3A_265 = arith.constant true
    %reduce_max3A_266 = vector.broadcast %reduce_max3A_265 : i1 to vector<16xi1>
    %reduce_max3A_267 = tpu.scan <max>, %while3A_256#2 masked %reduce_max3A_266 : vector<16xf32>, vector<16xi1> -> vector<16xf32>
    %reduce_max3A_268 = vector.extract %reduce_max3A_267[15] : f32 from vector<16xf32>
    %reduce_max3A_269 = arith.constant true
    %reduce_max3A_270 = vector.broadcast %reduce_max3A_269 : i1 to vector<16xi1>
    %reduce_max3A_271 = tpu.scan <max>, %while3A_256#3 masked %reduce_max3A_270 : vector<16xf32>, vector<16xi1> -> vector<16xf32>
    %reduce_max3A_272 = vector.extract %reduce_max3A_271[15] : f32 from vector<16xf32>
    %max3A = arith.maximumf %reduce_max3A_268, %reduce_max3A_272 : f32
    %max3A_273 = arith.maximumf %reduce_max3A_264, %max3A : f32
    %eq3A_274 = vector.broadcast %max3A_273 : f32 to vector<16xf32>
    %eq3A_275 = arith.cmpf oeq, %while3A_256#1, %eq3A_274 : vector<16xf32>
    %jit3A_276 = arith.constant 1073741824 : i32
    %broadcast_in_dim3A_277 = vector.broadcast %jit3A_276 : i32 to vector<16xi32>
    %select_n3A_278 = arith.select %eq3A_275, %while3A_256#4, %broadcast_in_dim3A_277 : vector<16xi1>, vector<16xi32>
    %reduce_min3A = arith.constant true
    %reduce_min3A_279 = vector.broadcast %reduce_min3A : i1 to vector<16xi1>
    %reduce_min3A_280 = arith.constant -2147483648 : i32
    %reduce_min3A_281 = vector.broadcast %reduce_min3A_280 : i32 to vector<16xi32>
    %reduce_min3A_282 = arith.xori %select_n3A_278, %reduce_min3A_281 : vector<16xi32>
    %reduce_min3A_283 = tpu.scan <min>, %reduce_min3A_282 masked %reduce_min3A_279 : vector<16xi32>, vector<16xi1> -> vector<16xi32>
    %reduce_min3A_284 = arith.xori %reduce_min3A_283, %reduce_min3A_281 : vector<16xi32>
    %reduce_min3A_285 = vector.extract %reduce_min3A_284[15] : i32 from vector<16xi32>
    %eq3A_286 = vector.broadcast %max3A_273 : f32 to vector<16xf32>
    %eq3A_287 = arith.cmpf oeq, %while3A_256#2, %eq3A_286 : vector<16xf32>
    %jit3A_288 = arith.constant 1073741824 : i32
    %broadcast_in_dim3A_289 = vector.broadcast %jit3A_288 : i32 to vector<16xi32>
    %select_n3A_290 = arith.select %eq3A_287, %while3A_256#5, %broadcast_in_dim3A_289 : vector<16xi1>, vector<16xi32>
    %reduce_min3A_291 = arith.constant true
    %reduce_min3A_292 = vector.broadcast %reduce_min3A_291 : i1 to vector<16xi1>
    %reduce_min3A_293 = arith.constant -2147483648 : i32
    %reduce_min3A_294 = vector.broadcast %reduce_min3A_293 : i32 to vector<16xi32>
    %reduce_min3A_295 = arith.xori %select_n3A_290, %reduce_min3A_294 : vector<16xi32>
    %reduce_min3A_296 = tpu.scan <min>, %reduce_min3A_295 masked %reduce_min3A_292 : vector<16xi32>, vector<16xi1> -> vector<16xi32>
    %reduce_min3A_297 = arith.xori %reduce_min3A_296, %reduce_min3A_294 : vector<16xi32>
    %reduce_min3A_298 = vector.extract %reduce_min3A_297[15] : i32 from vector<16xi32>
    %min3A_299 = arith.minsi %reduce_min3A_285, %reduce_min3A_298 : i32
    %eq3A_300 = vector.broadcast %max3A_273 : f32 to vector<16xf32>
    %eq3A_301 = arith.cmpf oeq, %while3A_256#3, %eq3A_300 : vector<16xf32>
    %jit3A_302 = arith.constant 1073741824 : i32
    %broadcast_in_dim3A_303 = vector.broadcast %jit3A_302 : i32 to vector<16xi32>
    %select_n3A_304 = arith.select %eq3A_301, %while3A_256#6, %broadcast_in_dim3A_303 : vector<16xi1>, vector<16xi32>
    %reduce_min3A_305 = arith.constant true
    %reduce_min3A_306 = vector.broadcast %reduce_min3A_305 : i1 to vector<16xi1>
    %reduce_min3A_307 = arith.constant -2147483648 : i32
    %reduce_min3A_308 = vector.broadcast %reduce_min3A_307 : i32 to vector<16xi32>
    %reduce_min3A_309 = arith.xori %select_n3A_304, %reduce_min3A_308 : vector<16xi32>
    %reduce_min3A_310 = tpu.scan <min>, %reduce_min3A_309 masked %reduce_min3A_306 : vector<16xi32>, vector<16xi1> -> vector<16xi32>
    %reduce_min3A_311 = arith.xori %reduce_min3A_310, %reduce_min3A_308 : vector<16xi32>
    %reduce_min3A_312 = vector.extract %reduce_min3A_311[15] : i32 from vector<16xi32>
    %min3A_313 = arith.minsi %min3A_299, %reduce_min3A_312 : i32
    %eq3A_314 = vector.broadcast %min3A_313 : i32 to vector<16xi32>
    %eq3A_315 = arith.cmpi eq, %while3A_256#4, %eq3A_314 : vector<16xi32>
    %jit3A_316 = arith.constant -3.000000e+38 : f32
    %broadcast_in_dim3A_317 = vector.broadcast %jit3A_316 : f32 to vector<16xf32>
    %select_n3A_318 = arith.select %eq3A_315, %broadcast_in_dim3A_317, %while3A_256#1 : vector<16xi1>, vector<16xf32>
    %eq3A_319 = vector.broadcast %min3A_313 : i32 to vector<16xi32>
    %eq3A_320 = arith.cmpi eq, %while3A_256#5, %eq3A_319 : vector<16xi32>
    %jit3A_321 = arith.constant -3.000000e+38 : f32
    %broadcast_in_dim3A_322 = vector.broadcast %jit3A_321 : f32 to vector<16xf32>
    %select_n3A_323 = arith.select %eq3A_320, %broadcast_in_dim3A_322, %while3A_256#2 : vector<16xi1>, vector<16xf32>
    %eq3A_324 = vector.broadcast %min3A_313 : i32 to vector<16xi32>
    %eq3A_325 = arith.cmpi eq, %while3A_256#6, %eq3A_324 : vector<16xi32>
    %jit3A_326 = arith.constant -3.000000e+38 : f32
    %broadcast_in_dim3A_327 = vector.broadcast %jit3A_326 : f32 to vector<16xf32>
    %select_n3A_328 = arith.select %eq3A_325, %broadcast_in_dim3A_327, %while3A_256#3 : vector<16xi1>, vector<16xf32>
    %reduce_max3A_329 = arith.constant true
    %reduce_max3A_330 = vector.broadcast %reduce_max3A_329 : i1 to vector<16xi1>
    %reduce_max3A_331 = tpu.scan <max>, %select_n3A_318 masked %reduce_max3A_330 : vector<16xf32>, vector<16xi1> -> vector<16xf32>
    %reduce_max3A_332 = vector.extract %reduce_max3A_331[15] : f32 from vector<16xf32>
    %reduce_max3A_333 = arith.constant true
    %reduce_max3A_334 = vector.broadcast %reduce_max3A_333 : i1 to vector<16xi1>
    %reduce_max3A_335 = tpu.scan <max>, %select_n3A_323 masked %reduce_max3A_334 : vector<16xf32>, vector<16xi1> -> vector<16xf32>
    %reduce_max3A_336 = vector.extract %reduce_max3A_335[15] : f32 from vector<16xf32>
    %reduce_max3A_337 = arith.constant true
    %reduce_max3A_338 = vector.broadcast %reduce_max3A_337 : i1 to vector<16xi1>
    %reduce_max3A_339 = tpu.scan <max>, %select_n3A_328 masked %reduce_max3A_338 : vector<16xf32>, vector<16xi1> -> vector<16xf32>
    %reduce_max3A_340 = vector.extract %reduce_max3A_339[15] : f32 from vector<16xf32>
    %max3A_341 = arith.maximumf %reduce_max3A_336, %reduce_max3A_340 : f32
    %max3A_342 = arith.maximumf %reduce_max3A_332, %max3A_341 : f32
    %eq3A_343 = vector.broadcast %max3A_342 : f32 to vector<16xf32>
    %eq3A_344 = arith.cmpf oeq, %select_n3A_318, %eq3A_343 : vector<16xf32>
    %jit3A_345 = arith.constant 1073741824 : i32
    %broadcast_in_dim3A_346 = vector.broadcast %jit3A_345 : i32 to vector<16xi32>
    %select_n3A_347 = arith.select %eq3A_344, %while3A_256#4, %broadcast_in_dim3A_346 : vector<16xi1>, vector<16xi32>
    %reduce_min3A_348 = arith.constant true
    %reduce_min3A_349 = vector.broadcast %reduce_min3A_348 : i1 to vector<16xi1>
    %reduce_min3A_350 = arith.constant -2147483648 : i32
    %reduce_min3A_351 = vector.broadcast %reduce_min3A_350 : i32 to vector<16xi32>
    %reduce_min3A_352 = arith.xori %select_n3A_347, %reduce_min3A_351 : vector<16xi32>
    %reduce_min3A_353 = tpu.scan <min>, %reduce_min3A_352 masked %reduce_min3A_349 : vector<16xi32>, vector<16xi1> -> vector<16xi32>
    %reduce_min3A_354 = arith.xori %reduce_min3A_353, %reduce_min3A_351 : vector<16xi32>
    %reduce_min3A_355 = vector.extract %reduce_min3A_354[15] : i32 from vector<16xi32>
    %eq3A_356 = vector.broadcast %max3A_342 : f32 to vector<16xf32>
    %eq3A_357 = arith.cmpf oeq, %select_n3A_323, %eq3A_356 : vector<16xf32>
    %jit3A_358 = arith.constant 1073741824 : i32
    %broadcast_in_dim3A_359 = vector.broadcast %jit3A_358 : i32 to vector<16xi32>
    %select_n3A_360 = arith.select %eq3A_357, %while3A_256#5, %broadcast_in_dim3A_359 : vector<16xi1>, vector<16xi32>
    %reduce_min3A_361 = arith.constant true
    %reduce_min3A_362 = vector.broadcast %reduce_min3A_361 : i1 to vector<16xi1>
    %reduce_min3A_363 = arith.constant -2147483648 : i32
    %reduce_min3A_364 = vector.broadcast %reduce_min3A_363 : i32 to vector<16xi32>
    %reduce_min3A_365 = arith.xori %select_n3A_360, %reduce_min3A_364 : vector<16xi32>
    %reduce_min3A_366 = tpu.scan <min>, %reduce_min3A_365 masked %reduce_min3A_362 : vector<16xi32>, vector<16xi1> -> vector<16xi32>
    %reduce_min3A_367 = arith.xori %reduce_min3A_366, %reduce_min3A_364 : vector<16xi32>
    %reduce_min3A_368 = vector.extract %reduce_min3A_367[15] : i32 from vector<16xi32>
    %min3A_369 = arith.minsi %reduce_min3A_355, %reduce_min3A_368 : i32
    %eq3A_370 = vector.broadcast %max3A_342 : f32 to vector<16xf32>
    %eq3A_371 = arith.cmpf oeq, %select_n3A_328, %eq3A_370 : vector<16xf32>
    %jit3A_372 = arith.constant 1073741824 : i32
    %broadcast_in_dim3A_373 = vector.broadcast %jit3A_372 : i32 to vector<16xi32>
    %select_n3A_374 = arith.select %eq3A_371, %while3A_256#6, %broadcast_in_dim3A_373 : vector<16xi1>, vector<16xi32>
    %reduce_min3A_375 = arith.constant true
    %reduce_min3A_376 = vector.broadcast %reduce_min3A_375 : i1 to vector<16xi1>
    %reduce_min3A_377 = arith.constant -2147483648 : i32
    %reduce_min3A_378 = vector.broadcast %reduce_min3A_377 : i32 to vector<16xi32>
    %reduce_min3A_379 = arith.xori %select_n3A_374, %reduce_min3A_378 : vector<16xi32>
    %reduce_min3A_380 = tpu.scan <min>, %reduce_min3A_379 masked %reduce_min3A_376 : vector<16xi32>, vector<16xi1> -> vector<16xi32>
    %reduce_min3A_381 = arith.xori %reduce_min3A_380, %reduce_min3A_378 : vector<16xi32>
    %reduce_min3A_382 = vector.extract %reduce_min3A_381[15] : i32 from vector<16xi32>
    %min3A_383 = arith.minsi %min3A_369, %reduce_min3A_382 : i32
    %eq3A_384 = vector.broadcast %min3A_383 : i32 to vector<16xi32>
    %eq3A_385 = arith.cmpi eq, %while3A_256#4, %eq3A_384 : vector<16xi32>
    %jit3A_386 = arith.constant -3.000000e+38 : f32
    %broadcast_in_dim3A_387 = vector.broadcast %jit3A_386 : f32 to vector<16xf32>
    %select_n3A_388 = arith.select %eq3A_385, %broadcast_in_dim3A_387, %select_n3A_318 : vector<16xi1>, vector<16xf32>
    %eq3A_389 = vector.broadcast %min3A_383 : i32 to vector<16xi32>
    %eq3A_390 = arith.cmpi eq, %while3A_256#5, %eq3A_389 : vector<16xi32>
    %jit3A_391 = arith.constant -3.000000e+38 : f32
    %broadcast_in_dim3A_392 = vector.broadcast %jit3A_391 : f32 to vector<16xf32>
    %select_n3A_393 = arith.select %eq3A_390, %broadcast_in_dim3A_392, %select_n3A_323 : vector<16xi1>, vector<16xf32>
    %eq3A_394 = vector.broadcast %min3A_383 : i32 to vector<16xi32>
    %eq3A_395 = arith.cmpi eq, %while3A_256#6, %eq3A_394 : vector<16xi32>
    %jit3A_396 = arith.constant -3.000000e+38 : f32
    %broadcast_in_dim3A_397 = vector.broadcast %jit3A_396 : f32 to vector<16xf32>
    %select_n3A_398 = arith.select %eq3A_395, %broadcast_in_dim3A_397, %select_n3A_328 : vector<16xi1>, vector<16xf32>
    %reduce_max3A_399 = arith.constant true
    %reduce_max3A_400 = vector.broadcast %reduce_max3A_399 : i1 to vector<16xi1>
    %reduce_max3A_401 = tpu.scan <max>, %select_n3A_388 masked %reduce_max3A_400 : vector<16xf32>, vector<16xi1> -> vector<16xf32>
    %reduce_max3A_402 = vector.extract %reduce_max3A_401[15] : f32 from vector<16xf32>
    %reduce_max3A_403 = arith.constant true
    %reduce_max3A_404 = vector.broadcast %reduce_max3A_403 : i1 to vector<16xi1>
    %reduce_max3A_405 = tpu.scan <max>, %select_n3A_393 masked %reduce_max3A_404 : vector<16xf32>, vector<16xi1> -> vector<16xf32>
    %reduce_max3A_406 = vector.extract %reduce_max3A_405[15] : f32 from vector<16xf32>
    %reduce_max3A_407 = arith.constant true
    %reduce_max3A_408 = vector.broadcast %reduce_max3A_407 : i1 to vector<16xi1>
    %reduce_max3A_409 = tpu.scan <max>, %select_n3A_398 masked %reduce_max3A_408 : vector<16xf32>, vector<16xi1> -> vector<16xf32>
    %reduce_max3A_410 = vector.extract %reduce_max3A_409[15] : f32 from vector<16xf32>
    %max3A_411 = arith.maximumf %reduce_max3A_406, %reduce_max3A_410 : f32
    %max3A_412 = arith.maximumf %reduce_max3A_402, %max3A_411 : f32
    %eq3A_413 = vector.broadcast %max3A_412 : f32 to vector<16xf32>
    %eq3A_414 = arith.cmpf oeq, %select_n3A_388, %eq3A_413 : vector<16xf32>
    %jit3A_415 = arith.constant 1073741824 : i32
    %broadcast_in_dim3A_416 = vector.broadcast %jit3A_415 : i32 to vector<16xi32>
    %select_n3A_417 = arith.select %eq3A_414, %while3A_256#4, %broadcast_in_dim3A_416 : vector<16xi1>, vector<16xi32>
    %reduce_min3A_418 = arith.constant true
    %reduce_min3A_419 = vector.broadcast %reduce_min3A_418 : i1 to vector<16xi1>
    %reduce_min3A_420 = arith.constant -2147483648 : i32
    %reduce_min3A_421 = vector.broadcast %reduce_min3A_420 : i32 to vector<16xi32>
    %reduce_min3A_422 = arith.xori %select_n3A_417, %reduce_min3A_421 : vector<16xi32>
    %reduce_min3A_423 = tpu.scan <min>, %reduce_min3A_422 masked %reduce_min3A_419 : vector<16xi32>, vector<16xi1> -> vector<16xi32>
    %reduce_min3A_424 = arith.xori %reduce_min3A_423, %reduce_min3A_421 : vector<16xi32>
    %reduce_min3A_425 = vector.extract %reduce_min3A_424[15] : i32 from vector<16xi32>
    %eq3A_426 = vector.broadcast %max3A_412 : f32 to vector<16xf32>
    %eq3A_427 = arith.cmpf oeq, %select_n3A_393, %eq3A_426 : vector<16xf32>
    %jit3A_428 = arith.constant 1073741824 : i32
    %broadcast_in_dim3A_429 = vector.broadcast %jit3A_428 : i32 to vector<16xi32>
    %select_n3A_430 = arith.select %eq3A_427, %while3A_256#5, %broadcast_in_dim3A_429 : vector<16xi1>, vector<16xi32>
    %reduce_min3A_431 = arith.constant true
    %reduce_min3A_432 = vector.broadcast %reduce_min3A_431 : i1 to vector<16xi1>
    %reduce_min3A_433 = arith.constant -2147483648 : i32
    %reduce_min3A_434 = vector.broadcast %reduce_min3A_433 : i32 to vector<16xi32>
    %reduce_min3A_435 = arith.xori %select_n3A_430, %reduce_min3A_434 : vector<16xi32>
    %reduce_min3A_436 = tpu.scan <min>, %reduce_min3A_435 masked %reduce_min3A_432 : vector<16xi32>, vector<16xi1> -> vector<16xi32>
    %reduce_min3A_437 = arith.xori %reduce_min3A_436, %reduce_min3A_434 : vector<16xi32>
    %reduce_min3A_438 = vector.extract %reduce_min3A_437[15] : i32 from vector<16xi32>
    %min3A_439 = arith.minsi %reduce_min3A_425, %reduce_min3A_438 : i32
    %eq3A_440 = vector.broadcast %max3A_412 : f32 to vector<16xf32>
    %eq3A_441 = arith.cmpf oeq, %select_n3A_398, %eq3A_440 : vector<16xf32>
    %jit3A_442 = arith.constant 1073741824 : i32
    %broadcast_in_dim3A_443 = vector.broadcast %jit3A_442 : i32 to vector<16xi32>
    %select_n3A_444 = arith.select %eq3A_441, %while3A_256#6, %broadcast_in_dim3A_443 : vector<16xi1>, vector<16xi32>
    %reduce_min3A_445 = arith.constant true
    %reduce_min3A_446 = vector.broadcast %reduce_min3A_445 : i1 to vector<16xi1>
    %reduce_min3A_447 = arith.constant -2147483648 : i32
    %reduce_min3A_448 = vector.broadcast %reduce_min3A_447 : i32 to vector<16xi32>
    %reduce_min3A_449 = arith.xori %select_n3A_444, %reduce_min3A_448 : vector<16xi32>
    %reduce_min3A_450 = tpu.scan <min>, %reduce_min3A_449 masked %reduce_min3A_446 : vector<16xi32>, vector<16xi1> -> vector<16xi32>
    %reduce_min3A_451 = arith.xori %reduce_min3A_450, %reduce_min3A_448 : vector<16xi32>
    %reduce_min3A_452 = vector.extract %reduce_min3A_451[15] : i32 from vector<16xi32>
    %min3A_453 = arith.minsi %min3A_439, %reduce_min3A_452 : i32
    %gt3A = arith.constant -1.000000e+29 : f32
    %gt3A_454 = arith.cmpf ogt, %reduce_max3A_260, %gt3A : f32
    %jit3A_455 = arith.constant 1.000000e+00 : f32
    %jit3A_456 = arith.constant 0.000000e+00 : f32
    %select_n3A_457 = arith.select %gt3A_454, %jit3A_455, %jit3A_456 : f32
    %eq3A_458 = arith.constant 0 : i32
    %eq3A_459 = vector.broadcast %eq3A_458 : i32 to vector<16xi32>
    %eq3A_460 = arith.cmpi eq, %iota3A, %eq3A_459 : vector<16xi32>
    %jit3A_461 = arith.constant 0.000000e+00 : f32
    %broadcast_in_dim3A_462 = vector.broadcast %reduce_max3A_260 : f32 to vector<16xf32>
    %broadcast_in_dim3A_463 = vector.broadcast %jit3A_461 : f32 to vector<16xf32>
    %select_n3A_464 = arith.select %eq3A_460, %broadcast_in_dim3A_462, %broadcast_in_dim3A_463 : vector<16xi1>, vector<16xf32>
    %eq3A_465 = arith.constant 1 : i32
    %eq3A_466 = vector.broadcast %eq3A_465 : i32 to vector<16xi32>
    %eq3A_467 = arith.cmpi eq, %iota3A, %eq3A_466 : vector<16xi32>
    %jit3A_468 = arith.constant 0.000000e+00 : f32
    %broadcast_in_dim3A_469 = vector.broadcast %select_n3A_457 : f32 to vector<16xf32>
    %broadcast_in_dim3A_470 = vector.broadcast %jit3A_468 : f32 to vector<16xf32>
    %select_n3A_471 = arith.select %eq3A_467, %broadcast_in_dim3A_469, %broadcast_in_dim3A_470 : vector<16xi1>, vector<16xf32>
    %add3A_472 = arith.addf %select_n3A_464, %select_n3A_471 : vector<16xf32>
    %eq3A_473 = arith.constant 2 : i32
    %eq3A_474 = vector.broadcast %eq3A_473 : i32 to vector<16xi32>
    %eq3A_475 = arith.cmpi eq, %iota3A, %eq3A_474 : vector<16xi32>
    %jit3A_476 = arith.constant 0.000000e+00 : f32
    %broadcast_in_dim3A_477 = vector.broadcast %max3A_273 : f32 to vector<16xf32>
    %broadcast_in_dim3A_478 = vector.broadcast %jit3A_476 : f32 to vector<16xf32>
    %select_n3A_479 = arith.select %eq3A_475, %broadcast_in_dim3A_477, %broadcast_in_dim3A_478 : vector<16xi1>, vector<16xf32>
    %add3A_480 = arith.addf %add3A_472, %select_n3A_479 : vector<16xf32>
    %eq3A_481 = arith.constant 3 : i32
    %eq3A_482 = vector.broadcast %eq3A_481 : i32 to vector<16xi32>
    %eq3A_483 = arith.cmpi eq, %iota3A, %eq3A_482 : vector<16xi32>
    %add3A_484 = arith.addi %mul3A_4, %min3A_313 : i32
    %convert_element_type3A = arith.sitofp %add3A_484 : i32 to f32
    %jit3A_485 = arith.constant 0.000000e+00 : f32
    %broadcast_in_dim3A_486 = vector.broadcast %convert_element_type3A : f32 to vector<16xf32>
    %broadcast_in_dim3A_487 = vector.broadcast %jit3A_485 : f32 to vector<16xf32>
    %select_n3A_488 = arith.select %eq3A_483, %broadcast_in_dim3A_486, %broadcast_in_dim3A_487 : vector<16xi1>, vector<16xf32>
    %add3A_489 = arith.addf %add3A_480, %select_n3A_488 : vector<16xf32>
    %eq3A_490 = arith.constant 4 : i32
    %eq3A_491 = vector.broadcast %eq3A_490 : i32 to vector<16xi32>
    %eq3A_492 = arith.cmpi eq, %iota3A, %eq3A_491 : vector<16xi32>
    %jit3A_493 = arith.constant 0.000000e+00 : f32
    %broadcast_in_dim3A_494 = vector.broadcast %max3A_342 : f32 to vector<16xf32>
    %broadcast_in_dim3A_495 = vector.broadcast %jit3A_493 : f32 to vector<16xf32>
    %select_n3A_496 = arith.select %eq3A_492, %broadcast_in_dim3A_494, %broadcast_in_dim3A_495 : vector<16xi1>, vector<16xf32>
    %add3A_497 = arith.addf %add3A_489, %select_n3A_496 : vector<16xf32>
    %eq3A_498 = arith.constant 5 : i32
    %eq3A_499 = vector.broadcast %eq3A_498 : i32 to vector<16xi32>
    %eq3A_500 = arith.cmpi eq, %iota3A, %eq3A_499 : vector<16xi32>
    %add3A_501 = arith.addi %mul3A_4, %min3A_383 : i32
    %convert_element_type3A_502 = arith.sitofp %add3A_501 : i32 to f32
    %jit3A_503 = arith.constant 0.000000e+00 : f32
    %broadcast_in_dim3A_504 = vector.broadcast %convert_element_type3A_502 : f32 to vector<16xf32>
    %broadcast_in_dim3A_505 = vector.broadcast %jit3A_503 : f32 to vector<16xf32>
    %select_n3A_506 = arith.select %eq3A_500, %broadcast_in_dim3A_504, %broadcast_in_dim3A_505 : vector<16xi1>, vector<16xf32>
    %add3A_507 = arith.addf %add3A_497, %select_n3A_506 : vector<16xf32>
    %eq3A_508 = arith.constant 6 : i32
    %eq3A_509 = vector.broadcast %eq3A_508 : i32 to vector<16xi32>
    %eq3A_510 = arith.cmpi eq, %iota3A, %eq3A_509 : vector<16xi32>
    %jit3A_511 = arith.constant 0.000000e+00 : f32
    %broadcast_in_dim3A_512 = vector.broadcast %max3A_412 : f32 to vector<16xf32>
    %broadcast_in_dim3A_513 = vector.broadcast %jit3A_511 : f32 to vector<16xf32>
    %select_n3A_514 = arith.select %eq3A_510, %broadcast_in_dim3A_512, %broadcast_in_dim3A_513 : vector<16xi1>, vector<16xf32>
    %add3A_515 = arith.addf %add3A_507, %select_n3A_514 : vector<16xf32>
    %eq3A_516 = arith.constant 7 : i32
    %eq3A_517 = vector.broadcast %eq3A_516 : i32 to vector<16xi32>
    %eq3A_518 = arith.cmpi eq, %iota3A, %eq3A_517 : vector<16xi32>
    %add3A_519 = arith.addi %mul3A_4, %min3A_453 : i32
    %convert_element_type3A_520 = arith.sitofp %add3A_519 : i32 to f32
    %jit3A_521 = arith.constant 0.000000e+00 : f32
    %broadcast_in_dim3A_522 = vector.broadcast %convert_element_type3A_520 : f32 to vector<16xf32>
    %broadcast_in_dim3A_523 = vector.broadcast %jit3A_521 : f32 to vector<16xf32>
    %select_n3A_524 = arith.select %eq3A_518, %broadcast_in_dim3A_522, %broadcast_in_dim3A_523 : vector<16xi1>, vector<16xf32>
    %add3A_525 = arith.addf %add3A_515, %select_n3A_524 : vector<16xf32>
    %swap3A = arith.constant 0 : index
    %swap3A_526 = tpu.vector_load %arg7[%swap3A] {strides = array<i32>} : memref<112xf32, #tpu.memory_space<vmem>>, vector<16xf32>,
    tpu.vector_store %arg7[%swap3A], %add3A_525 {strides = array<i32>} : memref<112xf32, #tpu.memory_space<vmem>>, vector<16xf32>,
    %eq3A_527 = arith.constant 0 : i32
    %eq3A_528 = vector.broadcast %eq3A_527 : i32 to vector<16xi32>
    %eq3A_529 = arith.cmpi eq, %iota3A, %eq3A_528 : vector<16xi32>
    %eq3A_530 = arith.constant 1 : i32
    %eq3A_531 = vector.broadcast %eq3A_530 : i32 to vector<16xi32>
    %eq3A_532 = arith.cmpi eq, %iota3A, %eq3A_531 : vector<16xi32>
    %eq3A_533 = arith.constant 2 : i32
    %eq3A_534 = vector.broadcast %eq3A_533 : i32 to vector<16xi32>
    %eq3A_535 = arith.cmpi eq, %iota3A, %eq3A_534 : vector<16xi32>
    %eq3A_536 = arith.constant 3 : i32
    %eq3A_537 = vector.broadcast %eq3A_536 : i32 to vector<16xi32>
    %eq3A_538 = arith.cmpi eq, %iota3A, %eq3A_537 : vector<16xi32>
    %eq3A_539 = arith.constant 4 : i32
    %eq3A_540 = vector.broadcast %eq3A_539 : i32 to vector<16xi32>
    %eq3A_541 = arith.cmpi eq, %iota3A, %eq3A_540 : vector<16xi32>
    %jit3A_542 = arith.constant 0 : i32
    %jit3A_543 = arith.constant 1 : i32
    %broadcast_in_dim3A_544 = vector.broadcast %jit3A_542 : i32 to vector<16xi32>
    %broadcast_in_dim3A_545 = vector.broadcast %jit3A_543 : i32 to vector<16xi32>
    %select_n3A_546 = arith.select %eq3A_541, %broadcast_in_dim3A_544, %broadcast_in_dim3A_545 : vector<16xi1>, vector<16xi32>
    %jit3A_547 = arith.constant 40 : i32
    %broadcast_in_dim3A_548 = vector.broadcast %jit3A_547 : i32 to vector<16xi32>
    %select_n3A_549 = arith.select %eq3A_538, %broadcast_in_dim3A_548, %select_n3A_546 : vector<16xi1>, vector<16xi32>
    %broadcast_in_dim3A_550 = vector.broadcast %min3A_453 : i32 to vector<16xi32>
    %select_n3A_551 = arith.select %eq3A_535, %broadcast_in_dim3A_550, %select_n3A_549 : vector<16xi1>, vector<16xi32>
    %broadcast_in_dim3A_552 = vector.broadcast %min3A_383 : i32 to vector<16xi32>
    %select_n3A_553 = arith.select %eq3A_532, %broadcast_in_dim3A_552, %select_n3A_551 : vector<16xi1>, vector<16xi32>
    %broadcast_in_dim3A_554 = vector.broadcast %min3A_313 : i32 to vector<16xi32>
    %select_n3A_555 = arith.select %eq3A_529, %broadcast_in_dim3A_554, %select_n3A_553 : vector<16xi1>, vector<16xi32>
    %add3A_556 = vector.broadcast %sub3A : i32 to vector<16xi32>
    %add3A_557 = arith.addi %add3A_556, %select_n3A_555 : vector<16xi32>
    %add3A_558 = arith.constant 0 : i32
    %add3A_559 = vector.broadcast %add3A_558 : i32 to vector<16xi32>
    %add3A_560 = arith.addi %add3A_557, %add3A_559 : vector<16xi32>
    %gather3A = tpu.vector_load_idx %arg5[%add3A_560] : memref<19200xf32, #tpu.memory_space<vmem>>[vector<16xi32>], vector<16xf32>,
    %swap3A_561 = arith.constant 16 : index
    %swap3A_562 = tpu.vector_load %arg7[%swap3A_561] {strides = array<i32>} : memref<112xf32, #tpu.memory_space<vmem>>, vector<16xf32>,
    tpu.vector_store %arg7[%swap3A_561], %gather3A {strides = array<i32>} : memref<112xf32, #tpu.memory_space<vmem>>, vector<16xf32>,
    %add3A_563 = arith.constant 3200 : i32
    %add3A_564 = vector.broadcast %add3A_563 : i32 to vector<16xi32>
    %add3A_565 = arith.addi %add3A_557, %add3A_564 : vector<16xi32>
    %gather3A_566 = tpu.vector_load_idx %arg5[%add3A_565] : memref<19200xf32, #tpu.memory_space<vmem>>[vector<16xi32>], vector<16xf32>,
    %swap3A_567 = arith.constant 32 : index
    %swap3A_568 = tpu.vector_load %arg7[%swap3A_567] {strides = array<i32>} : memref<112xf32, #tpu.memory_space<vmem>>, vector<16xf32>,
    tpu.vector_store %arg7[%swap3A_567], %gather3A_566 {strides = array<i32>} : memref<112xf32, #tpu.memory_space<vmem>>, vector<16xf32>,
    %add3A_569 = arith.constant 6400 : i32
    %add3A_570 = vector.broadcast %add3A_569 : i32 to vector<16xi32>
    %add3A_571 = arith.addi %add3A_557, %add3A_570 : vector<16xi32>
    %gather3A_572 = tpu.vector_load_idx %arg5[%add3A_571] : memref<19200xf32, #tpu.memory_space<vmem>>[vector<16xi32>], vector<16xf32>,
    %swap3A_573 = arith.constant 48 : index
    %swap3A_574 = tpu.vector_load %arg7[%swap3A_573] {strides = array<i32>} : memref<112xf32, #tpu.memory_space<vmem>>, vector<16xf32>,
    tpu.vector_store %arg7[%swap3A_573], %gather3A_572 {strides = array<i32>} : memref<112xf32, #tpu.memory_space<vmem>>, vector<16xf32>,
    %add3A_575 = arith.constant 9600 : i32
    %add3A_576 = vector.broadcast %add3A_575 : i32 to vector<16xi32>
    %add3A_577 = arith.addi %add3A_557, %add3A_576 : vector<16xi32>
    %gather3A_578 = tpu.vector_load_idx %arg5[%add3A_577] : memref<19200xf32, #tpu.memory_space<vmem>>[vector<16xi32>], vector<16xf32>,
    %swap3A_579 = arith.constant 64 : index
    %swap3A_580 = tpu.vector_load %arg7[%swap3A_579] {strides = array<i32>} : memref<112xf32, #tpu.memory_space<vmem>>, vector<16xf32>,
    tpu.vector_store %arg7[%swap3A_579], %gather3A_578 {strides = array<i32>} : memref<112xf32, #tpu.memory_space<vmem>>, vector<16xf32>,
    %add3A_581 = arith.constant 12800 : i32
    %add3A_582 = vector.broadcast %add3A_581 : i32 to vector<16xi32>
    %add3A_583 = arith.addi %add3A_557, %add3A_582 : vector<16xi32>
    %gather3A_584 = tpu.vector_load_idx %arg5[%add3A_583] : memref<19200xf32, #tpu.memory_space<vmem>>[vector<16xi32>], vector<16xf32>,
    %swap3A_585 = arith.constant 80 : index
    %swap3A_586 = tpu.vector_load %arg7[%swap3A_585] {strides = array<i32>} : memref<112xf32, #tpu.memory_space<vmem>>, vector<16xf32>,
    tpu.vector_store %arg7[%swap3A_585], %gather3A_584 {strides = array<i32>} : memref<112xf32, #tpu.memory_space<vmem>>, vector<16xf32>,
    %add3A_587 = arith.constant 16000 : i32
    %add3A_588 = vector.broadcast %add3A_587 : i32 to vector<16xi32>
    %add3A_589 = arith.addi %add3A_557, %add3A_588 : vector<16xi32>
    %gather3A_590 = tpu.vector_load_idx %arg5[%add3A_589] : memref<19200xf32, #tpu.memory_space<vmem>>[vector<16xi32>], vector<16xf32>,
    %swap3A_591 = arith.constant 96 : index
    %swap3A_592 = tpu.vector_load %arg7[%swap3A_591] {strides = array<i32>} : memref<112xf32, #tpu.memory_space<vmem>>, vector<16xf32>,
    tpu.vector_store %arg7[%swap3A_591], %gather3A_590 {strides = array<i32>} : memref<112xf32, #tpu.memory_space<vmem>>, vector<16xf32>,
    %mul3A_593 = arith.constant 112 : i32
    %mul3A_594 = arith.muli %add3A, %mul3A_593 : i32
    %multiple_of3A_595 = tpu.assume_multiple %mul3A_594, 8 : i32
    "tpu.region"() ({
      %run_scoped3A = tpu.sem_alloc : memref<!tpu.dma_semaphore, #tpu.memory_space<semaphore_mem>>
      %dma_start3A_596 = tpu.memref_slice %arg4[%multiple_of3A_595] : memref<3584xf32, #tpu.memory_space<hbm>> -> memref<112xf32, #tpu.memory_space<hbm>>
      %dma_start3A_597 = tpu.memref_slice %arg4[%multiple_of3A_595] : memref<3584xf32, #tpu.memory_space<hbm>> -> memref<112xf32, #tpu.memory_space<hbm>>
      tpu.enqueue_dma source(%arg7 : memref<112xf32, #tpu.memory_space<vmem>>) target(%dma_start3A_597 : memref<112xf32, #tpu.memory_space<hbm>>) target_semaphore(%run_scoped3A : memref<!tpu.dma_semaphore, #tpu.memory_space<semaphore_mem>>)
      %dma_wait3A_598 = tpu.memref_slice %arg4[%multiple_of3A_595] : memref<3584xf32, #tpu.memory_space<hbm>> -> memref<112xf32, #tpu.memory_space<hbm>>
      %dma_wait3A_599 = tpu.memref_slice %arg4[%multiple_of3A_595] : memref<3584xf32, #tpu.memory_space<hbm>> -> memref<112xf32, #tpu.memory_space<hbm>>
      tpu.wait_dma2 semaphore(%run_scoped3A : memref<!tpu.dma_semaphore, #tpu.memory_space<semaphore_mem>>) src(%arg7 : memref<112xf32, #tpu.memory_space<vmem>>) dst(%dma_wait3A_599 : memref<112xf32, #tpu.memory_space<hbm>>)
      tpu.yield
    }) : () -> ()
    return
  }
}

</mosaic_0001>

<sc_bundles>
// kernel: kernel.4.cloned.1.call-start
scs
__scs_entry_jumppad:
0x0: {  	(pc) =	sbr.rel $0x88, $3  }
0x1: {  	(tag) =	ssettag $0x0;
	lr =	simm.s32 $0x1  }
0x2: {  	[smem:$0x3F9E] =	sst lr;
	_ =	strace $0xD0000000  }
0x3: {  	_ = 	snop  }
0x4: {  	_ = 	snop  }
0x5: {  	_ = 	snop  }
0x6: {  	_ = 	snop  }
0x7: {  	_ = 	snop  }
__scs_overlays_trampoline_lowered:
0x8: {  	[smem:$0x3FAD] =	sst s0  }
0x9: {  	[smem:$0x3FAE] =	sst s1  }
0xa: {  	[smem:$0x3FAF] =	sst s2  }
0xb: {  	[smem:$0x3FB0] =	sst s3  }
0xc: {  	[smem:$0x3FB1] =	sst s4  }
0xd: {  	[smem:$0x3FB2] =	sst s5  }
0xe: {  	[smem:$0x3FB3] =	sst s6  }
0xf: {  	[smem:$0x3FB4] =	sst s7  }
0x10: {  	[smem:$0x3FB5] =	sst s8  }
0x11: {  	[smem:$0x3FB6] =	sst s9;
	s0 =	simm.s32 @!p0 $0x0  }
0x12: {  	s1 =	sld [smem:$0x3F9C];
	s0 =	simm.s32 @p0 $0x1  }
0x13: {  	[smem:$0x3FB7] =	sst s0;
	s0 =	simm.s32 @!p1 $0x0  }
0x14: {  	s2 =	sld [smem:$0x3F9B];
	s0 =	simm.s32 @p1 $0x1  }
0x15: {  	[smem:$0x3FB8] =	sst s0;
	s0 =	simm.s32 @!p2 $0x0  }
0x16: {  	s3 =	sld [smem:$0x3FDB];
	s0 =	simm.s32 @p2 $0x1  }
0x17: {  	s4 =	simm.s32 $0x1BF5;
	[smem:$0x3FBA] =	sst s0  }
0x18: {  	s0 =	sld [smem:$0x3F9D];
	_ =	swait.ge [sflag:s4], $0x0  }
0x19: {  	s7 =	sld [smem:$0x3F9E]  }
0x1a: {  	s8 =	sadd.s32 $0xFFFFE003, lr  }
0x1b: {  	s9 =	sadd.s32 $0xFFFFFEF7, lr;
	s5 =	simm.s32 $0xFFFFFFFF;
	p2 =	slt.u32 s8, $0xFFFFF086  }
0x1c: {  	p1 =	slt.u32 s9, $0xF7A;
	s5 =	simm.s32 @!p2 $0x0  }
0x1d: {  	s5 =	simm.s32 @p1 $0x1;
	p0 =	seq.s32 s7, s2  }
0x1e: {  	s7 =	smul.u32 @!p0 $0xF7A, s2;
	p2 =	seq.s32 @!p0 s5, $0x0  }
0x1f: {  	s9 =	smul.u32 $0xF7A, s1;
	s8 =	simm.s32 @!p0 $0x1BF5;
	p2 =	por !p2, p0  }
0x20: {  	[sflag:s8] =	ssyncset.s32 @!p0 $0xFFFFF086;
	s6 =	sadd.s32 @!p0 s3, s7;
	s7 =	simm.s32 @!p0 $0x108  }
0x21: {  	s3 =	sadd.s32 s3, s9;
	s6 =	sadd.s32 @!p0 $0x88, s6;
	s7 =	simm.s32 @p2 $0x1082  }
0x22: {  	[simem:s7], [sflag:s8] =	dma.local @!p0 [hbm:s6], $0xF7A  }
0x23: {  	s9 =	sor.u32 $0xD0000000, s2;
	s6 =	simm.s32 $0x108;
	_ =	swait.ge @!p0 [sflag:s8], $0x0  }
0x24: {  	s3 =	sadd.s32 $0x88, s3;
	s6 =	simm.s32 @!p1 $0x1082;
	[sflag:s4] =	ssyncset.s32 $0xFFFFF086  }
0x25: {  	[simem:s6], [sflag:s4] =	dma.local [hbm:s3], $0xF7A  }
0x26: {  	[smem:$0x3F9E] =	sst s1;
	(tag) =	ssettag s2;
	_ =	strace s9  }
0x27: {  	s1 =	sld [smem:$0x3FAE]  }
0x28: {  	s2 =	sld [smem:$0x3FAF]  }
0x29: {  	s4 =	sld [smem:$0x3FB1]  }
0x2a: {  	p0 =	seq.s32 s5, $0x0;
	s5 =	sld [smem:$0x3FB2]  }
0x2b: {  	s6 =	sld [smem:$0x3FB3]  }
0x2c: {  	s7 =	sld [smem:$0x3FB4]  }
0x2d: {  	s3 =	simm.s32 $0x108;
	s8 =	sld [smem:$0x3FB5]  }
0x2e: {  	s3 =	simm.s32 @!p0 $0x1082;
	s9 =	sld [smem:$0x3FB6]  }
0x2f: {  	lr =	sadd.s32 s0, s3;
	s0 =	sld [smem:$0x3FAD]  }
0x30: {  	s3 =	sld [smem:$0x3FB0]  }
0x31: {  	[smem:$0x3FB9] =	sst s10  }
0x32: {  	s10 =	sld [smem:$0x3FB7];
	_ =	sdelay $0x3  }
0x33: {  	p0 =	seq.s32 s10, $0x1;
	s10 =	sld [smem:$0x3FB9];
	_ =	sdelay $0x3  }
0x34: {  	[smem:$0x3FB9] =	sst s10  }
0x35: {  	s10 =	sld [smem:$0x3FB8];
	_ =	sdelay $0x3  }
0x36: {  	p1 =	seq.s32 s10, $0x1;
	s10 =	sld [smem:$0x3FB9];
	_ =	sdelay $0x3  }
0x37: {  	[smem:$0x3FB9] =	sst s10  }
0x38: {  	s10 =	sld [smem:$0x3FBA]  }
0x39: {  	_ = 	snop;
	(pc) =	sbr.ind lr, $3  }
0x3a: {  	_ = 	snop  }
0x3b: {  	_ = 	snop  }
0x3c: {  	p2 =	seq.s32 s10, $0x1;
	s10 =	sld [smem:$0x3FB9]  }
0x3d: {  	_ =	shalt  }
0x3e: {  	_ =	shalt  }
0x3f: {  	_ =	shalt  }
0x40: {  	_ =	shalt  }
0x41: {  	_ =	shalt  }
0x42: {  	_ =	shalt  }
0x43: {  	_ =	shalt  }
0x44: {  	_ =	shalt  }
0x45: {  	_ =	shalt  }
0x46: {  	_ =	shalt  }
0x47: {  	_ =	shalt  }
0x48: {  	_ =	shalt  }
0x49: {  	_ =	shalt  }
0x4a: {  	_ =	shalt  }
0x4b: {  	_ =	shalt  }
0x4c: {  	_ =	shalt  }
0x4d: {  	_ =	shalt  }
0x4e: {  	_ =	shalt  }
0x4f: {  	_ =	shalt  }
0x50: {  	_ =	shalt  }
0x51: {  	_ =	shalt  }
0x52: {  	_ =	shalt  }
0x53: {  	_ =	shalt  }
0x54: {  	_ =	shalt  }
0x55: {  	_ =	shalt  }
0x56: {  	_ =	shalt  }
0x57: {  	_ =	shalt  }
0x58: {  	_ =	shalt  }
0x59: {  	_ =	shalt  }
0x5a: {  	_ =	shalt  }
0x5b: {  	_ =	shalt  }
0x5c: {  	_ =	shalt  }
0x5d: {  	_ =	shalt  }
0x5e: {  	_ =	shalt  }
0x5f: {  	_ =	shalt  }
0x60: {  	_ =	shalt  }
0x61: {  	_ =	shalt  }
0x62: {  	_ =	shalt  }
0x63: {  	_ =	shalt  }
0x64: {  	_ =	shalt  }
0x65: {  	_ =	shalt  }
0x66: {  	_ =	shalt  }
0x67: {  	_ =	shalt  }
0x68: {  	_ =	shalt  }
0x69: {  	_ =	shalt  }
0x6a: {  	_ =	shalt  }
0x6b: {  	_ =	shalt  }
0x6c: {  	_ =	shalt  }
0x6d: {  	_ =	shalt  }
0x6e: {  	_ =	shalt  }
0x6f: {  	_ =	shalt  }
0x70: {  	_ =	shalt  }
0x71: {  	_ =	shalt  }
0x72: {  	_ =	shalt  }
0x73: {  	_ =	shalt  }
0x74: {  	_ =	shalt  }
0x75: {  	_ =	shalt  }
0x76: {  	_ =	shalt  }
0x77: {  	_ =	shalt  }
0x78: {  	_ =	shalt  }
0x79: {  	_ =	shalt  }
0x7a: {  	_ =	shalt  }
0x7b: {  	_ =	shalt  }
0x7c: {  	_ =	shalt  }
0x7d: {  	_ =	shalt  }
0x7e: {  	_ =	shalt  }
0x7f: {  	_ =	shalt  }
0x80: {  	_ =	shalt  }
0x81: {  	_ =	shalt  }
0x82: {  	_ =	shalt  }
0x83: {  	_ =	shalt  }
0x84: {  	_ =	shalt  }
0x85: {  	_ =	shalt  }
0x86: {  	_ =	shalt  }
0x87: {  	_ =	shalt  }
.Lfunc_end0:
.L_simem_size_0:
called_computation_lowered:
.L_overlay_start_0:
0x88: {  	s2 =	sld [smem:$0x3FD9]  }
0x89: {  	s3 =	sld [smem:$0x3FFE];
	_ =	sdelay $0x1  }
0x8a: {  	s1 =	srdreg.scid  }
0x8b: {  	s0 =	sand.u32 $0x1, s1  }
0x8c: {  	s14 =	sshll.u32 s0, $0xA;
	s2 =	sadd.s32 s3, s2  }
0x8d: {  	s2 =	sadd.s32 s2, s14  }
0x8e: {  	[smem:$0x3FC5] =	sst s2  }
0x8f: {  	_ = 	snop  }
0x90: {  	s2 =	sld [smem:$0x3FD0];
	_ =	sdelay $0x2  }
0x91: {  	s4 =	simm.s32 $0xA;
	s5 =	simm.s32 $0x10;
	s15 =	sld [smem:$0x3FC9]  }
0x92: {  	[smem:s5], [sflag:s4] =	dma.local [hbm:s2], $0x1  }
0x93: {  	_ =	swait.eq [sflag:s4], $0x1  }
0x94: {  	[sflag:s4] =	ssyncset.done $0x0  }
0x95: {  	[sflag:s4] =	ssyncadd.s32 $0xFFFFFFFF  }
0x96: {  	s16 =	sld [smem:$0x11];
	(tm) =	ssettm $0x1  }
0x97: {  	s17 =	sld [smem:$0x3FFB];
	_ =	sdelay $0x3  }
0x98: {  	_ =	strace s17  }
0x99: {  	s4 =	sld [smem:$0x3FFC];
	_ =	sdelay $0x3  }
0x9a: {  	_ =	strace s4  }
0x9b: {  	s4 =	sld [smem:$0x3FFD];
	_ =	sdelay $0x3  }
0x9c: {  	_ =	strace s4  }
0x9d: {  	_ =	strace $0x8FFFFFFF  }
0x9e: {  	s18 =	sld [smem:$0x3FDB];
	_ =	sdelay $0x1  }
0x9f: {  	s19 =	simm.s32 $_scs_section_size  }
0xa0: {  	s6 =	simm.s32 $_size__tile_overlayer_lowered;
	s7 =	simm.s32 $_tile_overlayer_lowered  }
0xa1: {  	s22 =	simm.s32 $0x1BFF;
	s21 =	sshll.u32 s7, $0x1;
	s4 =	sadd.s32 s19, s18  }
0xa2: {  	s8 =	simm.s32 $0x0;
	s20 =	sshll.u32 s6, $0x1;
	s6 =	sadd.s32 s21, s4  }
0xa3: {  	[timem:s8], [sflag:s22] =	dma.local [hbm:s6], s20  }
0xa4: {  	_ =	swait.ge [sflag:s22], s20  }
0xa5: {  	s5 =	ssub.s32 $0x0, s20;
	[sflag:s22] =	ssyncset.done $0x0  }
0xa6: {  	[sflag:s22] =	ssyncadd.s32 s5;
	_ =	sdelay $0x1  }
0xa7: {  	s23 =	simm.s32 $0x1B8B  }
0xa8: {  	_ =	swait.ge [sflag:s23], $0x1  }
0xa9: {  	[sflag:s23] =	ssyncset.done $0x0  }
0xaa: {  	s25 =	simm.s32 $0x1B8E;
	s24 =	sld [smem:$0x3FFE];
	[sflag:s23] =	ssyncadd.s32 $0xFFFFFFFF  }
0xab: {  	s26 =	simm.s32 $execute0_lowered;
	[smem:$0x3FD2] =	sst s25  }
0xac: {  	s6 =	sshll.u32 s26, $0x1;
	_ =	strace $0x80000046;
	[dreg:$0x1] =	wrdreg $0xFFFFFFFF  }
0xad: {  	s28 =	simm.s32 $_size_execute0_lowered;
	s4 =	sadd.s32 s4, s6;
	[dreg:$0x0] =	wrdreg $0x0  }
0xae: {  	s6 =	sshll.u32 s28, $0x1;
	[dreg:$0x2] =	wrdreg s4  }
0xaf: {  	[dreg:$0x3] =	wrdreg s6  }
0xb0: {  	[dreg:$0x4] =	wrdreg $0xC0  }
0xb1: {  	_ =	task [dreg:s8], $0x5FFFF  }
0xb2: {  	[dreg:$0x1] =	wrdreg $0xFFFFFFFF  }
0xb3: {  	[dreg:$0x0] =	wrdreg $0x60  }
0xb4: {  	[dreg:$0x2] =	wrdreg s15  }
0xb5: {  	[dreg:$0x3] =	wrdreg s16  }
0xb6: {  	[dreg:$0x4] =	wrdreg s24  }
0xb7: {  	[dreg:$0x5] =	wrdreg $0x9  }
0xb8: {  	_ =	task.clear_ibuf [dreg:s8], $0x6FFFF;
	_ =	strace $0x90000046  }
0xb9: {  	s29 =	simm.s32 $0x9;
	_ =	strace $0x80000048  }
0xba: {  	_ =	swait.ge [sflag:s29], $0x1  }
0xbb: {  	[sflag:s29] =	ssyncadd.s32 $0xFFFFFFFF  }
0xbc: {  	_ =	strace $0x90000048  }
0xbd: {  	_ =	sfence  }
0xbe: {  	s30 =	sld [smem:$0x0];
	_ =	sdelay $0x2  }
0xbf: {  	s31 =	sshll.u32 s1, $0xD;
	s1 =	sshrl.u32 s1, $0x2  }
0xc0: {  	s3 =	sand.u32 $0x4000, s31;
	s1 =	sadd.s32 s1, s30  }
0xc1: {  	s0 =	sor.u32 s3, s0;
	s1 =	sshll.u32 s1, $0x11  }
0xc2: {  	s0 =	sor.u32 s1, s0  }
0xc3: {  	s0 =	sadd.s32 $0x8F2B, s0  }
0xc4: {  	[sflag:s0] =	ssyncadd.remote.s32 $0x1  }
0xc5: {  	_ =	sfence.sel $0xFFFF  }
0xc6: {  	[dreg:$0x0] =	wrdreg $0xFFFFFFFF;
	(pc) =	sbr.abs _section_cstart, $3  }
0xc7: {  	[dreg:$0x1] =	wrdreg $0xFFFFFFFF  }
0xc8: {  	_ =	task.clear_ibuf [dreg:s8], $0x2FFFF;
	_ =	strace $0x9FFFFFFF  }
0xc9: {  	(tm) =	ssettm $0x7FFFFFFF  }
tec
execute0_lowered:
.L_overlay_start_1:
0x0: {  	(tag) =	ssettag $0x1  }
0x1: {  	s0 =	rddreg [dreg:$0x0]  }
0x2: {  	s2 =	rddreg [dreg:$0x2];
	s3 =	simm.s32 $0x0  }
0x3: {  	s4 =	srdreg.scid;
	s1 =	stileid.u32;
	s18 =	simm.s32 $0x200  }
0x4: {  	s20 =	simm.s32 $0x1900;
	s21 =	simm.s32 $0x2580;
	s22 =	simm.s32 $0x3200  }
0x5: {  	s23 =	simm.s32 $0x3E80;
	s28 =	simm.s32 $0x0;
	s4 =	sand.u32 $0x1, s4  }
0x6: {  	[smem:$0x7FF] =	sst s3;
	s5 =	sand.u32 $0x7, s1;
	s6 =	ssub.s32 $0x2, s4  }
0x7: {  	s7 =	sshll.u32 s4, $0x4;
	s4 =	smul.u32 $0xC80, s5;
	s24 =	sshrl.u32 s6, $0x1  }
0x8: {  	_ =	strace $0x80000047;
	s9 =	sor.u32 s1, s7;
	s13 =	ssub.s32 s6, s24  }
0x9: {  	s12 =	sshrl.u32 s9, $0x3;
	s25 =	smin.u32 s4, $0x5600;
	s26 =	ssub.s32 $0x6270, s4  }
0xa: {  	s17 =	smul.u32 $0xE, s9;
	s24 =	simm.s32 $0x1;
	s29 =	sshll.u32 s25, $0x2  }
0xb: {  	s8 =	sshll.u32 s12, $0x7;
	s5 =	ssub.s32 s4, s25;
	s14 =	smin.u32 s26, $0xC80  }
0xc: {  	s31 =	sshll.u32 s12, $0x6;
	s13 =	smax.u32 s13, $0x1;
	s26 =	simm.s32 $0x4B80  }
0xd: {  	s10 =	sor.u32 s8, s29;
	s14 =	sshrl.u32 s14, $0x4;
	s12 =	sadd.s32 s2, s17  }
0xe: {  	s17 =	simm.s32 $0x80;
	s25 =	sshrl.u32 s31, $0x2;
	s30 =	sshrl.u32 s10, $0x3  }
0xf: {  	s7 =	sadd.s32 $0x18A00, s10;
	s8 =	sadd.s32 $0x31400, s10;
	s11 =	sadd.s32 $0x49E00, s10  }
0x10: {  	s15 =	sadd.s32 $0x62800, s10;
	s10 =	sadd.s32 $0x18A000, s10;
	s14 =	ssub.s32 $0x0, s14  }
0x11: {  	vm0 =	vmmov $0x1;
	v1 =	vlaneseq.u32;
	s6 =	sadd.s32 s0, s30;
	s7 =	sshrl.u32 s7, $0x3;
	s8 =	sshrl.u32 s8, $0x3  }
0x12: {  	vm6 =	vcmask $0x704;
	vm7 =	vcmask $0xB08;
	vm10 =	vcmask $0x1714;
	s11 =	sshrl.u32 s11, $0x3;
	s15 =	sshrl.u32 s15, $0x3;
	s16 =	sshrl.u32 s10, $0x3  }
0x13: {  	vm11 =	vcmask $0x1B18;
	v2 =	vimm.s32 $0x28010100;
	vm12 =	vcmask $0x1F1C;
	s7 =	sadd.s32 s0, s7;
	s8 =	sadd.s32 s0, s8;
	s9 =	sadd.s32 s0, s11  }
0x14: {  	vm13 =	vcmask $0x1B0C;
	v2 =	vunpack.c.0.s8.s32 v2;
	v0 =	vmov s5;
	s10 =	sadd.s32 s0, s15;
	s11 =	sadd.s32 s0, s16;
	s16 =	simm.s32 $0x2  }
.LBB2_1:
0x15: {  	s0 =	rddreg [dreg:$0x1];
	s1 =	simm.s32 $0x4B00  }
0x16: {  	[tilespmem:s1], [sflag:$0x2] =	stream.linear.gather [hbm4b:s0+s3], $0x80, $0x38;
	[tilespmem:$0x4C00] =	vst v63  }
0x17: {  	_ =	swait.ge [sflag:s16], $0x80  }
0x18: {  	[sflag:s16] =	ssyncset.done $0x0  }
0x19: {  	[sflag:s16] =	ssyncadd.s32 $0xFFFFFF80  }
0x1a: {  	[tilespmem:s3], [sflag:$0x1] =	stream.strided.gather [hbm4b:s6+s17], $0xC80, s18, s17, $0x38;
	[tilespmem:$0x4C00] =	vst v63  }
0x1b: {  	s19 =	simm.s32 $0xC80  }
0x1c: {  	[tilespmem:s19], [sflag:$0x1] =	stream.strided.gather [hbm4b:s7+s17], $0xC80, s18, s17, $0x38;
	[tilespmem:$0x4C00] =	vst v63  }
0x1d: {  	_ = 	snop  }
0x1e: {  	[tilespmem:s20], [sflag:$0x1] =	stream.strided.gather [hbm4b:s8+s17], $0xC80, s18, s17, $0x38;
	[tilespmem:$0x4C00] =	vst v63  }
0x1f: {  	_ = 	snop  }
0x20: {  	[tilespmem:s21], [sflag:$0x1] =	stream.strided.gather [hbm4b:s9+s17], $0xC80, s18, s17, $0x38;
	[tilespmem:$0x4C00] =	vst v63  }
0x21: {  	_ = 	snop  }
0x22: {  	[tilespmem:s22], [sflag:$0x1] =	stream.strided.gather [hbm4b:s10+s17], $0xC80, s18, s17, $0x38;
	[tilespmem:$0x4C00] =	vst v63  }
0x23: {  	_ = 	snop  }
0x24: {  	[tilespmem:s23], [sflag:$0x1] =	stream.strided.gather [hbm4b:s11+s17], $0xC80, s18, s17, $0x38;
	[tilespmem:$0x4C00] =	vst v63  }
0x25: {  	_ =	swait.ge [sflag:s24], $0xC80  }
0x26: {  	[sflag:s24] =	ssyncset.done $0x0  }
0x27: {  	[sflag:s24] =	ssyncadd.s32 $0xFFFFF380  }
0x28: {  	_ =	swait.ge [sflag:s24], $0xC80  }
0x29: {  	[sflag:s24] =	ssyncset.done $0x0  }
0x2a: {  	[sflag:s24] =	ssyncadd.s32 $0xFFFFF380  }
0x2b: {  	_ =	swait.ge [sflag:s24], $0xC80  }
0x2c: {  	[sflag:s24] =	ssyncset.done $0x0  }
0x2d: {  	[sflag:s24] =	ssyncadd.s32 $0xFFFFF380  }
0x2e: {  	_ =	swait.ge [sflag:s24], $0xC80  }
0x2f: {  	[sflag:s24] =	ssyncset.done $0x0  }
0x30: {  	[sflag:s24] =	ssyncadd.s32 $0xFFFFF380  }
0x31: {  	_ =	swait.ge [sflag:s24], $0xC80  }
0x32: {  	[sflag:s24] =	ssyncset.done $0x0  }
0x33: {  	[sflag:s24] =	ssyncadd.s32 $0xFFFFF380  }
0x34: {  	_ =	swait.ge [sflag:s24], $0xC80  }
0x35: {  	[sflag:s24] =	ssyncset.done $0x0  }
0x36: {  	[sflag:s24] =	ssyncadd.s32 $0xFFFFF380  }
0x37: {  	v3 =	vld [tilespmem:s25+$0x4B00];
	_ =	sdelay $0x4  }
0x38: {  	vm1 =	vcmask $0x308;
	v4 =	vnsel vm0, $0xFF61B1E6, v3  }
0x39: {  	(xrf0) =	vmax.scan.msk.f32 $0xffff, v4;
	v4 =	vsel vm1, $0xFF61B1E6, v3;
	vm1 =	vcmask $0x70C  }
0x3a: {  	(xrf0) =	vmax.scan.msk.f32 $0xffff, v4;
	v4 =	vsel vm1, $0xFF61B1E6, v3;
	vm1 =	vcmask $0xB10  }
0x3b: {  	(xrf0) =	vmax.scan.msk.f32 $0xffff, v4;
	v4 =	vsel vm1, $0xFF61B1E6, v3;
	vm1 =	vcmask $0xF14  }
0x3c: {  	(xrf0) =	vmax.scan.msk.f32 $0xffff, v4;
	v4 =	vsel vm1, $0xFF61B1E6, v3;
	vm1 =	vcmask $0x1318  }
0x3d: {  	v3 =	vsel vm1, $0xFF61B1E6, v3  }
0x3e: {  	(xrf0) =	vmax.scan.msk.f32 $0xffff, v4  }
0x3f: {  	(xrf0) =	vmax.scan.msk.f32 $0xffff, v3  }
0x40: {  	v3, _, _ =	vpop (xrf0)  }
0x41: {  	v4, _, _ =	vpop (xrf0)  }
0x42: {  	v5, _, _ =	vpop (xrf0)  }
0x43: {  	v6, _, _ =	vpop (xrf0)  }
0x44: {  	v7, _, _ =	vpop (xrf0)  }
0x45: {  	v8, _, _ =	vpop (xrf0)  }
0x46: {  	v8 =	vadd.f32 $0.0e+00, v8  }
0x47: {  	v7 =	vadd.f32 $0.0e+00, v7  }
0x48: {  	v8 =	vbroadcast v8, $0xF  }
0x49: {  	v7 =	vbroadcast v7, $0xF  }
0x4a: {  	(erf) = vrcp.f32 v8  }
0x4b: {  	(erf) = vrcp.f32 v7;
	_ =	sdelay $0x2  }
0x4c: {  	s31 =	sadd.s32 $0x0, s5;
	v3 =	vadd.f32 $0.0e+00, v3;
	v4 =	vadd.f32 $0.0e+00, v4  }
0x4d: {  	s2 =	sand.u32 $0x70, s3;
	s0 =	sand.u32 $0xFFFFFF80, s31;
	v5 =	vadd.f32 $0.0e+00, v5;
	v6 =	vadd.f32 $0.0e+00, v6  }
0x4e: {  	s30 =	sor.u32 s2, s0;
	v3 =	vmul.f32 $6.400000000e+02, v3;
	v4 =	vmul.f32 $6.400000000e+02, v4  }
0x4f: {  	v11 =	vld [tilespmem:s30+$0x2580];
	v5 =	vmul.f32 $6.400000000e+02, v5;
	v6 =	vmul.f32 $6.400000000e+02, v6  }
0x50: {  	v3 =	vbroadcast v3, $0xF;
	v4 =	vbroadcast v4, $0xF;
	v8 =	vld [tilespmem:s30+$0x1900]  }
0x51: {  	v10 =	vld [tilespmem:s30+$0x0];
	v5 =	vbroadcast v5, $0xF;
	v6 =	vbroadcast v6, $0xF;
	v7 =	vpop (erf)  }
0x52: {  	v9 =	vld [tilespmem:s30+$0xC80];
	v3 =	vmul.f32 v7, v3;
	v4 =	vmul.f32 v7, v4;
	v7 =	vpop (erf)  }
0x53: {  	v5 =	vmul.f32 v7, v5;
	v7 =	vmul.f32 v7, v6  }
0x54: {  	s0 =	sadd.s32 $0x1, s14;
	v6 =	vsub.f32 v4, v3  }
0x55: {  	p1 =	seq.s32 s0, $0x0;
	v16 =	vmul.f32 $5.000000000e-01, v11;
	v18 =	vmul.f32 $5.000000000e-01, v8;
	v12 =	vsub.f32 v7, v5  }
.Ltmp0:
0x56: {  	v6 =	vmul.f32 $1.500000060e-01, v6;
	(pc) =	sbr.rel @p1 .LBB2_2-.Ltmp0, $4  }
0x57: {  	v20 =	vsub.f32 v9, v16;
	v11 =	vsub.f32 v10, v18;
	v12 =	vmul.f32 $1.500000060e-01, v12  }
0x58: {  	v19 =	vsub.f32 v3, v6;
	v6 =	vadd.f32 v6, v4  }
0x59: {  	v4 =	vimm.f32 $-3.000000010e+38;
	v3 =	vimm.s32 $0x40000000;
	v8 =	vsub.f32 v5, v12  }
0x5a: {  	s29 =	simm.s32 $0x10;
	p0 =	por $0x0, $0x0;
	v7 =	vadd.f32 v12, v7;
	v5 =	vimm.f32 $-1.000000020e+30;
	vm15 =	vgt.f32 v11, v19  }
0x5b: {  	s2 =	sadd.s32 $0x10, s5;
	v11 =	vld [tilespmem:s30+$0x3E80]  }
0x5c: {  	s31 =	sand.u32 $0x70, s29;
	v12 =	vld [tilespmem:s30+$0x3200];
	v14 =	vadd.f32 v18, v10;
	s2 =	sand.u32 $0xFFFFFF80, s2  }
0x5d: {  	vm1 =	vgt.f32 v20, v8;
	v16 =	vadd.f32 v16, v9;
	s30 =	sor.u32 s31, s2  }
0x5e: {  	vm1 =	vmand vm15, vm1;
	vm2 =	vlt.f32 v14, v6;
	v13 =	vld [tilespmem:s30+$0x1900]  }
0x5f: {  	v15 =	vld [tilespmem:s30+$0x2580];
	vm1 =	vmand vm1, vm2;
	vm2 =	vlt.f32 v16, v7  }
0x60: {  	v21 =	vimm.f32 $-3.000000010e+38;
	v23 =	vimm.f32 $-3.000000010e+38;
	v10 =	vld [tilespmem:s30+$0x0];
	vm1 =	vmand vm2, vm1  }
0x61: {  	s0 =	sadd.s32 $0x1, s0;
	v22 =	vimm.f32 $-3.000000010e+38;
	v9 =	vld [tilespmem:s30+$0xC80];
	v11 =	vmul.f32 v11, v12;
	v12 =	vnsel vm1, $0xF149F2CA, v12  }
0x62: {  	v25 =	vimm.f32 $-3.000000010e+38;
	v17 =	vimm.s32 $0x40000000;
	p1 =	seq.s32 s0, $0x0;
	v5 =	vmax.f32 v5, v12  }
.Ltmp1:
0x63: {  	v12 =	vimm.s32 $0x40000000;
	v24 =	vnsel vm1, $0xF149F2CA, v11;
	v18 =	vmul.f32 $5.000000000e-01, v13;
	(pc) =	sbr.rel @p1 .LBB2_4-.Ltmp1, $4  }
0x64: {  	v13 =	vor.u32 s3, v1;
	v16 =	vmul.f32 $5.000000000e-01, v15;
	vm14 =	vgt.f32 v24, v4  }
0x65: {  	v15 =	vimm.s32 $0x40000000;
	vm2 =	vmneg vm14;
	v11 =	vsub.f32 v10, v18  }
0x66: {  	v14 =	vsel vm14, v24, v4;
	vm3 =	vmmov vm14;
	v20 =	vsub.f32 v9, v16  }
0x67: {  	p0 =	por $0x1, $0x1;
	s2 =	simm.s32 $0x20;
	vm1 =	vmand vm14, vm2;
	vm15 =	vgt.f32 v11, v19;
	v11 =	vimm.s32 $0x40000000  }
.LBB2_5:
0x68: {  	s31 =	sadd.s32 s2, s5;
	s0 =	sadd.s32 $0x1, s0;
	v26 =	vld [tilespmem:s30+$0x3E80];
	vm3 =	vmor vm14, vm3;
	v21 =	vsel vm1, v24, v21;
	v12 =	vsel vm1, v13, v12  }
0x69: {  	s1 =	sand.u32 $0x70, s2;
	s31 =	sand.u32 $0xFFFFFF80, s31;
	p1 =	seq.s32 s0, $0x0;
	v27 =	vld [tilespmem:s30+$0x3200];
	vm1 =	vmor vm3, vm2;
	v12 =	vsel vm14, v11, v12;
	v11 =	vsel vm14, v13, v11  }
0x6a: {  	v21 =	vsel vm14, v22, v21;
	v22 =	vmovc v14;
	s30 =	sor.u32 s1, s31;
	v23 =	vsel vm1, v23, v24;
	v13 =	vsel vm1, v15, v13  }
0x6b: {  	v18 =	vadd.f32 v18, v10;
	v24 =	vld [tilespmem:s30+$0x1900];
	v23 =	vsel vm3, v25, v23;
	v15 =	vsel vm3, v17, v13;
	v17 =	vmovc v12  }
0x6c: {  	vm1 =	vgt.f32 v20, v8;
	v13 =	vadd.f32 v16, v9;
	v25 =	vmov v21;
	v28 =	vld [tilespmem:s30+$0x2580]  }
0x6d: {  	vm2 =	vlt.f32 v18, v6;
	vm1 =	vmand vm15, vm1;
	v10 =	vld [tilespmem:s30+$0x0]  }
0x6e: {  	vm1 =	vmand vm1, vm2;
	vm2 =	vlt.f32 v13, v7;
	v9 =	vld [tilespmem:s30+$0xC80];
	v16 =	vmul.f32 v26, v27  }
0x6f: {  	v13 =	vor.u32 s29, v1;
	s29 =	smov.u32 s2;
	vm1 =	vmand vm2, vm1  }
.Ltmp2:
0x70: {  	v20 =	vnsel vm1, $0xF149F2CA, v27;
	v18 =	vmul.f32 $5.000000000e-01, v24;
	v24 =	vnsel vm1, $0xF149F2CA, v16;
	(pc) =	sbr.rel @!p1 .LBB2_5-.Ltmp2, $4  }
0x71: {  	v5 =	vmax.f32 v5, v20;
	v16 =	vmul.f32 $5.000000000e-01, v28;
	vm14 =	vgt.f32 v24, v14  }
0x72: {  	vm3 =	vgt.f32 v24, v21;
	vm2 =	vgt.f32 v24, v23;
	v26 =	vsub.f32 v10, v18  }
0x73: {  	vm1 =	vmneg vm14;
	v14 =	vsel vm14, v24, v14;
	v20 =	vsub.f32 v9, v16  }
0x74: {  	s2 =	sadd.s32 $0x10, s2;
	vm2 =	vmneg vm2;
	vm1 =	vmand vm3, vm1;
	vm15 =	vgt.f32 v26, v19  }
.LBB2_6:
0x75: {  	v19 =	vld [tilespmem:s30+$0x3E80]  }
0x76: {  	v26 =	vld [tilespmem:s30+$0x3200];
	_ =	sdelay $0x1  }
0x77: {  	v10 =	vadd.f32 v18, v10;
	vm3 =	vmor @p0 vm14, vm3;
	v18 =	vsel @p0 vm1, v24, v21  }
0x78: {  	vm4 =	vgt.f32 v20, v8;
	v58 =	vadd.f32 v16, v9;
	vm2 =	vmor @p0 vm3, vm2  }
0x79: {  	vm4 =	vmand vm15, vm4;
	v9 =	vsel @p0 vm2, v23, v24;
	vm5 =	vlt.f32 v10, v6  }
0x7a: {  	vm4 =	vmand vm4, vm5;
	vm5 =	vlt.f32 v58, v7;
	v59 =	vmul.f32 v19, v26  }
0x7b: {  	v7 =	vsel @p0 vm14, v22, v18;
	v8 =	vsel @p0 vm3, v25, v9;
	vm4 =	vmand vm5, vm4  }
0x7c: {  	v7 =	vpsel p0, v7, v4;
	v60 =	vnsel vm4, $0xF149F2CA, v26;
	v6 =	vnsel vm4, $0xF149F2CA, v59  }
0x7d: {  	v61 =	vpsel p0, v8, v4;
	v5 =	vmax.f32 v5, v60;
	vm4 =	vgt.f32 v6, v14  }
0x7e: {  	vm5 =	vgt.f32 v6, v7;
	vm15 =	vgt.f32 v6, v61;
	vm8 =	vmneg vm4  }
0x7f: {  	vm9 =	vmneg vm15;
	vm15 =	vmor vm4, vm5;
	vm8 =	vmand vm5, vm8  }
0x80: {  	(xrf0) =	vmax.scan.msk.f32 $0xffff, v5;
	v62 =	vsel vm4, v6, v14;
	vm5 =	vmor vm15, vm9;
	v63 =	vsel vm8, v6, v7  }
0x81: {  	(xrf0) =	vmax.scan.msk.f32 $0xffff, v62;
	v4 =	vsel vm5, v61, v6;
	v16 =	vsel vm4, v14, v63  }
0x82: {  	v6 =	vsel vm15, v7, v4;
	(xrf0) =	vmax.scan.msk.f32 $0xffff, v16  }
0x83: {  	(xrf0) =	vmax.scan.msk.f32 $0xffff, v6;
	_ =	sdelay $0x2  }
0x84: {  	v18, _, _ =	vpop (xrf0)  }
0x85: {  	(v2sf) =	vpush v18, $0xF;
	v19, _, _ =	vpop (xrf0)  }
0x86: {  	(v2sf) =	vpush v19, $0xF;
	v20, _, _ =	vpop (xrf0)  }
0x87: {  	(v2sf) =	vpush v20, $0xF;
	v21, _, _ =	vpop (xrf0)  }
0x88: {  	(v2sf) =	vpush v21, $0xF;
	_ =	sdelay $0xb  }
0x89: {  	s30 =	spop (v2sf)  }
0x8a: {  	v7 =	vsel @p0 vm1, v13, v12;
	s0 =	spop (v2sf)  }
0x8b: {  	v10 =	vsel @p0 vm2, v15, v13;
	v7 =	vsel @p0 vm14, v11, v7;
	s1 =	spop (v2sf)  }
0x8c: {  	v9 =	vsel @p0 vm14, v13, v11;
	v22 =	vor.u32 s29, v1;
	v7 =	vpsel p0, v7, v3;
	s2 =	spop (v2sf)  }
0x8d: {  	v10 =	vsel @p0 vm3, v17, v10;
	v9 =	vpsel p0, v9, v3;
	v23 =	vsel vm8, v22, v7;
	s1 =	smax.f32 s1, s2  }
0x8e: {  	v3 =	vpsel p0, v10, v3;
	v24 =	vsel vm4, v9, v23;
	v9 =	vsel vm4, v22, v9;
	s31 =	smax.f32 s0, s1  }
0x8f: {  	v3 =	vsel vm5, v3, v22;
	v25 =	vxor.u32 $0x80000000, v9;
	vm1 =	veq.f32 v62, s31  }
0x90: {  	v27 =	vxor.u32 $0x80000000, v24;
	v26 =	vnsel vm1, $0xC0000000, v25;
	vm1 =	veq.f32 v16, s31  }
0x91: {  	v3 =	vsel vm15, v7, v3;
	(xrf0) =	vmin.scan.msk.u32 $0xffff, v26;
	v28 =	vnsel vm1, $0xC0000000, v27  }
0x92: {  	v29 =	vxor.u32 $0x80000000, v3;
	vm1 =	veq.f32 v6, s31;
	(xrf0) =	vmin.scan.msk.u32 $0xffff, v28  }
0x93: {  	v30 =	vnsel vm1, $0xC0000000, v29  }
0x94: {  	(xrf0) =	vmin.scan.msk.u32 $0xffff, v30;
	_ =	sdelay $0x2  }
0x95: {  	v31, _, _ =	vpop (xrf0)  }
0x96: {  	(v2sf) =	vpush v31, $0xF;
	v32, _, _ =	vpop (xrf0)  }
0x97: {  	(v2sf) =	vpush v32, $0xF  }
0x98: {  	v33, _, _ =	vpop (xrf0)  }
0x99: {  	(v2sf) =	vpush v33, $0xF;
	_ =	sdelay $0xb  }
0x9a: {  	s15 =	spop (v2sf)  }
0x9b: {  	s19 =	spop (v2sf)  }
0x9c: {  	s0 =	sxor.u32 $0x80000000, s15;
	s1 =	sxor.u32 $0x80000000, s19  }
0x9d: {  	s29 =	spop (v2sf);
	p0 =	slt.s32 s0, s1  }
0x9e: {  	s29 =	sxor.u32 $0x80000000, s29;
	s1 =	smov.u32 @p0 s0  }
0x9f: {  	p0 =	slt.s32 s1, s29  }
0xa0: {  	s29 =	smov.u32 @p0 s1  }
0xa1: {  	vm1 =	veq.s32 v9, s29  }
0xa2: {  	v8 =	vsel vm1, $0xFF61B1E6, v62;
	vm1 =	veq.s32 v24, s29  }
0xa3: {  	v5 =	vsel vm1, $0xFF61B1E6, v16;
	vm1 =	veq.s32 v3, s29;
	(xrf0) =	vmax.scan.msk.f32 $0xffff, v8  }
0xa4: {  	v6 =	vsel vm1, $0xFF61B1E6, v6;
	(xrf0) =	vmax.scan.msk.f32 $0xffff, v5  }
0xa5: {  	(xrf0) =	vmax.scan.msk.f32 $0xffff, v6;
	_ =	sdelay $0x3  }
0xa6: {  	v34, _, _ =	vpop (xrf0)  }
0xa7: {  	(v2sf) =	vpush v34, $0xF;
	v35, _, _ =	vpop (xrf0)  }
0xa8: {  	(v2sf) =	vpush v35, $0xF;
	v36, _, _ =	vpop (xrf0)  }
0xa9: {  	(v2sf) =	vpush v36, $0xF;
	_ =	sdelay $0xc  }
0xaa: {  	s0 =	spop (v2sf)  }
0xab: {  	s15 =	spop (v2sf)  }
0xac: {  	s19 =	spop (v2sf)  }
0xad: {  	s1 =	smax.f32 s15, s19  }
0xae: {  	s0 =	smax.f32 s0, s1  }
0xaf: {  	vm1 =	veq.f32 v8, s0  }
0xb0: {  	v37 =	vnsel vm1, $0xC0000000, v25;
	vm1 =	veq.f32 v5, s0  }
0xb1: {  	(xrf0) =	vmin.scan.msk.u32 $0xffff, v37;
	v38 =	vnsel vm1, $0xC0000000, v27  }
0xb2: {  	vm1 =	veq.f32 v6, s0;
	(xrf0) =	vmin.scan.msk.u32 $0xffff, v38  }
0xb3: {  	v39 =	vnsel vm1, $0xC0000000, v29  }
0xb4: {  	(xrf0) =	vmin.scan.msk.u32 $0xffff, v39;
	_ =	sdelay $0x2  }
0xb5: {  	v40, _, _ =	vpop (xrf0)  }
0xb6: {  	(v2sf) =	vpush v40, $0xF;
	v41, _, _ =	vpop (xrf0)  }
0xb7: {  	(v2sf) =	vpush v41, $0xF  }
0xb8: {  	v42, _, _ =	vpop (xrf0)  }
0xb9: {  	(v2sf) =	vpush v42, $0xF;
	_ =	sdelay $0xb  }
0xba: {  	s2 =	spop (v2sf)  }
0xbb: {  	s15 =	spop (v2sf)  }
0xbc: {  	s1 =	sxor.u32 $0x80000000, s2;
	s15 =	sxor.u32 $0x80000000, s15  }
0xbd: {  	s19 =	spop (v2sf);
	p0 =	slt.s32 s1, s15  }
0xbe: {  	s2 =	sxor.u32 $0x80000000, s19;
	s15 =	smov.u32 @p0 s1  }
0xbf: {  	p0 =	slt.s32 s15, s2  }
0xc0: {  	s2 =	smov.u32 @p0 s15  }
0xc1: {  	vm1 =	veq.s32 v9, s2  }
0xc2: {  	v8 =	vsel vm1, $0xFF61B1E6, v8;
	vm1 =	veq.s32 v24, s2  }
0xc3: {  	v5 =	vsel vm1, $0xFF61B1E6, v5;
	vm1 =	veq.s32 v3, s2;
	(xrf0) =	vmax.scan.msk.f32 $0xffff, v8  }
0xc4: {  	v3 =	vsel vm1, $0xFF61B1E6, v6;
	(xrf0) =	vmax.scan.msk.f32 $0xffff, v5  }
0xc5: {  	(xrf0) =	vmax.scan.msk.f32 $0xffff, v3;
	_ =	sdelay $0x3  }
0xc6: {  	v43, _, _ =	vpop (xrf0)  }
0xc7: {  	(v2sf) =	vpush v43, $0xF;
	v44, _, _ =	vpop (xrf0)  }
0xc8: {  	(v2sf) =	vpush v44, $0xF;
	v45, _, _ =	vpop (xrf0)  }
0xc9: {  	(v2sf) =	vpush v45, $0xF;
	_ =	sdelay $0xc  }
0xca: {  	s1 =	spop (v2sf)  }
0xcb: {  	s15 =	spop (v2sf)  }
0xcc: {  	s19 =	spop (v2sf)  }
0xcd: {  	s15 =	smax.f32 s15, s19  }
0xce: {  	s1 =	smax.f32 s1, s15  }
0xcf: {  	vm1 =	veq.f32 v8, s1  }
0xd0: {  	v46 =	vnsel vm1, $0xC0000000, v25;
	vm1 =	veq.f32 v5, s1  }
0xd1: {  	(xrf0) =	vmin.scan.msk.u32 $0xffff, v46;
	v5 =	vnsel vm1, $0xC0000000, v27  }
0xd2: {  	vm1 =	veq.f32 v3, s1;
	(xrf0) =	vmin.scan.msk.u32 $0xffff, v5  }
0xd3: {  	v3 =	vnsel vm1, $0xC0000000, v29  }
0xd4: {  	(xrf0) =	vmin.scan.msk.u32 $0xffff, v3;
	_ =	sdelay $0x2  }
0xd5: {  	v3, _, _ =	vpop (xrf0)  }
0xd6: {  	v5, _, _ =	vpop (xrf0);
	(v2sf) =	vpush v3, $0xF  }
0xd7: {  	(v2sf) =	vpush v5, $0xF  }
0xd8: {  	v3, _, _ =	vpop (xrf0)  }
0xd9: {  	(v2sf) =	vpush v3, $0xF;
	_ =	sdelay $0x8  }
0xda: {  	p0 =	sgt.f32 s30, $-1.000000020e+29  }
0xdb: {  	s15 =	simm.f32 $1.000000000e+00  }
0xdc: {  	s15 =	simm.s32 @!p0 $0x0;
	v3 =	vbroadcast v18, $0xF  }
0xdd: {  	v47 =	vmov s15;
	s19 =	spop (v2sf)  }
0xde: {  	s30 =	sadd.s32 s4, s29;
	v4 =	vnsel vm6, $0x0, v47;
	v3 =	vnsel vm0, $0x0, v3;
	s15 =	spop (v2sf)  }
0xdf: {  	v48 =	vmov s31;
	s30 =	scvt.s32.f32 s30;
	v3 =	vadd.f32 v4, v3;
	s19 =	sxor.u32 $0x80000000, s19;
	s15 =	sxor.u32 $0x80000000, s15  }
0xe0: {  	v49 =	vnsel vm7, $0x0, v48;
	s31 =	spop (v2sf);
	p0 =	slt.s32 s19, s15  }
0xe1: {  	v50 =	vmov s30;
	vm1 =	vcmask $0xF0C;
	v3 =	vadd.f32 v49, v3;
	s15 =	smov.u32 @p0 s19;
	s19 =	sxor.u32 $0x80000000, s31  }
0xe2: {  	v4 =	vnsel vm1, $0x0, v50;
	s31 =	sadd.s32 s4, s2;
	p0 =	slt.s32 s15, s19  }
0xe3: {  	v51 =	vmov s0;
	vm1 =	vcmask $0x1310;
	v3 =	vadd.f32 v4, v3;
	s30 =	scvt.s32.f32 s31;
	s19 =	smov.u32 @p0 s15  }
0xe4: {  	v52 =	vnsel vm1, $0x0, v51;
	v53 =	vmov s19  }
0xe5: {  	v3 =	vadd.f32 v52, v3;
	v54 =	vmov s30;
	v5 =	vnsel vm7, $0x1, v53  }
0xe6: {  	v55 =	vmov s1;
	s31 =	sadd.s32 s4, s19;
	v4 =	vnsel vm10, $0x0, v54;
	v5 =	vsel vm13, v2, v5  }
0xe7: {  	vm1 =	veq.s32 v1, $0x0;
	s0 =	scvt.s32.f32 s31;
	v3 =	vadd.f32 v4, v3;
	v56 =	vsel vm6, s2, v5  }
0xe8: {  	v57 =	vnsel vm11, $0x0, v55;
	v4 =	vsel vm1, s29, v56  }
0xe9: {  	v58 =	vmov s0;
	v3 =	vadd.f32 v57, v3;
	v59 =	vadd.s32 v0, v4  }
0xea: {  	v5 =	vnsel vm12, $0x0, v58  }
0xeb: {  	v3 =	vadd.f32 v5, v3;
	_ =	sdelay $0x1  }
0xec: {  	v4 =	vand.u32 $0x7F, v4;
	[tilespmem:$0x4B80] =	vst v3;
	v3 =	vand.u32 $0xFFFFFF80, v59  }
0xed: {  	v3 =	vor.u32 v4, v3;
	v60 =	vld.idx.msk [tilespmem:v59+s3+$0x0], $0xffff  }
0xee: {  	v4 =	vadd.s32 $0xC80, v3;
	_ =	sdelay $0x3  }
0xef: {  	[tilespmem:$0x4B90] =	vst v60  }
0xf0: {  	v4 =	vld.idx.msk [tilespmem:v4+s3+$0x0], $0xffff  }
0xf1: {  	v61 =	vadd.s32 $0x1900, v3;
	_ =	sdelay $0x3  }
0xf2: {  	[tilespmem:$0x4BA0] =	vst v4  }
0xf3: {  	v4 =	vld.idx.msk [tilespmem:v61+s3+$0x0], $0xffff  }
0xf4: {  	v62 =	vadd.s32 $0x2580, v3;
	_ =	sdelay $0x3  }
0xf5: {  	[tilespmem:$0x4BB0] =	vst v4  }
0xf6: {  	v4 =	vld.idx.msk [tilespmem:v62+s3+$0x0], $0xffff  }
0xf7: {  	v63 =	vadd.s32 $0x3200, v3;
	_ =	sdelay $0x3  }
0xf8: {  	[tilespmem:$0x4BC0] =	vst v4  }
0xf9: {  	v4 =	vld.idx.msk [tilespmem:v63+s3+$0x0], $0xffff  }
0xfa: {  	v3 =	vadd.s32 $0x3E80, v3;
	_ =	sdelay $0x3  }
0xfb: {  	[tilespmem:$0x4BD0] =	vst v4  }
0xfc: {  	v3 =	vld.idx.msk [tilespmem:v3+s3+$0x0], $0xffff;
	_ =	sdelay $0x3  }
0xfd: {  	s28 =	sadd.s32 $0x1, s28  }
0xfe: {  	p0 =	sne.s32 s28, s13;
	[tilespmem:$0x4BE0] =	vst v3  }
0xff: {  	[hbm4b:s12+s3] =	stream.linear.scatter [tilespmem:s26], [sflag:$0x2], $0x70, $0x38;
	[tilespmem:$0x4C00] =	vst v63  }
.Ltmp3:
0x100: {  	_ = 	snop;
	(pc) =	sbr.rel @p0 .LBB2_1-.Ltmp3, $4  }
.Ltmp4:
0x101: {  	_ = 	snop;
	(pc) =	sbr.rel @!p0 .LBB2_7-.Ltmp4, $4  }
0x102: {  	_ =	swait.ge [sflag:s16], $0x70  }
0x103: {  	[sflag:s16] =	ssyncset.done $0x0  }
0x104: {  	[sflag:s16] =	ssyncadd.s32 $0xFFFFFF90  }
0x105: {  	_ = 	snop  }
.LBB2_2:
.Ltmp5:
0x106: {  	(pc) =	sbr.rel .LBB2_6-.Ltmp5, $3  }
0x107: {  	_ =	sdelay $0x1  }
0x108: {  	v21 =	vimm.f32 $-3.000000010e+38;
	v12 =	vimm.s32 $0x40000000;
	v11 =	vimm.s32 $0x40000000  }
0x109: {  	v23 =	vimm.f32 $-3.000000010e+38;
	v15 =	vimm.s32 $0x40000000;
	v14 =	vimm.f32 $-3.000000010e+38;
	s29 =	simm.s32 $0x0  }
.LBB2_4:
.Ltmp6:
0x10a: {  	(pc) =	sbr.rel .LBB2_6-.Ltmp6, $4  }
0x10b: {  	_ = 	snop  }
0x10c: {  	v21 =	vimm.f32 $-3.000000010e+38;
	v12 =	vimm.s32 $0x40000000;
	v11 =	vimm.s32 $0x40000000  }
0x10d: {  	v23 =	vimm.f32 $-3.000000010e+38;
	v15 =	vimm.s32 $0x40000000;
	vm3 =	vmmov vm14  }
0x10e: {  	v22 =	vimm.f32 $-3.000000010e+38;
	v25 =	vimm.f32 $-3.000000010e+38;
	v17 =	vimm.s32 $0x40000000  }
.LBB2_7:
0x10f: {  	_ =	sfence.sel $0x180000  }
0x110: {  	[bflag:$0x0] =	sbarrier.arrive $0xFFFF  }
0x111: {  	_ =	strace $0x90000047  }
0x112: {  	s0 =	stileid.u32;
	[bflag:$0x2] =	sbarrier.arrive $0xFFFF  }
0x113: {  	p0 =	sne.s32 s0, $0x0;
	s0 =	rddreg [dreg:$0x3]  }
0x114: {  	s0 =	sadd.s32 @!p0 $0x100000, s0  }
0x115: {  	[sflag:s0] =	ssyncadd.tile.s32 @!p0 $0x1;
	_ =	shalt  }
.Lfunc_end2:
_tile_overlayer_lowered:
.L_overlay_start_2:
0x116: {  	(tag) =	ssettag $0x2  }
0x117: {  	s0 =	rddreg [dreg:$0x0];
	s2 =	stileid.u32  }
0x118: {  	s1 =	rddreg [dreg:$0x1];
	p0 =	sne.s32 s2, $0x0  }
0x119: {  	s3 =	rddreg [dreg:$0x2];
	[bflag:$0x3] =	sbarrier.arrive $0xFFFF;
	s2 =	simm.s32 @!p0 $0x1C02  }
0x11a: {  	[timem:s3], [sflag:s2] =	dma.local @!p0 [hbm:s0], s1  }
0x11b: {  	s0 =	simm.s32 @!p0 $0x2  }
0x11c: {  	_ =	swait.ge @!p0 [sflag:s0], s1  }
0x11d: {  	s1 =	ssub.s32 @!p0 $0x0, s1;
	[sflag:s0] =	ssyncset.done @!p0 $0x0  }
0x11e: {  	[sflag:s0] =	ssyncadd.s32 @!p0 s1  }
0x11f: {  	[bflag:$0x3] =	sbarrier.arrive $0xFFFF  }
0x120: {  	_ =	shalt  }

// kernel: kernel.7.cloned.1.call-start
scs
__scs_entry_jumppad:
0x0: {  	(pc) =	sbr.rel $0x88, $3  }
0x1: {  	(tag) =	ssettag $0x0;
	lr =	simm.s32 $0x1  }
0x2: {  	[smem:$0x3F9E] =	sst lr;
	_ =	strace $0xD0000000  }
0x3: {  	_ = 	snop  }
0x4: {  	_ = 	snop  }
0x5: {  	_ = 	snop  }
0x6: {  	_ = 	snop  }
0x7: {  	_ = 	snop  }
__scs_overlays_trampoline_lowered:
0x8: {  	[smem:$0x3FAD] =	sst s0  }
0x9: {  	[smem:$0x3FAE] =	sst s1  }
0xa: {  	[smem:$0x3FAF] =	sst s2  }
0xb: {  	[smem:$0x3FB0] =	sst s3  }
0xc: {  	[smem:$0x3FB1] =	sst s4  }
0xd: {  	[smem:$0x3FB2] =	sst s5  }
0xe: {  	[smem:$0x3FB3] =	sst s6  }
0xf: {  	[smem:$0x3FB4] =	sst s7  }
0x10: {  	[smem:$0x3FB5] =	sst s8  }
0x11: {  	[smem:$0x3FB6] =	sst s9;
	s0 =	simm.s32 @!p0 $0x0  }
0x12: {  	s1 =	sld [smem:$0x3F9C];
	s0 =	simm.s32 @p0 $0x1  }
0x13: {  	[smem:$0x3FB7] =	sst s0;
	s0 =	simm.s32 @!p1 $0x0  }
0x14: {  	s2 =	sld [smem:$0x3F9B];
	s0 =	simm.s32 @p1 $0x1  }
0x15: {  	[smem:$0x3FB8] =	sst s0;
	s0 =	simm.s32 @!p2 $0x0  }
0x16: {  	s3 =	sld [smem:$0x3FDB];
	s0 =	simm.s32 @p2 $0x1  }
0x17: {  	s4 =	simm.s32 $0x1BF5;
	[smem:$0x3FBA] =	sst s0  }
0x18: {  	s0 =	sld [smem:$0x3F9D];
	_ =	swait.ge [sflag:s4], $0x0  }
0x19: {  	s7 =	sld [smem:$0x3F9E]  }
0x1a: {  	s8 =	sadd.s32 $0xFFFFE003, lr  }
0x1b: {  	s9 =	sadd.s32 $0xFFFFFEF7, lr;
	s5 =	simm.s32 $0xFFFFFFFF;
	p2 =	slt.u32 s8, $0xFFFFF086  }
0x1c: {  	p1 =	slt.u32 s9, $0xF7A;
	s5 =	simm.s32 @!p2 $0x0  }
0x1d: {  	s5 =	simm.s32 @p1 $0x1;
	p0 =	seq.s32 s7, s2  }
0x1e: {  	s7 =	smul.u32 @!p0 $0xF7A, s2;
	p2 =	seq.s32 @!p0 s5, $0x0  }
0x1f: {  	s9 =	smul.u32 $0xF7A, s1;
	s8 =	simm.s32 @!p0 $0x1BF5;
	p2 =	por !p2, p0  }
0x20: {  	[sflag:s8] =	ssyncset.s32 @!p0 $0xFFFFF086;
	s6 =	sadd.s32 @!p0 s3, s7;
	s7 =	simm.s32 @!p0 $0x108  }
0x21: {  	s3 =	sadd.s32 s3, s9;
	s6 =	sadd.s32 @!p0 $0x88, s6;
	s7 =	simm.s32 @p2 $0x1082  }
0x22: {  	[simem:s7], [sflag:s8] =	dma.local @!p0 [hbm:s6], $0xF7A  }
0x23: {  	s9 =	sor.u32 $0xD0000000, s2;
	s6 =	simm.s32 $0x108;
	_ =	swait.ge @!p0 [sflag:s8], $0x0  }
0x24: {  	s3 =	sadd.s32 $0x88, s3;
	s6 =	simm.s32 @!p1 $0x1082;
	[sflag:s4] =	ssyncset.s32 $0xFFFFF086  }
0x25: {  	[simem:s6], [sflag:s4] =	dma.local [hbm:s3], $0xF7A  }
0x26: {  	[smem:$0x3F9E] =	sst s1;
	(tag) =	ssettag s2;
	_ =	strace s9  }
0x27: {  	s1 =	sld [smem:$0x3FAE]  }
0x28: {  	s2 =	sld [smem:$0x3FAF]  }
0x29: {  	s4 =	sld [smem:$0x3FB1]  }
0x2a: {  	p0 =	seq.s32 s5, $0x0;
	s5 =	sld [smem:$0x3FB2]  }
0x2b: {  	s6 =	sld [smem:$0x3FB3]  }
0x2c: {  	s7 =	sld [smem:$0x3FB4]  }
0x2d: {  	s3 =	simm.s32 $0x108;
	s8 =	sld [smem:$0x3FB5]  }
0x2e: {  	s3 =	simm.s32 @!p0 $0x1082;
	s9 =	sld [smem:$0x3FB6]  }
0x2f: {  	lr =	sadd.s32 s0, s3;
	s0 =	sld [smem:$0x3FAD]  }
0x30: {  	s3 =	sld [smem:$0x3FB0]  }
0x31: {  	[smem:$0x3FB9] =	sst s10  }
0x32: {  	s10 =	sld [smem:$0x3FB7];
	_ =	sdelay $0x3  }
0x33: {  	p0 =	seq.s32 s10, $0x1;
	s10 =	sld [smem:$0x3FB9];
	_ =	sdelay $0x3  }
0x34: {  	[smem:$0x3FB9] =	sst s10  }
0x35: {  	s10 =	sld [smem:$0x3FB8];
	_ =	sdelay $0x3  }
0x36: {  	p1 =	seq.s32 s10, $0x1;
	s10 =	sld [smem:$0x3FB9];
	_ =	sdelay $0x3  }
0x37: {  	[smem:$0x3FB9] =	sst s10  }
0x38: {  	s10 =	sld [smem:$0x3FBA]  }
0x39: {  	_ = 	snop;
	(pc) =	sbr.ind lr, $3  }
0x3a: {  	_ = 	snop  }
0x3b: {  	_ = 	snop  }
0x3c: {  	p2 =	seq.s32 s10, $0x1;
	s10 =	sld [smem:$0x3FB9]  }
0x3d: {  	_ =	shalt  }
0x3e: {  	_ =	shalt  }
0x3f: {  	_ =	shalt  }
0x40: {  	_ =	shalt  }
0x41: {  	_ =	shalt  }
0x42: {  	_ =	shalt  }
0x43: {  	_ =	shalt  }
0x44: {  	_ =	shalt  }
0x45: {  	_ =	shalt  }
0x46: {  	_ =	shalt  }
0x47: {  	_ =	shalt  }
0x48: {  	_ =	shalt  }
0x49: {  	_ =	shalt  }
0x4a: {  	_ =	shalt  }
0x4b: {  	_ =	shalt  }
0x4c: {  	_ =	shalt  }
0x4d: {  	_ =	shalt  }
0x4e: {  	_ =	shalt  }
0x4f: {  	_ =	shalt  }
0x50: {  	_ =	shalt  }
0x51: {  	_ =	shalt  }
0x52: {  	_ =	shalt  }
0x53: {  	_ =	shalt  }
0x54: {  	_ =	shalt  }
0x55: {  	_ =	shalt  }
0x56: {  	_ =	shalt  }
0x57: {  	_ =	shalt  }
0x58: {  	_ =	shalt  }
0x59: {  	_ =	shalt  }
0x5a: {  	_ =	shalt  }
0x5b: {  	_ =	shalt  }
0x5c: {  	_ =	shalt  }
0x5d: {  	_ =	shalt  }
0x5e: {  	_ =	shalt  }
0x5f: {  	_ =	shalt  }
0x60: {  	_ =	shalt  }
0x61: {  	_ =	shalt  }
0x62: {  	_ =	shalt  }
0x63: {  	_ =	shalt  }
0x64: {  	_ =	shalt  }
0x65: {  	_ =	shalt  }
0x66: {  	_ =	shalt  }
0x67: {  	_ =	shalt  }
0x68: {  	_ =	shalt  }
0x69: {  	_ =	shalt  }
0x6a: {  	_ =	shalt  }
0x6b: {  	_ =	shalt  }
0x6c: {  	_ =	shalt  }
0x6d: {  	_ =	shalt  }
0x6e: {  	_ =	shalt  }
0x6f: {  	_ =	shalt  }
0x70: {  	_ =	shalt  }
0x71: {  	_ =	shalt  }
0x72: {  	_ =	shalt  }
0x73: {  	_ =	shalt  }
0x74: {  	_ =	shalt  }
0x75: {  	_ =	shalt  }
0x76: {  	_ =	shalt  }
0x77: {  	_ =	shalt  }
0x78: {  	_ =	shalt  }
0x79: {  	_ =	shalt  }
0x7a: {  	_ =	shalt  }
0x7b: {  	_ =	shalt  }
0x7c: {  	_ =	shalt  }
0x7d: {  	_ =	shalt  }
0x7e: {  	_ =	shalt  }
0x7f: {  	_ =	shalt  }
0x80: {  	_ =	shalt  }
0x81: {  	_ =	shalt  }
0x82: {  	_ =	shalt  }
0x83: {  	_ =	shalt  }
0x84: {  	_ =	shalt  }
0x85: {  	_ =	shalt  }
0x86: {  	_ =	shalt  }
0x87: {  	_ =	shalt  }
.Lfunc_end0:
.L_simem_size_0:
called_computation.1_lowered:
.L_overlay_start_0:
0x88: {  	s0 =	sld [smem:$0x3FD9]  }
0x89: {  	s1 =	sld [smem:$0x3FFE];
	_ =	sdelay $0x3  }
0x8a: {  	s0 =	sadd.s32 s1, s0  }
0x8b: {  	[smem:$0x3FC5] =	sst s0  }
0x8c: {  	_ = 	snop  }
0x8d: {  	s0 =	sld [smem:$0x3FD0];
	_ =	sdelay $0x2  }
0x8e: {  	s13 =	simm.s32 $0xA;
	s2 =	simm.s32 $0x10  }
0x8f: {  	[smem:s2], [sflag:s13] =	dma.local [hbm:s0], $0x1  }
0x90: {  	_ =	swait.eq [sflag:s13], $0x1  }
0x91: {  	s14 =	sld [smem:$0x10];
	[sflag:s13] =	ssyncset.done $0x0  }
0x92: {  	s15 =	sld [smem:$0x11];
	[sflag:s13] =	ssyncadd.s32 $0xFFFFFFFF  }
0x93: {  	s16 =	sld [smem:$0x12];
	(tm) =	ssettm $0x1  }
0x94: {  	s3 =	sld [smem:$0x3FFB];
	_ =	sdelay $0x3  }
0x95: {  	_ =	strace s3  }
0x96: {  	s3 =	sld [smem:$0x3FFC];
	_ =	sdelay $0x3  }
0x97: {  	_ =	strace s3  }
0x98: {  	s3 =	sld [smem:$0x3FFD];
	_ =	sdelay $0x3  }
0x99: {  	_ =	strace s3  }
0x9a: {  	_ =	strace $0x8FFFFFFF  }
0x9b: {  	s17 =	sld [smem:$0x3FDB];
	_ =	sdelay $0x1  }
0x9c: {  	s4 =	simm.s32 $_scs_section_size  }
0x9d: {  	s5 =	simm.s32 $_size__tile_overlayer_lowered;
	s6 =	simm.s32 $_tile_overlayer_lowered  }
0x9e: {  	s20 =	simm.s32 $0x1BFF;
	s19 =	sshll.u32 s6, $0x1;
	s3 =	sadd.s32 s4, s17  }
0x9f: {  	s7 =	simm.s32 $0x0;
	s18 =	sshll.u32 s5, $0x1;
	s5 =	sadd.s32 s19, s3  }
0xa0: {  	[timem:s7], [sflag:s20] =	dma.local [hbm:s5], s18  }
0xa1: {  	_ =	swait.ge [sflag:s20], s18  }
0xa2: {  	s4 =	ssub.s32 $0x0, s18;
	[sflag:s20] =	ssyncset.done $0x0  }
0xa3: {  	[sflag:s20] =	ssyncadd.s32 s4;
	_ =	sdelay $0x1  }
0xa4: {  	s21 =	simm.s32 $0x1B8B  }
0xa5: {  	_ =	swait.ge [sflag:s21], $0x1  }
0xa6: {  	[sflag:s21] =	ssyncset.done $0x0  }
0xa7: {  	s23 =	simm.s32 $0x1B8E;
	s22 =	sld [smem:$0x3FFE];
	[sflag:s21] =	ssyncadd.s32 $0xFFFFFFFF  }
0xa8: {  	s24 =	simm.s32 $execute0_lowered;
	[smem:$0x3FD2] =	sst s23  }
0xa9: {  	s5 =	sshll.u32 s24, $0x1;
	_ =	strace $0x80000049;
	[dreg:$0x1] =	wrdreg $0xFFFFFFFF  }
0xaa: {  	s25 =	simm.s32 $_size_execute0_lowered;
	s3 =	sadd.s32 s3, s5;
	[dreg:$0x0] =	wrdreg $0x0  }
0xab: {  	s5 =	sshll.u32 s25, $0x1;
	[dreg:$0x2] =	wrdreg s3  }
0xac: {  	[dreg:$0x3] =	wrdreg s5  }
0xad: {  	[dreg:$0x4] =	wrdreg $0xC0  }
0xae: {  	_ =	task [dreg:s7], $0x5FFFF  }
0xaf: {  	[dreg:$0x1] =	wrdreg $0xFFFFFFFF  }
0xb0: {  	[dreg:$0x0] =	wrdreg $0x60  }
0xb1: {  	[dreg:$0x2] =	wrdreg s15  }
0xb2: {  	[dreg:$0x3] =	wrdreg s22  }
0xb3: {  	[dreg:$0x4] =	wrdreg s16  }
0xb4: {  	[dreg:$0x5] =	wrdreg s14  }
0xb5: {  	[dreg:$0x6] =	wrdreg $0x9  }
0xb6: {  	_ =	task.clear_ibuf [dreg:s7], $0x7FFFF;
	_ =	strace $0x90000049  }
0xb7: {  	s26 =	simm.s32 $0x9;
	_ =	strace $0x8000004B  }
0xb8: {  	_ =	swait.ge [sflag:s26], $0x1  }
0xb9: {  	[sflag:s26] =	ssyncadd.s32 $0xFFFFFFFF  }
0xba: {  	_ =	strace $0x9000004B  }
0xbb: {  	_ =	sfence  }
0xbc: {  	s28 =	sld [smem:$0x0];
	_ =	sdelay $0x1  }
0xbd: {  	s29 =	srdreg.scid  }
0xbe: {  	s30 =	sshll.u32 s29, $0xD;
	s31 =	sshrl.u32 s29, $0x2  }
0xbf: {  	s1 =	sand.u32 $0x1, s29;
	s2 =	sand.u32 $0x4000, s30;
	s0 =	sadd.s32 s31, s28  }
0xc0: {  	s1 =	sor.u32 s2, s1;
	s0 =	sshll.u32 s0, $0x11  }
0xc1: {  	s0 =	sor.u32 s0, s1  }
0xc2: {  	s0 =	sadd.s32 $0x8F2B, s0  }
0xc3: {  	[sflag:s0] =	ssyncadd.remote.s32 $0x1  }
0xc4: {  	_ =	sfence.sel $0xFFFF  }
0xc5: {  	[dreg:$0x0] =	wrdreg $0xFFFFFFFF;
	(pc) =	sbr.abs _section_cstart, $3  }
0xc6: {  	[dreg:$0x1] =	wrdreg $0xFFFFFFFF  }
0xc7: {  	_ =	task.clear_ibuf [dreg:s7], $0x2FFFF;
	_ =	strace $0x9FFFFFFF  }
0xc8: {  	(tm) =	ssettm $0x7FFFFFFF  }
0xc9: {  	_ =	shalt  }
tec
execute0_lowered:
.L_overlay_start_1:
0x0: {  	(tag) =	ssettag $0x1  }
0x1: {  	s2 =	rddreg [dreg:$0x0]  }
0x2: {  	s5 =	rddreg [dreg:$0x1]  }
0x3: {  	s6 =	rddreg [dreg:$0x2]  }
0x4: {  	s1 =	rddreg [dreg:$0x3];
	s3 =	stileid.u32  }
0x5: {  	s0 =	rddreg [dreg:$0x4];
	_ =	strace $0x8000004A;
	p0 =	sne.s32 s3, $0x0  }
0x6: {  	_ =	sfence.sel @p0 $0x180000  }
0x7: {  	[bflag:$0x0] =	sbarrier.arrive @p0 $0xFFFF  }
0x8: {  	_ =	strace @p0 $0x9000004A  }
0x9: {  	[bflag:$0x2] =	sbarrier.arrive @p0 $0xFFFF  }
0xa: {  	_ =	shalt @p0  }
.LBB2_1:
0xb: {  	s3 =	simm.s32 $0x0;
	s19 =	simm.s32 $0x1  }
0xc: {  	[tilespmem:s3], [sflag:$0x1] =	stream.linear.gather [hbm4b:s2+s3], $0x80, $0x38;
	[tilespmem:$0xF80] =	vst v63  }
0xd: {  	_ =	swait.ge [sflag:s19], $0x80  }
0xe: {  	[sflag:s19] =	ssyncset.done $0x0  }
0xf: {  	s4 =	simm.s32 $0x80;
	[sflag:s19] =	ssyncadd.s32 $0xFFFFFF80  }
0x10: {  	[tilespmem:s4], [sflag:$0x1] =	stream.linear.gather [hbm4b:s5+s3], $0xE00, $0x38;
	[tilespmem:$0xF80] =	vst v63  }
0x11: {  	_ =	swait.ge [sflag:s19], $0xE00  }
0x12: {  	[sflag:s19] =	ssyncset.done $0x0  }
0x13: {  	s20 =	simm.s32 $0xE80;
	[sflag:s19] =	ssyncadd.s32 $0xFFFFF200  }
0x14: {  	[tilespmem:s20], [sflag:$0x1] =	stream.linear.gather [hbm4b:s6+s3], $0x80, $0x38;
	[tilespmem:$0xF80] =	vst v63  }
0x15: {  	_ =	swait.ge [sflag:s19], $0x80  }
0x16: {  	[sflag:s19] =	ssyncset.done $0x0  }
0x17: {  	[sflag:s19] =	ssyncadd.s32 $0xFFFFFF80  }
0x18: {  	v4 =	vld [tilespmem:$0xE80];
	_ =	sdelay $0x2  }
0x19: {  	v3 =	vld [tilespmem:$0xE90];
	_ =	sdelay $0x1  }
0x1a: {  	v0 =	vadd.s32 $0x1, v4;
	_ =	sdelay $0x2  }
0x1b: {  	v1 =	vadd.s32 $0x1, v3  }
0x1c: {  	v6 =	vld [tilespmem:$0x0]  }
0x1d: {  	v2 =	vld.idx.msk [tilespmem:v0+s4+$0x0], $0xffff  }
0x1e: {  	v52 =	vld.idx.msk [tilespmem:v4+s4+$0x0], $0xffff;
	_ =	sdelay $0x1  }
0x1f: {  	vm7 =	vmmov $0x1;
	vm14 =	vcmask $0x308;
	v1 =	vld.idx.msk [tilespmem:v1+s4+$0x0], $0xffff  }
0x20: {  	vm13 =	vcmask $0x70C;
	vm0 =	vcmask $0xB10;
	vm15 =	vcmask $0xF14;
	v9 =	vld.idx.msk [tilespmem:v3+s4+$0x0], $0xffff  }
0x21: {  	vm8 =	vmmov $0xff;
	v7 =	vnsel vm7, $0xFF61B1E6, v6;
	vm5 =	veq.f32 v2, $-1.000000000e+00  }
0x22: {  	v8 =	vsel vm14, $0xFF61B1E6, v6;
	v10 =	vsel vm13, $0xFF61B1E6, v6;
	v12 =	vsel vm5, $0xFF61B1E6, v52  }
0x23: {  	v11 =	vsel vm0, $0xFF61B1E6, v6;
	vm6 =	vlt.f32 v2, $1.000000000e+09;
	vm10 =	veq.f32 v12, $-3.000000010e+38  }
0x24: {  	v5 =	vnsel vm8, $0x4E6E6B28, v1;
	vm1 =	vgt.f32 v12, $-3.000000010e+38;
	vm0 =	vmand vm6, vm10  }
0x25: {  	(xrf0) =	vmax.scan.msk.f32 $0xffff, v7;
	v53 =	vnsel vm8, $0xFF61B1E6, v9;
	vm9 =	veq.f32 v5, $-1.000000000e+00;
	vm10 =	vmor vm1, vm0  }
0x26: {  	(xrf0) =	vmax.scan.msk.f32 $0xffff, v8;
	v56 =	vsel vm9, $0xFF61B1E6, v53;
	v54 =	vnsel vm10, $0xFF61B1E6, v12;
	v55 =	vnsel vm10, $0x4E6E6B28, v2  }
0x27: {  	vm2 =	vcmask $0x1318;
	(xrf0) =	vmax.scan.msk.f32 $0xffff, v10;
	vm11 =	veq.f32 v56, v54;
	vm12 =	vlt.f32 v5, v55  }
0x28: {  	v57 =	vsel vm15, $0xFF61B1E6, v6;
	(xrf0) =	vmax.scan.msk.f32 $0xffff, v11;
	vm4 =	vgt.f32 v56, v54;
	vm0 =	vmand vm11, vm12  }
0x29: {  	v6 =	vsel vm2, $0xFF61B1E6, v6;
	(xrf0) =	vmax.scan.msk.f32 $0xffff, v57;
	vm3 =	vmor vm4, vm0  }
0x2a: {  	(xrf0) =	vmax.scan.msk.f32 $0xffff, v6;
	v1 =	vsel vm3, v56, v54  }
0x2b: {  	v11, _, _ =	vpop (xrf0);
	(xrf0) =	vmax.scan.msk.f32 $0xffff, v1  }
0x2c: {  	v12, _, _ =	vpop (xrf0)  }
0x2d: {  	v10, _, _ =	vpop (xrf0)  }
0x2e: {  	v8, _, _ =	vpop (xrf0)  }
0x2f: {  	v58 =	vimm.f32 $1.500000000e+01;
	v15, _, _ =	vpop (xrf0)  }
0x30: {  	v13 =	vimm.f32 $3.100000000e+01;
	vm2 =	vcmask $0xB08;
	vm11 =	vcmask $0x300;
	v16, _, _ =	vpop (xrf0)  }
0x31: {  	vm12 =	vcmask $0x704;
	v6 =	vsel vm11, $0x0, v58;
	vm4 =	vcmask $0xF0C;
	v14, _, _ =	vpop (xrf0)  }
0x32: {  	v13 =	vsel vm11, $0x41800000, v13;
	v6 =	vsel vm12, $0x3F800000, v6;
	v14 =	vbroadcast v14, $0xF  }
0x33: {  	v13 =	vsel vm12, $0x41880000, v13;
	v9 =	vsel vm3, v5, v55;
	v6 =	vsel vm2, $0x40000000, v6  }
0x34: {  	v13 =	vsel vm2, $0x41900000, v13;
	v6 =	vsel vm4, $0x40400000, v6;
	vm2 =	veq.f32 v1, v14  }
0x35: {  	v59 =	vsel vm4, $0x41980000, v13;
	vm4 =	vcmask $0x1310;
	v60 =	vnsel vm2, $0x4E6E6B28, v9  }
0x36: {  	v6 =	vsel vm4, $0x40800000, v6;
	v1 =	vsel vm4, $0x41A00000, v59;
	vm4 =	vcmask $0x1714;
	(xrf0) =	vmin.scan.msk.f32 $0xffff, v60  }
0x37: {  	v6 =	vsel vm4, $0x40A00000, v6;
	v1 =	vsel vm4, $0x41A80000, v1;
	vm4 =	vcmask $0x1B18  }
0x38: {  	vm1 =	vcmask $0x1F1C;
	v6 =	vsel vm4, $0x40C00000, v6;
	v1 =	vsel vm4, $0x41B00000, v1  }
0x39: {  	vm0 =	vcmask $0x2320;
	v6 =	vsel vm1, $0x40E00000, v6;
	v1 =	vsel vm1, $0x41B80000, v1  }
0x3a: {  	vm1 =	vcmask $0x2724;
	v6 =	vsel vm0, $0x41000000, v6;
	v1 =	vsel vm0, $0x41C00000, v1  }
0x3b: {  	vm0 =	vcmask $0x2B28;
	v6 =	vsel vm1, $0x41100000, v6;
	v1 =	vsel vm1, $0x41C80000, v1  }
0x3c: {  	vm4 =	vcmask $0x2F2C;
	v6 =	vsel vm0, $0x41200000, v6;
	v1 =	vsel vm0, $0x41D00000, v1;
	v13, _, _ =	vpop (xrf0)  }
0x3d: {  	vm0 =	vcmask $0x3330;
	v6 =	vsel vm4, $0x41300000, v6;
	v13 =	vbroadcast v13, $0xF  }
0x3e: {  	v1 =	vsel vm4, $0x41D80000, v1;
	v6 =	vsel vm0, $0x41400000, v6  }
0x3f: {  	v1 =	vsel vm0, $0x41E00000, v1;
	vm0 =	vcmask $0x3734;
	vm1 =	veq.f32 v2, v13  }
0x40: {  	v62 =	vsel vm0, $0x41500000, v6;
	v61 =	vsel vm1, $0xFF61B1E6, v52;
	vm1 =	vcmask $0x3B38  }
0x41: {  	v1 =	vsel vm0, $0x41E80000, v1;
	v63 =	vsel vm5, $0xFF61B1E6, v61;
	v0 =	vsel vm1, $0x41600000, v62  }
0x42: {  	v1 =	vsel vm1, $0x41F00000, v1;
	v17 =	vnsel vm10, $0x4E6E6B28, v0;
	vm10 =	veq.f32 v63, $-3.000000010e+38  }
0x43: {  	vm1 =	vgt.f32 v63, $-3.000000010e+38;
	vm0 =	vmand vm6, vm10;
	vm10 =	veq.f32 v5, v13  }
0x44: {  	v17 =	vsel vm3, v1, v17;
	vm0 =	vmor vm1, vm0;
	v7 =	vsel vm10, $0xFF61B1E6, v53  }
0x45: {  	v18 =	vsel vm9, $0xFF61B1E6, v7;
	v6 =	vnsel vm0, $0xFF61B1E6, v63;
	v19 =	vnsel vm0, $0x4E6E6B28, v2  }
0x46: {  	vm1 =	veq.f32 v9, v13;
	vm10 =	veq.f32 v18, v6;
	vm9 =	vlt.f32 v5, v19  }
0x47: {  	vm1 =	vmand vm2, vm1;
	vm10 =	vmand vm10, vm9;
	vm9 =	vgt.f32 v18, v6  }
0x48: {  	v17 =	vnsel vm1, $0x4E6E6B28, v17;
	vm1 =	vmor vm9, vm10  }
0x49: {  	(xrf0) =	vmin.scan.msk.f32 $0xffff, v17;
	v6 =	vsel vm1, v18, v6  }
0x4a: {  	(xrf0) =	vmax.scan.msk.f32 $0xffff, v6;
	_ =	sdelay $0x4  }
0x4b: {  	v9, _, _ =	vpop (xrf0)  }
0x4c: {  	v18, _, _ =	vpop (xrf0)  }
0x4d: {  	v13 =	vbroadcast v18, $0xF;
	_ =	sdelay $0x1  }
0x4e: {  	v20 =	vsel vm1, v5, v19;
	vm2 =	veq.f32 v6, v13  }
0x4f: {  	v6 =	vnsel vm2, $0x4E6E6B28, v20  }
0x50: {  	(xrf0) =	vmin.scan.msk.f32 $0xffff, v6;
	_ =	sdelay $0x5  }
0x51: {  	v6, _, _ =	vpop (xrf0)  }
0x52: {  	v6 =	vbroadcast v6, $0xF;
	_ =	sdelay $0x1  }
0x53: {  	vm10 =	veq.f32 v2, v6  }
0x54: {  	v21 =	vsel vm10, $0xFF61B1E6, v61  }
0x55: {  	vm4 =	veq.f32 v21, $-3.000000010e+38  }
0x56: {  	v22 =	vnsel vm0, $0x4E6E6B28, v0;
	vm10 =	vgt.f32 v21, $-3.000000010e+38;
	vm9 =	vmand vm6, vm4  }
0x57: {  	v14 =	vsel vm1, v1, v22;
	vm6 =	veq.f32 v5, v6;
	vm0 =	vmor vm10, vm9  }
0x58: {  	v7 =	vsel vm6, $0xFF61B1E6, v7;
	v13 =	vnsel vm0, $0xFF61B1E6, v21;
	v2 =	vnsel vm0, $0x4E6E6B28, v2  }
0x59: {  	vm1 =	veq.f32 v20, v6;
	vm9 =	veq.f32 v7, v13;
	vm10 =	vlt.f32 v5, v2  }
0x5a: {  	vm1 =	vmand vm2, vm1;
	vm9 =	vmand vm9, vm10;
	vm10 =	vgt.f32 v7, v13  }
0x5b: {  	v23 =	vnsel vm1, $0x4E6E6B28, v14;
	vm5 =	vmor vm10, vm9  }
0x5c: {  	(xrf0) =	vmin.scan.msk.f32 $0xffff, v23;
	v24 =	vsel vm5, v7, v13  }
0x5d: {  	(xrf0) =	vmax.scan.msk.f32 $0xffff, v24;
	_ =	sdelay $0x4  }
0x5e: {  	v25, _, _ =	vpop (xrf0)  }
0x5f: {  	v26, _, _ =	vpop (xrf0)  }
0x60: {  	v13 =	vbroadcast v26, $0xF;
	_ =	sdelay $0x1  }
0x61: {  	v5 =	vsel vm5, v5, v2;
	vm6 =	veq.f32 v24, v13  }
0x62: {  	v2 =	vnsel vm6, $0x4E6E6B28, v5  }
0x63: {  	(xrf0) =	vmin.scan.msk.f32 $0xffff, v2  }
0x64: {  	v2 =	vld [tilespmem:$0xEA0];
	_ =	sdelay $0x4  }
0x65: {  	v27, _, _ =	vpop (xrf0)  }
0x66: {  	v6 =	vbroadcast v27, $0xF;
	_ =	sdelay $0x1  }
0x67: {  	v28 =	vnsel vm0, $0x4E6E6B28, v0;
	v29 =	vld.idx.msk [tilespmem:v2+s4+$0x0], $0xffff;
	vm9 =	veq.f32 v5, v6  }
0x68: {  	v30 =	vsel vm5, v1, v28;
	vm0 =	vmand vm6, vm9  }
0x69: {  	v5 =	vnsel vm0, $0x4E6E6B28, v30  }
0x6a: {  	(xrf0) =	vmin.scan.msk.f32 $0xffff, v5;
	_ =	sdelay $0x1  }
0x6b: {  	v31 =	vnsel vm8, $0xFF61B1E6, v29  }
0x6c: {  	(xrf0) =	vmax.scan.msk.f32 $0xffff, v31;
	_ =	sdelay $0x2  }
0x6d: {  	v32, _, _ =	vpop (xrf0)  }
0x6e: {  	v33 =	vbroadcast v25, $0xF;
	v5 =	vbroadcast v32, $0xF  }
0x6f: {  	v34 =	vbroadcast v9, $0xF;
	vm10 =	vcmask $0x3F08  }
0x70: {  	vm6 =	vcmask $0x3F04;
	v35, _, _ =	vpop (xrf0);
	v5 =	vsel vm10, v5, v33  }
0x71: {  	(v2sf) =	vpush v35, $0xF;
	v5 =	vsel vm6, v5, v34  }
0x72: {  	v5 =	vtrunc.f32 v5  }
0x73: {  	v5 =	vcvt.f32.s32 v5;
	_ =	sdelay $0x1  }
0x74: {  	v36 =	vadd.s32 $0x30, v5;
	_ =	sdelay $0x1  }
0x75: {  	v5 =	vadd.s32 $0x50, v5;
	_ =	sdelay $0x2  }
0x76: {  	v6 =	vld.idx.msk [tilespmem:v36+s20+$0x0], $0xffff;
	_ =	sdelay $0x1  }
0x77: {  	v5 =	vld.idx.msk [tilespmem:v5+s20+$0x0], $0xffff;
	_ =	sdelay $0x2  }
0x78: {  	v6 =	vmul.u32 $0x70, v6  }
0x79: {  	v37 =	vimm.s32 $0x15;
	v39 =	vadd.s32 $0x381, v4;
	s6 =	spop (v2sf)  }
0x7a: {  	v40 =	vadd.s32 $0x380, v4;
	v38 =	vsel vm11, $0x243, v37;
	p0 =	sgt.f32 s6, $-1.000000020e+29;
	v5 =	vadd.s32 v5, v6  }
0x7b: {  	v42 =	vadd.s32 $0x380, v3;
	v6 =	vsel vm12, $0x14, v38;
	v5 =	vadd.s32 $0x10, v5  }
0x7c: {  	v41 =	vadd.s32 $0x381, v3;
	v18 =	vpsel p0, v5, v6  }
0x7d: {  	v43 =	vld [tilespmem:$0x10];
	v5 =	vadd.s32 $0x40, v18  }
0x7e: {  	v21 =	vld.idx.msk [tilespmem:v39+s4+$0x0], $0xffff  }
0x7f: {  	v22 =	vld.idx.msk [tilespmem:v40+s4+$0x0], $0xffff  }
0x80: {  	v7 =	vld.idx.msk [tilespmem:v42+s4+$0x0], $0xffff  }
0x81: {  	v6 =	vld.idx.msk [tilespmem:v41+s4+$0x0], $0xffff  }
0x82: {  	v17 =	vld.idx.msk [tilespmem:v5+s4+$0x0], $0xffff  }
0x83: {  	vm1 =	veq.f32 v21, $-1.000000000e+00  }
0x84: {  	v45 =	vnsel vm7, $0xFF61B1E6, v43;
	v46 =	vsel vm14, $0xFF61B1E6, v43;
	v9 =	vsel vm1, $0xFF61B1E6, v22  }
0x85: {  	v47 =	vsel vm13, $0xFF61B1E6, v43;
	vm11 =	veq.f32 v9, $-3.000000010e+38;
	vm0 =	vlt.f32 v21, $1.000000000e+09  }
0x86: {  	v23 =	vnsel vm8, $0xFF61B1E6, v7;
	vm2 =	vmand vm0, vm11;
	vm10 =	vmmov vm12  }
0x87: {  	vm12 =	vgt.f32 v9, $-3.000000010e+38;
	v20 =	vnsel vm8, $0x4E6E6B28, v6;
	v44 =	vnsel vm7, $0xFF61B1E6, v17  }
0x88: {  	vm11 =	vmmov vm13;
	vm2 =	vmor vm12, vm2;
	vm3 =	veq.f32 v20, $-1.000000000e+00;
	(xrf0) =	vmax.scan.msk.f32 $0xffff, v44  }
0x89: {  	v48 =	vnsel vm2, $0xFF61B1E6, v9;
	v24 =	vnsel vm2, $0x4E6E6B28, v21;
	v49 =	vsel vm3, $0xFF61B1E6, v23;
	(xrf0) =	vmax.scan.msk.f32 $0xffff, v45  }
0x8a: {  	vm13 =	vcmask $0xB10;
	vm9 =	vlt.f32 v20, v24;
	vm14 =	veq.f32 v49, v48;
	(xrf0) =	vmax.scan.msk.f32 $0xffff, v46  }
0x8b: {  	v50 =	vsel vm13, $0xFF61B1E6, v43;
	vm12 =	vgt.f32 v49, v48;
	vm4 =	vmand vm14, vm9;
	(xrf0) =	vmax.scan.msk.f32 $0xffff, v47  }
0x8c: {  	v51 =	vsel vm15, $0xFF61B1E6, v43;
	vm4 =	vmor vm12, vm4;
	vm12 =	vcmask $0x1318;
	(xrf0) =	vmax.scan.msk.f32 $0xffff, v50  }
0x8d: {  	v5 =	vsel vm12, $0xFF61B1E6, v43;
	(xrf0) =	vmax.scan.msk.f32 $0xffff, v51  }
0x8e: {  	v25 =	vsel vm4, v49, v48;
	v19, _, _ =	vpop (xrf0);
	(xrf0) =	vmax.scan.msk.f32 $0xffff, v5  }
0x8f: {  	v7, _, _ =	vpop (xrf0);
	(xrf0) =	vmax.scan.msk.f32 $0xffff, v25  }
0x90: {  	v9, _, _ =	vpop (xrf0)  }
0x91: {  	v6, _, _ =	vpop (xrf0)  }
0x92: {  	v5, _, _ =	vpop (xrf0)  }
0x93: {  	v13, _, _ =	vpop (xrf0)  }
0x94: {  	v14, _, _ =	vpop (xrf0)  }
0x95: {  	v26, _, _ =	vpop (xrf0)  }
0x96: {  	v26 =	vbroadcast v26, $0xF;
	_ =	sdelay $0x1  }
0x97: {  	v24 =	vsel vm4, v20, v24;
	vm5 =	veq.f32 v25, v26  }
0x98: {  	v25 =	vnsel vm5, $0x4E6E6B28, v24  }
0x99: {  	(xrf0) =	vmin.scan.msk.f32 $0xffff, v25;
	_ =	sdelay $0x5  }
0x9a: {  	v25, _, _ =	vpop (xrf0)  }
0x9b: {  	v25 =	vbroadcast v25, $0xF;
	_ =	sdelay $0x1  }
0x9c: {  	vm14 =	veq.f32 v21, v25  }
0x9d: {  	v22 =	vsel vm14, $0xFF61B1E6, v22  }
0x9e: {  	v52 =	vsel vm1, $0xFF61B1E6, v22  }
0x9f: {  	v16 =	vadd.f32 $0.0e+00, v16;
	v27 =	vnsel vm2, $0x4E6E6B28, v0;
	vm1 =	veq.f32 v52, $-3.000000010e+38  }
0xa0: {  	vm14 =	veq.f32 v20, v25;
	vm2 =	vgt.f32 v52, $-3.000000010e+38;
	vm1 =	vmand vm0, vm1  }
0xa1: {  	v27 =	vsel vm4, v1, v27;
	v23 =	vsel vm14, $0xFF61B1E6, v23;
	vm1 =	vmor vm2, vm1  }
0xa2: {  	v28 =	vsel vm3, $0xFF61B1E6, v23;
	v26 =	vnsel vm1, $0xFF61B1E6, v52;
	v29 =	vnsel vm1, $0x4E6E6B28, v21  }
0xa3: {  	vm14 =	veq.f32 v24, v25;
	vm3 =	veq.f32 v28, v26;
	vm9 =	vlt.f32 v20, v29  }
0xa4: {  	vm2 =	vmand vm5, vm14;
	vm14 =	vgt.f32 v28, v26;
	vm3 =	vmand vm3, vm9  }
0xa5: {  	v15 =	vadd.f32 $0.0e+00, v15;
	v53 =	vnsel vm2, $0x4E6E6B28, v27;
	vm9 =	vmor vm14, vm3  }
0xa6: {  	v16 =	vbroadcast v16, $0xF;
	(xrf0) =	vmin.scan.msk.f32 $0xffff, v53;
	v54 =	vsel vm9, v28, v26  }
0xa7: {  	v15 =	vbroadcast v15, $0xF;
	(xrf0) =	vmax.scan.msk.f32 $0xffff, v54  }
0xa8: {  	(erf) = vrcp.f32 v16  }
0xa9: {  	v11 =	vadd.f32 $0.0e+00, v11;
	(erf) = vrcp.f32 v15  }
0xaa: {  	v57 =	vadd.s32 $0x20, v18  }
0xab: {  	v11 =	vmul.f32 $6.400000000e+02, v11;
	v12 =	vadd.f32 $0.0e+00, v12  }
0xac: {  	v10 =	vadd.f32 $0.0e+00, v10;
	v25, _, _ =	vpop (xrf0)  }
0xad: {  	v11 =	vbroadcast v11, $0xF;
	v8 =	vadd.f32 $0.0e+00, v8;
	v12 =	vmul.f32 $6.400000000e+02, v12;
	v55, _, _ =	vpop (xrf0)  }
0xae: {  	v10 =	vmul.f32 $6.400000000e+02, v10;
	v60 =	vadd.s32 $0x30, v18;
	v26 =	vbroadcast v55, $0xF  }
0xaf: {  	v12 =	vbroadcast v12, $0xF;
	v8 =	vmul.f32 $6.400000000e+02, v8;
	v15 =	vld.idx.msk [tilespmem:v57+s4+$0x0], $0xffff  }
0xb0: {  	v61 =	vadd.s32 $0x10, v18;
	v56 =	vsel vm9, v20, v29;
	vm14 =	veq.f32 v54, v26  }
0xb1: {  	v10 =	vbroadcast v10, $0xF;
	v8 =	vbroadcast v8, $0xF;
	v62 =	vpop (erf);
	v63 =	vld.idx.msk [tilespmem:v18+s4+$0x0], $0xffff;
	v24 =	vnsel vm14, $0x4E6E6B28, v56  }
0xb2: {  	v11 =	vmul.f32 v62, v11;
	v12 =	vmul.f32 v62, v12;
	v32 =	vpop (erf);
	(xrf0) =	vmin.scan.msk.f32 $0xffff, v24  }
0xb3: {  	v10 =	vmul.f32 v32, v10;
	v8 =	vmul.f32 v32, v8;
	v26 =	vld.idx.msk [tilespmem:v60+s4+$0x0], $0xffff  }
0xb4: {  	v15 =	vmul.f32 $5.000000000e-01, v15  }
0xb5: {  	v35 =	vsub.f32 v12, v11;
	v36 =	vsub.f32 v8, v10;
	v28 =	vld.idx.msk [tilespmem:v61+s4+$0x0], $0xffff  }
0xb6: {  	v33 =	vsub.f32 v63, v15;
	v15 =	vadd.f32 v15, v63;
	_ =	sdelay $0x1  }
0xb7: {  	v38 =	vmul.f32 v36, v35;
	v12 =	vmin.f32 v12, v15;
	v26 =	vmul.f32 $5.000000000e-01, v26;
	v58, _, _ =	vpop (xrf0)  }
0xb8: {  	v15 =	vsub.f32 v15, v33;
	v59 =	vnsel vm1, $0x4E6E6B28, v0;
	v16 =	vbroadcast v58, $0xF  }
0xb9: {  	v11 =	vmax.f32 v11, v33;
	v24 =	vsel vm9, v1, v59;
	v34 =	vsub.f32 v28, v26  }
0xba: {  	v26 =	vadd.f32 v26, v28;
	vm5 =	veq.f32 v56, v16;
	vm9 =	veq.f32 v21, v16  }
0xbb: {  	v11 =	vsub.f32 v12, v11;
	vm1 =	vmand vm14, vm5;
	v22 =	vsel vm9, $0xFF61B1E6, v22  }
0xbc: {  	v37 =	vsub.f32 v26, v34;
	v24 =	vnsel vm1, $0x4E6E6B28, v24;
	vm1 =	veq.f32 v22, $-3.000000010e+38  }
0xbd: {  	v8 =	vmin.f32 v8, v26;
	vm14 =	vgt.f32 v22, $-3.000000010e+38;
	vm0 =	vmand vm0, vm1  }
0xbe: {  	v10 =	vmax.f32 v10, v34;
	vm4 =	veq.f32 v20, v16;
	vm0 =	vmor vm14, vm0  }
0xbf: {  	v16 =	vsel vm4, $0xFF61B1E6, v23;
	v22 =	vnsel vm0, $0xFF61B1E6, v22;
	v21 =	vnsel vm0, $0x4E6E6B28, v21  }
0xc0: {  	v8 =	vsub.f32 v8, v10;
	vm1 =	veq.f32 v16, v22;
	vm5 =	vlt.f32 v20, v21  }
0xc1: {  	v39 =	vmul.f32 v37, v15;
	vm9 =	vgt.f32 v16, v22;
	vm1 =	vmand vm1, vm5  }
0xc2: {  	v11 =	vmax.f32 v11, $0.0e+00;
	v8 =	vmax.f32 v8, $0.0e+00;
	vm1 =	vmor vm9, vm1  }
0xc3: {  	v8 =	vmul.f32 v8, v11;
	v10 =	vadd.f32 v39, v38;
	(xrf0) =	vmin.scan.msk.f32 $0xffff, v24;
	v40 =	vsel vm1, v16, v22  }
0xc4: {  	(xrf0) =	vmax.scan.msk.f32 $0xffff, v40  }
0xc5: {  	v10 =	vsub.f32 v10, v8;
	_ =	sdelay $0x1  }
0xc6: {  	v41 =	vadd.s32 $0x50, v18;
	(erf) = vrcp.f32 v10;
	_ =	sdelay $0x1  }
0xc7: {  	v42, _, _ =	vpop (xrf0)  }
0xc8: {  	v43, _, _ =	vpop (xrf0)  }
0xc9: {  	v15 =	vbroadcast v43, $0xF  }
0xca: {  	v12 =	vld.idx.msk [tilespmem:v41+s4+$0x0], $0xffff  }
0xcb: {  	v44 =	vsel vm1, v20, v21;
	vm14 =	veq.f32 v40, v15  }
0xcc: {  	v11 =	vnsel vm14, $0x4E6E6B28, v44  }
0xcd: {  	(xrf0) =	vmin.scan.msk.f32 $0xffff, v11  }
0xce: {  	v45 =	vpop (erf)  }
0xcf: {  	v12 =	vmul.f32 v12, v17;
	v8 =	vmul.f32 v45, v8;
	_ =	sdelay $0x1  }
0xd0: {  	v46 =	vadd.s32 $0x380, v2;
	v8 =	vmul.f32 v8, v12  }
0xd1: {  	vm4 =	vmmov $0x7  }
0xd2: {  	v8 =	vnsel vm4, $0x0, v8;
	v47, _, _ =	vpop (xrf0)  }
0xd3: {  	(xrf2) =	vadd.scan.msk.f32 $0xffff, v8;
	v48 =	vbroadcast v47, $0xF  }
0xd4: {  	v12 =	vnsel vm4, $0x0, v12  }
0xd5: {  	v49 =	vnsel vm0, $0x4E6E6B28, v0;
	v11 =	vld.idx.msk [tilespmem:v46+s4+$0x0], $0xffff;
	(xrf2) =	vadd.scan.msk.f32 $0xffff, v12;
	vm9 =	veq.f32 v44, v48  }
0xd6: {  	v50 =	vsel vm1, v1, v49;
	vm0 =	vmand vm14, vm9  }
0xd7: {  	v8 =	vnsel vm0, $0x4E6E6B28, v50  }
0xd8: {  	(xrf0) =	vmin.scan.msk.f32 $0xffff, v8;
	_ =	sdelay $0x1  }
0xd9: {  	v51 =	vnsel vm8, $0xFF61B1E6, v11  }
0xda: {  	(xrf0) =	vmax.scan.msk.f32 $0xffff, v51;
	_ =	sdelay $0x1  }
0xdb: {  	v52, _, _ =	vpop (xrf2)  }
0xdc: {  	v53, _, _ =	vpop (xrf0)  }
0xdd: {  	v10 =	vbroadcast v42, $0xF;
	(v2sf) =	vpush v52, $0xF;
	v54, _, _ =	vpop (xrf2);
	v11 =	vbroadcast v53, $0xF  }
0xde: {  	v55 =	vbroadcast v25, $0xF;
	vm14 =	vcmask $0x3F08;
	(v2sf) =	vpush v54, $0xF  }
0xdf: {  	(v2sf) =	vpush v19, $0xF;
	v56, _, _ =	vpop (xrf0);
	v10 =	vsel vm14, v11, v10  }
0xe0: {  	(v2sf) =	vpush v56, $0xF;
	v8 =	vsel vm6, v10, v55  }
0xe1: {  	v8 =	vtrunc.f32 v8  }
0xe2: {  	v8 =	vcvt.f32.s32 v8;
	_ =	sdelay $0x1  }
0xe3: {  	v57 =	vadd.s32 $0x30, v8;
	_ =	sdelay $0x1  }
0xe4: {  	v8 =	vadd.s32 $0x50, v8;
	_ =	sdelay $0x2  }
0xe5: {  	v10 =	vld.idx.msk [tilespmem:v57+s20+$0x0], $0xffff;
	_ =	sdelay $0x1  }
0xe6: {  	v8 =	vld.idx.msk [tilespmem:v8+s20+$0x0], $0xffff  }
0xe7: {  	s9 =	spop (v2sf)  }
0xe8: {  	s8 =	spop (v2sf)  }
0xe9: {  	s7 =	spop (v2sf);
	v10 =	vmul.u32 $0x70, v10  }
0xea: {  	v60 =	vadd.s32 $0x701, v4;
	v58 =	vimm.s32 $0x395;
	vm6 =	vcmask $0x300;
	s10 =	spop (v2sf)  }
0xeb: {  	v61 =	vadd.s32 $0x700, v4;
	v59 =	vsel vm6, $0x5C3, v58;
	p1 =	sgt.f32 s10, $-1.000000020e+29;
	v8 =	vadd.s32 v8, v10  }
0xec: {  	v10 =	vsel vm10, $0x394, v59;
	v8 =	vadd.s32 $0x390, v8  }
0xed: {  	v18 =	vpsel p1, v8, v10  }
0xee: {  	v8 =	vadd.s32 $0x40, v18  }
0xef: {  	v62 =	vadd.s32 $0x701, v3;
	v21 =	vld.idx.msk [tilespmem:v60+s4+$0x0], $0xffff  }
0xf0: {  	v63 =	vld.idx.msk [tilespmem:v61+s4+$0x0], $0xffff;
	v28 =	vadd.s32 $0x700, v3;
	_ =	sdelay $0x1  }
0xf1: {  	v29 =	vld [tilespmem:$0x20]  }
0xf2: {  	v17 =	vld.idx.msk [tilespmem:v8+s4+$0x0], $0xffff  }
0xf3: {  	vm2 =	veq.f32 v21, $-1.000000000e+00;
	v10 =	vld.idx.msk [tilespmem:v62+s4+$0x0], $0xffff  }
0xf4: {  	v12 =	vsel vm2, $0xFF61B1E6, v63;
	v11 =	vld.idx.msk [tilespmem:v28+s4+$0x0], $0xffff  }
0xf5: {  	vm1 =	vlt.f32 v21, $1.000000000e+09;
	vm5 =	veq.f32 v12, $-3.000000010e+38  }
0xf6: {  	v31 =	vnsel vm7, $0xFF61B1E6, v29;
	vm9 =	vgt.f32 v12, $-3.000000010e+38;
	vm0 =	vmand vm1, vm5  }
0xf7: {  	v33 =	vsel vm11, $0xFF61B1E6, v29;
	vm3 =	vmor vm9, vm0;
	v30 =	vnsel vm7, $0xFF61B1E6, v17  }
0xf8: {  	vm14 =	vmmov vm10;
	vm10 =	vcmask $0x308;
	v20 =	vnsel vm8, $0x4E6E6B28, v10;
	(xrf0) =	vmax.scan.msk.f32 $0xffff, v30  }
0xf9: {  	v34 =	vnsel vm8, $0xFF61B1E6, v11;
	v32 =	vsel vm10, $0xFF61B1E6, v29;
	vm0 =	veq.f32 v20, $-1.000000000e+00;
	(xrf0) =	vmax.scan.msk.f32 $0xffff, v31  }
0xfa: {  	v35 =	vnsel vm3, $0xFF61B1E6, v12;
	v36 =	vnsel vm3, $0x4E6E6B28, v21;
	v37 =	vsel vm0, $0xFF61B1E6, v34;
	(xrf0) =	vmax.scan.msk.f32 $0xffff, v32  }
0xfb: {  	v38 =	vsel vm13, $0xFF61B1E6, v29;
	vm13 =	vlt.f32 v20, v36;
	vm5 =	veq.f32 v37, v35;
	(xrf0) =	vmax.scan.msk.f32 $0xffff, v33  }
0xfc: {  	v39 =	vsel vm15, $0xFF61B1E6, v29;
	vm5 =	vmand vm5, vm13;
	vm13 =	vgt.f32 v37, v35;
	(xrf0) =	vmax.scan.msk.f32 $0xffff, v38  }
0xfd: {  	v8 =	vsel vm12, $0xFF61B1E6, v29;
	vm5 =	vmor vm13, vm5;
	(xrf0) =	vmax.scan.msk.f32 $0xffff, v39  }
0xfe: {  	v40 =	vsel vm5, v37, v35;
	v19, _, _ =	vpop (xrf0);
	(xrf0) =	vmax.scan.msk.f32 $0xffff, v8  }
0xff: {  	v11, _, _ =	vpop (xrf0);
	(xrf0) =	vmax.scan.msk.f32 $0xffff, v40  }
0x100: {  	v12, _, _ =	vpop (xrf0)  }
0x101: {  	v10, _, _ =	vpop (xrf0)  }
0x102: {  	v8, _, _ =	vpop (xrf0)  }
0x103: {  	v15, _, _ =	vpop (xrf0)  }
0x104: {  	v16, _, _ =	vpop (xrf0)  }
0x105: {  	v41, _, _ =	vpop (xrf0)  }
0x106: {  	v26 =	vbroadcast v41, $0xF;
	_ =	sdelay $0x1  }
0x107: {  	v24 =	vsel vm5, v20, v36;
	vm9 =	veq.f32 v40, v26  }
0x108: {  	v25 =	vnsel vm9, $0x4E6E6B28, v24  }
0x109: {  	(xrf0) =	vmin.scan.msk.f32 $0xffff, v25;
	_ =	sdelay $0x5  }
0x10a: {  	v25, _, _ =	vpop (xrf0)  }
0x10b: {  	v25 =	vbroadcast v25, $0xF;
	_ =	sdelay $0x1  }
0x10c: {  	vm13 =	veq.f32 v21, v25  }
0x10d: {  	v22 =	vsel vm13, $0xFF61B1E6, v63  }
0x10e: {  	v42 =	vsel vm2, $0xFF61B1E6, v22  }
0x10f: {  	v14 =	vadd.f32 $0.0e+00, v14;
	v43 =	vnsel vm3, $0x4E6E6B28, v0;
	vm2 =	veq.f32 v42, $-3.000000010e+38  }
0x110: {  	vm13 =	veq.f32 v20, v25;
	vm3 =	vgt.f32 v42, $-3.000000010e+38;
	vm2 =	vmand vm1, vm2  }
0x111: {  	v27 =	vsel vm5, v1, v43;
	v23 =	vsel vm13, $0xFF61B1E6, v34;
	vm2 =	vmor vm3, vm2  }
0x112: {  	v44 =	vsel vm0, $0xFF61B1E6, v23;
	v26 =	vnsel vm2, $0xFF61B1E6, v42;
	v45 =	vnsel vm2, $0x4E6E6B28, v21  }
0x113: {  	vm0 =	veq.f32 v24, v25;
	vm10 =	veq.f32 v44, v26;
	vm13 =	vlt.f32 v20, v45  }
0x114: {  	vm0 =	vmand vm9, vm0;
	vm9 =	vgt.f32 v44, v26;
	vm3 =	vmand vm10, vm13  }
0x115: {  	v13 =	vadd.f32 $0.0e+00, v13;
	v46 =	vnsel vm0, $0x4E6E6B28, v27;
	vm10 =	vmor vm9, vm3  }
0x116: {  	v14 =	vbroadcast v14, $0xF;
	(xrf0) =	vmin.scan.msk.f32 $0xffff, v46;
	v47 =	vsel vm10, v44, v26  }
0x117: {  	v13 =	vbroadcast v13, $0xF;
	(xrf0) =	vmax.scan.msk.f32 $0xffff, v47  }
0x118: {  	(erf) = vrcp.f32 v14  }
0x119: {  	v7 =	vadd.f32 $0.0e+00, v7;
	(erf) = vrcp.f32 v13  }
0x11a: {  	v51 =	vadd.s32 $0x20, v18  }
0x11b: {  	v9 =	vadd.f32 $0.0e+00, v9;
	v7 =	vmul.f32 $6.400000000e+02, v7  }
0x11c: {  	v6 =	vadd.f32 $0.0e+00, v6;
	v48, _, _ =	vpop (xrf0)  }
0x11d: {  	v5 =	vadd.f32 $0.0e+00, v5;
	v9 =	vmul.f32 $6.400000000e+02, v9;
	v7 =	vbroadcast v7, $0xF;
	v49, _, _ =	vpop (xrf0)  }
0x11e: {  	v6 =	vmul.f32 $6.400000000e+02, v6;
	v54 =	vadd.s32 $0x30, v18;
	v26 =	vbroadcast v49, $0xF  }
0x11f: {  	v9 =	vbroadcast v9, $0xF;
	v5 =	vmul.f32 $6.400000000e+02, v5;
	v13 =	vld.idx.msk [tilespmem:v51+s4+$0x0], $0xffff  }
0x120: {  	v55 =	vadd.s32 $0x10, v18;
	v50 =	vsel vm10, v20, v45;
	vm13 =	veq.f32 v47, v26  }
0x121: {  	v6 =	vbroadcast v6, $0xF;
	v5 =	vbroadcast v5, $0xF;
	v56 =	vpop (erf);
	v57 =	vld.idx.msk [tilespmem:v18+s4+$0x0], $0xffff;
	v24 =	vnsel vm13, $0x4E6E6B28, v50  }
0x122: {  	v7 =	vmul.f32 v56, v7;
	v9 =	vmul.f32 v56, v9;
	v58 =	vpop (erf);
	(xrf0) =	vmin.scan.msk.f32 $0xffff, v24  }
0x123: {  	v6 =	vmul.f32 v58, v6;
	v5 =	vmul.f32 v58, v5;
	v26 =	vld.idx.msk [tilespmem:v54+s4+$0x0], $0xffff  }
0x124: {  	v13 =	vmul.f32 $5.000000000e-01, v13  }
0x125: {  	v61 =	vsub.f32 v9, v7;
	v62 =	vsub.f32 v5, v6;
	v28 =	vld.idx.msk [tilespmem:v55+s4+$0x0], $0xffff  }
0x126: {  	v59 =	vsub.f32 v57, v13;
	v13 =	vadd.f32 v13, v57;
	_ =	sdelay $0x1  }
0x127: {  	v29 =	vmul.f32 v62, v61;
	v9 =	vmin.f32 v9, v13;
	v26 =	vmul.f32 $5.000000000e-01, v26;
	v52, _, _ =	vpop (xrf0)  }
0x128: {  	v13 =	vsub.f32 v13, v59;
	v7 =	vmax.f32 v7, v59;
	v14 =	vbroadcast v52, $0xF  }
0x129: {  	v7 =	vsub.f32 v9, v7;
	v53 =	vnsel vm2, $0x4E6E6B28, v0;
	v60 =	vsub.f32 v28, v26  }
0x12a: {  	v26 =	vadd.f32 v26, v28;
	vm5 =	veq.f32 v50, v14;
	vm9 =	veq.f32 v21, v14  }
0x12b: {  	v24 =	vsel vm10, v1, v53;
	vm0 =	vmand vm13, vm5;
	v22 =	vsel vm9, $0xFF61B1E6, v22  }
0x12c: {  	v63 =	vsub.f32 v26, v60;
	v24 =	vnsel vm0, $0x4E6E6B28, v24;
	vm0 =	veq.f32 v22, $-3.000000010e+38  }
0x12d: {  	v5 =	vmin.f32 v5, v26;
	vm10 =	vgt.f32 v22, $-3.000000010e+38;
	vm0 =	vmand vm1, vm0  }
0x12e: {  	v6 =	vmax.f32 v6, v60;
	vm13 =	veq.f32 v20, v14;
	vm0 =	vmor vm10, vm0  }
0x12f: {  	v14 =	vsel vm13, $0xFF61B1E6, v23;
	v22 =	vnsel vm0, $0xFF61B1E6, v22;
	v21 =	vnsel vm0, $0x4E6E6B28, v21  }
0x130: {  	v5 =	vsub.f32 v5, v6;
	vm1 =	veq.f32 v14, v22;
	vm5 =	vlt.f32 v20, v21  }
0x131: {  	v30 =	vmul.f32 v63, v13;
	vm9 =	vgt.f32 v14, v22;
	vm1 =	vmand vm1, vm5  }
0x132: {  	v7 =	vmax.f32 v7, $0.0e+00;
	v5 =	vmax.f32 v5, $0.0e+00;
	vm1 =	vmor vm9, vm1  }
0x133: {  	v5 =	vmul.f32 v5, v7;
	v6 =	vadd.f32 v30, v29;
	(xrf0) =	vmin.scan.msk.f32 $0xffff, v24;
	v31 =	vsel vm1, v14, v22  }
0x134: {  	(xrf0) =	vmax.scan.msk.f32 $0xffff, v31  }
0x135: {  	v6 =	vsub.f32 v6, v5;
	_ =	sdelay $0x1  }
0x136: {  	v32 =	vadd.s32 $0x50, v18;
	(erf) = vrcp.f32 v6;
	_ =	sdelay $0x1  }
0x137: {  	v33, _, _ =	vpop (xrf0)  }
0x138: {  	v34, _, _ =	vpop (xrf0)  }
0x139: {  	v13 =	vbroadcast v34, $0xF  }
0x13a: {  	v9 =	vld.idx.msk [tilespmem:v32+s4+$0x0], $0xffff  }
0x13b: {  	v35 =	vsel vm1, v20, v21;
	vm10 =	veq.f32 v31, v13  }
0x13c: {  	v7 =	vnsel vm10, $0x4E6E6B28, v35  }
0x13d: {  	(xrf0) =	vmin.scan.msk.f32 $0xffff, v7  }
0x13e: {  	v36 =	vpop (erf)  }
0x13f: {  	v9 =	vmul.f32 v9, v17;
	v5 =	vmul.f32 v36, v5;
	_ =	sdelay $0x1  }
0x140: {  	v37 =	vadd.s32 $0x700, v2;
	v5 =	vmul.f32 v5, v9;
	_ =	sdelay $0x1  }
0x141: {  	v5 =	vnsel vm4, $0x0, v5;
	v38, _, _ =	vpop (xrf0)  }
0x142: {  	(xrf2) =	vadd.scan.msk.f32 $0xffff, v5;
	v39 =	vbroadcast v38, $0xF  }
0x143: {  	v9 =	vnsel vm4, $0x0, v9  }
0x144: {  	v40 =	vnsel vm0, $0x4E6E6B28, v0;
	v7 =	vld.idx.msk [tilespmem:v37+s4+$0x0], $0xffff;
	(xrf2) =	vadd.scan.msk.f32 $0xffff, v9;
	vm13 =	veq.f32 v35, v39  }
0x145: {  	v41 =	vsel vm1, v1, v40;
	vm0 =	vmand vm10, vm13  }
0x146: {  	v5 =	vnsel vm0, $0x4E6E6B28, v41  }
0x147: {  	(xrf0) =	vmin.scan.msk.f32 $0xffff, v5;
	_ =	sdelay $0x1  }
0x148: {  	v42 =	vnsel vm8, $0xFF61B1E6, v7  }
0x149: {  	(xrf0) =	vmax.scan.msk.f32 $0xffff, v42;
	_ =	sdelay $0x1  }
0x14a: {  	v43, _, _ =	vpop (xrf2)  }
0x14b: {  	v44, _, _ =	vpop (xrf0)  }
0x14c: {  	v6 =	vbroadcast v33, $0xF;
	(v2sf) =	vpush v43, $0xF;
	v45, _, _ =	vpop (xrf2);
	v7 =	vbroadcast v44, $0xF  }
0x14d: {  	v46 =	vbroadcast v48, $0xF;
	vm10 =	vcmask $0x3F08;
	(v2sf) =	vpush v45, $0xF  }
0x14e: {  	vm5 =	vcmask $0x3F04;
	(v2sf) =	vpush v19, $0xF;
	v47, _, _ =	vpop (xrf0);
	v6 =	vsel vm10, v7, v6  }
0x14f: {  	(v2sf) =	vpush v47, $0xF;
	v5 =	vsel vm5, v6, v46  }
0x150: {  	v5 =	vtrunc.f32 v5  }
0x151: {  	v5 =	vcvt.f32.s32 v5;
	_ =	sdelay $0x1  }
0x152: {  	v48 =	vadd.s32 $0x30, v5;
	_ =	sdelay $0x1  }
0x153: {  	v5 =	vadd.s32 $0x50, v5;
	_ =	sdelay $0x2  }
0x154: {  	v6 =	vld.idx.msk [tilespmem:v48+s20+$0x0], $0xffff;
	_ =	sdelay $0x1  }
0x155: {  	v5 =	vld.idx.msk [tilespmem:v5+s20+$0x0], $0xffff  }
0x156: {  	s13 =	spop (v2sf)  }
0x157: {  	s11 =	spop (v2sf)  }
0x158: {  	v51 =	vadd.s32 $0xA81, v4;
	v4 =	vadd.s32 $0xA80, v4;
	s12 =	spop (v2sf);
	v6 =	vmul.u32 $0x70, v6  }
0x159: {  	v49 =	vimm.s32 $0x715;
	s14 =	spop (v2sf)  }
0x15a: {  	v52 =	vadd.s32 $0xA81, v3;
	v50 =	vsel vm6, $0x943, v49;
	p2 =	sgt.f32 s14, $-1.000000020e+29;
	v5 =	vadd.s32 v5, v6  }
0x15b: {  	v6 =	vsel vm14, $0x714, v50;
	v5 =	vadd.s32 $0x710, v5  }
0x15c: {  	v3 =	vadd.s32 $0xA80, v3;
	v13 =	vpsel p2, v5, v6  }
0x15d: {  	v54 =	vld.idx.msk [tilespmem:v4+s4+$0x0], $0xffff;
	v5 =	vadd.s32 $0x40, v13  }
0x15e: {  	v53 =	vld [tilespmem:$0x30]  }
0x15f: {  	v55 =	vld.idx.msk [tilespmem:v52+s4+$0x0], $0xffff  }
0x160: {  	v19 =	vld.idx.msk [tilespmem:v51+s4+$0x0], $0xffff  }
0x161: {  	v3 =	vld.idx.msk [tilespmem:v3+s4+$0x0], $0xffff  }
0x162: {  	v9 =	vld.idx.msk [tilespmem:v5+s4+$0x0], $0xffff;
	_ =	sdelay $0x1  }
0x163: {  	v57 =	vsel vm11, $0xFF61B1E6, v53  }
0x164: {  	v60 =	vnsel vm7, $0xFF61B1E6, v53;
	vm9 =	vcmask $0x308;
	vm0 =	veq.f32 v19, $-1.000000000e+00  }
0x165: {  	v18 =	vnsel vm8, $0x4E6E6B28, v55;
	v61 =	vnsel vm8, $0xFF61B1E6, v3;
	v59 =	vsel vm0, $0xFF61B1E6, v54  }
0x166: {  	vm13 =	vlt.f32 v19, $1.000000000e+09;
	vm11 =	veq.f32 v59, $-3.000000010e+38;
	v58 =	vnsel vm7, $0xFF61B1E6, v9  }
0x167: {  	v56 =	vsel vm9, $0xFF61B1E6, v53;
	vm1 =	vmand vm13, vm11;
	vm5 =	vgt.f32 v59, $-3.000000010e+38;
	(xrf0) =	vmax.scan.msk.f32 $0xffff, v58  }
0x168: {  	vm2 =	veq.f32 v18, $-1.000000000e+00;
	vm9 =	vcmask $0xB10;
	vm1 =	vmor vm5, vm1;
	(xrf0) =	vmax.scan.msk.f32 $0xffff, v60  }
0x169: {  	v28 =	vsel vm2, $0xFF61B1E6, v61;
	v62 =	vnsel vm1, $0xFF61B1E6, v59;
	v63 =	vnsel vm1, $0x4E6E6B28, v19;
	(xrf0) =	vmax.scan.msk.f32 $0xffff, v56  }
0x16a: {  	v29 =	vsel vm9, $0xFF61B1E6, v53;
	vm11 =	veq.f32 v28, v62;
	vm9 =	vlt.f32 v18, v63;
	(xrf0) =	vmax.scan.msk.f32 $0xffff, v57  }
0x16b: {  	v30 =	vsel vm15, $0xFF61B1E6, v53;
	vm3 =	vmand vm11, vm9;
	vm11 =	vgt.f32 v28, v62;
	(xrf0) =	vmax.scan.msk.f32 $0xffff, v29  }
0x16c: {  	v31 =	vsel vm12, $0xFF61B1E6, v53;
	vm3 =	vmor vm11, vm3;
	(xrf0) =	vmax.scan.msk.f32 $0xffff, v30  }
0x16d: {  	v33 =	vsel vm3, v28, v62;
	v32, _, _ =	vpop (xrf0);
	(xrf0) =	vmax.scan.msk.f32 $0xffff, v31  }
0x16e: {  	v5, _, _ =	vpop (xrf0);
	(xrf0) =	vmax.scan.msk.f32 $0xffff, v33  }
0x16f: {  	v6, _, _ =	vpop (xrf0)  }
0x170: {  	v3, _, _ =	vpop (xrf0)  }
0x171: {  	v4, _, _ =	vpop (xrf0)  }
0x172: {  	v7, _, _ =	vpop (xrf0)  }
0x173: {  	v34, _, _ =	vpop (xrf0)  }
0x174: {  	v35, _, _ =	vpop (xrf0)  }
0x175: {  	v24 =	vbroadcast v35, $0xF;
	_ =	sdelay $0x1  }
0x176: {  	v22 =	vsel vm3, v18, v63;
	vm5 =	veq.f32 v33, v24  }
0x177: {  	v23 =	vnsel vm5, $0x4E6E6B28, v22  }
0x178: {  	(xrf0) =	vmin.scan.msk.f32 $0xffff, v23;
	_ =	sdelay $0x5  }
0x179: {  	v23, _, _ =	vpop (xrf0)  }
0x17a: {  	v23 =	vbroadcast v23, $0xF;
	_ =	sdelay $0x1  }
0x17b: {  	vm15 =	veq.f32 v19, v23  }
0x17c: {  	v20 =	vsel vm15, $0xFF61B1E6, v54  }
0x17d: {  	v36 =	vsel vm0, $0xFF61B1E6, v20  }
0x17e: {  	v16 =	vadd.f32 $0.0e+00, v16;
	v37 =	vnsel vm1, $0x4E6E6B28, v0;
	vm0 =	veq.f32 v36, $-3.000000010e+38  }
0x17f: {  	vm15 =	veq.f32 v18, v23;
	vm12 =	vgt.f32 v36, $-3.000000010e+38;
	vm0 =	vmand vm13, vm0  }
0x180: {  	v25 =	vsel vm3, v1, v37;
	v21 =	vsel vm15, $0xFF61B1E6, v61;
	vm0 =	vmor vm12, vm0  }
0x181: {  	v39 =	vsel vm2, $0xFF61B1E6, v21;
	v24 =	vnsel vm0, $0xFF61B1E6, v36;
	v38 =	vnsel vm0, $0x4E6E6B28, v19  }
0x182: {  	vm12 =	veq.f32 v22, v23;
	vm2 =	veq.f32 v39, v24;
	vm15 =	vlt.f32 v18, v38  }
0x183: {  	vm1 =	vmand vm5, vm12;
	vm9 =	vgt.f32 v39, v24;
	vm2 =	vmand vm2, vm15  }
0x184: {  	v15 =	vadd.f32 $0.0e+00, v15;
	v40 =	vnsel vm1, $0x4E6E6B28, v25;
	vm2 =	vmor vm9, vm2  }
0x185: {  	v16 =	vbroadcast v16, $0xF;
	(xrf0) =	vmin.scan.msk.f32 $0xffff, v40;
	v41 =	vsel vm2, v39, v24  }
0x186: {  	v15 =	vbroadcast v15, $0xF;
	(xrf0) =	vmax.scan.msk.f32 $0xffff, v41  }
0x187: {  	(erf) = vrcp.f32 v16  }
0x188: {  	(erf) = vrcp.f32 v15  }
0x189: {  	v11 =	vadd.f32 $0.0e+00, v11  }
0x18a: {  	v12 =	vadd.f32 $0.0e+00, v12  }
0x18b: {  	v11 =	vmul.f32 $6.400000000e+02, v11;
	v10 =	vadd.f32 $0.0e+00, v10;
	v43 =	vadd.s32 $0x20, v13;
	v42, _, _ =	vpop (xrf0)  }
0x18c: {  	v12 =	vmul.f32 $6.400000000e+02, v12;
	v8 =	vadd.f32 $0.0e+00, v8;
	v45 =	vadd.s32 $0x30, v13;
	v44, _, _ =	vpop (xrf0)  }
0x18d: {  	v11 =	vbroadcast v11, $0xF;
	v24 =	vbroadcast v44, $0xF  }
0x18e: {  	v10 =	vmul.f32 $6.400000000e+02, v10;
	v8 =	vmul.f32 $6.400000000e+02, v8;
	v46 =	vadd.s32 $0x10, v13  }
0x18f: {  	v12 =	vbroadcast v12, $0xF;
	v26 =	vsel vm2, v18, v38;
	vm11 =	veq.f32 v41, v24  }
0x190: {  	v10 =	vbroadcast v10, $0xF;
	v8 =	vbroadcast v8, $0xF;
	v47 =	vpop (erf);
	v23 =	vld.idx.msk [tilespmem:v43+s4+$0x0], $0xffff;
	v22 =	vnsel vm11, $0x4E6E6B28, v26  }
0x191: {  	v11 =	vmul.f32 v47, v11;
	v12 =	vmul.f32 v47, v12;
	v49 =	vpop (erf);
	v15 =	vld.idx.msk [tilespmem:v45+s4+$0x0], $0xffff;
	(xrf0) =	vmin.scan.msk.f32 $0xffff, v22  }
0x192: {  	v10 =	vmul.f32 v49, v10;
	v8 =	vmul.f32 v49, v8;
	v48 =	vld.idx.msk [tilespmem:v13+s4+$0x0], $0xffff  }
0x193: {  	v25 =	vld.idx.msk [tilespmem:v46+s4+$0x0], $0xffff  }
0x194: {  	v56 =	vsub.f32 v12, v11;
	v57 =	vsub.f32 v8, v10  }
0x195: {  	v23 =	vmul.f32 $5.000000000e-01, v23  }
0x196: {  	v15 =	vmul.f32 $5.000000000e-01, v15;
	v58 =	vmul.f32 v57, v56  }
0x197: {  	v50 =	vnsel vm0, $0x4E6E6B28, v0;
	v52 =	vsub.f32 v48, v23;
	v53 =	vadd.f32 v23, v48;
	v51, _, _ =	vpop (xrf0)  }
0x198: {  	v54 =	vsub.f32 v25, v15;
	v15 =	vadd.f32 v15, v25;
	v28 =	vbroadcast v51, $0xF  }
0x199: {  	v55 =	vsel vm2, v1, v50;
	v12 =	vmin.f32 v12, v53;
	v11 =	vmax.f32 v11, v52  }
0x19a: {  	v8 =	vmin.f32 v8, v15;
	v15 =	vsub.f32 v15, v54;
	vm12 =	veq.f32 v19, v28  }
0x19b: {  	v10 =	vmax.f32 v10, v54;
	v11 =	vsub.f32 v12, v11;
	v20 =	vsel vm12, $0xFF61B1E6, v20  }
0x19c: {  	v8 =	vsub.f32 v8, v10;
	v22 =	vsub.f32 v53, v52;
	vm5 =	veq.f32 v20, $-3.000000010e+38  }
0x19d: {  	vm15 =	veq.f32 v26, v28;
	vm9 =	vgt.f32 v20, $-3.000000010e+38;
	vm0 =	vmand vm13, vm5  }
0x19e: {  	vm1 =	vmand vm11, vm15;
	vm11 =	veq.f32 v18, v28;
	vm0 =	vmor vm9, vm0  }
0x19f: {  	v21 =	vsel vm11, $0xFF61B1E6, v21;
	v20 =	vnsel vm0, $0xFF61B1E6, v20;
	v19 =	vnsel vm0, $0x4E6E6B28, v19  }
0x1a0: {  	v59 =	vmul.f32 v15, v22;
	vm12 =	veq.f32 v21, v20;
	vm13 =	vlt.f32 v18, v19  }
0x1a1: {  	v24 =	vnsel vm1, $0x4E6E6B28, v55;
	vm15 =	vgt.f32 v21, v20;
	vm1 =	vmand vm12, vm13  }
0x1a2: {  	v11 =	vmax.f32 v11, $0.0e+00;
	v8 =	vmax.f32 v8, $0.0e+00;
	vm1 =	vmor vm15, vm1  }
0x1a3: {  	v8 =	vmul.f32 v8, v11;
	v10 =	vadd.f32 v59, v58;
	(xrf0) =	vmin.scan.msk.f32 $0xffff, v24;
	v60 =	vsel vm1, v21, v20  }
0x1a4: {  	(xrf0) =	vmax.scan.msk.f32 $0xffff, v60  }
0x1a5: {  	v10 =	vsub.f32 v10, v8;
	_ =	sdelay $0x1  }
0x1a6: {  	v61 =	vadd.s32 $0x50, v13;
	(erf) = vrcp.f32 v10;
	_ =	sdelay $0x1  }
0x1a7: {  	v62, _, _ =	vpop (xrf0)  }
0x1a8: {  	v63, _, _ =	vpop (xrf0)  }
0x1a9: {  	v12 =	vbroadcast v63, $0xF  }
0x1aa: {  	v11 =	vld.idx.msk [tilespmem:v61+s4+$0x0], $0xffff  }
0x1ab: {  	v18 =	vsel vm1, v18, v19;
	vm5 =	veq.f32 v60, v12  }
0x1ac: {  	v12 =	vnsel vm5, $0x4E6E6B28, v18  }
0x1ad: {  	(xrf0) =	vmin.scan.msk.f32 $0xffff, v12  }
0x1ae: {  	v19 =	vpop (erf)  }
0x1af: {  	v9 =	vmul.f32 v11, v9;
	v8 =	vmul.f32 v19, v8;
	_ =	sdelay $0x1  }
0x1b0: {  	v2 =	vadd.s32 $0xA80, v2;
	v8 =	vmul.f32 v8, v9;
	_ =	sdelay $0x1  }
0x1b1: {  	v8 =	vnsel vm4, $0x0, v8;
	v20, _, _ =	vpop (xrf0)  }
0x1b2: {  	(xrf2) =	vadd.scan.msk.f32 $0xffff, v8;
	v11 =	vbroadcast v20, $0xF  }
0x1b3: {  	v21 =	vnsel vm4, $0x0, v9  }
0x1b4: {  	v22 =	vld.idx.msk [tilespmem:v2+s4+$0x0], $0xffff;
	v0 =	vnsel vm0, $0x4E6E6B28, v0;
	(xrf2) =	vadd.scan.msk.f32 $0xffff, v21;
	vm9 =	veq.f32 v18, v11  }
0x1b5: {  	v0 =	vsel vm1, v1, v0;
	vm0 =	vmand vm5, vm9  }
0x1b6: {  	v0 =	vnsel vm0, $0x4E6E6B28, v0  }
0x1b7: {  	(xrf0) =	vmin.scan.msk.f32 $0xffff, v0;
	_ =	sdelay $0x1  }
0x1b8: {  	v23 =	vnsel vm8, $0xFF61B1E6, v22  }
0x1b9: {  	(xrf0) =	vmax.scan.msk.f32 $0xffff, v23;
	_ =	sdelay $0x1  }
0x1ba: {  	v25, _, _ =	vpop (xrf2)  }
0x1bb: {  	v24, _, _ =	vpop (xrf0)  }
0x1bc: {  	v27 =	vbroadcast v62, $0xF;
	(v2sf) =	vpush v25, $0xF;
	v26, _, _ =	vpop (xrf2);
	v0 =	vbroadcast v24, $0xF  }
0x1bd: {  	v28 =	vbroadcast v42, $0xF;
	(v2sf) =	vpush v26, $0xF  }
0x1be: {  	(v2sf) =	vpush v32, $0xF;
	v29, _, _ =	vpop (xrf0);
	v0 =	vsel vm10, v0, v27;
	vm10 =	vcmask $0x3F04  }
0x1bf: {  	(v2sf) =	vpush v29, $0xF;
	v0 =	vsel vm10, v0, v28  }
0x1c0: {  	v0 =	vtrunc.f32 v0  }
0x1c1: {  	v0 =	vcvt.f32.s32 v0;
	_ =	sdelay $0x1  }
0x1c2: {  	v30 =	vadd.s32 $0x30, v0;
	_ =	sdelay $0x1  }
0x1c3: {  	v0 =	vadd.s32 $0x50, v0;
	_ =	sdelay $0x2  }
0x1c4: {  	v1 =	vld.idx.msk [tilespmem:v30+s20+$0x0], $0xffff;
	_ =	sdelay $0x1  }
0x1c5: {  	v0 =	vld.idx.msk [tilespmem:v0+s20+$0x0], $0xffff  }
0x1c6: {  	s17 =	spop (v2sf)  }
0x1c7: {  	s15 =	spop (v2sf)  }
0x1c8: {  	s5 =	spop (v2sf);
	v1 =	vmul.u32 $0x70, v1  }
0x1c9: {  	v31 =	vadd.f32 $0.0e+00, v34;
	v32 =	vimm.s32 $0xA95;
	s16 =	spop (v2sf)  }
0x1ca: {  	v7 =	vadd.f32 $0.0e+00, v7;
	v33 =	vsel vm6, $0xCC3, v32;
	p3 =	sgt.f32 s16, $-1.000000020e+29;
	v0 =	vadd.s32 v0, v1  }
0x1cb: {  	v2 =	vbroadcast v31, $0xF;
	v1 =	vsel vm14, $0xA94, v33;
	v0 =	vadd.s32 $0xA90, v0  }
0x1cc: {  	v0 =	vpsel p3, v0, v1  }
0x1cd: {  	v34 =	vbroadcast v7, $0xF;
	(erf) = vrcp.f32 v2;
	v35 =	vadd.s32 $0x20, v0  }
0x1ce: {  	v36 =	vadd.s32 $0x30, v0  }
0x1cf: {  	(erf) = vrcp.f32 v34  }
0x1d0: {  	v38 =	vadd.s32 $0x10, v0  }
0x1d1: {  	v6 =	vadd.f32 $0.0e+00, v6  }
0x1d2: {  	v3 =	vadd.f32 $0.0e+00, v3;
	v4 =	vadd.f32 $0.0e+00, v4;
	v2 =	vld.idx.msk [tilespmem:v35+s4+$0x0], $0xffff  }
0x1d3: {  	v37 =	vadd.f32 $0.0e+00, v5;
	v6 =	vmul.f32 $6.400000000e+02, v6;
	v7 =	vld.idx.msk [tilespmem:v36+s4+$0x0], $0xffff  }
0x1d4: {  	v3 =	vmul.f32 $6.400000000e+02, v3;
	v4 =	vmul.f32 $6.400000000e+02, v4;
	v39 =	vld.idx.msk [tilespmem:v0+s4+$0x0], $0xffff  }
0x1d5: {  	v6 =	vbroadcast v6, $0xF;
	v1 =	vmul.f32 $6.400000000e+02, v37;
	v5 =	vld.idx.msk [tilespmem:v38+s4+$0x0], $0xffff  }
0x1d6: {  	v3 =	vbroadcast v3, $0xF;
	v4 =	vbroadcast v4, $0xF;
	v40 =	vpop (erf)  }
0x1d7: {  	v6 =	vmul.f32 v40, v6;
	v1 =	vbroadcast v1, $0xF  }
0x1d8: {  	v41 =	vpop (erf);
	v2 =	vmul.f32 $5.000000000e-01, v2;
	v7 =	vmul.f32 $5.000000000e-01, v7  }
0x1d9: {  	v3 =	vmul.f32 v41, v3;
	v4 =	vmul.f32 v41, v4  }
0x1da: {  	v1 =	vmul.f32 v40, v1;
	v42 =	vsub.f32 v39, v2;
	v43 =	vsub.f32 v5, v7  }
0x1db: {  	v2 =	vadd.f32 v2, v39;
	v5 =	vadd.f32 v7, v5  }
0x1dc: {  	v45 =	vsub.f32 v4, v3;
	v44 =	vsub.f32 v6, v1  }
0x1dd: {  	v46 =	vsub.f32 v2, v42;
	v47 =	vsub.f32 v5, v43;
	v2 =	vmin.f32 v6, v2  }
0x1de: {  	v1 =	vmax.f32 v1, v42;
	v4 =	vmin.f32 v4, v5;
	v3 =	vmax.f32 v3, v43  }
0x1df: {  	v1 =	vsub.f32 v2, v1;
	v48 =	vsub.f32 v4, v3  }
0x1e0: {  	v49 =	vmul.f32 v45, v44;
	v50 =	vmul.f32 v47, v46  }
0x1e1: {  	v1 =	vmax.f32 v1, $0.0e+00;
	v2 =	vmax.f32 v48, $0.0e+00  }
0x1e2: {  	v1 =	vmul.f32 v2, v1;
	v51 =	vadd.f32 v50, v49;
	_ =	sdelay $0x1  }
0x1e3: {  	v2 =	vsub.f32 v51, v1  }
0x1e4: {  	v52 =	vadd.s32 $0x40, v0  }
0x1e5: {  	v0 =	vadd.s32 $0x50, v0;
	(erf) = vrcp.f32 v2;
	_ =	sdelay $0x3  }
0x1e6: {  	v53 =	vld.idx.msk [tilespmem:v52+s4+$0x0], $0xffff  }
0x1e7: {  	v0 =	vld.idx.msk [tilespmem:v0+s4+$0x0], $0xffff;
	_ =	sdelay $0x3  }
0x1e8: {  	v54 =	vpop (erf)  }
0x1e9: {  	v0 =	vmul.f32 v0, v53;
	v1 =	vmul.f32 v54, v1;
	_ =	sdelay $0x1  }
0x1ea: {  	v1 =	vmul.f32 v1, v0;
	_ =	sdelay $0x1  }
0x1eb: {  	v1 =	vnsel vm4, $0x0, v1  }
0x1ec: {  	v0 =	vnsel vm4, $0x0, v0;
	(xrf2) =	vadd.scan.msk.f32 $0xffff, v1  }
0x1ed: {  	(xrf2) =	vadd.scan.msk.f32 $0xffff, v0;
	_ =	sdelay $0x3  }
0x1ee: {  	v55 =	vnsel vm7, $0xFF61B1E6, v53  }
0x1ef: {  	(xrf0) =	vmax.scan.msk.f32 $0xffff, v55;
	_ =	sdelay $0x3  }
0x1f0: {  	v1, _, _ =	vpop (xrf2)  }
0x1f1: {  	(v2sf) =	vpush v1, $0xF;
	v56, _, _ =	vpop (xrf2)  }
0x1f2: {  	v0, _, _ =	vpop (xrf0);
	(v2sf) =	vpush v56, $0xF  }
0x1f3: {  	(v2sf) =	vpush v0, $0xF;
	_ =	sdelay $0x5  }
0x1f4: {  	s22 =	smul.f32 $3.333333430e-01, s9  }
0x1f5: {  	s24 =	smul.f32 $3.333333430e-01, s13  }
0x1f6: {  	s8 =	smul.f32 $3.333333430e-01, s8;
	s7 =	smov.u32 @p0 s6;
	s6 =	ssub.f32 $1.000000000e+00, s22  }
0x1f7: {  	s11 =	smul.f32 $3.333333430e-01, s11;
	s12 =	smov.u32 @p1 s10;
	s10 =	ssub.f32 $1.000000000e+00, s24  }
0x1f8: {  	s7 =	sadd.f32 s12, s7;
	s25 =	smul.f32 $3.333333430e-01, s17  }
0x1f9: {  	s29 =	sadd.f32 s11, s8  }
0x1fa: {  	s26 =	smul.f32 $3.333333430e-01, s15;
	s5 =	smov.u32 @p2 s14;
	s13 =	ssub.f32 $1.000000000e+00, s25  }
0x1fb: {  	s5 =	sadd.f32 s5, s7;
	s21 =	spop (v2sf)  }
0x1fc: {  	s23 =	spop (v2sf);
	s4 =	smul.f32 $3.333333430e-01, s21  }
0x1fd: {  	v57 =	vmov s6;
	v58 =	vmov s10;
	s7 =	sadd.f32 s26, s29;
	s15 =	spop (v2sf)  }
0x1fe: {  	v1 =	vnsel vm14, $0x0, v58;
	v0 =	vnsel vm6, $0x0, v57;
	s28 =	ssub.f32 $1.000000000e+00, s4;
	s15 =	smov.u32 @p3 s16  }
0x1ff: {  	vm11 =	vcmask $0xB08;
	v59 =	vmov s13;
	v0 =	vadd.f32 v1, v0;
	s30 =	smul.f32 $3.333333430e-01, s23;
	s5 =	sadd.f32 s15, s5  }
0x200: {  	v1 =	vnsel vm11, $0x0, v59  }
0x201: {  	vm12 =	vcmask $0xF0C;
	v0 =	vadd.f32 v1, v0;
	s6 =	sadd.f32 s30, s7;
	v60 =	vmov s28;
	s5 =	smul.f32 $2.500000000e-01, s5  }
0x202: {  	v1 =	vnsel vm12, $0x0, v60  }
0x203: {  	vm13 =	vcmask $0x1310;
	s6 =	smul.f32 $2.500000000e-01, s6;
	v0 =	vadd.f32 v1, v0;
	v61 =	vmov s5  }
0x204: {  	v1 =	vnsel vm13, $0x0, v61  }
0x205: {  	vm14 =	vcmask $0x1714;
	v62 =	vmov s6;
	v0 =	vadd.f32 v0, v1  }
0x206: {  	v1 =	vnsel vm14, $0x0, v62  }
0x207: {  	vm15 =	vcmask $0x1B18;
	v63 =	vmov s4;
	v0 =	vadd.f32 v0, v1  }
0x208: {  	v1 =	vnsel vm15, $0x0, v63  }
0x209: {  	v0 =	vadd.f32 v0, v1;
	_ =	sdelay $0x1  }
0x20a: {  	s31 =	simm.s32 $0xF00;
	[tilespmem:$0xF00] =	vst v0  }
0x20b: {  	[hbm4b:s1+s3] =	stream.linear.scatter [tilespmem:s31], [sflag:$0x1], $0x80, $0x38;
	[tilespmem:$0xF80] =	vst v63  }
0x20c: {  	_ =	swait.ge [sflag:s19], $0x80  }
0x20d: {  	[sflag:s19] =	ssyncset.done $0x0  }
0x20e: {  	[sflag:s19] =	ssyncadd.s32 $0xFFFFFF80  }
0x20f: {  	_ =	sfence.sel $0x180000  }
0x210: {  	[bflag:$0x0] =	sbarrier.arrive $0xFFFF  }
0x211: {  	_ =	strace $0x9000004A  }
0x212: {  	s0 =	sadd.s32 $0x100000, s0;
	[bflag:$0x2] =	sbarrier.arrive $0xFFFF  }
0x213: {  	[sflag:s0] =	ssyncadd.tile.s32 $0x1;
	_ =	shalt  }
.Lfunc_end2:
_tile_overlayer_lowered:
.L_overlay_start_2:
0x214: {  	(tag) =	ssettag $0x2  }
0x215: {  	s0 =	rddreg [dreg:$0x0];
	s2 =	stileid.u32  }
0x216: {  	s1 =	rddreg [dreg:$0x1];
	p0 =	sne.s32 s2, $0x0  }
0x217: {  	s3 =	rddreg [dreg:$0x2];
	[bflag:$0x3] =	sbarrier.arrive $0xFFFF;
	s2 =	simm.s32 @!p0 $0x1C01  }
0x218: {  	[timem:s3], [sflag:s2] =	dma.local @!p0 [hbm:s0], s1  }
0x219: {  	s0 =	simm.s32 @!p0 $0x1  }
0x21a: {  	_ =	swait.ge @!p0 [sflag:s0], s1  }
0x21b: {  	s1 =	ssub.s32 @!p0 $0x0, s1;
	[sflag:s0] =	ssyncset.done @!p0 $0x0  }
0x21c: {  	[sflag:s0] =	ssyncadd.s32 @!p0 s1  }
0x21d: {  	[bflag:$0x3] =	sbarrier.arrive $0xFFFF  }
0x21e: {  	_ =	shalt  }

</sc_bundles>
